<compile_context>
chip_gen: v7x
topology: tpu7x:2x2x1
jax: 0.10.2.dev20260603
libtpu: 0.0.44.dev20260713+nightly
codegen_flags: <defaults>
</compile_context>

<pallas_src>
import functools

import jax
import jax.numpy as jnp
from jax import lax
from jax.experimental import pallas as pl
from jax.experimental.pallas import tpu as pltpu
from jax.experimental.pallas import tpu_sc as plsc

N_NODES = 10000
N_EDGES = 320000
D = 128
NP = 10240
NW = 32
GP = 128
NG = 2560
E_PAD = NG * GP
T = NG // NW
PAIRS = T // 2
RPT = NP // 16

_MESH = plsc.VectorSubcoreMesh(core_axis_name="c", subcore_axis_name="s")


KB = 8
NB = T // KB
BPAIRS = NB // 2


KB = 8
NB = T // KB
BPAIRS = NB // 2


def _sc_aggregate(xe, src2, dst2, z2d):

    @functools.partial(
        pl.kernel,
        mesh=_MESH,
        out_type=jax.ShapeDtypeStruct((2, NP, D), jnp.float32),
        scratch_types=[
            pltpu.VMEM((KB, GP), jnp.int32),
            pltpu.VMEM((KB, GP), jnp.int32),
            pltpu.VMEM((KB, GP), jnp.int32),
            pltpu.VMEM((KB, GP), jnp.int32),
            pltpu.VMEM((GP, D), jnp.float32),
            pltpu.VMEM((GP, D), jnp.float32),
            pltpu.VMEM_SHARED((NP, D), jnp.float32),
            pltpu.SemaphoreType.DMA,
            pltpu.SemaphoreType.DMA,
            pltpu.SemaphoreType.DMA,
            pltpu.SemaphoreType.DMA,
        ],
    )
    def agg(xe_hbm, src_hbm, dst_hbm, z2d_hbm, out_hbm,
            sidxA, didxA, sidxB, didxB, rows, rowsB, acc,
            isemA, isemB, gsem, gsemB):
        core = lax.axis_index("c")
        tid = lax.axis_index("s")
        w = core * 16 + tid

        def start_idx(b, sidx, didx, isem):
            row = (w * NB + jnp.minimum(b, NB - 1)) * KB
            pltpu.async_copy(src_hbm.at[pl.ds(row, KB)], sidx, isem)
            pltpu.async_copy(dst_hbm.at[pl.ds(row, KB)], didx, isem)

        def wait_idx(sidx, didx, isem):
            pltpu.make_async_copy(src_hbm.at[pl.ds(0, KB)], sidx, isem).wait()
            pltpu.make_async_copy(dst_hbm.at[pl.ds(0, KB)], didx, isem).wait()

        bufs = (rows, rowsB)
        sems = (gsem, gsemB)

        def run_batch(sidx, didx):
            h = pltpu.async_copy(xe_hbm.at[sidx.at[0]], bufs[0], sems[0])
            for j in range(KB):
                if j + 1 < KB:
                    hn = pltpu.async_copy(
                        xe_hbm.at[sidx.at[j + 1]], bufs[(j + 1) % 2],
                        sems[(j + 1) % 2])
                h.wait()
                pltpu.sync_copy(bufs[j % 2], acc.at[didx.at[j]], add=True)
                if j + 1 < KB:
                    h = hn

        pltpu.sync_copy(z2d_hbm, rows)
        rbase = tid * RPT
        zh = [pltpu.async_copy(rows, acc.at[pl.ds(rbase + i * GP, GP)], gsem)
              for i in range(RPT // GP)]
        start_idx(0, sidxA, didxA, isemA)
        for h in zh:
            h.wait()
        plsc.subcore_barrier()

        def body(p, carry):
            b = 2 * p
            wait_idx(sidxA, didxA, isemA)
            start_idx(b + 1, sidxB, didxB, isemB)
            run_batch(sidxA, didxA)
            wait_idx(sidxB, didxB, isemB)
            start_idx(b + 2, sidxA, didxA, isemA)
            run_batch(sidxB, didxB)
            return carry

        lax.fori_loop(0, BPAIRS, body, 0)
        wait_idx(sidxA, didxA, isemA)

        plsc.subcore_barrier()

        ph = [None] * (RPT // GP)
        for i in range(RPT // GP):
            if i >= 2:
                ph[i - 2].wait()
            pltpu.sync_copy(acc.at[pl.ds(rbase + i * GP, GP)], bufs[i % 2])
            ph[i] = pltpu.async_copy(
                bufs[i % 2], out_hbm.at[core, pl.ds(rbase + i * GP, GP)], gsemB)
        ph[RPT // GP - 2].wait()
        ph[RPT // GP - 1].wait()

    return agg(xe, src2, dst2, z2d)


def _sc_count(dst2, z2d, o2d):

    @functools.partial(
        pl.kernel,
        mesh=_MESH,
        out_type=jax.ShapeDtypeStruct((2, NP, D), jnp.float32),
        scratch_types=[
            pltpu.VMEM((KB, GP), jnp.int32),
            pltpu.VMEM((KB, GP), jnp.int32),
            pltpu.VMEM((GP, D), jnp.float32),
            pltpu.VMEM((GP, D), jnp.float32),
            pltpu.VMEM_SHARED((NP, D), jnp.float32),
            pltpu.SemaphoreType.DMA,
            pltpu.SemaphoreType.DMA,
            pltpu.SemaphoreType.DMA,
            pltpu.SemaphoreType.DMA,
        ],
    )
    def cnt_k(dst_hbm, z2d_hbm, o2d_hbm, out_hbm, didxA, didxB, rows, ones,
              acc, isemA, isemB, ssemA, ssemB):
        core = lax.axis_index("c")
        tid = lax.axis_index("s")
        w = core * 16 + tid

        def start_idx(b, didx, isem):
            row = (w * NB + jnp.minimum(b, NB - 1)) * KB
            pltpu.async_copy(dst_hbm.at[pl.ds(row, KB)], didx, isem)

        def wait_idx(didx, isem):
            pltpu.make_async_copy(dst_hbm.at[pl.ds(0, KB)], didx, isem).wait()

        def fire_batch(didx, ssem):
            for j in range(KB):
                pltpu.async_copy(ones, acc.at[didx.at[j]], ssem, add=True)

        def drain_batch(didx, ssem):
            for j in range(KB):
                pltpu.make_async_copy(ones, acc.at[didx.at[j]], ssem).wait()

        pltpu.sync_copy(z2d_hbm, rows)
        rbase = tid * RPT
        zh = [pltpu.async_copy(rows, acc.at[pl.ds(rbase + i * GP, GP)], ssemA)
              for i in range(RPT // GP)]
        pltpu.sync_copy(o2d_hbm, ones)
        start_idx(0, didxA, isemA)
        for h in zh:
            h.wait()
        plsc.subcore_barrier()

        def body(p, carry):
            b = 2 * p
            wait_idx(didxA, isemA)
            start_idx(b + 1, didxB, isemB)
            fire_batch(didxA, ssemA)
            wait_idx(didxB, isemB)
            fire_batch(didxB, ssemB)
            drain_batch(didxA, ssemA)
            start_idx(b + 2, didxA, isemA)
            drain_batch(didxB, ssemB)
            return carry

        lax.fori_loop(0, BPAIRS, body, 0)
        wait_idx(didxA, isemA)

        plsc.subcore_barrier()

        bufs = (rows, ones)
        ph = [None] * (RPT // GP)
        for i in range(RPT // GP):
            if i >= 2:
                ph[i - 2].wait()
            pltpu.sync_copy(acc.at[pl.ds(rbase + i * GP, GP)], bufs[i % 2])
            ph[i] = pltpu.async_copy(
                bufs[i % 2], out_hbm.at[core, pl.ds(rbase + i * GP, GP)], ssemB)
        ph[RPT // GP - 2].wait()
        ph[RPT // GP - 1].wait()

    return cnt_k(dst2, z2d, o2d)


def _tc_dense(xe, agg_part, cnt_part, W_l, W_r, b, relu):
    B = 2000

    def body(x_ref, a_ref, c_ref, wl_ref, wr_ref, b_ref, o_ref):
        a = a_ref[0] + a_ref[1]
        c = c_ref[0] + c_ref[1]
        mean = a / jnp.maximum(c, 1.0)
        dn = (((1,), (1,)), ((), ()))
        out = (lax.dot_general(mean, wl_ref[...], dn,
                               preferred_element_type=jnp.float32)
               + lax.dot_general(x_ref[...], wr_ref[...], dn,
                                 preferred_element_type=jnp.float32)
               + b_ref[...][None, :])
        if relu:
            out = jnp.maximum(out, 0.0)
        o_ref[...] = out

    return pl.pallas_call(
        body,
        grid=(N_NODES // B,),
        in_specs=[
            pl.BlockSpec((B, D), lambda i: (i, 0)),
            pl.BlockSpec((2, B, D), lambda i: (0, i, 0)),
            pl.BlockSpec((2, B, D), lambda i: (0, i, 0)),
            pl.BlockSpec((D, D), lambda i: (0, 0)),
            pl.BlockSpec((D, D), lambda i: (0, 0)),
            pl.BlockSpec((D,), lambda i: (0,)),
        ],
        out_specs=pl.BlockSpec((B, D), lambda i: (i, 0)),
        out_shape=jax.ShapeDtypeStruct((N_NODES, D), jnp.float32),
    )(xe, agg_part, cnt_part, W_l, W_r, b)


def kernel(x, edge_index, W1_l, W1_r, b1, W2_l, W2_r, b2):
    src = edge_index[0]
    dst = edge_index[1]

    npad = E_PAD - N_EDGES
    pad_i = jnp.arange(npad, dtype=jnp.int32)
    srcp = jnp.concatenate([src, pad_i % N_NODES])
    dstp = jnp.concatenate([dst, N_NODES + pad_i % (NP - N_NODES)])
    src2 = srcp.reshape(NG, GP)
    dst2 = dstp.reshape(NG, GP)

    z2d = jnp.zeros((GP, D), jnp.float32)
    o2d = jnp.ones((GP, D), jnp.float32)

    cnt = _sc_count(dst2, z2d, o2d)
    agg1 = _sc_aggregate(x, src2, dst2, z2d)
    h = _tc_dense(x, agg1, cnt, W1_l, W1_r, b1, relu=True)
    agg2 = _sc_aggregate(h, src2, dst2, z2d)
    return _tc_dense(h, agg2, cnt, W2_l, W2_r, b2, relu=False)

# --- scband reference (transcript-rebuilt; emitter-appended) ---
"""Pipeline reference for scband-gnnencoder-14474039787538 (READ-ONLY COPY).

The authoritative reference and input builder live on the scoring server;
editing this copy changes nothing except your own understanding.
"""

import jax, jax.numpy as jnp
import numpy as np

N = 10000
E = 320000
D_IN = 128
D_HID = 128
D_OUT = 128


def _glorot(key, shape):
    fan_in, fan_out = shape[1], shape[0]
    limit = np.sqrt(6.0 / (fan_in + fan_out))
    return jax.random.uniform(key, shape, jnp.float32, -limit, limit)


def setup_inputs(seed: int = 0) -> dict:
    key = jax.random.key(seed)
    ks = jax.random.split(key, 8)
    x = jax.random.normal(ks[0], (N, D_IN), dtype=jnp.float32)
    edge_index = jax.random.randint(ks[1], (2, E), 0, N, dtype=jnp.int32)
    # SAGEConv params: lin_l (with bias) applied to aggregated neighbors, lin_r (no bias) to root.
    W1_l = _glorot(ks[2], (D_HID, D_IN))
    W1_r = _glorot(ks[3], (D_HID, D_IN))
    b1 = jnp.zeros((D_HID,), jnp.float32)
    W2_l = _glorot(ks[4], (D_OUT, D_HID))
    W2_r = _glorot(ks[5], (D_OUT, D_HID))
    b2 = jnp.zeros((D_OUT,), jnp.float32)
    return {"x": x, "edge_index": edge_index, "W1_l": W1_l, "W1_r": W1_r, "b1": b1, "W2_l": W2_l, "W2_r": W2_r, "b2": b2}


def _sage_conv(x, edge_index, W_l, W_r, b):
    # PyG SAGEConv with mean aggregation:
    # out[i] = lin_l( mean_{j -> i} x[j] ) + lin_r( x[i] )
    src = edge_index[0]
    dst = edge_index[1]
    msgs = jnp.take(x, src, axis=0)                      # gather  [E, d]
    agg = jax.ops.segment_sum(msgs, dst, num_segments=N)  # scatter-add [N, d]
    cnt = jax.ops.segment_sum(jnp.ones((msgs.shape[0],), jnp.float32), dst, num_segments=N)
    mean = agg / jnp.clip(cnt, 1.0, None)[:, None]
    return mean @ W_l.T + b + x @ W_r.T


def reference(x, edge_index, W1_l, W1_r, b1, W2_l, W2_r, b2):
    h = _sage_conv(x, edge_index, W1_l, W1_r, b1)
    h = jax.nn.relu(h)
    out = _sage_conv(h, edge_index, W2_l, W2_r, b2)
    return out

if __name__ == "__main__":
    import jax
    _d = setup_inputs()
    print(jax.jit(kernel)(*tuple(_d.values())))

</pallas_src>

<mosaic_0001>
#map = affine_map<(d0, d1) -> (0, 0)>
#map1 = affine_map<(d0, d1) -> (0, 0, 0)>
module attributes {stable_mosaic.version = 14 : i64} {
  func.func @agg(%arg0: i32, %arg1: i32, %arg2: memref<10000x128xf32, #tpu.memory_space<hbm>>, %arg3: memref<2560x128xi32, #tpu.memory_space<hbm>>, %arg4: memref<2560x128xi32, #tpu.memory_space<hbm>>, %arg5: memref<128x128xf32, #tpu.memory_space<hbm>>, %arg6: memref<2x10240x128xf32, #tpu.memory_space<hbm>>, %arg7: memref<8x128xi32, #tpu.memory_space<vmem>>, %arg8: memref<8x128xi32, #tpu.memory_space<vmem>>, %arg9: memref<8x128xi32, #tpu.memory_space<vmem>>, %arg10: memref<8x128xi32, #tpu.memory_space<vmem>>, %arg11: memref<128x128xf32, #tpu.memory_space<vmem>>, %arg12: memref<128x128xf32, #tpu.memory_space<vmem>>, %arg13: memref<10240x128xf32, #tpu.memory_space<vmem_shared>>, %arg14: memref<!tpu.dma_semaphore, #tpu.memory_space<semaphore_mem>>, %arg15: memref<!tpu.dma_semaphore, #tpu.memory_space<semaphore_mem>>, %arg16: memref<!tpu.dma_semaphore, #tpu.memory_space<semaphore_mem>>, %arg17: memref<!tpu.dma_semaphore, #tpu.memory_space<semaphore_mem>>) attributes {dimension_semantics = [#tpu.dimension_semantics<core_parallel>, #tpu.dimension_semantics<subcore_parallel>], iteration_bounds = array<i64: 2, 16>, scalar_prefetch = 0 : i64, scratch_operands = 11 : i64, tpu.core_type = #tpu.core_type<sc_vector_subcore>, window_params = [{transform_indices = #map}, {transform_indices = #map}, {transform_indices = #map}, {transform_indices = #map}, {transform_indices = #map1}]} {
    %mul3A = arith.constant 16 : i32
    %mul3A_0 = arith.muli %arg0, %mul3A : i32
    %add3A = arith.addi %mul3A_0, %arg1 : i32
    "tpu.region"() ({
      %run_scoped3A = tpu.sem_alloc : memref<!tpu.dma_semaphore, #tpu.memory_space<semaphore_mem>>
      tpu.enqueue_dma source(%arg5 : memref<128x128xf32, #tpu.memory_space<hbm>>) target(%arg11 : memref<128x128xf32, #tpu.memory_space<vmem>>) target_semaphore(%run_scoped3A : memref<!tpu.dma_semaphore, #tpu.memory_space<semaphore_mem>>)
      tpu.wait_dma2 semaphore(%run_scoped3A : memref<!tpu.dma_semaphore, #tpu.memory_space<semaphore_mem>>) src(%arg5 : memref<128x128xf32, #tpu.memory_space<hbm>>) dst(%arg11 : memref<128x128xf32, #tpu.memory_space<vmem>>)
      tpu.yield
    }) : () -> ()
    %mul3A_1 = arith.constant 640 : i32
    %mul3A_2 = arith.muli %arg1, %mul3A_1 : i32
    %add3A_3 = arith.constant 0 : i32
    %add3A_4 = arith.addi %mul3A_2, %add3A_3 : i32
    %dma_start3A = arith.constant 0 : i32
    %dma_start3A_5 = tpu.memref_slice %arg13[%add3A_4, %dma_start3A] : memref<10240x128xf32, #tpu.memory_space<vmem_shared>> -> memref<128x128xf32, #tpu.memory_space<vmem_shared>>
    %dma_start3A_6 = arith.constant 0 : i32
    %dma_start3A_7 = tpu.memref_slice %arg13[%add3A_4, %dma_start3A_6] : memref<10240x128xf32, #tpu.memory_space<vmem_shared>> -> memref<128x128xf32, #tpu.memory_space<vmem_shared>>
    tpu.enqueue_dma source(%arg11 : memref<128x128xf32, #tpu.memory_space<vmem>>) target(%dma_start3A_7 : memref<128x128xf32, #tpu.memory_space<vmem_shared>>) target_semaphore(%arg16 : memref<!tpu.dma_semaphore, #tpu.memory_space<semaphore_mem>>)
    %add3A_8 = arith.constant 128 : i32
    %add3A_9 = arith.addi %mul3A_2, %add3A_8 : i32
    %dma_start3A_10 = arith.constant 0 : i32
    %dma_start3A_11 = tpu.memref_slice %arg13[%add3A_9, %dma_start3A_10] : memref<10240x128xf32, #tpu.memory_space<vmem_shared>> -> memref<128x128xf32, #tpu.memory_space<vmem_shared>>
    %dma_start3A_12 = arith.constant 0 : i32
    %dma_start3A_13 = tpu.memref_slice %arg13[%add3A_9, %dma_start3A_12] : memref<10240x128xf32, #tpu.memory_space<vmem_shared>> -> memref<128x128xf32, #tpu.memory_space<vmem_shared>>
    tpu.enqueue_dma source(%arg11 : memref<128x128xf32, #tpu.memory_space<vmem>>) target(%dma_start3A_13 : memref<128x128xf32, #tpu.memory_space<vmem_shared>>) target_semaphore(%arg16 : memref<!tpu.dma_semaphore, #tpu.memory_space<semaphore_mem>>)
    %add3A_14 = arith.constant 256 : i32
    %add3A_15 = arith.addi %mul3A_2, %add3A_14 : i32
    %dma_start3A_16 = arith.constant 0 : i32
    %dma_start3A_17 = tpu.memref_slice %arg13[%add3A_15, %dma_start3A_16] : memref<10240x128xf32, #tpu.memory_space<vmem_shared>> -> memref<128x128xf32, #tpu.memory_space<vmem_shared>>
    %dma_start3A_18 = arith.constant 0 : i32
    %dma_start3A_19 = tpu.memref_slice %arg13[%add3A_15, %dma_start3A_18] : memref<10240x128xf32, #tpu.memory_space<vmem_shared>> -> memref<128x128xf32, #tpu.memory_space<vmem_shared>>
    tpu.enqueue_dma source(%arg11 : memref<128x128xf32, #tpu.memory_space<vmem>>) target(%dma_start3A_19 : memref<128x128xf32, #tpu.memory_space<vmem_shared>>) target_semaphore(%arg16 : memref<!tpu.dma_semaphore, #tpu.memory_space<semaphore_mem>>)
    %add3A_20 = arith.constant 384 : i32
    %add3A_21 = arith.addi %mul3A_2, %add3A_20 : i32
    %dma_start3A_22 = arith.constant 0 : i32
    %dma_start3A_23 = tpu.memref_slice %arg13[%add3A_21, %dma_start3A_22] : memref<10240x128xf32, #tpu.memory_space<vmem_shared>> -> memref<128x128xf32, #tpu.memory_space<vmem_shared>>
    %dma_start3A_24 = arith.constant 0 : i32
    %dma_start3A_25 = tpu.memref_slice %arg13[%add3A_21, %dma_start3A_24] : memref<10240x128xf32, #tpu.memory_space<vmem_shared>> -> memref<128x128xf32, #tpu.memory_space<vmem_shared>>
    tpu.enqueue_dma source(%arg11 : memref<128x128xf32, #tpu.memory_space<vmem>>) target(%dma_start3A_25 : memref<128x128xf32, #tpu.memory_space<vmem_shared>>) target_semaphore(%arg16 : memref<!tpu.dma_semaphore, #tpu.memory_space<semaphore_mem>>)
    %add3A_26 = arith.constant 512 : i32
    %add3A_27 = arith.addi %mul3A_2, %add3A_26 : i32
    %dma_start3A_28 = arith.constant 0 : i32
    %dma_start3A_29 = tpu.memref_slice %arg13[%add3A_27, %dma_start3A_28] : memref<10240x128xf32, #tpu.memory_space<vmem_shared>> -> memref<128x128xf32, #tpu.memory_space<vmem_shared>>
    %dma_start3A_30 = arith.constant 0 : i32
    %dma_start3A_31 = tpu.memref_slice %arg13[%add3A_27, %dma_start3A_30] : memref<10240x128xf32, #tpu.memory_space<vmem_shared>> -> memref<128x128xf32, #tpu.memory_space<vmem_shared>>
    tpu.enqueue_dma source(%arg11 : memref<128x128xf32, #tpu.memory_space<vmem>>) target(%dma_start3A_31 : memref<128x128xf32, #tpu.memory_space<vmem_shared>>) target_semaphore(%arg16 : memref<!tpu.dma_semaphore, #tpu.memory_space<semaphore_mem>>)
    %mul3A_32 = arith.constant 10 : i32
    %mul3A_33 = arith.muli %add3A, %mul3A_32 : i32
    %min3A = arith.constant 0 : i32
    %min3A_34 = arith.constant 9 : i32
    %min3A_35 = arith.minsi %min3A, %min3A_34 : i32
    %add3A_36 = arith.addi %mul3A_33, %min3A_35 : i32
    %mul3A_37 = arith.constant 8 : i32
    %mul3A_38 = arith.muli %add3A_36, %mul3A_37 : i32
    %dma_start3A_39 = arith.constant 0 : i32
    %dma_start3A_40 = tpu.memref_slice %arg3[%mul3A_38, %dma_start3A_39] : memref<2560x128xi32, #tpu.memory_space<hbm>> -> memref<8x128xi32, #tpu.memory_space<hbm>>
    %dma_start3A_41 = arith.constant 0 : i32
    %dma_start3A_42 = tpu.memref_slice %arg3[%mul3A_38, %dma_start3A_41] : memref<2560x128xi32, #tpu.memory_space<hbm>> -> memref<8x128xi32, #tpu.memory_space<hbm>>
    tpu.enqueue_dma source(%dma_start3A_42 : memref<8x128xi32, #tpu.memory_space<hbm>>) target(%arg7 : memref<8x128xi32, #tpu.memory_space<vmem>>) target_semaphore(%arg14 : memref<!tpu.dma_semaphore, #tpu.memory_space<semaphore_mem>>)
    %dma_start3A_43 = arith.constant 0 : i32
    %dma_start3A_44 = tpu.memref_slice %arg4[%mul3A_38, %dma_start3A_43] : memref<2560x128xi32, #tpu.memory_space<hbm>> -> memref<8x128xi32, #tpu.memory_space<hbm>>
    %dma_start3A_45 = arith.constant 0 : i32
    %dma_start3A_46 = tpu.memref_slice %arg4[%mul3A_38, %dma_start3A_45] : memref<2560x128xi32, #tpu.memory_space<hbm>> -> memref<8x128xi32, #tpu.memory_space<hbm>>
    tpu.enqueue_dma source(%dma_start3A_46 : memref<8x128xi32, #tpu.memory_space<hbm>>) target(%arg8 : memref<8x128xi32, #tpu.memory_space<vmem>>) target_semaphore(%arg14 : memref<!tpu.dma_semaphore, #tpu.memory_space<semaphore_mem>>)
    %dma_wait3A = arith.constant 0 : i32
    %dma_wait3A_47 = tpu.memref_slice %arg13[%add3A_4, %dma_wait3A] : memref<10240x128xf32, #tpu.memory_space<vmem_shared>> -> memref<128x128xf32, #tpu.memory_space<vmem_shared>>
    %dma_wait3A_48 = arith.constant 0 : i32
    %dma_wait3A_49 = tpu.memref_slice %arg13[%add3A_4, %dma_wait3A_48] : memref<10240x128xf32, #tpu.memory_space<vmem_shared>> -> memref<128x128xf32, #tpu.memory_space<vmem_shared>>
    tpu.wait_dma2 semaphore(%arg16 : memref<!tpu.dma_semaphore, #tpu.memory_space<semaphore_mem>>) src(%arg11 : memref<128x128xf32, #tpu.memory_space<vmem>>) dst(%dma_wait3A_49 : memref<128x128xf32, #tpu.memory_space<vmem_shared>>)
    %dma_wait3A_50 = arith.constant 0 : i32
    %dma_wait3A_51 = tpu.memref_slice %arg13[%add3A_9, %dma_wait3A_50] : memref<10240x128xf32, #tpu.memory_space<vmem_shared>> -> memref<128x128xf32, #tpu.memory_space<vmem_shared>>
    %dma_wait3A_52 = arith.constant 0 : i32
    %dma_wait3A_53 = tpu.memref_slice %arg13[%add3A_9, %dma_wait3A_52] : memref<10240x128xf32, #tpu.memory_space<vmem_shared>> -> memref<128x128xf32, #tpu.memory_space<vmem_shared>>
    tpu.wait_dma2 semaphore(%arg16 : memref<!tpu.dma_semaphore, #tpu.memory_space<semaphore_mem>>) src(%arg11 : memref<128x128xf32, #tpu.memory_space<vmem>>) dst(%dma_wait3A_53 : memref<128x128xf32, #tpu.memory_space<vmem_shared>>)
    %dma_wait3A_54 = arith.constant 0 : i32
    %dma_wait3A_55 = tpu.memref_slice %arg13[%add3A_15, %dma_wait3A_54] : memref<10240x128xf32, #tpu.memory_space<vmem_shared>> -> memref<128x128xf32, #tpu.memory_space<vmem_shared>>
    %dma_wait3A_56 = arith.constant 0 : i32
    %dma_wait3A_57 = tpu.memref_slice %arg13[%add3A_15, %dma_wait3A_56] : memref<10240x128xf32, #tpu.memory_space<vmem_shared>> -> memref<128x128xf32, #tpu.memory_space<vmem_shared>>
    tpu.wait_dma2 semaphore(%arg16 : memref<!tpu.dma_semaphore, #tpu.memory_space<semaphore_mem>>) src(%arg11 : memref<128x128xf32, #tpu.memory_space<vmem>>) dst(%dma_wait3A_57 : memref<128x128xf32, #tpu.memory_space<vmem_shared>>)
    %dma_wait3A_58 = arith.constant 0 : i32
    %dma_wait3A_59 = tpu.memref_slice %arg13[%add3A_21, %dma_wait3A_58] : memref<10240x128xf32, #tpu.memory_space<vmem_shared>> -> memref<128x128xf32, #tpu.memory_space<vmem_shared>>
    %dma_wait3A_60 = arith.constant 0 : i32
    %dma_wait3A_61 = tpu.memref_slice %arg13[%add3A_21, %dma_wait3A_60] : memref<10240x128xf32, #tpu.memory_space<vmem_shared>> -> memref<128x128xf32, #tpu.memory_space<vmem_shared>>
    tpu.wait_dma2 semaphore(%arg16 : memref<!tpu.dma_semaphore, #tpu.memory_space<semaphore_mem>>) src(%arg11 : memref<128x128xf32, #tpu.memory_space<vmem>>) dst(%dma_wait3A_61 : memref<128x128xf32, #tpu.memory_space<vmem_shared>>)
    %dma_wait3A_62 = arith.constant 0 : i32
    %dma_wait3A_63 = tpu.memref_slice %arg13[%add3A_27, %dma_wait3A_62] : memref<10240x128xf32, #tpu.memory_space<vmem_shared>> -> memref<128x128xf32, #tpu.memory_space<vmem_shared>>
    %dma_wait3A_64 = arith.constant 0 : i32
    %dma_wait3A_65 = tpu.memref_slice %arg13[%add3A_27, %dma_wait3A_64] : memref<10240x128xf32, #tpu.memory_space<vmem_shared>> -> memref<128x128xf32, #tpu.memory_space<vmem_shared>>
    tpu.wait_dma2 semaphore(%arg16 : memref<!tpu.dma_semaphore, #tpu.memory_space<semaphore_mem>>) src(%arg11 : memref<128x128xf32, #tpu.memory_space<vmem>>) dst(%dma_wait3A_65 : memref<128x128xf32, #tpu.memory_space<vmem_shared>>)
    %barrier3A = arith.constant 0 : index
    tpu.barrier barrier_id(%barrier3A)
    %scan3A = arith.constant 0 : i32
    %scan3A_66 = arith.constant 0 : i32
    %scan3A_67 = arith.constant 5 : i32
    %scan3A_68 = arith.addi %scan3A_66, %scan3A_67 : i32
    %scan3A_69 = arith.constant 1 : i32
    scf.for %scan3A_164 = %scan3A_66 to %scan3A_68 step %scan3A_69  : i32 {
      %mul3A_165 = arith.constant 2 : i32
      %mul3A_166 = arith.muli %mul3A_165, %scan3A_164 : i32
      %dma_wait3A_167 = arith.constant 0 : i32
      %dma_wait3A_168 = arith.constant 0 : i32
      %dma_wait3A_169 = tpu.memref_slice %arg3[%dma_wait3A_167, %dma_wait3A_168] : memref<2560x128xi32, #tpu.memory_space<hbm>> -> memref<8x128xi32, #tpu.memory_space<hbm>>
      %dma_wait3A_170 = arith.constant 0 : i32
      %dma_wait3A_171 = arith.constant 0 : i32
      %dma_wait3A_172 = tpu.memref_slice %arg3[%dma_wait3A_170, %dma_wait3A_171] : memref<2560x128xi32, #tpu.memory_space<hbm>> -> memref<8x128xi32, #tpu.memory_space<hbm>>
      tpu.wait_dma2 semaphore(%arg14 : memref<!tpu.dma_semaphore, #tpu.memory_space<semaphore_mem>>) src(%dma_wait3A_172 : memref<8x128xi32, #tpu.memory_space<hbm>>) dst(%arg7 : memref<8x128xi32, #tpu.memory_space<vmem>>)
      %dma_wait3A_173 = arith.constant 0 : i32
      %dma_wait3A_174 = arith.constant 0 : i32
      %dma_wait3A_175 = tpu.memref_slice %arg4[%dma_wait3A_173, %dma_wait3A_174] : memref<2560x128xi32, #tpu.memory_space<hbm>> -> memref<8x128xi32, #tpu.memory_space<hbm>>
      %dma_wait3A_176 = arith.constant 0 : i32
      %dma_wait3A_177 = arith.constant 0 : i32
      %dma_wait3A_178 = tpu.memref_slice %arg4[%dma_wait3A_176, %dma_wait3A_177] : memref<2560x128xi32, #tpu.memory_space<hbm>> -> memref<8x128xi32, #tpu.memory_space<hbm>>
      tpu.wait_dma2 semaphore(%arg14 : memref<!tpu.dma_semaphore, #tpu.memory_space<semaphore_mem>>) src(%dma_wait3A_178 : memref<8x128xi32, #tpu.memory_space<hbm>>) dst(%arg8 : memref<8x128xi32, #tpu.memory_space<vmem>>)
      %add3A_179 = arith.constant 1 : i32
      %add3A_180 = arith.addi %mul3A_166, %add3A_179 : i32
      %mul3A_181 = arith.constant 10 : i32
      %mul3A_182 = arith.muli %add3A, %mul3A_181 : i32
      %min3A_183 = arith.constant 9 : i32
      %min3A_184 = arith.minsi %add3A_180, %min3A_183 : i32
      %add3A_185 = arith.addi %mul3A_182, %min3A_184 : i32
      %mul3A_186 = arith.constant 8 : i32
      %mul3A_187 = arith.muli %add3A_185, %mul3A_186 : i32
      %dma_start3A_188 = arith.constant 0 : i32
      %dma_start3A_189 = tpu.memref_slice %arg3[%mul3A_187, %dma_start3A_188] : memref<2560x128xi32, #tpu.memory_space<hbm>> -> memref<8x128xi32, #tpu.memory_space<hbm>>
      %dma_start3A_190 = arith.constant 0 : i32
      %dma_start3A_191 = tpu.memref_slice %arg3[%mul3A_187, %dma_start3A_190] : memref<2560x128xi32, #tpu.memory_space<hbm>> -> memref<8x128xi32, #tpu.memory_space<hbm>>
      tpu.enqueue_dma source(%dma_start3A_191 : memref<8x128xi32, #tpu.memory_space<hbm>>) target(%arg9 : memref<8x128xi32, #tpu.memory_space<vmem>>) target_semaphore(%arg15 : memref<!tpu.dma_semaphore, #tpu.memory_space<semaphore_mem>>)
      %dma_start3A_192 = arith.constant 0 : i32
      %dma_start3A_193 = tpu.memref_slice %arg4[%mul3A_187, %dma_start3A_192] : memref<2560x128xi32, #tpu.memory_space<hbm>> -> memref<8x128xi32, #tpu.memory_space<hbm>>
      %dma_start3A_194 = arith.constant 0 : i32
      %dma_start3A_195 = tpu.memref_slice %arg4[%mul3A_187, %dma_start3A_194] : memref<2560x128xi32, #tpu.memory_space<hbm>> -> memref<8x128xi32, #tpu.memory_space<hbm>>
      tpu.enqueue_dma source(%dma_start3A_195 : memref<8x128xi32, #tpu.memory_space<hbm>>) target(%arg10 : memref<8x128xi32, #tpu.memory_space<vmem>>) target_semaphore(%arg15 : memref<!tpu.dma_semaphore, #tpu.memory_space<semaphore_mem>>)
      %dma_start3A_196 = arith.constant 0 : i32
      %dma_start3A_197 = arith.constant 0 : i32
      %dma_start3A_198 = tpu.memref_slice %arg7[%dma_start3A_196, %dma_start3A_197] : memref<8x128xi32, #tpu.memory_space<vmem>> -> memref<1x128xi32, #tpu.memory_space<vmem>>
      %dma_start3A_199 = tpu.memref_squeeze %dma_start3A_198 : memref<1x128xi32, #tpu.memory_space<vmem>> -> memref<128xi32, #tpu.memory_space<vmem>>
      %dma_start3A_200 = arith.constant 0 : i32
      %dma_start3A_201 = arith.constant 0 : i32
      %dma_start3A_202 = tpu.memref_slice %arg2[%dma_start3A_200, %dma_start3A_201] : memref<10000x128xf32, #tpu.memory_space<hbm>> -> memref<10000x128xf32, #tpu.memory_space<hbm>>
      tpu.enqueue_indirect_dma source(%dma_start3A_202 : memref<10000x128xf32, #tpu.memory_space<hbm>>) target(%arg11 : memref<128x128xf32, #tpu.memory_space<vmem>>) offsets(%dma_start3A_199 : memref<128xi32, #tpu.memory_space<vmem>>) semaphore(%arg16 : memref<!tpu.dma_semaphore, #tpu.memory_space<semaphore_mem>>)
      %dma_start3A_203 = arith.constant 1 : i32
      %dma_start3A_204 = arith.constant 0 : i32
      %dma_start3A_205 = tpu.memref_slice %arg7[%dma_start3A_203, %dma_start3A_204] : memref<8x128xi32, #tpu.memory_space<vmem>> -> memref<1x128xi32, #tpu.memory_space<vmem>>
      %dma_start3A_206 = tpu.memref_squeeze %dma_start3A_205 : memref<1x128xi32, #tpu.memory_space<vmem>> -> memref<128xi32, #tpu.memory_space<vmem>>
      %dma_start3A_207 = arith.constant 0 : i32
      %dma_start3A_208 = arith.constant 0 : i32
      %dma_start3A_209 = tpu.memref_slice %arg2[%dma_start3A_207, %dma_start3A_208] : memref<10000x128xf32, #tpu.memory_space<hbm>> -> memref<10000x128xf32, #tpu.memory_space<hbm>>
      tpu.enqueue_indirect_dma source(%dma_start3A_209 : memref<10000x128xf32, #tpu.memory_space<hbm>>) target(%arg12 : memref<128x128xf32, #tpu.memory_space<vmem>>) offsets(%dma_start3A_206 : memref<128xi32, #tpu.memory_space<vmem>>) semaphore(%arg17 : memref<!tpu.dma_semaphore, #tpu.memory_space<semaphore_mem>>)
      %dma_wait3A_210 = arith.constant 0 : i32
      %dma_wait3A_211 = arith.constant 0 : i32
      %dma_wait3A_212 = tpu.memref_slice %arg7[%dma_wait3A_210, %dma_wait3A_211] : memref<8x128xi32, #tpu.memory_space<vmem>> -> memref<1x128xi32, #tpu.memory_space<vmem>>
      %dma_wait3A_213 = tpu.memref_squeeze %dma_wait3A_212 : memref<1x128xi32, #tpu.memory_space<vmem>> -> memref<128xi32, #tpu.memory_space<vmem>>
      %dma_wait3A_214 = arith.constant 0 : i32
      %dma_wait3A_215 = arith.constant 0 : i32
      %dma_wait3A_216 = tpu.memref_slice %arg2[%dma_wait3A_214, %dma_wait3A_215] : memref<10000x128xf32, #tpu.memory_space<hbm>> -> memref<10000x128xf32, #tpu.memory_space<hbm>>
      tpu.wait_indirect_dma semaphore(%arg16 : memref<!tpu.dma_semaphore, #tpu.memory_space<semaphore_mem>>) src(%dma_wait3A_216 : memref<10000x128xf32, #tpu.memory_space<hbm>>) dst(%arg11 : memref<128x128xf32, #tpu.memory_space<vmem>>)
      %run_scoped3A = arith.constant 0 : i32
      "tpu.region"() ({
        %run_scoped3A_464 = tpu.sem_alloc : memref<!tpu.dma_semaphore, #tpu.memory_space<semaphore_mem>>
        %dma_start3A_465 = arith.constant 0 : i32
        %dma_start3A_466 = tpu.memref_slice %arg8[%run_scoped3A, %dma_start3A_465] : memref<8x128xi32, #tpu.memory_space<vmem>> -> memref<1x128xi32, #tpu.memory_space<vmem>>
        %dma_start3A_467 = tpu.memref_squeeze %dma_start3A_466 : memref<1x128xi32, #tpu.memory_space<vmem>> -> memref<128xi32, #tpu.memory_space<vmem>>
        %dma_start3A_468 = arith.constant 0 : i32
        %dma_start3A_469 = arith.constant 0 : i32
        %dma_start3A_470 = tpu.memref_slice %arg13[%dma_start3A_468, %dma_start3A_469] : memref<10240x128xf32, #tpu.memory_space<vmem_shared>> -> memref<10240x128xf32, #tpu.memory_space<vmem_shared>>
        tpu.enqueue_indirect_dma source(%arg11 : memref<128x128xf32, #tpu.memory_space<vmem>>) target(%dma_start3A_470 : memref<10240x128xf32, #tpu.memory_space<vmem_shared>>) offsets(%dma_start3A_467 : memref<128xi32, #tpu.memory_space<vmem>>) semaphore(%run_scoped3A_464 : memref<!tpu.dma_semaphore, #tpu.memory_space<semaphore_mem>>) {add = true}
        %dma_wait3A_471 = arith.constant 0 : i32
        %dma_wait3A_472 = tpu.memref_slice %arg8[%run_scoped3A, %dma_wait3A_471] : memref<8x128xi32, #tpu.memory_space<vmem>> -> memref<1x128xi32, #tpu.memory_space<vmem>>
        %dma_wait3A_473 = tpu.memref_squeeze %dma_wait3A_472 : memref<1x128xi32, #tpu.memory_space<vmem>> -> memref<128xi32, #tpu.memory_space<vmem>>
        %dma_wait3A_474 = arith.constant 0 : i32
        %dma_wait3A_475 = arith.constant 0 : i32
        %dma_wait3A_476 = tpu.memref_slice %arg13[%dma_wait3A_474, %dma_wait3A_475] : memref<10240x128xf32, #tpu.memory_space<vmem_shared>> -> memref<10240x128xf32, #tpu.memory_space<vmem_shared>>
        tpu.wait_indirect_dma semaphore(%run_scoped3A_464 : memref<!tpu.dma_semaphore, #tpu.memory_space<semaphore_mem>>) src(%arg11 : memref<128x128xf32, #tpu.memory_space<vmem>>) dst(%dma_wait3A_476 : memref<10240x128xf32, #tpu.memory_space<vmem_shared>>)
        tpu.yield
      }) : () -> ()
      %dma_start3A_217 = arith.constant 2 : i32
      %dma_start3A_218 = arith.constant 0 : i32
      %dma_start3A_219 = tpu.memref_slice %arg7[%dma_start3A_217, %dma_start3A_218] : memref<8x128xi32, #tpu.memory_space<vmem>> -> memref<1x128xi32, #tpu.memory_space<vmem>>
      %dma_start3A_220 = tpu.memref_squeeze %dma_start3A_219 : memref<1x128xi32, #tpu.memory_space<vmem>> -> memref<128xi32, #tpu.memory_space<vmem>>
      %dma_start3A_221 = arith.constant 0 : i32
      %dma_start3A_222 = arith.constant 0 : i32
      %dma_start3A_223 = tpu.memref_slice %arg2[%dma_start3A_221, %dma_start3A_222] : memref<10000x128xf32, #tpu.memory_space<hbm>> -> memref<10000x128xf32, #tpu.memory_space<hbm>>
      tpu.enqueue_indirect_dma source(%dma_start3A_223 : memref<10000x128xf32, #tpu.memory_space<hbm>>) target(%arg11 : memref<128x128xf32, #tpu.memory_space<vmem>>) offsets(%dma_start3A_220 : memref<128xi32, #tpu.memory_space<vmem>>) semaphore(%arg16 : memref<!tpu.dma_semaphore, #tpu.memory_space<semaphore_mem>>)
      %dma_wait3A_224 = arith.constant 1 : i32
      %dma_wait3A_225 = arith.constant 0 : i32
      %dma_wait3A_226 = tpu.memref_slice %arg7[%dma_wait3A_224, %dma_wait3A_225] : memref<8x128xi32, #tpu.memory_space<vmem>> -> memref<1x128xi32, #tpu.memory_space<vmem>>
      %dma_wait3A_227 = tpu.memref_squeeze %dma_wait3A_226 : memref<1x128xi32, #tpu.memory_space<vmem>> -> memref<128xi32, #tpu.memory_space<vmem>>
      %dma_wait3A_228 = arith.constant 0 : i32
      %dma_wait3A_229 = arith.constant 0 : i32
      %dma_wait3A_230 = tpu.memref_slice %arg2[%dma_wait3A_228, %dma_wait3A_229] : memref<10000x128xf32, #tpu.memory_space<hbm>> -> memref<10000x128xf32, #tpu.memory_space<hbm>>
      tpu.wait_indirect_dma semaphore(%arg17 : memref<!tpu.dma_semaphore, #tpu.memory_space<semaphore_mem>>) src(%dma_wait3A_230 : memref<10000x128xf32, #tpu.memory_space<hbm>>) dst(%arg12 : memref<128x128xf32, #tpu.memory_space<vmem>>)
      %run_scoped3A_231 = arith.constant 1 : i32
      "tpu.region"() ({
        %run_scoped3A_464 = tpu.sem_alloc : memref<!tpu.dma_semaphore, #tpu.memory_space<semaphore_mem>>
        %dma_start3A_465 = arith.constant 0 : i32
        %dma_start3A_466 = tpu.memref_slice %arg8[%run_scoped3A_231, %dma_start3A_465] : memref<8x128xi32, #tpu.memory_space<vmem>> -> memref<1x128xi32, #tpu.memory_space<vmem>>
        %dma_start3A_467 = tpu.memref_squeeze %dma_start3A_466 : memref<1x128xi32, #tpu.memory_space<vmem>> -> memref<128xi32, #tpu.memory_space<vmem>>
        %dma_start3A_468 = arith.constant 0 : i32
        %dma_start3A_469 = arith.constant 0 : i32
        %dma_start3A_470 = tpu.memref_slice %arg13[%dma_start3A_468, %dma_start3A_469] : memref<10240x128xf32, #tpu.memory_space<vmem_shared>> -> memref<10240x128xf32, #tpu.memory_space<vmem_shared>>
        tpu.enqueue_indirect_dma source(%arg12 : memref<128x128xf32, #tpu.memory_space<vmem>>) target(%dma_start3A_470 : memref<10240x128xf32, #tpu.memory_space<vmem_shared>>) offsets(%dma_start3A_467 : memref<128xi32, #tpu.memory_space<vmem>>) semaphore(%run_scoped3A_464 : memref<!tpu.dma_semaphore, #tpu.memory_space<semaphore_mem>>) {add = true}
        %dma_wait3A_471 = arith.constant 0 : i32
        %dma_wait3A_472 = tpu.memref_slice %arg8[%run_scoped3A_231, %dma_wait3A_471] : memref<8x128xi32, #tpu.memory_space<vmem>> -> memref<1x128xi32, #tpu.memory_space<vmem>>
        %dma_wait3A_473 = tpu.memref_squeeze %dma_wait3A_472 : memref<1x128xi32, #tpu.memory_space<vmem>> -> memref<128xi32, #tpu.memory_space<vmem>>
        %dma_wait3A_474 = arith.constant 0 : i32
        %dma_wait3A_475 = arith.constant 0 : i32
        %dma_wait3A_476 = tpu.memref_slice %arg13[%dma_wait3A_474, %dma_wait3A_475] : memref<10240x128xf32, #tpu.memory_space<vmem_shared>> -> memref<10240x128xf32, #tpu.memory_space<vmem_shared>>
        tpu.wait_indirect_dma semaphore(%run_scoped3A_464 : memref<!tpu.dma_semaphore, #tpu.memory_space<semaphore_mem>>) src(%arg12 : memref<128x128xf32, #tpu.memory_space<vmem>>) dst(%dma_wait3A_476 : memref<10240x128xf32, #tpu.memory_space<vmem_shared>>)
        tpu.yield
      }) : () -> ()
      %dma_start3A_232 = arith.constant 3 : i32
      %dma_start3A_233 = arith.constant 0 : i32
      %dma_start3A_234 = tpu.memref_slice %arg7[%dma_start3A_232, %dma_start3A_233] : memref<8x128xi32, #tpu.memory_space<vmem>> -> memref<1x128xi32, #tpu.memory_space<vmem>>
      %dma_start3A_235 = tpu.memref_squeeze %dma_start3A_234 : memref<1x128xi32, #tpu.memory_space<vmem>> -> memref<128xi32, #tpu.memory_space<vmem>>
      %dma_start3A_236 = arith.constant 0 : i32
      %dma_start3A_237 = arith.constant 0 : i32
      %dma_start3A_238 = tpu.memref_slice %arg2[%dma_start3A_236, %dma_start3A_237] : memref<10000x128xf32, #tpu.memory_space<hbm>> -> memref<10000x128xf32, #tpu.memory_space<hbm>>
      tpu.enqueue_indirect_dma source(%dma_start3A_238 : memref<10000x128xf32, #tpu.memory_space<hbm>>) target(%arg12 : memref<128x128xf32, #tpu.memory_space<vmem>>) offsets(%dma_start3A_235 : memref<128xi32, #tpu.memory_space<vmem>>) semaphore(%arg17 : memref<!tpu.dma_semaphore, #tpu.memory_space<semaphore_mem>>)
      %dma_wait3A_239 = arith.constant 2 : i32
      %dma_wait3A_240 = arith.constant 0 : i32
      %dma_wait3A_241 = tpu.memref_slice %arg7[%dma_wait3A_239, %dma_wait3A_240] : memref<8x128xi32, #tpu.memory_space<vmem>> -> memref<1x128xi32, #tpu.memory_space<vmem>>
      %dma_wait3A_242 = tpu.memref_squeeze %dma_wait3A_241 : memref<1x128xi32, #tpu.memory_space<vmem>> -> memref<128xi32, #tpu.memory_space<vmem>>
      %dma_wait3A_243 = arith.constant 0 : i32
      %dma_wait3A_244 = arith.constant 0 : i32
      %dma_wait3A_245 = tpu.memref_slice %arg2[%dma_wait3A_243, %dma_wait3A_244] : memref<10000x128xf32, #tpu.memory_space<hbm>> -> memref<10000x128xf32, #tpu.memory_space<hbm>>
      tpu.wait_indirect_dma semaphore(%arg16 : memref<!tpu.dma_semaphore, #tpu.memory_space<semaphore_mem>>) src(%dma_wait3A_245 : memref<10000x128xf32, #tpu.memory_space<hbm>>) dst(%arg11 : memref<128x128xf32, #tpu.memory_space<vmem>>)
      %run_scoped3A_246 = arith.constant 2 : i32
      "tpu.region"() ({
        %run_scoped3A_464 = tpu.sem_alloc : memref<!tpu.dma_semaphore, #tpu.memory_space<semaphore_mem>>
        %dma_start3A_465 = arith.constant 0 : i32
        %dma_start3A_466 = tpu.memref_slice %arg8[%run_scoped3A_246, %dma_start3A_465] : memref<8x128xi32, #tpu.memory_space<vmem>> -> memref<1x128xi32, #tpu.memory_space<vmem>>
        %dma_start3A_467 = tpu.memref_squeeze %dma_start3A_466 : memref<1x128xi32, #tpu.memory_space<vmem>> -> memref<128xi32, #tpu.memory_space<vmem>>
        %dma_start3A_468 = arith.constant 0 : i32
        %dma_start3A_469 = arith.constant 0 : i32
        %dma_start3A_470 = tpu.memref_slice %arg13[%dma_start3A_468, %dma_start3A_469] : memref<10240x128xf32, #tpu.memory_space<vmem_shared>> -> memref<10240x128xf32, #tpu.memory_space<vmem_shared>>
        tpu.enqueue_indirect_dma source(%arg11 : memref<128x128xf32, #tpu.memory_space<vmem>>) target(%dma_start3A_470 : memref<10240x128xf32, #tpu.memory_space<vmem_shared>>) offsets(%dma_start3A_467 : memref<128xi32, #tpu.memory_space<vmem>>) semaphore(%run_scoped3A_464 : memref<!tpu.dma_semaphore, #tpu.memory_space<semaphore_mem>>) {add = true}
        %dma_wait3A_471 = arith.constant 0 : i32
        %dma_wait3A_472 = tpu.memref_slice %arg8[%run_scoped3A_246, %dma_wait3A_471] : memref<8x128xi32, #tpu.memory_space<vmem>> -> memref<1x128xi32, #tpu.memory_space<vmem>>
        %dma_wait3A_473 = tpu.memref_squeeze %dma_wait3A_472 : memref<1x128xi32, #tpu.memory_space<vmem>> -> memref<128xi32, #tpu.memory_space<vmem>>
        %dma_wait3A_474 = arith.constant 0 : i32
        %dma_wait3A_475 = arith.constant 0 : i32
        %dma_wait3A_476 = tpu.memref_slice %arg13[%dma_wait3A_474, %dma_wait3A_475] : memref<10240x128xf32, #tpu.memory_space<vmem_shared>> -> memref<10240x128xf32, #tpu.memory_space<vmem_shared>>
        tpu.wait_indirect_dma semaphore(%run_scoped3A_464 : memref<!tpu.dma_semaphore, #tpu.memory_space<semaphore_mem>>) src(%arg11 : memref<128x128xf32, #tpu.memory_space<vmem>>) dst(%dma_wait3A_476 : memref<10240x128xf32, #tpu.memory_space<vmem_shared>>)
        tpu.yield
      }) : () -> ()
      %dma_start3A_247 = arith.constant 4 : i32
      %dma_start3A_248 = arith.constant 0 : i32
      %dma_start3A_249 = tpu.memref_slice %arg7[%dma_start3A_247, %dma_start3A_248] : memref<8x128xi32, #tpu.memory_space<vmem>> -> memref<1x128xi32, #tpu.memory_space<vmem>>
      %dma_start3A_250 = tpu.memref_squeeze %dma_start3A_249 : memref<1x128xi32, #tpu.memory_space<vmem>> -> memref<128xi32, #tpu.memory_space<vmem>>
      %dma_start3A_251 = arith.constant 0 : i32
      %dma_start3A_252 = arith.constant 0 : i32
      %dma_start3A_253 = tpu.memref_slice %arg2[%dma_start3A_251, %dma_start3A_252] : memref<10000x128xf32, #tpu.memory_space<hbm>> -> memref<10000x128xf32, #tpu.memory_space<hbm>>
      tpu.enqueue_indirect_dma source(%dma_start3A_253 : memref<10000x128xf32, #tpu.memory_space<hbm>>) target(%arg11 : memref<128x128xf32, #tpu.memory_space<vmem>>) offsets(%dma_start3A_250 : memref<128xi32, #tpu.memory_space<vmem>>) semaphore(%arg16 : memref<!tpu.dma_semaphore, #tpu.memory_space<semaphore_mem>>)
      %dma_wait3A_254 = arith.constant 3 : i32
      %dma_wait3A_255 = arith.constant 0 : i32
      %dma_wait3A_256 = tpu.memref_slice %arg7[%dma_wait3A_254, %dma_wait3A_255] : memref<8x128xi32, #tpu.memory_space<vmem>> -> memref<1x128xi32, #tpu.memory_space<vmem>>
      %dma_wait3A_257 = tpu.memref_squeeze %dma_wait3A_256 : memref<1x128xi32, #tpu.memory_space<vmem>> -> memref<128xi32, #tpu.memory_space<vmem>>
      %dma_wait3A_258 = arith.constant 0 : i32
      %dma_wait3A_259 = arith.constant 0 : i32
      %dma_wait3A_260 = tpu.memref_slice %arg2[%dma_wait3A_258, %dma_wait3A_259] : memref<10000x128xf32, #tpu.memory_space<hbm>> -> memref<10000x128xf32, #tpu.memory_space<hbm>>
      tpu.wait_indirect_dma semaphore(%arg17 : memref<!tpu.dma_semaphore, #tpu.memory_space<semaphore_mem>>) src(%dma_wait3A_260 : memref<10000x128xf32, #tpu.memory_space<hbm>>) dst(%arg12 : memref<128x128xf32, #tpu.memory_space<vmem>>)
      %run_scoped3A_261 = arith.constant 3 : i32
      "tpu.region"() ({
        %run_scoped3A_464 = tpu.sem_alloc : memref<!tpu.dma_semaphore, #tpu.memory_space<semaphore_mem>>
        %dma_start3A_465 = arith.constant 0 : i32
        %dma_start3A_466 = tpu.memref_slice %arg8[%run_scoped3A_261, %dma_start3A_465] : memref<8x128xi32, #tpu.memory_space<vmem>> -> memref<1x128xi32, #tpu.memory_space<vmem>>
        %dma_start3A_467 = tpu.memref_squeeze %dma_start3A_466 : memref<1x128xi32, #tpu.memory_space<vmem>> -> memref<128xi32, #tpu.memory_space<vmem>>
        %dma_start3A_468 = arith.constant 0 : i32
        %dma_start3A_469 = arith.constant 0 : i32
        %dma_start3A_470 = tpu.memref_slice %arg13[%dma_start3A_468, %dma_start3A_469] : memref<10240x128xf32, #tpu.memory_space<vmem_shared>> -> memref<10240x128xf32, #tpu.memory_space<vmem_shared>>
        tpu.enqueue_indirect_dma source(%arg12 : memref<128x128xf32, #tpu.memory_space<vmem>>) target(%dma_start3A_470 : memref<10240x128xf32, #tpu.memory_space<vmem_shared>>) offsets(%dma_start3A_467 : memref<128xi32, #tpu.memory_space<vmem>>) semaphore(%run_scoped3A_464 : memref<!tpu.dma_semaphore, #tpu.memory_space<semaphore_mem>>) {add = true}
        %dma_wait3A_471 = arith.constant 0 : i32
        %dma_wait3A_472 = tpu.memref_slice %arg8[%run_scoped3A_261, %dma_wait3A_471] : memref<8x128xi32, #tpu.memory_space<vmem>> -> memref<1x128xi32, #tpu.memory_space<vmem>>
        %dma_wait3A_473 = tpu.memref_squeeze %dma_wait3A_472 : memref<1x128xi32, #tpu.memory_space<vmem>> -> memref<128xi32, #tpu.memory_space<vmem>>
        %dma_wait3A_474 = arith.constant 0 : i32
        %dma_wait3A_475 = arith.constant 0 : i32
        %dma_wait3A_476 = tpu.memref_slice %arg13[%dma_wait3A_474, %dma_wait3A_475] : memref<10240x128xf32, #tpu.memory_space<vmem_shared>> -> memref<10240x128xf32, #tpu.memory_space<vmem_shared>>
        tpu.wait_indirect_dma semaphore(%run_scoped3A_464 : memref<!tpu.dma_semaphore, #tpu.memory_space<semaphore_mem>>) src(%arg12 : memref<128x128xf32, #tpu.memory_space<vmem>>) dst(%dma_wait3A_476 : memref<10240x128xf32, #tpu.memory_space<vmem_shared>>)
        tpu.yield
      }) : () -> ()
      %dma_start3A_262 = arith.constant 5 : i32
      %dma_start3A_263 = arith.constant 0 : i32
      %dma_start3A_264 = tpu.memref_slice %arg7[%dma_start3A_262, %dma_start3A_263] : memref<8x128xi32, #tpu.memory_space<vmem>> -> memref<1x128xi32, #tpu.memory_space<vmem>>
      %dma_start3A_265 = tpu.memref_squeeze %dma_start3A_264 : memref<1x128xi32, #tpu.memory_space<vmem>> -> memref<128xi32, #tpu.memory_space<vmem>>
      %dma_start3A_266 = arith.constant 0 : i32
      %dma_start3A_267 = arith.constant 0 : i32
      %dma_start3A_268 = tpu.memref_slice %arg2[%dma_start3A_266, %dma_start3A_267] : memref<10000x128xf32, #tpu.memory_space<hbm>> -> memref<10000x128xf32, #tpu.memory_space<hbm>>
      tpu.enqueue_indirect_dma source(%dma_start3A_268 : memref<10000x128xf32, #tpu.memory_space<hbm>>) target(%arg12 : memref<128x128xf32, #tpu.memory_space<vmem>>) offsets(%dma_start3A_265 : memref<128xi32, #tpu.memory_space<vmem>>) semaphore(%arg17 : memref<!tpu.dma_semaphore, #tpu.memory_space<semaphore_mem>>)
      %dma_wait3A_269 = arith.constant 4 : i32
      %dma_wait3A_270 = arith.constant 0 : i32
      %dma_wait3A_271 = tpu.memref_slice %arg7[%dma_wait3A_269, %dma_wait3A_270] : memref<8x128xi32, #tpu.memory_space<vmem>> -> memref<1x128xi32, #tpu.memory_space<vmem>>
      %dma_wait3A_272 = tpu.memref_squeeze %dma_wait3A_271 : memref<1x128xi32, #tpu.memory_space<vmem>> -> memref<128xi32, #tpu.memory_space<vmem>>
      %dma_wait3A_273 = arith.constant 0 : i32
      %dma_wait3A_274 = arith.constant 0 : i32
      %dma_wait3A_275 = tpu.memref_slice %arg2[%dma_wait3A_273, %dma_wait3A_274] : memref<10000x128xf32, #tpu.memory_space<hbm>> -> memref<10000x128xf32, #tpu.memory_space<hbm>>
      tpu.wait_indirect_dma semaphore(%arg16 : memref<!tpu.dma_semaphore, #tpu.memory_space<semaphore_mem>>) src(%dma_wait3A_275 : memref<10000x128xf32, #tpu.memory_space<hbm>>) dst(%arg11 : memref<128x128xf32, #tpu.memory_space<vmem>>)
      %run_scoped3A_276 = arith.constant 4 : i32
      "tpu.region"() ({
        %run_scoped3A_464 = tpu.sem_alloc : memref<!tpu.dma_semaphore, #tpu.memory_space<semaphore_mem>>
        %dma_start3A_465 = arith.constant 0 : i32
        %dma_start3A_466 = tpu.memref_slice %arg8[%run_scoped3A_276, %dma_start3A_465] : memref<8x128xi32, #tpu.memory_space<vmem>> -> memref<1x128xi32, #tpu.memory_space<vmem>>
        %dma_start3A_467 = tpu.memref_squeeze %dma_start3A_466 : memref<1x128xi32, #tpu.memory_space<vmem>> -> memref<128xi32, #tpu.memory_space<vmem>>
        %dma_start3A_468 = arith.constant 0 : i32
        %dma_start3A_469 = arith.constant 0 : i32
        %dma_start3A_470 = tpu.memref_slice %arg13[%dma_start3A_468, %dma_start3A_469] : memref<10240x128xf32, #tpu.memory_space<vmem_shared>> -> memref<10240x128xf32, #tpu.memory_space<vmem_shared>>
        tpu.enqueue_indirect_dma source(%arg11 : memref<128x128xf32, #tpu.memory_space<vmem>>) target(%dma_start3A_470 : memref<10240x128xf32, #tpu.memory_space<vmem_shared>>) offsets(%dma_start3A_467 : memref<128xi32, #tpu.memory_space<vmem>>) semaphore(%run_scoped3A_464 : memref<!tpu.dma_semaphore, #tpu.memory_space<semaphore_mem>>) {add = true}
        %dma_wait3A_471 = arith.constant 0 : i32
        %dma_wait3A_472 = tpu.memref_slice %arg8[%run_scoped3A_276, %dma_wait3A_471] : memref<8x128xi32, #tpu.memory_space<vmem>> -> memref<1x128xi32, #tpu.memory_space<vmem>>
        %dma_wait3A_473 = tpu.memref_squeeze %dma_wait3A_472 : memref<1x128xi32, #tpu.memory_space<vmem>> -> memref<128xi32, #tpu.memory_space<vmem>>
        %dma_wait3A_474 = arith.constant 0 : i32
        %dma_wait3A_475 = arith.constant 0 : i32
        %dma_wait3A_476 = tpu.memref_slice %arg13[%dma_wait3A_474, %dma_wait3A_475] : memref<10240x128xf32, #tpu.memory_space<vmem_shared>> -> memref<10240x128xf32, #tpu.memory_space<vmem_shared>>
        tpu.wait_indirect_dma semaphore(%run_scoped3A_464 : memref<!tpu.dma_semaphore, #tpu.memory_space<semaphore_mem>>) src(%arg11 : memref<128x128xf32, #tpu.memory_space<vmem>>) dst(%dma_wait3A_476 : memref<10240x128xf32, #tpu.memory_space<vmem_shared>>)
        tpu.yield
      }) : () -> ()
      %dma_start3A_277 = arith.constant 6 : i32
      %dma_start3A_278 = arith.constant 0 : i32
      %dma_start3A_279 = tpu.memref_slice %arg7[%dma_start3A_277, %dma_start3A_278] : memref<8x128xi32, #tpu.memory_space<vmem>> -> memref<1x128xi32, #tpu.memory_space<vmem>>
      %dma_start3A_280 = tpu.memref_squeeze %dma_start3A_279 : memref<1x128xi32, #tpu.memory_space<vmem>> -> memref<128xi32, #tpu.memory_space<vmem>>
      %dma_start3A_281 = arith.constant 0 : i32
      %dma_start3A_282 = arith.constant 0 : i32
      %dma_start3A_283 = tpu.memref_slice %arg2[%dma_start3A_281, %dma_start3A_282] : memref<10000x128xf32, #tpu.memory_space<hbm>> -> memref<10000x128xf32, #tpu.memory_space<hbm>>
      tpu.enqueue_indirect_dma source(%dma_start3A_283 : memref<10000x128xf32, #tpu.memory_space<hbm>>) target(%arg11 : memref<128x128xf32, #tpu.memory_space<vmem>>) offsets(%dma_start3A_280 : memref<128xi32, #tpu.memory_space<vmem>>) semaphore(%arg16 : memref<!tpu.dma_semaphore, #tpu.memory_space<semaphore_mem>>)
      %dma_wait3A_284 = arith.constant 5 : i32
      %dma_wait3A_285 = arith.constant 0 : i32
      %dma_wait3A_286 = tpu.memref_slice %arg7[%dma_wait3A_284, %dma_wait3A_285] : memref<8x128xi32, #tpu.memory_space<vmem>> -> memref<1x128xi32, #tpu.memory_space<vmem>>
      %dma_wait3A_287 = tpu.memref_squeeze %dma_wait3A_286 : memref<1x128xi32, #tpu.memory_space<vmem>> -> memref<128xi32, #tpu.memory_space<vmem>>
      %dma_wait3A_288 = arith.constant 0 : i32
      %dma_wait3A_289 = arith.constant 0 : i32
      %dma_wait3A_290 = tpu.memref_slice %arg2[%dma_wait3A_288, %dma_wait3A_289] : memref<10000x128xf32, #tpu.memory_space<hbm>> -> memref<10000x128xf32, #tpu.memory_space<hbm>>
      tpu.wait_indirect_dma semaphore(%arg17 : memref<!tpu.dma_semaphore, #tpu.memory_space<semaphore_mem>>) src(%dma_wait3A_290 : memref<10000x128xf32, #tpu.memory_space<hbm>>) dst(%arg12 : memref<128x128xf32, #tpu.memory_space<vmem>>)
      %run_scoped3A_291 = arith.constant 5 : i32
      "tpu.region"() ({
        %run_scoped3A_464 = tpu.sem_alloc : memref<!tpu.dma_semaphore, #tpu.memory_space<semaphore_mem>>
        %dma_start3A_465 = arith.constant 0 : i32
        %dma_start3A_466 = tpu.memref_slice %arg8[%run_scoped3A_291, %dma_start3A_465] : memref<8x128xi32, #tpu.memory_space<vmem>> -> memref<1x128xi32, #tpu.memory_space<vmem>>
        %dma_start3A_467 = tpu.memref_squeeze %dma_start3A_466 : memref<1x128xi32, #tpu.memory_space<vmem>> -> memref<128xi32, #tpu.memory_space<vmem>>
        %dma_start3A_468 = arith.constant 0 : i32
        %dma_start3A_469 = arith.constant 0 : i32
        %dma_start3A_470 = tpu.memref_slice %arg13[%dma_start3A_468, %dma_start3A_469] : memref<10240x128xf32, #tpu.memory_space<vmem_shared>> -> memref<10240x128xf32, #tpu.memory_space<vmem_shared>>
        tpu.enqueue_indirect_dma source(%arg12 : memref<128x128xf32, #tpu.memory_space<vmem>>) target(%dma_start3A_470 : memref<10240x128xf32, #tpu.memory_space<vmem_shared>>) offsets(%dma_start3A_467 : memref<128xi32, #tpu.memory_space<vmem>>) semaphore(%run_scoped3A_464 : memref<!tpu.dma_semaphore, #tpu.memory_space<semaphore_mem>>) {add = true}
        %dma_wait3A_471 = arith.constant 0 : i32
        %dma_wait3A_472 = tpu.memref_slice %arg8[%run_scoped3A_291, %dma_wait3A_471] : memref<8x128xi32, #tpu.memory_space<vmem>> -> memref<1x128xi32, #tpu.memory_space<vmem>>
        %dma_wait3A_473 = tpu.memref_squeeze %dma_wait3A_472 : memref<1x128xi32, #tpu.memory_space<vmem>> -> memref<128xi32, #tpu.memory_space<vmem>>
        %dma_wait3A_474 = arith.constant 0 : i32
        %dma_wait3A_475 = arith.constant 0 : i32
        %dma_wait3A_476 = tpu.memref_slice %arg13[%dma_wait3A_474, %dma_wait3A_475] : memref<10240x128xf32, #tpu.memory_space<vmem_shared>> -> memref<10240x128xf32, #tpu.memory_space<vmem_shared>>
        tpu.wait_indirect_dma semaphore(%run_scoped3A_464 : memref<!tpu.dma_semaphore, #tpu.memory_space<semaphore_mem>>) src(%arg12 : memref<128x128xf32, #tpu.memory_space<vmem>>) dst(%dma_wait3A_476 : memref<10240x128xf32, #tpu.memory_space<vmem_shared>>)
        tpu.yield
      }) : () -> ()
      %dma_start3A_292 = arith.constant 7 : i32
      %dma_start3A_293 = arith.constant 0 : i32
      %dma_start3A_294 = tpu.memref_slice %arg7[%dma_start3A_292, %dma_start3A_293] : memref<8x128xi32, #tpu.memory_space<vmem>> -> memref<1x128xi32, #tpu.memory_space<vmem>>
      %dma_start3A_295 = tpu.memref_squeeze %dma_start3A_294 : memref<1x128xi32, #tpu.memory_space<vmem>> -> memref<128xi32, #tpu.memory_space<vmem>>
      %dma_start3A_296 = arith.constant 0 : i32
      %dma_start3A_297 = arith.constant 0 : i32
      %dma_start3A_298 = tpu.memref_slice %arg2[%dma_start3A_296, %dma_start3A_297] : memref<10000x128xf32, #tpu.memory_space<hbm>> -> memref<10000x128xf32, #tpu.memory_space<hbm>>
      tpu.enqueue_indirect_dma source(%dma_start3A_298 : memref<10000x128xf32, #tpu.memory_space<hbm>>) target(%arg12 : memref<128x128xf32, #tpu.memory_space<vmem>>) offsets(%dma_start3A_295 : memref<128xi32, #tpu.memory_space<vmem>>) semaphore(%arg17 : memref<!tpu.dma_semaphore, #tpu.memory_space<semaphore_mem>>)
      %dma_wait3A_299 = arith.constant 6 : i32
      %dma_wait3A_300 = arith.constant 0 : i32
      %dma_wait3A_301 = tpu.memref_slice %arg7[%dma_wait3A_299, %dma_wait3A_300] : memref<8x128xi32, #tpu.memory_space<vmem>> -> memref<1x128xi32, #tpu.memory_space<vmem>>
      %dma_wait3A_302 = tpu.memref_squeeze %dma_wait3A_301 : memref<1x128xi32, #tpu.memory_space<vmem>> -> memref<128xi32, #tpu.memory_space<vmem>>
      %dma_wait3A_303 = arith.constant 0 : i32
      %dma_wait3A_304 = arith.constant 0 : i32
      %dma_wait3A_305 = tpu.memref_slice %arg2[%dma_wait3A_303, %dma_wait3A_304] : memref<10000x128xf32, #tpu.memory_space<hbm>> -> memref<10000x128xf32, #tpu.memory_space<hbm>>
      tpu.wait_indirect_dma semaphore(%arg16 : memref<!tpu.dma_semaphore, #tpu.memory_space<semaphore_mem>>) src(%dma_wait3A_305 : memref<10000x128xf32, #tpu.memory_space<hbm>>) dst(%arg11 : memref<128x128xf32, #tpu.memory_space<vmem>>)
      %run_scoped3A_306 = arith.constant 6 : i32
      "tpu.region"() ({
        %run_scoped3A_464 = tpu.sem_alloc : memref<!tpu.dma_semaphore, #tpu.memory_space<semaphore_mem>>
        %dma_start3A_465 = arith.constant 0 : i32
        %dma_start3A_466 = tpu.memref_slice %arg8[%run_scoped3A_306, %dma_start3A_465] : memref<8x128xi32, #tpu.memory_space<vmem>> -> memref<1x128xi32, #tpu.memory_space<vmem>>
        %dma_start3A_467 = tpu.memref_squeeze %dma_start3A_466 : memref<1x128xi32, #tpu.memory_space<vmem>> -> memref<128xi32, #tpu.memory_space<vmem>>
        %dma_start3A_468 = arith.constant 0 : i32
        %dma_start3A_469 = arith.constant 0 : i32
        %dma_start3A_470 = tpu.memref_slice %arg13[%dma_start3A_468, %dma_start3A_469] : memref<10240x128xf32, #tpu.memory_space<vmem_shared>> -> memref<10240x128xf32, #tpu.memory_space<vmem_shared>>
        tpu.enqueue_indirect_dma source(%arg11 : memref<128x128xf32, #tpu.memory_space<vmem>>) target(%dma_start3A_470 : memref<10240x128xf32, #tpu.memory_space<vmem_shared>>) offsets(%dma_start3A_467 : memref<128xi32, #tpu.memory_space<vmem>>) semaphore(%run_scoped3A_464 : memref<!tpu.dma_semaphore, #tpu.memory_space<semaphore_mem>>) {add = true}
        %dma_wait3A_471 = arith.constant 0 : i32
        %dma_wait3A_472 = tpu.memref_slice %arg8[%run_scoped3A_306, %dma_wait3A_471] : memref<8x128xi32, #tpu.memory_space<vmem>> -> memref<1x128xi32, #tpu.memory_space<vmem>>
        %dma_wait3A_473 = tpu.memref_squeeze %dma_wait3A_472 : memref<1x128xi32, #tpu.memory_space<vmem>> -> memref<128xi32, #tpu.memory_space<vmem>>
        %dma_wait3A_474 = arith.constant 0 : i32
        %dma_wait3A_475 = arith.constant 0 : i32
        %dma_wait3A_476 = tpu.memref_slice %arg13[%dma_wait3A_474, %dma_wait3A_475] : memref<10240x128xf32, #tpu.memory_space<vmem_shared>> -> memref<10240x128xf32, #tpu.memory_space<vmem_shared>>
        tpu.wait_indirect_dma semaphore(%run_scoped3A_464 : memref<!tpu.dma_semaphore, #tpu.memory_space<semaphore_mem>>) src(%arg11 : memref<128x128xf32, #tpu.memory_space<vmem>>) dst(%dma_wait3A_476 : memref<10240x128xf32, #tpu.memory_space<vmem_shared>>)
        tpu.yield
      }) : () -> ()
      %dma_wait3A_307 = arith.constant 7 : i32
      %dma_wait3A_308 = arith.constant 0 : i32
      %dma_wait3A_309 = tpu.memref_slice %arg7[%dma_wait3A_307, %dma_wait3A_308] : memref<8x128xi32, #tpu.memory_space<vmem>> -> memref<1x128xi32, #tpu.memory_space<vmem>>
      %dma_wait3A_310 = tpu.memref_squeeze %dma_wait3A_309 : memref<1x128xi32, #tpu.memory_space<vmem>> -> memref<128xi32, #tpu.memory_space<vmem>>
      %dma_wait3A_311 = arith.constant 0 : i32
      %dma_wait3A_312 = arith.constant 0 : i32
      %dma_wait3A_313 = tpu.memref_slice %arg2[%dma_wait3A_311, %dma_wait3A_312] : memref<10000x128xf32, #tpu.memory_space<hbm>> -> memref<10000x128xf32, #tpu.memory_space<hbm>>
      tpu.wait_indirect_dma semaphore(%arg17 : memref<!tpu.dma_semaphore, #tpu.memory_space<semaphore_mem>>) src(%dma_wait3A_313 : memref<10000x128xf32, #tpu.memory_space<hbm>>) dst(%arg12 : memref<128x128xf32, #tpu.memory_space<vmem>>)
      %run_scoped3A_314 = arith.constant 7 : i32
      "tpu.region"() ({
        %run_scoped3A_464 = tpu.sem_alloc : memref<!tpu.dma_semaphore, #tpu.memory_space<semaphore_mem>>
        %dma_start3A_465 = arith.constant 0 : i32
        %dma_start3A_466 = tpu.memref_slice %arg8[%run_scoped3A_314, %dma_start3A_465] : memref<8x128xi32, #tpu.memory_space<vmem>> -> memref<1x128xi32, #tpu.memory_space<vmem>>
        %dma_start3A_467 = tpu.memref_squeeze %dma_start3A_466 : memref<1x128xi32, #tpu.memory_space<vmem>> -> memref<128xi32, #tpu.memory_space<vmem>>
        %dma_start3A_468 = arith.constant 0 : i32
        %dma_start3A_469 = arith.constant 0 : i32
        %dma_start3A_470 = tpu.memref_slice %arg13[%dma_start3A_468, %dma_start3A_469] : memref<10240x128xf32, #tpu.memory_space<vmem_shared>> -> memref<10240x128xf32, #tpu.memory_space<vmem_shared>>
        tpu.enqueue_indirect_dma source(%arg12 : memref<128x128xf32, #tpu.memory_space<vmem>>) target(%dma_start3A_470 : memref<10240x128xf32, #tpu.memory_space<vmem_shared>>) offsets(%dma_start3A_467 : memref<128xi32, #tpu.memory_space<vmem>>) semaphore(%run_scoped3A_464 : memref<!tpu.dma_semaphore, #tpu.memory_space<semaphore_mem>>) {add = true}
        %dma_wait3A_471 = arith.constant 0 : i32
        %dma_wait3A_472 = tpu.memref_slice %arg8[%run_scoped3A_314, %dma_wait3A_471] : memref<8x128xi32, #tpu.memory_space<vmem>> -> memref<1x128xi32, #tpu.memory_space<vmem>>
        %dma_wait3A_473 = tpu.memref_squeeze %dma_wait3A_472 : memref<1x128xi32, #tpu.memory_space<vmem>> -> memref<128xi32, #tpu.memory_space<vmem>>
        %dma_wait3A_474 = arith.constant 0 : i32
        %dma_wait3A_475 = arith.constant 0 : i32
        %dma_wait3A_476 = tpu.memref_slice %arg13[%dma_wait3A_474, %dma_wait3A_475] : memref<10240x128xf32, #tpu.memory_space<vmem_shared>> -> memref<10240x128xf32, #tpu.memory_space<vmem_shared>>
        tpu.wait_indirect_dma semaphore(%run_scoped3A_464 : memref<!tpu.dma_semaphore, #tpu.memory_space<semaphore_mem>>) src(%arg12 : memref<128x128xf32, #tpu.memory_space<vmem>>) dst(%dma_wait3A_476 : memref<10240x128xf32, #tpu.memory_space<vmem_shared>>)
        tpu.yield
      }) : () -> ()
      %dma_wait3A_315 = arith.constant 0 : i32
      %dma_wait3A_316 = arith.constant 0 : i32
      %dma_wait3A_317 = tpu.memref_slice %arg3[%dma_wait3A_315, %dma_wait3A_316] : memref<2560x128xi32, #tpu.memory_space<hbm>> -> memref<8x128xi32, #tpu.memory_space<hbm>>
      %dma_wait3A_318 = arith.constant 0 : i32
      %dma_wait3A_319 = arith.constant 0 : i32
      %dma_wait3A_320 = tpu.memref_slice %arg3[%dma_wait3A_318, %dma_wait3A_319] : memref<2560x128xi32, #tpu.memory_space<hbm>> -> memref<8x128xi32, #tpu.memory_space<hbm>>
      tpu.wait_dma2 semaphore(%arg15 : memref<!tpu.dma_semaphore, #tpu.memory_space<semaphore_mem>>) src(%dma_wait3A_320 : memref<8x128xi32, #tpu.memory_space<hbm>>) dst(%arg9 : memref<8x128xi32, #tpu.memory_space<vmem>>)
      %dma_wait3A_321 = arith.constant 0 : i32
      %dma_wait3A_322 = arith.constant 0 : i32
      %dma_wait3A_323 = tpu.memref_slice %arg4[%dma_wait3A_321, %dma_wait3A_322] : memref<2560x128xi32, #tpu.memory_space<hbm>> -> memref<8x128xi32, #tpu.memory_space<hbm>>
      %dma_wait3A_324 = arith.constant 0 : i32
      %dma_wait3A_325 = arith.constant 0 : i32
      %dma_wait3A_326 = tpu.memref_slice %arg4[%dma_wait3A_324, %dma_wait3A_325] : memref<2560x128xi32, #tpu.memory_space<hbm>> -> memref<8x128xi32, #tpu.memory_space<hbm>>
      tpu.wait_dma2 semaphore(%arg15 : memref<!tpu.dma_semaphore, #tpu.memory_space<semaphore_mem>>) src(%dma_wait3A_326 : memref<8x128xi32, #tpu.memory_space<hbm>>) dst(%arg10 : memref<8x128xi32, #tpu.memory_space<vmem>>)
      %add3A_327 = arith.constant 2 : i32
      %add3A_328 = arith.addi %mul3A_166, %add3A_327 : i32
      %mul3A_329 = arith.constant 10 : i32
      %mul3A_330 = arith.muli %add3A, %mul3A_329 : i32
      %min3A_331 = arith.constant 9 : i32
      %min3A_332 = arith.minsi %add3A_328, %min3A_331 : i32
      %add3A_333 = arith.addi %mul3A_330, %min3A_332 : i32
      %mul3A_334 = arith.constant 8 : i32
      %mul3A_335 = arith.muli %add3A_333, %mul3A_334 : i32
      %dma_start3A_336 = arith.constant 0 : i32
      %dma_start3A_337 = tpu.memref_slice %arg3[%mul3A_335, %dma_start3A_336] : memref<2560x128xi32, #tpu.memory_space<hbm>> -> memref<8x128xi32, #tpu.memory_space<hbm>>
      %dma_start3A_338 = arith.constant 0 : i32
      %dma_start3A_339 = tpu.memref_slice %arg3[%mul3A_335, %dma_start3A_338] : memref<2560x128xi32, #tpu.memory_space<hbm>> -> memref<8x128xi32, #tpu.memory_space<hbm>>
      tpu.enqueue_dma source(%dma_start3A_339 : memref<8x128xi32, #tpu.memory_space<hbm>>) target(%arg7 : memref<8x128xi32, #tpu.memory_space<vmem>>) target_semaphore(%arg14 : memref<!tpu.dma_semaphore, #tpu.memory_space<semaphore_mem>>)
      %dma_start3A_340 = arith.constant 0 : i32
      %dma_start3A_341 = tpu.memref_slice %arg4[%mul3A_335, %dma_start3A_340] : memref<2560x128xi32, #tpu.memory_space<hbm>> -> memref<8x128xi32, #tpu.memory_space<hbm>>
      %dma_start3A_342 = arith.constant 0 : i32
      %dma_start3A_343 = tpu.memref_slice %arg4[%mul3A_335, %dma_start3A_342] : memref<2560x128xi32, #tpu.memory_space<hbm>> -> memref<8x128xi32, #tpu.memory_space<hbm>>
      tpu.enqueue_dma source(%dma_start3A_343 : memref<8x128xi32, #tpu.memory_space<hbm>>) target(%arg8 : memref<8x128xi32, #tpu.memory_space<vmem>>) target_semaphore(%arg14 : memref<!tpu.dma_semaphore, #tpu.memory_space<semaphore_mem>>)
      %dma_start3A_344 = arith.constant 0 : i32
      %dma_start3A_345 = arith.constant 0 : i32
      %dma_start3A_346 = tpu.memref_slice %arg9[%dma_start3A_344, %dma_start3A_345] : memref<8x128xi32, #tpu.memory_space<vmem>> -> memref<1x128xi32, #tpu.memory_space<vmem>>
      %dma_start3A_347 = tpu.memref_squeeze %dma_start3A_346 : memref<1x128xi32, #tpu.memory_space<vmem>> -> memref<128xi32, #tpu.memory_space<vmem>>
      %dma_start3A_348 = arith.constant 0 : i32
      %dma_start3A_349 = arith.constant 0 : i32
      %dma_start3A_350 = tpu.memref_slice %arg2[%dma_start3A_348, %dma_start3A_349] : memref<10000x128xf32, #tpu.memory_space<hbm>> -> memref<10000x128xf32, #tpu.memory_space<hbm>>
      tpu.enqueue_indirect_dma source(%dma_start3A_350 : memref<10000x128xf32, #tpu.memory_space<hbm>>) target(%arg11 : memref<128x128xf32, #tpu.memory_space<vmem>>) offsets(%dma_start3A_347 : memref<128xi32, #tpu.memory_space<vmem>>) semaphore(%arg16 : memref<!tpu.dma_semaphore, #tpu.memory_space<semaphore_mem>>)
      %dma_start3A_351 = arith.constant 1 : i32
      %dma_start3A_352 = arith.constant 0 : i32
      %dma_start3A_353 = tpu.memref_slice %arg9[%dma_start3A_351, %dma_start3A_352] : memref<8x128xi32, #tpu.memory_space<vmem>> -> memref<1x128xi32, #tpu.memory_space<vmem>>
      %dma_start3A_354 = tpu.memref_squeeze %dma_start3A_353 : memref<1x128xi32, #tpu.memory_space<vmem>> -> memref<128xi32, #tpu.memory_space<vmem>>
      %dma_start3A_355 = arith.constant 0 : i32
      %dma_start3A_356 = arith.constant 0 : i32
      %dma_start3A_357 = tpu.memref_slice %arg2[%dma_start3A_355, %dma_start3A_356] : memref<10000x128xf32, #tpu.memory_space<hbm>> -> memref<10000x128xf32, #tpu.memory_space<hbm>>
      tpu.enqueue_indirect_dma source(%dma_start3A_357 : memref<10000x128xf32, #tpu.memory_space<hbm>>) target(%arg12 : memref<128x128xf32, #tpu.memory_space<vmem>>) offsets(%dma_start3A_354 : memref<128xi32, #tpu.memory_space<vmem>>) semaphore(%arg17 : memref<!tpu.dma_semaphore, #tpu.memory_space<semaphore_mem>>)
      %dma_wait3A_358 = arith.constant 0 : i32
      %dma_wait3A_359 = arith.constant 0 : i32
      %dma_wait3A_360 = tpu.memref_slice %arg9[%dma_wait3A_358, %dma_wait3A_359] : memref<8x128xi32, #tpu.memory_space<vmem>> -> memref<1x128xi32, #tpu.memory_space<vmem>>
      %dma_wait3A_361 = tpu.memref_squeeze %dma_wait3A_360 : memref<1x128xi32, #tpu.memory_space<vmem>> -> memref<128xi32, #tpu.memory_space<vmem>>
      %dma_wait3A_362 = arith.constant 0 : i32
      %dma_wait3A_363 = arith.constant 0 : i32
      %dma_wait3A_364 = tpu.memref_slice %arg2[%dma_wait3A_362, %dma_wait3A_363] : memref<10000x128xf32, #tpu.memory_space<hbm>> -> memref<10000x128xf32, #tpu.memory_space<hbm>>
      tpu.wait_indirect_dma semaphore(%arg16 : memref<!tpu.dma_semaphore, #tpu.memory_space<semaphore_mem>>) src(%dma_wait3A_364 : memref<10000x128xf32, #tpu.memory_space<hbm>>) dst(%arg11 : memref<128x128xf32, #tpu.memory_space<vmem>>)
      %run_scoped3A_365 = arith.constant 0 : i32
      "tpu.region"() ({
        %run_scoped3A_464 = tpu.sem_alloc : memref<!tpu.dma_semaphore, #tpu.memory_space<semaphore_mem>>
        %dma_start3A_465 = arith.constant 0 : i32
        %dma_start3A_466 = tpu.memref_slice %arg10[%run_scoped3A_365, %dma_start3A_465] : memref<8x128xi32, #tpu.memory_space<vmem>> -> memref<1x128xi32, #tpu.memory_space<vmem>>
        %dma_start3A_467 = tpu.memref_squeeze %dma_start3A_466 : memref<1x128xi32, #tpu.memory_space<vmem>> -> memref<128xi32, #tpu.memory_space<vmem>>
        %dma_start3A_468 = arith.constant 0 : i32
        %dma_start3A_469 = arith.constant 0 : i32
        %dma_start3A_470 = tpu.memref_slice %arg13[%dma_start3A_468, %dma_start3A_469] : memref<10240x128xf32, #tpu.memory_space<vmem_shared>> -> memref<10240x128xf32, #tpu.memory_space<vmem_shared>>
        tpu.enqueue_indirect_dma source(%arg11 : memref<128x128xf32, #tpu.memory_space<vmem>>) target(%dma_start3A_470 : memref<10240x128xf32, #tpu.memory_space<vmem_shared>>) offsets(%dma_start3A_467 : memref<128xi32, #tpu.memory_space<vmem>>) semaphore(%run_scoped3A_464 : memref<!tpu.dma_semaphore, #tpu.memory_space<semaphore_mem>>) {add = true}
        %dma_wait3A_471 = arith.constant 0 : i32
        %dma_wait3A_472 = tpu.memref_slice %arg10[%run_scoped3A_365, %dma_wait3A_471] : memref<8x128xi32, #tpu.memory_space<vmem>> -> memref<1x128xi32, #tpu.memory_space<vmem>>
        %dma_wait3A_473 = tpu.memref_squeeze %dma_wait3A_472 : memref<1x128xi32, #tpu.memory_space<vmem>> -> memref<128xi32, #tpu.memory_space<vmem>>
        %dma_wait3A_474 = arith.constant 0 : i32
        %dma_wait3A_475 = arith.constant 0 : i32
        %dma_wait3A_476 = tpu.memref_slice %arg13[%dma_wait3A_474, %dma_wait3A_475] : memref<10240x128xf32, #tpu.memory_space<vmem_shared>> -> memref<10240x128xf32, #tpu.memory_space<vmem_shared>>
        tpu.wait_indirect_dma semaphore(%run_scoped3A_464 : memref<!tpu.dma_semaphore, #tpu.memory_space<semaphore_mem>>) src(%arg11 : memref<128x128xf32, #tpu.memory_space<vmem>>) dst(%dma_wait3A_476 : memref<10240x128xf32, #tpu.memory_space<vmem_shared>>)
        tpu.yield
      }) : () -> ()
      %dma_start3A_366 = arith.constant 2 : i32
      %dma_start3A_367 = arith.constant 0 : i32
      %dma_start3A_368 = tpu.memref_slice %arg9[%dma_start3A_366, %dma_start3A_367] : memref<8x128xi32, #tpu.memory_space<vmem>> -> memref<1x128xi32, #tpu.memory_space<vmem>>
      %dma_start3A_369 = tpu.memref_squeeze %dma_start3A_368 : memref<1x128xi32, #tpu.memory_space<vmem>> -> memref<128xi32, #tpu.memory_space<vmem>>
      %dma_start3A_370 = arith.constant 0 : i32
      %dma_start3A_371 = arith.constant 0 : i32
      %dma_start3A_372 = tpu.memref_slice %arg2[%dma_start3A_370, %dma_start3A_371] : memref<10000x128xf32, #tpu.memory_space<hbm>> -> memref<10000x128xf32, #tpu.memory_space<hbm>>
      tpu.enqueue_indirect_dma source(%dma_start3A_372 : memref<10000x128xf32, #tpu.memory_space<hbm>>) target(%arg11 : memref<128x128xf32, #tpu.memory_space<vmem>>) offsets(%dma_start3A_369 : memref<128xi32, #tpu.memory_space<vmem>>) semaphore(%arg16 : memref<!tpu.dma_semaphore, #tpu.memory_space<semaphore_mem>>)
      %dma_wait3A_373 = arith.constant 1 : i32
      %dma_wait3A_374 = arith.constant 0 : i32
      %dma_wait3A_375 = tpu.memref_slice %arg9[%dma_wait3A_373, %dma_wait3A_374] : memref<8x128xi32, #tpu.memory_space<vmem>> -> memref<1x128xi32, #tpu.memory_space<vmem>>
      %dma_wait3A_376 = tpu.memref_squeeze %dma_wait3A_375 : memref<1x128xi32, #tpu.memory_space<vmem>> -> memref<128xi32, #tpu.memory_space<vmem>>
      %dma_wait3A_377 = arith.constant 0 : i32
      %dma_wait3A_378 = arith.constant 0 : i32
      %dma_wait3A_379 = tpu.memref_slice %arg2[%dma_wait3A_377, %dma_wait3A_378] : memref<10000x128xf32, #tpu.memory_space<hbm>> -> memref<10000x128xf32, #tpu.memory_space<hbm>>
      tpu.wait_indirect_dma semaphore(%arg17 : memref<!tpu.dma_semaphore, #tpu.memory_space<semaphore_mem>>) src(%dma_wait3A_379 : memref<10000x128xf32, #tpu.memory_space<hbm>>) dst(%arg12 : memref<128x128xf32, #tpu.memory_space<vmem>>)
      %run_scoped3A_380 = arith.constant 1 : i32
      "tpu.region"() ({
        %run_scoped3A_464 = tpu.sem_alloc : memref<!tpu.dma_semaphore, #tpu.memory_space<semaphore_mem>>
        %dma_start3A_465 = arith.constant 0 : i32
        %dma_start3A_466 = tpu.memref_slice %arg10[%run_scoped3A_380, %dma_start3A_465] : memref<8x128xi32, #tpu.memory_space<vmem>> -> memref<1x128xi32, #tpu.memory_space<vmem>>
        %dma_start3A_467 = tpu.memref_squeeze %dma_start3A_466 : memref<1x128xi32, #tpu.memory_space<vmem>> -> memref<128xi32, #tpu.memory_space<vmem>>
        %dma_start3A_468 = arith.constant 0 : i32
        %dma_start3A_469 = arith.constant 0 : i32
        %dma_start3A_470 = tpu.memref_slice %arg13[%dma_start3A_468, %dma_start3A_469] : memref<10240x128xf32, #tpu.memory_space<vmem_shared>> -> memref<10240x128xf32, #tpu.memory_space<vmem_shared>>
        tpu.enqueue_indirect_dma source(%arg12 : memref<128x128xf32, #tpu.memory_space<vmem>>) target(%dma_start3A_470 : memref<10240x128xf32, #tpu.memory_space<vmem_shared>>) offsets(%dma_start3A_467 : memref<128xi32, #tpu.memory_space<vmem>>) semaphore(%run_scoped3A_464 : memref<!tpu.dma_semaphore, #tpu.memory_space<semaphore_mem>>) {add = true}
        %dma_wait3A_471 = arith.constant 0 : i32
        %dma_wait3A_472 = tpu.memref_slice %arg10[%run_scoped3A_380, %dma_wait3A_471] : memref<8x128xi32, #tpu.memory_space<vmem>> -> memref<1x128xi32, #tpu.memory_space<vmem>>
        %dma_wait3A_473 = tpu.memref_squeeze %dma_wait3A_472 : memref<1x128xi32, #tpu.memory_space<vmem>> -> memref<128xi32, #tpu.memory_space<vmem>>
        %dma_wait3A_474 = arith.constant 0 : i32
        %dma_wait3A_475 = arith.constant 0 : i32
        %dma_wait3A_476 = tpu.memref_slice %arg13[%dma_wait3A_474, %dma_wait3A_475] : memref<10240x128xf32, #tpu.memory_space<vmem_shared>> -> memref<10240x128xf32, #tpu.memory_space<vmem_shared>>
        tpu.wait_indirect_dma semaphore(%run_scoped3A_464 : memref<!tpu.dma_semaphore, #tpu.memory_space<semaphore_mem>>) src(%arg12 : memref<128x128xf32, #tpu.memory_space<vmem>>) dst(%dma_wait3A_476 : memref<10240x128xf32, #tpu.memory_space<vmem_shared>>)
        tpu.yield
      }) : () -> ()
      %dma_start3A_381 = arith.constant 3 : i32
      %dma_start3A_382 = arith.constant 0 : i32
      %dma_start3A_383 = tpu.memref_slice %arg9[%dma_start3A_381, %dma_start3A_382] : memref<8x128xi32, #tpu.memory_space<vmem>> -> memref<1x128xi32, #tpu.memory_space<vmem>>
      %dma_start3A_384 = tpu.memref_squeeze %dma_start3A_383 : memref<1x128xi32, #tpu.memory_space<vmem>> -> memref<128xi32, #tpu.memory_space<vmem>>
      %dma_start3A_385 = arith.constant 0 : i32
      %dma_start3A_386 = arith.constant 0 : i32
      %dma_start3A_387 = tpu.memref_slice %arg2[%dma_start3A_385, %dma_start3A_386] : memref<10000x128xf32, #tpu.memory_space<hbm>> -> memref<10000x128xf32, #tpu.memory_space<hbm>>
      tpu.enqueue_indirect_dma source(%dma_start3A_387 : memref<10000x128xf32, #tpu.memory_space<hbm>>) target(%arg12 : memref<128x128xf32, #tpu.memory_space<vmem>>) offsets(%dma_start3A_384 : memref<128xi32, #tpu.memory_space<vmem>>) semaphore(%arg17 : memref<!tpu.dma_semaphore, #tpu.memory_space<semaphore_mem>>)
      %dma_wait3A_388 = arith.constant 2 : i32
      %dma_wait3A_389 = arith.constant 0 : i32
      %dma_wait3A_390 = tpu.memref_slice %arg9[%dma_wait3A_388, %dma_wait3A_389] : memref<8x128xi32, #tpu.memory_space<vmem>> -> memref<1x128xi32, #tpu.memory_space<vmem>>
      %dma_wait3A_391 = tpu.memref_squeeze %dma_wait3A_390 : memref<1x128xi32, #tpu.memory_space<vmem>> -> memref<128xi32, #tpu.memory_space<vmem>>
      %dma_wait3A_392 = arith.constant 0 : i32
      %dma_wait3A_393 = arith.constant 0 : i32
      %dma_wait3A_394 = tpu.memref_slice %arg2[%dma_wait3A_392, %dma_wait3A_393] : memref<10000x128xf32, #tpu.memory_space<hbm>> -> memref<10000x128xf32, #tpu.memory_space<hbm>>
      tpu.wait_indirect_dma semaphore(%arg16 : memref<!tpu.dma_semaphore, #tpu.memory_space<semaphore_mem>>) src(%dma_wait3A_394 : memref<10000x128xf32, #tpu.memory_space<hbm>>) dst(%arg11 : memref<128x128xf32, #tpu.memory_space<vmem>>)
      %run_scoped3A_395 = arith.constant 2 : i32
      "tpu.region"() ({
        %run_scoped3A_464 = tpu.sem_alloc : memref<!tpu.dma_semaphore, #tpu.memory_space<semaphore_mem>>
        %dma_start3A_465 = arith.constant 0 : i32
        %dma_start3A_466 = tpu.memref_slice %arg10[%run_scoped3A_395, %dma_start3A_465] : memref<8x128xi32, #tpu.memory_space<vmem>> -> memref<1x128xi32, #tpu.memory_space<vmem>>
        %dma_start3A_467 = tpu.memref_squeeze %dma_start3A_466 : memref<1x128xi32, #tpu.memory_space<vmem>> -> memref<128xi32, #tpu.memory_space<vmem>>
        %dma_start3A_468 = arith.constant 0 : i32
        %dma_start3A_469 = arith.constant 0 : i32
        %dma_start3A_470 = tpu.memref_slice %arg13[%dma_start3A_468, %dma_start3A_469] : memref<10240x128xf32, #tpu.memory_space<vmem_shared>> -> memref<10240x128xf32, #tpu.memory_space<vmem_shared>>
        tpu.enqueue_indirect_dma source(%arg11 : memref<128x128xf32, #tpu.memory_space<vmem>>) target(%dma_start3A_470 : memref<10240x128xf32, #tpu.memory_space<vmem_shared>>) offsets(%dma_start3A_467 : memref<128xi32, #tpu.memory_space<vmem>>) semaphore(%run_scoped3A_464 : memref<!tpu.dma_semaphore, #tpu.memory_space<semaphore_mem>>) {add = true}
        %dma_wait3A_471 = arith.constant 0 : i32
        %dma_wait3A_472 = tpu.memref_slice %arg10[%run_scoped3A_395, %dma_wait3A_471] : memref<8x128xi32, #tpu.memory_space<vmem>> -> memref<1x128xi32, #tpu.memory_space<vmem>>
        %dma_wait3A_473 = tpu.memref_squeeze %dma_wait3A_472 : memref<1x128xi32, #tpu.memory_space<vmem>> -> memref<128xi32, #tpu.memory_space<vmem>>
        %dma_wait3A_474 = arith.constant 0 : i32
        %dma_wait3A_475 = arith.constant 0 : i32
        %dma_wait3A_476 = tpu.memref_slice %arg13[%dma_wait3A_474, %dma_wait3A_475] : memref<10240x128xf32, #tpu.memory_space<vmem_shared>> -> memref<10240x128xf32, #tpu.memory_space<vmem_shared>>
        tpu.wait_indirect_dma semaphore(%run_scoped3A_464 : memref<!tpu.dma_semaphore, #tpu.memory_space<semaphore_mem>>) src(%arg11 : memref<128x128xf32, #tpu.memory_space<vmem>>) dst(%dma_wait3A_476 : memref<10240x128xf32, #tpu.memory_space<vmem_shared>>)
        tpu.yield
      }) : () -> ()
      %dma_start3A_396 = arith.constant 4 : i32
      %dma_start3A_397 = arith.constant 0 : i32
      %dma_start3A_398 = tpu.memref_slice %arg9[%dma_start3A_396, %dma_start3A_397] : memref<8x128xi32, #tpu.memory_space<vmem>> -> memref<1x128xi32, #tpu.memory_space<vmem>>
      %dma_start3A_399 = tpu.memref_squeeze %dma_start3A_398 : memref<1x128xi32, #tpu.memory_space<vmem>> -> memref<128xi32, #tpu.memory_space<vmem>>
      %dma_start3A_400 = arith.constant 0 : i32
      %dma_start3A_401 = arith.constant 0 : i32
      %dma_start3A_402 = tpu.memref_slice %arg2[%dma_start3A_400, %dma_start3A_401] : memref<10000x128xf32, #tpu.memory_space<hbm>> -> memref<10000x128xf32, #tpu.memory_space<hbm>>
      tpu.enqueue_indirect_dma source(%dma_start3A_402 : memref<10000x128xf32, #tpu.memory_space<hbm>>) target(%arg11 : memref<128x128xf32, #tpu.memory_space<vmem>>) offsets(%dma_start3A_399 : memref<128xi32, #tpu.memory_space<vmem>>) semaphore(%arg16 : memref<!tpu.dma_semaphore, #tpu.memory_space<semaphore_mem>>)
      %dma_wait3A_403 = arith.constant 3 : i32
      %dma_wait3A_404 = arith.constant 0 : i32
      %dma_wait3A_405 = tpu.memref_slice %arg9[%dma_wait3A_403, %dma_wait3A_404] : memref<8x128xi32, #tpu.memory_space<vmem>> -> memref<1x128xi32, #tpu.memory_space<vmem>>
      %dma_wait3A_406 = tpu.memref_squeeze %dma_wait3A_405 : memref<1x128xi32, #tpu.memory_space<vmem>> -> memref<128xi32, #tpu.memory_space<vmem>>
      %dma_wait3A_407 = arith.constant 0 : i32
      %dma_wait3A_408 = arith.constant 0 : i32
      %dma_wait3A_409 = tpu.memref_slice %arg2[%dma_wait3A_407, %dma_wait3A_408] : memref<10000x128xf32, #tpu.memory_space<hbm>> -> memref<10000x128xf32, #tpu.memory_space<hbm>>
      tpu.wait_indirect_dma semaphore(%arg17 : memref<!tpu.dma_semaphore, #tpu.memory_space<semaphore_mem>>) src(%dma_wait3A_409 : memref<10000x128xf32, #tpu.memory_space<hbm>>) dst(%arg12 : memref<128x128xf32, #tpu.memory_space<vmem>>)
      %run_scoped3A_410 = arith.constant 3 : i32
      "tpu.region"() ({
        %run_scoped3A_464 = tpu.sem_alloc : memref<!tpu.dma_semaphore, #tpu.memory_space<semaphore_mem>>
        %dma_start3A_465 = arith.constant 0 : i32
        %dma_start3A_466 = tpu.memref_slice %arg10[%run_scoped3A_410, %dma_start3A_465] : memref<8x128xi32, #tpu.memory_space<vmem>> -> memref<1x128xi32, #tpu.memory_space<vmem>>
        %dma_start3A_467 = tpu.memref_squeeze %dma_start3A_466 : memref<1x128xi32, #tpu.memory_space<vmem>> -> memref<128xi32, #tpu.memory_space<vmem>>
        %dma_start3A_468 = arith.constant 0 : i32
        %dma_start3A_469 = arith.constant 0 : i32
        %dma_start3A_470 = tpu.memref_slice %arg13[%dma_start3A_468, %dma_start3A_469] : memref<10240x128xf32, #tpu.memory_space<vmem_shared>> -> memref<10240x128xf32, #tpu.memory_space<vmem_shared>>
        tpu.enqueue_indirect_dma source(%arg12 : memref<128x128xf32, #tpu.memory_space<vmem>>) target(%dma_start3A_470 : memref<10240x128xf32, #tpu.memory_space<vmem_shared>>) offsets(%dma_start3A_467 : memref<128xi32, #tpu.memory_space<vmem>>) semaphore(%run_scoped3A_464 : memref<!tpu.dma_semaphore, #tpu.memory_space<semaphore_mem>>) {add = true}
        %dma_wait3A_471 = arith.constant 0 : i32
        %dma_wait3A_472 = tpu.memref_slice %arg10[%run_scoped3A_410, %dma_wait3A_471] : memref<8x128xi32, #tpu.memory_space<vmem>> -> memref<1x128xi32, #tpu.memory_space<vmem>>
        %dma_wait3A_473 = tpu.memref_squeeze %dma_wait3A_472 : memref<1x128xi32, #tpu.memory_space<vmem>> -> memref<128xi32, #tpu.memory_space<vmem>>
        %dma_wait3A_474 = arith.constant 0 : i32
        %dma_wait3A_475 = arith.constant 0 : i32
        %dma_wait3A_476 = tpu.memref_slice %arg13[%dma_wait3A_474, %dma_wait3A_475] : memref<10240x128xf32, #tpu.memory_space<vmem_shared>> -> memref<10240x128xf32, #tpu.memory_space<vmem_shared>>
        tpu.wait_indirect_dma semaphore(%run_scoped3A_464 : memref<!tpu.dma_semaphore, #tpu.memory_space<semaphore_mem>>) src(%arg12 : memref<128x128xf32, #tpu.memory_space<vmem>>) dst(%dma_wait3A_476 : memref<10240x128xf32, #tpu.memory_space<vmem_shared>>)
        tpu.yield
      }) : () -> ()
      %dma_start3A_411 = arith.constant 5 : i32
      %dma_start3A_412 = arith.constant 0 : i32
      %dma_start3A_413 = tpu.memref_slice %arg9[%dma_start3A_411, %dma_start3A_412] : memref<8x128xi32, #tpu.memory_space<vmem>> -> memref<1x128xi32, #tpu.memory_space<vmem>>
      %dma_start3A_414 = tpu.memref_squeeze %dma_start3A_413 : memref<1x128xi32, #tpu.memory_space<vmem>> -> memref<128xi32, #tpu.memory_space<vmem>>
      %dma_start3A_415 = arith.constant 0 : i32
      %dma_start3A_416 = arith.constant 0 : i32
      %dma_start3A_417 = tpu.memref_slice %arg2[%dma_start3A_415, %dma_start3A_416] : memref<10000x128xf32, #tpu.memory_space<hbm>> -> memref<10000x128xf32, #tpu.memory_space<hbm>>
      tpu.enqueue_indirect_dma source(%dma_start3A_417 : memref<10000x128xf32, #tpu.memory_space<hbm>>) target(%arg12 : memref<128x128xf32, #tpu.memory_space<vmem>>) offsets(%dma_start3A_414 : memref<128xi32, #tpu.memory_space<vmem>>) semaphore(%arg17 : memref<!tpu.dma_semaphore, #tpu.memory_space<semaphore_mem>>)
      %dma_wait3A_418 = arith.constant 4 : i32
      %dma_wait3A_419 = arith.constant 0 : i32
      %dma_wait3A_420 = tpu.memref_slice %arg9[%dma_wait3A_418, %dma_wait3A_419] : memref<8x128xi32, #tpu.memory_space<vmem>> -> memref<1x128xi32, #tpu.memory_space<vmem>>
      %dma_wait3A_421 = tpu.memref_squeeze %dma_wait3A_420 : memref<1x128xi32, #tpu.memory_space<vmem>> -> memref<128xi32, #tpu.memory_space<vmem>>
      %dma_wait3A_422 = arith.constant 0 : i32
      %dma_wait3A_423 = arith.constant 0 : i32
      %dma_wait3A_424 = tpu.memref_slice %arg2[%dma_wait3A_422, %dma_wait3A_423] : memref<10000x128xf32, #tpu.memory_space<hbm>> -> memref<10000x128xf32, #tpu.memory_space<hbm>>
      tpu.wait_indirect_dma semaphore(%arg16 : memref<!tpu.dma_semaphore, #tpu.memory_space<semaphore_mem>>) src(%dma_wait3A_424 : memref<10000x128xf32, #tpu.memory_space<hbm>>) dst(%arg11 : memref<128x128xf32, #tpu.memory_space<vmem>>)
      %run_scoped3A_425 = arith.constant 4 : i32
      "tpu.region"() ({
        %run_scoped3A_464 = tpu.sem_alloc : memref<!tpu.dma_semaphore, #tpu.memory_space<semaphore_mem>>
        %dma_start3A_465 = arith.constant 0 : i32
        %dma_start3A_466 = tpu.memref_slice %arg10[%run_scoped3A_425, %dma_start3A_465] : memref<8x128xi32, #tpu.memory_space<vmem>> -> memref<1x128xi32, #tpu.memory_space<vmem>>
        %dma_start3A_467 = tpu.memref_squeeze %dma_start3A_466 : memref<1x128xi32, #tpu.memory_space<vmem>> -> memref<128xi32, #tpu.memory_space<vmem>>
        %dma_start3A_468 = arith.constant 0 : i32
        %dma_start3A_469 = arith.constant 0 : i32
        %dma_start3A_470 = tpu.memref_slice %arg13[%dma_start3A_468, %dma_start3A_469] : memref<10240x128xf32, #tpu.memory_space<vmem_shared>> -> memref<10240x128xf32, #tpu.memory_space<vmem_shared>>
        tpu.enqueue_indirect_dma source(%arg11 : memref<128x128xf32, #tpu.memory_space<vmem>>) target(%dma_start3A_470 : memref<10240x128xf32, #tpu.memory_space<vmem_shared>>) offsets(%dma_start3A_467 : memref<128xi32, #tpu.memory_space<vmem>>) semaphore(%run_scoped3A_464 : memref<!tpu.dma_semaphore, #tpu.memory_space<semaphore_mem>>) {add = true}
        %dma_wait3A_471 = arith.constant 0 : i32
        %dma_wait3A_472 = tpu.memref_slice %arg10[%run_scoped3A_425, %dma_wait3A_471] : memref<8x128xi32, #tpu.memory_space<vmem>> -> memref<1x128xi32, #tpu.memory_space<vmem>>
        %dma_wait3A_473 = tpu.memref_squeeze %dma_wait3A_472 : memref<1x128xi32, #tpu.memory_space<vmem>> -> memref<128xi32, #tpu.memory_space<vmem>>
        %dma_wait3A_474 = arith.constant 0 : i32
        %dma_wait3A_475 = arith.constant 0 : i32
        %dma_wait3A_476 = tpu.memref_slice %arg13[%dma_wait3A_474, %dma_wait3A_475] : memref<10240x128xf32, #tpu.memory_space<vmem_shared>> -> memref<10240x128xf32, #tpu.memory_space<vmem_shared>>
        tpu.wait_indirect_dma semaphore(%run_scoped3A_464 : memref<!tpu.dma_semaphore, #tpu.memory_space<semaphore_mem>>) src(%arg11 : memref<128x128xf32, #tpu.memory_space<vmem>>) dst(%dma_wait3A_476 : memref<10240x128xf32, #tpu.memory_space<vmem_shared>>)
        tpu.yield
      }) : () -> ()
      %dma_start3A_426 = arith.constant 6 : i32
      %dma_start3A_427 = arith.constant 0 : i32
      %dma_start3A_428 = tpu.memref_slice %arg9[%dma_start3A_426, %dma_start3A_427] : memref<8x128xi32, #tpu.memory_space<vmem>> -> memref<1x128xi32, #tpu.memory_space<vmem>>
      %dma_start3A_429 = tpu.memref_squeeze %dma_start3A_428 : memref<1x128xi32, #tpu.memory_space<vmem>> -> memref<128xi32, #tpu.memory_space<vmem>>
      %dma_start3A_430 = arith.constant 0 : i32
      %dma_start3A_431 = arith.constant 0 : i32
      %dma_start3A_432 = tpu.memref_slice %arg2[%dma_start3A_430, %dma_start3A_431] : memref<10000x128xf32, #tpu.memory_space<hbm>> -> memref<10000x128xf32, #tpu.memory_space<hbm>>
      tpu.enqueue_indirect_dma source(%dma_start3A_432 : memref<10000x128xf32, #tpu.memory_space<hbm>>) target(%arg11 : memref<128x128xf32, #tpu.memory_space<vmem>>) offsets(%dma_start3A_429 : memref<128xi32, #tpu.memory_space<vmem>>) semaphore(%arg16 : memref<!tpu.dma_semaphore, #tpu.memory_space<semaphore_mem>>)
      %dma_wait3A_433 = arith.constant 5 : i32
      %dma_wait3A_434 = arith.constant 0 : i32
      %dma_wait3A_435 = tpu.memref_slice %arg9[%dma_wait3A_433, %dma_wait3A_434] : memref<8x128xi32, #tpu.memory_space<vmem>> -> memref<1x128xi32, #tpu.memory_space<vmem>>
      %dma_wait3A_436 = tpu.memref_squeeze %dma_wait3A_435 : memref<1x128xi32, #tpu.memory_space<vmem>> -> memref<128xi32, #tpu.memory_space<vmem>>
      %dma_wait3A_437 = arith.constant 0 : i32
      %dma_wait3A_438 = arith.constant 0 : i32
      %dma_wait3A_439 = tpu.memref_slice %arg2[%dma_wait3A_437, %dma_wait3A_438] : memref<10000x128xf32, #tpu.memory_space<hbm>> -> memref<10000x128xf32, #tpu.memory_space<hbm>>
      tpu.wait_indirect_dma semaphore(%arg17 : memref<!tpu.dma_semaphore, #tpu.memory_space<semaphore_mem>>) src(%dma_wait3A_439 : memref<10000x128xf32, #tpu.memory_space<hbm>>) dst(%arg12 : memref<128x128xf32, #tpu.memory_space<vmem>>)
      %run_scoped3A_440 = arith.constant 5 : i32
      "tpu.region"() ({
        %run_scoped3A_464 = tpu.sem_alloc : memref<!tpu.dma_semaphore, #tpu.memory_space<semaphore_mem>>
        %dma_start3A_465 = arith.constant 0 : i32
        %dma_start3A_466 = tpu.memref_slice %arg10[%run_scoped3A_440, %dma_start3A_465] : memref<8x128xi32, #tpu.memory_space<vmem>> -> memref<1x128xi32, #tpu.memory_space<vmem>>
        %dma_start3A_467 = tpu.memref_squeeze %dma_start3A_466 : memref<1x128xi32, #tpu.memory_space<vmem>> -> memref<128xi32, #tpu.memory_space<vmem>>
        %dma_start3A_468 = arith.constant 0 : i32
        %dma_start3A_469 = arith.constant 0 : i32
        %dma_start3A_470 = tpu.memref_slice %arg13[%dma_start3A_468, %dma_start3A_469] : memref<10240x128xf32, #tpu.memory_space<vmem_shared>> -> memref<10240x128xf32, #tpu.memory_space<vmem_shared>>
        tpu.enqueue_indirect_dma source(%arg12 : memref<128x128xf32, #tpu.memory_space<vmem>>) target(%dma_start3A_470 : memref<10240x128xf32, #tpu.memory_space<vmem_shared>>) offsets(%dma_start3A_467 : memref<128xi32, #tpu.memory_space<vmem>>) semaphore(%run_scoped3A_464 : memref<!tpu.dma_semaphore, #tpu.memory_space<semaphore_mem>>) {add = true}
        %dma_wait3A_471 = arith.constant 0 : i32
        %dma_wait3A_472 = tpu.memref_slice %arg10[%run_scoped3A_440, %dma_wait3A_471] : memref<8x128xi32, #tpu.memory_space<vmem>> -> memref<1x128xi32, #tpu.memory_space<vmem>>
        %dma_wait3A_473 = tpu.memref_squeeze %dma_wait3A_472 : memref<1x128xi32, #tpu.memory_space<vmem>> -> memref<128xi32, #tpu.memory_space<vmem>>
        %dma_wait3A_474 = arith.constant 0 : i32
        %dma_wait3A_475 = arith.constant 0 : i32
        %dma_wait3A_476 = tpu.memref_slice %arg13[%dma_wait3A_474, %dma_wait3A_475] : memref<10240x128xf32, #tpu.memory_space<vmem_shared>> -> memref<10240x128xf32, #tpu.memory_space<vmem_shared>>
        tpu.wait_indirect_dma semaphore(%run_scoped3A_464 : memref<!tpu.dma_semaphore, #tpu.memory_space<semaphore_mem>>) src(%arg12 : memref<128x128xf32, #tpu.memory_space<vmem>>) dst(%dma_wait3A_476 : memref<10240x128xf32, #tpu.memory_space<vmem_shared>>)
        tpu.yield
      }) : () -> ()
      %dma_start3A_441 = arith.constant 7 : i32
      %dma_start3A_442 = arith.constant 0 : i32
      %dma_start3A_443 = tpu.memref_slice %arg9[%dma_start3A_441, %dma_start3A_442] : memref<8x128xi32, #tpu.memory_space<vmem>> -> memref<1x128xi32, #tpu.memory_space<vmem>>
      %dma_start3A_444 = tpu.memref_squeeze %dma_start3A_443 : memref<1x128xi32, #tpu.memory_space<vmem>> -> memref<128xi32, #tpu.memory_space<vmem>>
      %dma_start3A_445 = arith.constant 0 : i32
      %dma_start3A_446 = arith.constant 0 : i32
      %dma_start3A_447 = tpu.memref_slice %arg2[%dma_start3A_445, %dma_start3A_446] : memref<10000x128xf32, #tpu.memory_space<hbm>> -> memref<10000x128xf32, #tpu.memory_space<hbm>>
      tpu.enqueue_indirect_dma source(%dma_start3A_447 : memref<10000x128xf32, #tpu.memory_space<hbm>>) target(%arg12 : memref<128x128xf32, #tpu.memory_space<vmem>>) offsets(%dma_start3A_444 : memref<128xi32, #tpu.memory_space<vmem>>) semaphore(%arg17 : memref<!tpu.dma_semaphore, #tpu.memory_space<semaphore_mem>>)
      %dma_wait3A_448 = arith.constant 6 : i32
      %dma_wait3A_449 = arith.constant 0 : i32
      %dma_wait3A_450 = tpu.memref_slice %arg9[%dma_wait3A_448, %dma_wait3A_449] : memref<8x128xi32, #tpu.memory_space<vmem>> -> memref<1x128xi32, #tpu.memory_space<vmem>>
      %dma_wait3A_451 = tpu.memref_squeeze %dma_wait3A_450 : memref<1x128xi32, #tpu.memory_space<vmem>> -> memref<128xi32, #tpu.memory_space<vmem>>
      %dma_wait3A_452 = arith.constant 0 : i32
      %dma_wait3A_453 = arith.constant 0 : i32
      %dma_wait3A_454 = tpu.memref_slice %arg2[%dma_wait3A_452, %dma_wait3A_453] : memref<10000x128xf32, #tpu.memory_space<hbm>> -> memref<10000x128xf32, #tpu.memory_space<hbm>>
      tpu.wait_indirect_dma semaphore(%arg16 : memref<!tpu.dma_semaphore, #tpu.memory_space<semaphore_mem>>) src(%dma_wait3A_454 : memref<10000x128xf32, #tpu.memory_space<hbm>>) dst(%arg11 : memref<128x128xf32, #tpu.memory_space<vmem>>)
      %run_scoped3A_455 = arith.constant 6 : i32
      "tpu.region"() ({
        %run_scoped3A_464 = tpu.sem_alloc : memref<!tpu.dma_semaphore, #tpu.memory_space<semaphore_mem>>
        %dma_start3A_465 = arith.constant 0 : i32
        %dma_start3A_466 = tpu.memref_slice %arg10[%run_scoped3A_455, %dma_start3A_465] : memref<8x128xi32, #tpu.memory_space<vmem>> -> memref<1x128xi32, #tpu.memory_space<vmem>>
        %dma_start3A_467 = tpu.memref_squeeze %dma_start3A_466 : memref<1x128xi32, #tpu.memory_space<vmem>> -> memref<128xi32, #tpu.memory_space<vmem>>
        %dma_start3A_468 = arith.constant 0 : i32
        %dma_start3A_469 = arith.constant 0 : i32
        %dma_start3A_470 = tpu.memref_slice %arg13[%dma_start3A_468, %dma_start3A_469] : memref<10240x128xf32, #tpu.memory_space<vmem_shared>> -> memref<10240x128xf32, #tpu.memory_space<vmem_shared>>
        tpu.enqueue_indirect_dma source(%arg11 : memref<128x128xf32, #tpu.memory_space<vmem>>) target(%dma_start3A_470 : memref<10240x128xf32, #tpu.memory_space<vmem_shared>>) offsets(%dma_start3A_467 : memref<128xi32, #tpu.memory_space<vmem>>) semaphore(%run_scoped3A_464 : memref<!tpu.dma_semaphore, #tpu.memory_space<semaphore_mem>>) {add = true}
        %dma_wait3A_471 = arith.constant 0 : i32
        %dma_wait3A_472 = tpu.memref_slice %arg10[%run_scoped3A_455, %dma_wait3A_471] : memref<8x128xi32, #tpu.memory_space<vmem>> -> memref<1x128xi32, #tpu.memory_space<vmem>>
        %dma_wait3A_473 = tpu.memref_squeeze %dma_wait3A_472 : memref<1x128xi32, #tpu.memory_space<vmem>> -> memref<128xi32, #tpu.memory_space<vmem>>
        %dma_wait3A_474 = arith.constant 0 : i32
        %dma_wait3A_475 = arith.constant 0 : i32
        %dma_wait3A_476 = tpu.memref_slice %arg13[%dma_wait3A_474, %dma_wait3A_475] : memref<10240x128xf32, #tpu.memory_space<vmem_shared>> -> memref<10240x128xf32, #tpu.memory_space<vmem_shared>>
        tpu.wait_indirect_dma semaphore(%run_scoped3A_464 : memref<!tpu.dma_semaphore, #tpu.memory_space<semaphore_mem>>) src(%arg11 : memref<128x128xf32, #tpu.memory_space<vmem>>) dst(%dma_wait3A_476 : memref<10240x128xf32, #tpu.memory_space<vmem_shared>>)
        tpu.yield
      }) : () -> ()
      %dma_wait3A_456 = arith.constant 7 : i32
      %dma_wait3A_457 = arith.constant 0 : i32
      %dma_wait3A_458 = tpu.memref_slice %arg9[%dma_wait3A_456, %dma_wait3A_457] : memref<8x128xi32, #tpu.memory_space<vmem>> -> memref<1x128xi32, #tpu.memory_space<vmem>>
      %dma_wait3A_459 = tpu.memref_squeeze %dma_wait3A_458 : memref<1x128xi32, #tpu.memory_space<vmem>> -> memref<128xi32, #tpu.memory_space<vmem>>
      %dma_wait3A_460 = arith.constant 0 : i32
      %dma_wait3A_461 = arith.constant 0 : i32
      %dma_wait3A_462 = tpu.memref_slice %arg2[%dma_wait3A_460, %dma_wait3A_461] : memref<10000x128xf32, #tpu.memory_space<hbm>> -> memref<10000x128xf32, #tpu.memory_space<hbm>>
      tpu.wait_indirect_dma semaphore(%arg17 : memref<!tpu.dma_semaphore, #tpu.memory_space<semaphore_mem>>) src(%dma_wait3A_462 : memref<10000x128xf32, #tpu.memory_space<hbm>>) dst(%arg12 : memref<128x128xf32, #tpu.memory_space<vmem>>)
      %run_scoped3A_463 = arith.constant 7 : i32
      "tpu.region"() ({
        %run_scoped3A_464 = tpu.sem_alloc : memref<!tpu.dma_semaphore, #tpu.memory_space<semaphore_mem>>
        %dma_start3A_465 = arith.constant 0 : i32
        %dma_start3A_466 = tpu.memref_slice %arg10[%run_scoped3A_463, %dma_start3A_465] : memref<8x128xi32, #tpu.memory_space<vmem>> -> memref<1x128xi32, #tpu.memory_space<vmem>>
        %dma_start3A_467 = tpu.memref_squeeze %dma_start3A_466 : memref<1x128xi32, #tpu.memory_space<vmem>> -> memref<128xi32, #tpu.memory_space<vmem>>
        %dma_start3A_468 = arith.constant 0 : i32
        %dma_start3A_469 = arith.constant 0 : i32
        %dma_start3A_470 = tpu.memref_slice %arg13[%dma_start3A_468, %dma_start3A_469] : memref<10240x128xf32, #tpu.memory_space<vmem_shared>> -> memref<10240x128xf32, #tpu.memory_space<vmem_shared>>
        tpu.enqueue_indirect_dma source(%arg12 : memref<128x128xf32, #tpu.memory_space<vmem>>) target(%dma_start3A_470 : memref<10240x128xf32, #tpu.memory_space<vmem_shared>>) offsets(%dma_start3A_467 : memref<128xi32, #tpu.memory_space<vmem>>) semaphore(%run_scoped3A_464 : memref<!tpu.dma_semaphore, #tpu.memory_space<semaphore_mem>>) {add = true}
        %dma_wait3A_471 = arith.constant 0 : i32
        %dma_wait3A_472 = tpu.memref_slice %arg10[%run_scoped3A_463, %dma_wait3A_471] : memref<8x128xi32, #tpu.memory_space<vmem>> -> memref<1x128xi32, #tpu.memory_space<vmem>>
        %dma_wait3A_473 = tpu.memref_squeeze %dma_wait3A_472 : memref<1x128xi32, #tpu.memory_space<vmem>> -> memref<128xi32, #tpu.memory_space<vmem>>
        %dma_wait3A_474 = arith.constant 0 : i32
        %dma_wait3A_475 = arith.constant 0 : i32
        %dma_wait3A_476 = tpu.memref_slice %arg13[%dma_wait3A_474, %dma_wait3A_475] : memref<10240x128xf32, #tpu.memory_space<vmem_shared>> -> memref<10240x128xf32, #tpu.memory_space<vmem_shared>>
        tpu.wait_indirect_dma semaphore(%run_scoped3A_464 : memref<!tpu.dma_semaphore, #tpu.memory_space<semaphore_mem>>) src(%arg12 : memref<128x128xf32, #tpu.memory_space<vmem>>) dst(%dma_wait3A_476 : memref<10240x128xf32, #tpu.memory_space<vmem_shared>>)
        tpu.yield
      }) : () -> ()
    }
    %scan3A_70 = arith.constant 5 : i32
    %dma_wait3A_71 = arith.constant 0 : i32
    %dma_wait3A_72 = arith.constant 0 : i32
    %dma_wait3A_73 = tpu.memref_slice %arg3[%dma_wait3A_71, %dma_wait3A_72] : memref<2560x128xi32, #tpu.memory_space<hbm>> -> memref<8x128xi32, #tpu.memory_space<hbm>>
    %dma_wait3A_74 = arith.constant 0 : i32
    %dma_wait3A_75 = arith.constant 0 : i32
    %dma_wait3A_76 = tpu.memref_slice %arg3[%dma_wait3A_74, %dma_wait3A_75] : memref<2560x128xi32, #tpu.memory_space<hbm>> -> memref<8x128xi32, #tpu.memory_space<hbm>>
    tpu.wait_dma2 semaphore(%arg14 : memref<!tpu.dma_semaphore, #tpu.memory_space<semaphore_mem>>) src(%dma_wait3A_76 : memref<8x128xi32, #tpu.memory_space<hbm>>) dst(%arg7 : memref<8x128xi32, #tpu.memory_space<vmem>>)
    %dma_wait3A_77 = arith.constant 0 : i32
    %dma_wait3A_78 = arith.constant 0 : i32
    %dma_wait3A_79 = tpu.memref_slice %arg4[%dma_wait3A_77, %dma_wait3A_78] : memref<2560x128xi32, #tpu.memory_space<hbm>> -> memref<8x128xi32, #tpu.memory_space<hbm>>
    %dma_wait3A_80 = arith.constant 0 : i32
    %dma_wait3A_81 = arith.constant 0 : i32
    %dma_wait3A_82 = tpu.memref_slice %arg4[%dma_wait3A_80, %dma_wait3A_81] : memref<2560x128xi32, #tpu.memory_space<hbm>> -> memref<8x128xi32, #tpu.memory_space<hbm>>
    tpu.wait_dma2 semaphore(%arg14 : memref<!tpu.dma_semaphore, #tpu.memory_space<semaphore_mem>>) src(%dma_wait3A_82 : memref<8x128xi32, #tpu.memory_space<hbm>>) dst(%arg8 : memref<8x128xi32, #tpu.memory_space<vmem>>)
    %barrier3A_83 = arith.constant 0 : index
    tpu.barrier barrier_id(%barrier3A_83)
    %add3A_84 = arith.constant 0 : i32
    %add3A_85 = arith.addi %mul3A_2, %add3A_84 : i32
    "tpu.region"() ({
      %run_scoped3A = tpu.sem_alloc : memref<!tpu.dma_semaphore, #tpu.memory_space<semaphore_mem>>
      %dma_start3A_164 = arith.constant 0 : i32
      %dma_start3A_165 = tpu.memref_slice %arg13[%add3A_85, %dma_start3A_164] : memref<10240x128xf32, #tpu.memory_space<vmem_shared>> -> memref<128x128xf32, #tpu.memory_space<vmem_shared>>
      %dma_start3A_166 = arith.constant 0 : i32
      %dma_start3A_167 = tpu.memref_slice %arg13[%add3A_85, %dma_start3A_166] : memref<10240x128xf32, #tpu.memory_space<vmem_shared>> -> memref<128x128xf32, #tpu.memory_space<vmem_shared>>
      tpu.enqueue_dma source(%dma_start3A_167 : memref<128x128xf32, #tpu.memory_space<vmem_shared>>) target(%arg11 : memref<128x128xf32, #tpu.memory_space<vmem>>) target_semaphore(%run_scoped3A : memref<!tpu.dma_semaphore, #tpu.memory_space<semaphore_mem>>)
      %dma_wait3A_168 = arith.constant 0 : i32
      %dma_wait3A_169 = tpu.memref_slice %arg13[%add3A_85, %dma_wait3A_168] : memref<10240x128xf32, #tpu.memory_space<vmem_shared>> -> memref<128x128xf32, #tpu.memory_space<vmem_shared>>
      %dma_wait3A_170 = arith.constant 0 : i32
      %dma_wait3A_171 = tpu.memref_slice %arg13[%add3A_85, %dma_wait3A_170] : memref<10240x128xf32, #tpu.memory_space<vmem_shared>> -> memref<128x128xf32, #tpu.memory_space<vmem_shared>>
      tpu.wait_dma2 semaphore(%run_scoped3A : memref<!tpu.dma_semaphore, #tpu.memory_space<semaphore_mem>>) src(%dma_wait3A_171 : memref<128x128xf32, #tpu.memory_space<vmem_shared>>) dst(%arg11 : memref<128x128xf32, #tpu.memory_space<vmem>>)
      tpu.yield
    }) : () -> ()
    %add3A_86 = arith.constant 0 : i32
    %add3A_87 = arith.addi %mul3A_2, %add3A_86 : i32
    %dma_start3A_88 = arith.constant 0 : i32
    %dma_start3A_89 = tpu.memref_slice %arg6[%arg0, %add3A_87, %dma_start3A_88] : memref<2x10240x128xf32, #tpu.memory_space<hbm>> -> memref<1x128x128xf32, #tpu.memory_space<hbm>>
    %dma_start3A_90 = tpu.memref_squeeze %dma_start3A_89 : memref<1x128x128xf32, #tpu.memory_space<hbm>> -> memref<128x128xf32, #tpu.memory_space<hbm>>
    %dma_start3A_91 = arith.constant 0 : i32
    %dma_start3A_92 = tpu.memref_slice %arg6[%arg0, %add3A_87, %dma_start3A_91] : memref<2x10240x128xf32, #tpu.memory_space<hbm>> -> memref<1x128x128xf32, #tpu.memory_space<hbm>>
    %dma_start3A_93 = tpu.memref_squeeze %dma_start3A_92 : memref<1x128x128xf32, #tpu.memory_space<hbm>> -> memref<128x128xf32, #tpu.memory_space<hbm>>
    tpu.enqueue_dma source(%arg11 : memref<128x128xf32, #tpu.memory_space<vmem>>) target(%dma_start3A_93 : memref<128x128xf32, #tpu.memory_space<hbm>>) target_semaphore(%arg17 : memref<!tpu.dma_semaphore, #tpu.memory_space<semaphore_mem>>)
    %add3A_94 = arith.constant 128 : i32
    %add3A_95 = arith.addi %mul3A_2, %add3A_94 : i32
    "tpu.region"() ({
      %run_scoped3A = tpu.sem_alloc : memref<!tpu.dma_semaphore, #tpu.memory_space<semaphore_mem>>
      %dma_start3A_164 = arith.constant 0 : i32
      %dma_start3A_165 = tpu.memref_slice %arg13[%add3A_95, %dma_start3A_164] : memref<10240x128xf32, #tpu.memory_space<vmem_shared>> -> memref<128x128xf32, #tpu.memory_space<vmem_shared>>
      %dma_start3A_166 = arith.constant 0 : i32
      %dma_start3A_167 = tpu.memref_slice %arg13[%add3A_95, %dma_start3A_166] : memref<10240x128xf32, #tpu.memory_space<vmem_shared>> -> memref<128x128xf32, #tpu.memory_space<vmem_shared>>
      tpu.enqueue_dma source(%dma_start3A_167 : memref<128x128xf32, #tpu.memory_space<vmem_shared>>) target(%arg12 : memref<128x128xf32, #tpu.memory_space<vmem>>) target_semaphore(%run_scoped3A : memref<!tpu.dma_semaphore, #tpu.memory_space<semaphore_mem>>)
      %dma_wait3A_168 = arith.constant 0 : i32
      %dma_wait3A_169 = tpu.memref_slice %arg13[%add3A_95, %dma_wait3A_168] : memref<10240x128xf32, #tpu.memory_space<vmem_shared>> -> memref<128x128xf32, #tpu.memory_space<vmem_shared>>
      %dma_wait3A_170 = arith.constant 0 : i32
      %dma_wait3A_171 = tpu.memref_slice %arg13[%add3A_95, %dma_wait3A_170] : memref<10240x128xf32, #tpu.memory_space<vmem_shared>> -> memref<128x128xf32, #tpu.memory_space<vmem_shared>>
      tpu.wait_dma2 semaphore(%run_scoped3A : memref<!tpu.dma_semaphore, #tpu.memory_space<semaphore_mem>>) src(%dma_wait3A_171 : memref<128x128xf32, #tpu.memory_space<vmem_shared>>) dst(%arg12 : memref<128x128xf32, #tpu.memory_space<vmem>>)
      tpu.yield
    }) : () -> ()
    %add3A_96 = arith.constant 128 : i32
    %add3A_97 = arith.addi %mul3A_2, %add3A_96 : i32
    %dma_start3A_98 = arith.constant 0 : i32
    %dma_start3A_99 = tpu.memref_slice %arg6[%arg0, %add3A_97, %dma_start3A_98] : memref<2x10240x128xf32, #tpu.memory_space<hbm>> -> memref<1x128x128xf32, #tpu.memory_space<hbm>>
    %dma_start3A_100 = tpu.memref_squeeze %dma_start3A_99 : memref<1x128x128xf32, #tpu.memory_space<hbm>> -> memref<128x128xf32, #tpu.memory_space<hbm>>
    %dma_start3A_101 = arith.constant 0 : i32
    %dma_start3A_102 = tpu.memref_slice %arg6[%arg0, %add3A_97, %dma_start3A_101] : memref<2x10240x128xf32, #tpu.memory_space<hbm>> -> memref<1x128x128xf32, #tpu.memory_space<hbm>>
    %dma_start3A_103 = tpu.memref_squeeze %dma_start3A_102 : memref<1x128x128xf32, #tpu.memory_space<hbm>> -> memref<128x128xf32, #tpu.memory_space<hbm>>
    tpu.enqueue_dma source(%arg12 : memref<128x128xf32, #tpu.memory_space<vmem>>) target(%dma_start3A_103 : memref<128x128xf32, #tpu.memory_space<hbm>>) target_semaphore(%arg17 : memref<!tpu.dma_semaphore, #tpu.memory_space<semaphore_mem>>)
    %dma_wait3A_104 = arith.constant 0 : i32
    %dma_wait3A_105 = tpu.memref_slice %arg6[%arg0, %add3A_87, %dma_wait3A_104] : memref<2x10240x128xf32, #tpu.memory_space<hbm>> -> memref<1x128x128xf32, #tpu.memory_space<hbm>>
    %dma_wait3A_106 = tpu.memref_squeeze %dma_wait3A_105 : memref<1x128x128xf32, #tpu.memory_space<hbm>> -> memref<128x128xf32, #tpu.memory_space<hbm>>
    %dma_wait3A_107 = arith.constant 0 : i32
    %dma_wait3A_108 = tpu.memref_slice %arg6[%arg0, %add3A_87, %dma_wait3A_107] : memref<2x10240x128xf32, #tpu.memory_space<hbm>> -> memref<1x128x128xf32, #tpu.memory_space<hbm>>
    %dma_wait3A_109 = tpu.memref_squeeze %dma_wait3A_108 : memref<1x128x128xf32, #tpu.memory_space<hbm>> -> memref<128x128xf32, #tpu.memory_space<hbm>>
    tpu.wait_dma2 semaphore(%arg17 : memref<!tpu.dma_semaphore, #tpu.memory_space<semaphore_mem>>) src(%arg11 : memref<128x128xf32, #tpu.memory_space<vmem>>) dst(%dma_wait3A_109 : memref<128x128xf32, #tpu.memory_space<hbm>>)
    %add3A_110 = arith.constant 256 : i32
    %add3A_111 = arith.addi %mul3A_2, %add3A_110 : i32
    "tpu.region"() ({
      %run_scoped3A = tpu.sem_alloc : memref<!tpu.dma_semaphore, #tpu.memory_space<semaphore_mem>>
      %dma_start3A_164 = arith.constant 0 : i32
      %dma_start3A_165 = tpu.memref_slice %arg13[%add3A_111, %dma_start3A_164] : memref<10240x128xf32, #tpu.memory_space<vmem_shared>> -> memref<128x128xf32, #tpu.memory_space<vmem_shared>>
      %dma_start3A_166 = arith.constant 0 : i32
      %dma_start3A_167 = tpu.memref_slice %arg13[%add3A_111, %dma_start3A_166] : memref<10240x128xf32, #tpu.memory_space<vmem_shared>> -> memref<128x128xf32, #tpu.memory_space<vmem_shared>>
      tpu.enqueue_dma source(%dma_start3A_167 : memref<128x128xf32, #tpu.memory_space<vmem_shared>>) target(%arg11 : memref<128x128xf32, #tpu.memory_space<vmem>>) target_semaphore(%run_scoped3A : memref<!tpu.dma_semaphore, #tpu.memory_space<semaphore_mem>>)
      %dma_wait3A_168 = arith.constant 0 : i32
      %dma_wait3A_169 = tpu.memref_slice %arg13[%add3A_111, %dma_wait3A_168] : memref<10240x128xf32, #tpu.memory_space<vmem_shared>> -> memref<128x128xf32, #tpu.memory_space<vmem_shared>>
      %dma_wait3A_170 = arith.constant 0 : i32
      %dma_wait3A_171 = tpu.memref_slice %arg13[%add3A_111, %dma_wait3A_170] : memref<10240x128xf32, #tpu.memory_space<vmem_shared>> -> memref<128x128xf32, #tpu.memory_space<vmem_shared>>
      tpu.wait_dma2 semaphore(%run_scoped3A : memref<!tpu.dma_semaphore, #tpu.memory_space<semaphore_mem>>) src(%dma_wait3A_171 : memref<128x128xf32, #tpu.memory_space<vmem_shared>>) dst(%arg11 : memref<128x128xf32, #tpu.memory_space<vmem>>)
      tpu.yield
    }) : () -> ()
    %add3A_112 = arith.constant 256 : i32
    %add3A_113 = arith.addi %mul3A_2, %add3A_112 : i32
    %dma_start3A_114 = arith.constant 0 : i32
    %dma_start3A_115 = tpu.memref_slice %arg6[%arg0, %add3A_113, %dma_start3A_114] : memref<2x10240x128xf32, #tpu.memory_space<hbm>> -> memref<1x128x128xf32, #tpu.memory_space<hbm>>
    %dma_start3A_116 = tpu.memref_squeeze %dma_start3A_115 : memref<1x128x128xf32, #tpu.memory_space<hbm>> -> memref<128x128xf32, #tpu.memory_space<hbm>>
    %dma_start3A_117 = arith.constant 0 : i32
    %dma_start3A_118 = tpu.memref_slice %arg6[%arg0, %add3A_113, %dma_start3A_117] : memref<2x10240x128xf32, #tpu.memory_space<hbm>> -> memref<1x128x128xf32, #tpu.memory_space<hbm>>
    %dma_start3A_119 = tpu.memref_squeeze %dma_start3A_118 : memref<1x128x128xf32, #tpu.memory_space<hbm>> -> memref<128x128xf32, #tpu.memory_space<hbm>>
    tpu.enqueue_dma source(%arg11 : memref<128x128xf32, #tpu.memory_space<vmem>>) target(%dma_start3A_119 : memref<128x128xf32, #tpu.memory_space<hbm>>) target_semaphore(%arg17 : memref<!tpu.dma_semaphore, #tpu.memory_space<semaphore_mem>>)
    %dma_wait3A_120 = arith.constant 0 : i32
    %dma_wait3A_121 = tpu.memref_slice %arg6[%arg0, %add3A_97, %dma_wait3A_120] : memref<2x10240x128xf32, #tpu.memory_space<hbm>> -> memref<1x128x128xf32, #tpu.memory_space<hbm>>
    %dma_wait3A_122 = tpu.memref_squeeze %dma_wait3A_121 : memref<1x128x128xf32, #tpu.memory_space<hbm>> -> memref<128x128xf32, #tpu.memory_space<hbm>>
    %dma_wait3A_123 = arith.constant 0 : i32
    %dma_wait3A_124 = tpu.memref_slice %arg6[%arg0, %add3A_97, %dma_wait3A_123] : memref<2x10240x128xf32, #tpu.memory_space<hbm>> -> memref<1x128x128xf32, #tpu.memory_space<hbm>>
    %dma_wait3A_125 = tpu.memref_squeeze %dma_wait3A_124 : memref<1x128x128xf32, #tpu.memory_space<hbm>> -> memref<128x128xf32, #tpu.memory_space<hbm>>
    tpu.wait_dma2 semaphore(%arg17 : memref<!tpu.dma_semaphore, #tpu.memory_space<semaphore_mem>>) src(%arg12 : memref<128x128xf32, #tpu.memory_space<vmem>>) dst(%dma_wait3A_125 : memref<128x128xf32, #tpu.memory_space<hbm>>)
    %add3A_126 = arith.constant 384 : i32
    %add3A_127 = arith.addi %mul3A_2, %add3A_126 : i32
    "tpu.region"() ({
      %run_scoped3A = tpu.sem_alloc : memref<!tpu.dma_semaphore, #tpu.memory_space<semaphore_mem>>
      %dma_start3A_164 = arith.constant 0 : i32
      %dma_start3A_165 = tpu.memref_slice %arg13[%add3A_127, %dma_start3A_164] : memref<10240x128xf32, #tpu.memory_space<vmem_shared>> -> memref<128x128xf32, #tpu.memory_space<vmem_shared>>
      %dma_start3A_166 = arith.constant 0 : i32
      %dma_start3A_167 = tpu.memref_slice %arg13[%add3A_127, %dma_start3A_166] : memref<10240x128xf32, #tpu.memory_space<vmem_shared>> -> memref<128x128xf32, #tpu.memory_space<vmem_shared>>
      tpu.enqueue_dma source(%dma_start3A_167 : memref<128x128xf32, #tpu.memory_space<vmem_shared>>) target(%arg12 : memref<128x128xf32, #tpu.memory_space<vmem>>) target_semaphore(%run_scoped3A : memref<!tpu.dma_semaphore, #tpu.memory_space<semaphore_mem>>)
      %dma_wait3A_168 = arith.constant 0 : i32
      %dma_wait3A_169 = tpu.memref_slice %arg13[%add3A_127, %dma_wait3A_168] : memref<10240x128xf32, #tpu.memory_space<vmem_shared>> -> memref<128x128xf32, #tpu.memory_space<vmem_shared>>
      %dma_wait3A_170 = arith.constant 0 : i32
      %dma_wait3A_171 = tpu.memref_slice %arg13[%add3A_127, %dma_wait3A_170] : memref<10240x128xf32, #tpu.memory_space<vmem_shared>> -> memref<128x128xf32, #tpu.memory_space<vmem_shared>>
      tpu.wait_dma2 semaphore(%run_scoped3A : memref<!tpu.dma_semaphore, #tpu.memory_space<semaphore_mem>>) src(%dma_wait3A_171 : memref<128x128xf32, #tpu.memory_space<vmem_shared>>) dst(%arg12 : memref<128x128xf32, #tpu.memory_space<vmem>>)
      tpu.yield
    }) : () -> ()
    %add3A_128 = arith.constant 384 : i32
    %add3A_129 = arith.addi %mul3A_2, %add3A_128 : i32
    %dma_start3A_130 = arith.constant 0 : i32
    %dma_start3A_131 = tpu.memref_slice %arg6[%arg0, %add3A_129, %dma_start3A_130] : memref<2x10240x128xf32, #tpu.memory_space<hbm>> -> memref<1x128x128xf32, #tpu.memory_space<hbm>>
    %dma_start3A_132 = tpu.memref_squeeze %dma_start3A_131 : memref<1x128x128xf32, #tpu.memory_space<hbm>> -> memref<128x128xf32, #tpu.memory_space<hbm>>
    %dma_start3A_133 = arith.constant 0 : i32
    %dma_start3A_134 = tpu.memref_slice %arg6[%arg0, %add3A_129, %dma_start3A_133] : memref<2x10240x128xf32, #tpu.memory_space<hbm>> -> memref<1x128x128xf32, #tpu.memory_space<hbm>>
    %dma_start3A_135 = tpu.memref_squeeze %dma_start3A_134 : memref<1x128x128xf32, #tpu.memory_space<hbm>> -> memref<128x128xf32, #tpu.memory_space<hbm>>
    tpu.enqueue_dma source(%arg12 : memref<128x128xf32, #tpu.memory_space<vmem>>) target(%dma_start3A_135 : memref<128x128xf32, #tpu.memory_space<hbm>>) target_semaphore(%arg17 : memref<!tpu.dma_semaphore, #tpu.memory_space<semaphore_mem>>)
    %dma_wait3A_136 = arith.constant 0 : i32
    %dma_wait3A_137 = tpu.memref_slice %arg6[%arg0, %add3A_113, %dma_wait3A_136] : memref<2x10240x128xf32, #tpu.memory_space<hbm>> -> memref<1x128x128xf32, #tpu.memory_space<hbm>>
    %dma_wait3A_138 = tpu.memref_squeeze %dma_wait3A_137 : memref<1x128x128xf32, #tpu.memory_space<hbm>> -> memref<128x128xf32, #tpu.memory_space<hbm>>
    %dma_wait3A_139 = arith.constant 0 : i32
    %dma_wait3A_140 = tpu.memref_slice %arg6[%arg0, %add3A_113, %dma_wait3A_139] : memref<2x10240x128xf32, #tpu.memory_space<hbm>> -> memref<1x128x128xf32, #tpu.memory_space<hbm>>
    %dma_wait3A_141 = tpu.memref_squeeze %dma_wait3A_140 : memref<1x128x128xf32, #tpu.memory_space<hbm>> -> memref<128x128xf32, #tpu.memory_space<hbm>>
    tpu.wait_dma2 semaphore(%arg17 : memref<!tpu.dma_semaphore, #tpu.memory_space<semaphore_mem>>) src(%arg11 : memref<128x128xf32, #tpu.memory_space<vmem>>) dst(%dma_wait3A_141 : memref<128x128xf32, #tpu.memory_space<hbm>>)
    %add3A_142 = arith.constant 512 : i32
    %add3A_143 = arith.addi %mul3A_2, %add3A_142 : i32
    "tpu.region"() ({
      %run_scoped3A = tpu.sem_alloc : memref<!tpu.dma_semaphore, #tpu.memory_space<semaphore_mem>>
      %dma_start3A_164 = arith.constant 0 : i32
      %dma_start3A_165 = tpu.memref_slice %arg13[%add3A_143, %dma_start3A_164] : memref<10240x128xf32, #tpu.memory_space<vmem_shared>> -> memref<128x128xf32, #tpu.memory_space<vmem_shared>>
      %dma_start3A_166 = arith.constant 0 : i32
      %dma_start3A_167 = tpu.memref_slice %arg13[%add3A_143, %dma_start3A_166] : memref<10240x128xf32, #tpu.memory_space<vmem_shared>> -> memref<128x128xf32, #tpu.memory_space<vmem_shared>>
      tpu.enqueue_dma source(%dma_start3A_167 : memref<128x128xf32, #tpu.memory_space<vmem_shared>>) target(%arg11 : memref<128x128xf32, #tpu.memory_space<vmem>>) target_semaphore(%run_scoped3A : memref<!tpu.dma_semaphore, #tpu.memory_space<semaphore_mem>>)
      %dma_wait3A_168 = arith.constant 0 : i32
      %dma_wait3A_169 = tpu.memref_slice %arg13[%add3A_143, %dma_wait3A_168] : memref<10240x128xf32, #tpu.memory_space<vmem_shared>> -> memref<128x128xf32, #tpu.memory_space<vmem_shared>>
      %dma_wait3A_170 = arith.constant 0 : i32
      %dma_wait3A_171 = tpu.memref_slice %arg13[%add3A_143, %dma_wait3A_170] : memref<10240x128xf32, #tpu.memory_space<vmem_shared>> -> memref<128x128xf32, #tpu.memory_space<vmem_shared>>
      tpu.wait_dma2 semaphore(%run_scoped3A : memref<!tpu.dma_semaphore, #tpu.memory_space<semaphore_mem>>) src(%dma_wait3A_171 : memref<128x128xf32, #tpu.memory_space<vmem_shared>>) dst(%arg11 : memref<128x128xf32, #tpu.memory_space<vmem>>)
      tpu.yield
    }) : () -> ()
    %add3A_144 = arith.constant 512 : i32
    %add3A_145 = arith.addi %mul3A_2, %add3A_144 : i32
    %dma_start3A_146 = arith.constant 0 : i32
    %dma_start3A_147 = tpu.memref_slice %arg6[%arg0, %add3A_145, %dma_start3A_146] : memref<2x10240x128xf32, #tpu.memory_space<hbm>> -> memref<1x128x128xf32, #tpu.memory_space<hbm>>
    %dma_start3A_148 = tpu.memref_squeeze %dma_start3A_147 : memref<1x128x128xf32, #tpu.memory_space<hbm>> -> memref<128x128xf32, #tpu.memory_space<hbm>>
    %dma_start3A_149 = arith.constant 0 : i32
    %dma_start3A_150 = tpu.memref_slice %arg6[%arg0, %add3A_145, %dma_start3A_149] : memref<2x10240x128xf32, #tpu.memory_space<hbm>> -> memref<1x128x128xf32, #tpu.memory_space<hbm>>
    %dma_start3A_151 = tpu.memref_squeeze %dma_start3A_150 : memref<1x128x128xf32, #tpu.memory_space<hbm>> -> memref<128x128xf32, #tpu.memory_space<hbm>>
    tpu.enqueue_dma source(%arg11 : memref<128x128xf32, #tpu.memory_space<vmem>>) target(%dma_start3A_151 : memref<128x128xf32, #tpu.memory_space<hbm>>) target_semaphore(%arg17 : memref<!tpu.dma_semaphore, #tpu.memory_space<semaphore_mem>>)
    %dma_wait3A_152 = arith.constant 0 : i32
    %dma_wait3A_153 = tpu.memref_slice %arg6[%arg0, %add3A_129, %dma_wait3A_152] : memref<2x10240x128xf32, #tpu.memory_space<hbm>> -> memref<1x128x128xf32, #tpu.memory_space<hbm>>
    %dma_wait3A_154 = tpu.memref_squeeze %dma_wait3A_153 : memref<1x128x128xf32, #tpu.memory_space<hbm>> -> memref<128x128xf32, #tpu.memory_space<hbm>>
    %dma_wait3A_155 = arith.constant 0 : i32
    %dma_wait3A_156 = tpu.memref_slice %arg6[%arg0, %add3A_129, %dma_wait3A_155] : memref<2x10240x128xf32, #tpu.memory_space<hbm>> -> memref<1x128x128xf32, #tpu.memory_space<hbm>>
    %dma_wait3A_157 = tpu.memref_squeeze %dma_wait3A_156 : memref<1x128x128xf32, #tpu.memory_space<hbm>> -> memref<128x128xf32, #tpu.memory_space<hbm>>
    tpu.wait_dma2 semaphore(%arg17 : memref<!tpu.dma_semaphore, #tpu.memory_space<semaphore_mem>>) src(%arg12 : memref<128x128xf32, #tpu.memory_space<vmem>>) dst(%dma_wait3A_157 : memref<128x128xf32, #tpu.memory_space<hbm>>)
    %dma_wait3A_158 = arith.constant 0 : i32
    %dma_wait3A_159 = tpu.memref_slice %arg6[%arg0, %add3A_145, %dma_wait3A_158] : memref<2x10240x128xf32, #tpu.memory_space<hbm>> -> memref<1x128x128xf32, #tpu.memory_space<hbm>>
    %dma_wait3A_160 = tpu.memref_squeeze %dma_wait3A_159 : memref<1x128x128xf32, #tpu.memory_space<hbm>> -> memref<128x128xf32, #tpu.memory_space<hbm>>
    %dma_wait3A_161 = arith.constant 0 : i32
    %dma_wait3A_162 = tpu.memref_slice %arg6[%arg0, %add3A_145, %dma_wait3A_161] : memref<2x10240x128xf32, #tpu.memory_space<hbm>> -> memref<1x128x128xf32, #tpu.memory_space<hbm>>
    %dma_wait3A_163 = tpu.memref_squeeze %dma_wait3A_162 : memref<1x128x128xf32, #tpu.memory_space<hbm>> -> memref<128x128xf32, #tpu.memory_space<hbm>>
    tpu.wait_dma2 semaphore(%arg17 : memref<!tpu.dma_semaphore, #tpu.memory_space<semaphore_mem>>) src(%arg11 : memref<128x128xf32, #tpu.memory_space<vmem>>) dst(%dma_wait3A_163 : memref<128x128xf32, #tpu.memory_space<hbm>>)
    return
  }
}

#map = affine_map<(d0, d1) -> (0, 0)>
#map1 = affine_map<(d0, d1) -> (0, 0, 0)>
module attributes {stable_mosaic.version = 14 : i64} {
  func.func @agg(%arg0: i32, %arg1: i32, %arg2: memref<10000x128xf32, #tpu.memory_space<hbm>>, %arg3: memref<2560x128xi32, #tpu.memory_space<hbm>>, %arg4: memref<2560x128xi32, #tpu.memory_space<hbm>>, %arg5: memref<128x128xf32, #tpu.memory_space<hbm>>, %arg6: memref<2x10240x128xf32, #tpu.memory_space<hbm>>, %arg7: memref<8x128xi32, #tpu.memory_space<vmem>>, %arg8: memref<8x128xi32, #tpu.memory_space<vmem>>, %arg9: memref<8x128xi32, #tpu.memory_space<vmem>>, %arg10: memref<8x128xi32, #tpu.memory_space<vmem>>, %arg11: memref<128x128xf32, #tpu.memory_space<vmem>>, %arg12: memref<128x128xf32, #tpu.memory_space<vmem>>, %arg13: memref<10240x128xf32, #tpu.memory_space<vmem_shared>>, %arg14: memref<!tpu.dma_semaphore, #tpu.memory_space<semaphore_mem>>, %arg15: memref<!tpu.dma_semaphore, #tpu.memory_space<semaphore_mem>>, %arg16: memref<!tpu.dma_semaphore, #tpu.memory_space<semaphore_mem>>, %arg17: memref<!tpu.dma_semaphore, #tpu.memory_space<semaphore_mem>>) attributes {dimension_semantics = [#tpu.dimension_semantics<core_parallel>, #tpu.dimension_semantics<subcore_parallel>], iteration_bounds = array<i64: 2, 16>, scalar_prefetch = 0 : i64, scratch_operands = 11 : i64, tpu.core_type = #tpu.core_type<sc_vector_subcore>, window_params = [{transform_indices = #map}, {transform_indices = #map}, {transform_indices = #map}, {transform_indices = #map}, {transform_indices = #map1}]} {
    %mul3A = arith.constant 16 : i32
    %mul3A_0 = arith.muli %arg0, %mul3A : i32
    %add3A = arith.addi %mul3A_0, %arg1 : i32
    "tpu.region"() ({
      %run_scoped3A = tpu.sem_alloc : memref<!tpu.dma_semaphore, #tpu.memory_space<semaphore_mem>>
      tpu.enqueue_dma source(%arg5 : memref<128x128xf32, #tpu.memory_space<hbm>>) target(%arg11 : memref<128x128xf32, #tpu.memory_space<vmem>>) target_semaphore(%run_scoped3A : memref<!tpu.dma_semaphore, #tpu.memory_space<semaphore_mem>>)
      tpu.wait_dma2 semaphore(%run_scoped3A : memref<!tpu.dma_semaphore, #tpu.memory_space<semaphore_mem>>) src(%arg5 : memref<128x128xf32, #tpu.memory_space<hbm>>) dst(%arg11 : memref<128x128xf32, #tpu.memory_space<vmem>>)
      tpu.yield
    }) : () -> ()
    %mul3A_1 = arith.constant 640 : i32
    %mul3A_2 = arith.muli %arg1, %mul3A_1 : i32
    %add3A_3 = arith.constant 0 : i32
    %add3A_4 = arith.addi %mul3A_2, %add3A_3 : i32
    %dma_start3A = arith.constant 0 : i32
    %dma_start3A_5 = tpu.memref_slice %arg13[%add3A_4, %dma_start3A] : memref<10240x128xf32, #tpu.memory_space<vmem_shared>> -> memref<128x128xf32, #tpu.memory_space<vmem_shared>>
    %dma_start3A_6 = arith.constant 0 : i32
    %dma_start3A_7 = tpu.memref_slice %arg13[%add3A_4, %dma_start3A_6] : memref<10240x128xf32, #tpu.memory_space<vmem_shared>> -> memref<128x128xf32, #tpu.memory_space<vmem_shared>>
    tpu.enqueue_dma source(%arg11 : memref<128x128xf32, #tpu.memory_space<vmem>>) target(%dma_start3A_7 : memref<128x128xf32, #tpu.memory_space<vmem_shared>>) target_semaphore(%arg16 : memref<!tpu.dma_semaphore, #tpu.memory_space<semaphore_mem>>)
    %add3A_8 = arith.constant 128 : i32
    %add3A_9 = arith.addi %mul3A_2, %add3A_8 : i32
    %dma_start3A_10 = arith.constant 0 : i32
    %dma_start3A_11 = tpu.memref_slice %arg13[%add3A_9, %dma_start3A_10] : memref<10240x128xf32, #tpu.memory_space<vmem_shared>> -> memref<128x128xf32, #tpu.memory_space<vmem_shared>>
    %dma_start3A_12 = arith.constant 0 : i32
    %dma_start3A_13 = tpu.memref_slice %arg13[%add3A_9, %dma_start3A_12] : memref<10240x128xf32, #tpu.memory_space<vmem_shared>> -> memref<128x128xf32, #tpu.memory_space<vmem_shared>>
    tpu.enqueue_dma source(%arg11 : memref<128x128xf32, #tpu.memory_space<vmem>>) target(%dma_start3A_13 : memref<128x128xf32, #tpu.memory_space<vmem_shared>>) target_semaphore(%arg16 : memref<!tpu.dma_semaphore, #tpu.memory_space<semaphore_mem>>)
    %add3A_14 = arith.constant 256 : i32
    %add3A_15 = arith.addi %mul3A_2, %add3A_14 : i32
    %dma_start3A_16 = arith.constant 0 : i32
    %dma_start3A_17 = tpu.memref_slice %arg13[%add3A_15, %dma_start3A_16] : memref<10240x128xf32, #tpu.memory_space<vmem_shared>> -> memref<128x128xf32, #tpu.memory_space<vmem_shared>>
    %dma_start3A_18 = arith.constant 0 : i32
    %dma_start3A_19 = tpu.memref_slice %arg13[%add3A_15, %dma_start3A_18] : memref<10240x128xf32, #tpu.memory_space<vmem_shared>> -> memref<128x128xf32, #tpu.memory_space<vmem_shared>>
    tpu.enqueue_dma source(%arg11 : memref<128x128xf32, #tpu.memory_space<vmem>>) target(%dma_start3A_19 : memref<128x128xf32, #tpu.memory_space<vmem_shared>>) target_semaphore(%arg16 : memref<!tpu.dma_semaphore, #tpu.memory_space<semaphore_mem>>)
    %add3A_20 = arith.constant 384 : i32
    %add3A_21 = arith.addi %mul3A_2, %add3A_20 : i32
    %dma_start3A_22 = arith.constant 0 : i32
    %dma_start3A_23 = tpu.memref_slice %arg13[%add3A_21, %dma_start3A_22] : memref<10240x128xf32, #tpu.memory_space<vmem_shared>> -> memref<128x128xf32, #tpu.memory_space<vmem_shared>>
    %dma_start3A_24 = arith.constant 0 : i32
    %dma_start3A_25 = tpu.memref_slice %arg13[%add3A_21, %dma_start3A_24] : memref<10240x128xf32, #tpu.memory_space<vmem_shared>> -> memref<128x128xf32, #tpu.memory_space<vmem_shared>>
    tpu.enqueue_dma source(%arg11 : memref<128x128xf32, #tpu.memory_space<vmem>>) target(%dma_start3A_25 : memref<128x128xf32, #tpu.memory_space<vmem_shared>>) target_semaphore(%arg16 : memref<!tpu.dma_semaphore, #tpu.memory_space<semaphore_mem>>)
    %add3A_26 = arith.constant 512 : i32
    %add3A_27 = arith.addi %mul3A_2, %add3A_26 : i32
    %dma_start3A_28 = arith.constant 0 : i32
    %dma_start3A_29 = tpu.memref_slice %arg13[%add3A_27, %dma_start3A_28] : memref<10240x128xf32, #tpu.memory_space<vmem_shared>> -> memref<128x128xf32, #tpu.memory_space<vmem_shared>>
    %dma_start3A_30 = arith.constant 0 : i32
    %dma_start3A_31 = tpu.memref_slice %arg13[%add3A_27, %dma_start3A_30] : memref<10240x128xf32, #tpu.memory_space<vmem_shared>> -> memref<128x128xf32, #tpu.memory_space<vmem_shared>>
    tpu.enqueue_dma source(%arg11 : memref<128x128xf32, #tpu.memory_space<vmem>>) target(%dma_start3A_31 : memref<128x128xf32, #tpu.memory_space<vmem_shared>>) target_semaphore(%arg16 : memref<!tpu.dma_semaphore, #tpu.memory_space<semaphore_mem>>)
    %mul3A_32 = arith.constant 10 : i32
    %mul3A_33 = arith.muli %add3A, %mul3A_32 : i32
    %min3A = arith.constant 0 : i32
    %min3A_34 = arith.constant 9 : i32
    %min3A_35 = arith.minsi %min3A, %min3A_34 : i32
    %add3A_36 = arith.addi %mul3A_33, %min3A_35 : i32
    %mul3A_37 = arith.constant 8 : i32
    %mul3A_38 = arith.muli %add3A_36, %mul3A_37 : i32
    %dma_start3A_39 = arith.constant 0 : i32
    %dma_start3A_40 = tpu.memref_slice %arg3[%mul3A_38, %dma_start3A_39] : memref<2560x128xi32, #tpu.memory_space<hbm>> -> memref<8x128xi32, #tpu.memory_space<hbm>>
    %dma_start3A_41 = arith.constant 0 : i32
    %dma_start3A_42 = tpu.memref_slice %arg3[%mul3A_38, %dma_start3A_41] : memref<2560x128xi32, #tpu.memory_space<hbm>> -> memref<8x128xi32, #tpu.memory_space<hbm>>
    tpu.enqueue_dma source(%dma_start3A_42 : memref<8x128xi32, #tpu.memory_space<hbm>>) target(%arg7 : memref<8x128xi32, #tpu.memory_space<vmem>>) target_semaphore(%arg14 : memref<!tpu.dma_semaphore, #tpu.memory_space<semaphore_mem>>)
    %dma_start3A_43 = arith.constant 0 : i32
    %dma_start3A_44 = tpu.memref_slice %arg4[%mul3A_38, %dma_start3A_43] : memref<2560x128xi32, #tpu.memory_space<hbm>> -> memref<8x128xi32, #tpu.memory_space<hbm>>
    %dma_start3A_45 = arith.constant 0 : i32
    %dma_start3A_46 = tpu.memref_slice %arg4[%mul3A_38, %dma_start3A_45] : memref<2560x128xi32, #tpu.memory_space<hbm>> -> memref<8x128xi32, #tpu.memory_space<hbm>>
    tpu.enqueue_dma source(%dma_start3A_46 : memref<8x128xi32, #tpu.memory_space<hbm>>) target(%arg8 : memref<8x128xi32, #tpu.memory_space<vmem>>) target_semaphore(%arg14 : memref<!tpu.dma_semaphore, #tpu.memory_space<semaphore_mem>>)
    %dma_wait3A = arith.constant 0 : i32
    %dma_wait3A_47 = tpu.memref_slice %arg13[%add3A_4, %dma_wait3A] : memref<10240x128xf32, #tpu.memory_space<vmem_shared>> -> memref<128x128xf32, #tpu.memory_space<vmem_shared>>
    %dma_wait3A_48 = arith.constant 0 : i32
    %dma_wait3A_49 = tpu.memref_slice %arg13[%add3A_4, %dma_wait3A_48] : memref<10240x128xf32, #tpu.memory_space<vmem_shared>> -> memref<128x128xf32, #tpu.memory_space<vmem_shared>>
    tpu.wait_dma2 semaphore(%arg16 : memref<!tpu.dma_semaphore, #tpu.memory_space<semaphore_mem>>) src(%arg11 : memref<128x128xf32, #tpu.memory_space<vmem>>) dst(%dma_wait3A_49 : memref<128x128xf32, #tpu.memory_space<vmem_shared>>)
    %dma_wait3A_50 = arith.constant 0 : i32
    %dma_wait3A_51 = tpu.memref_slice %arg13[%add3A_9, %dma_wait3A_50] : memref<10240x128xf32, #tpu.memory_space<vmem_shared>> -> memref<128x128xf32, #tpu.memory_space<vmem_shared>>
    %dma_wait3A_52 = arith.constant 0 : i32
    %dma_wait3A_53 = tpu.memref_slice %arg13[%add3A_9, %dma_wait3A_52] : memref<10240x128xf32, #tpu.memory_space<vmem_shared>> -> memref<128x128xf32, #tpu.memory_space<vmem_shared>>
    tpu.wait_dma2 semaphore(%arg16 : memref<!tpu.dma_semaphore, #tpu.memory_space<semaphore_mem>>) src(%arg11 : memref<128x128xf32, #tpu.memory_space<vmem>>) dst(%dma_wait3A_53 : memref<128x128xf32, #tpu.memory_space<vmem_shared>>)
    %dma_wait3A_54 = arith.constant 0 : i32
    %dma_wait3A_55 = tpu.memref_slice %arg13[%add3A_15, %dma_wait3A_54] : memref<10240x128xf32, #tpu.memory_space<vmem_shared>> -> memref<128x128xf32, #tpu.memory_space<vmem_shared>>
    %dma_wait3A_56 = arith.constant 0 : i32
    %dma_wait3A_57 = tpu.memref_slice %arg13[%add3A_15, %dma_wait3A_56] : memref<10240x128xf32, #tpu.memory_space<vmem_shared>> -> memref<128x128xf32, #tpu.memory_space<vmem_shared>>
    tpu.wait_dma2 semaphore(%arg16 : memref<!tpu.dma_semaphore, #tpu.memory_space<semaphore_mem>>) src(%arg11 : memref<128x128xf32, #tpu.memory_space<vmem>>) dst(%dma_wait3A_57 : memref<128x128xf32, #tpu.memory_space<vmem_shared>>)
    %dma_wait3A_58 = arith.constant 0 : i32
    %dma_wait3A_59 = tpu.memref_slice %arg13[%add3A_21, %dma_wait3A_58] : memref<10240x128xf32, #tpu.memory_space<vmem_shared>> -> memref<128x128xf32, #tpu.memory_space<vmem_shared>>
    %dma_wait3A_60 = arith.constant 0 : i32
    %dma_wait3A_61 = tpu.memref_slice %arg13[%add3A_21, %dma_wait3A_60] : memref<10240x128xf32, #tpu.memory_space<vmem_shared>> -> memref<128x128xf32, #tpu.memory_space<vmem_shared>>
    tpu.wait_dma2 semaphore(%arg16 : memref<!tpu.dma_semaphore, #tpu.memory_space<semaphore_mem>>) src(%arg11 : memref<128x128xf32, #tpu.memory_space<vmem>>) dst(%dma_wait3A_61 : memref<128x128xf32, #tpu.memory_space<vmem_shared>>)
    %dma_wait3A_62 = arith.constant 0 : i32
    %dma_wait3A_63 = tpu.memref_slice %arg13[%add3A_27, %dma_wait3A_62] : memref<10240x128xf32, #tpu.memory_space<vmem_shared>> -> memref<128x128xf32, #tpu.memory_space<vmem_shared>>
    %dma_wait3A_64 = arith.constant 0 : i32
    %dma_wait3A_65 = tpu.memref_slice %arg13[%add3A_27, %dma_wait3A_64] : memref<10240x128xf32, #tpu.memory_space<vmem_shared>> -> memref<128x128xf32, #tpu.memory_space<vmem_shared>>
    tpu.wait_dma2 semaphore(%arg16 : memref<!tpu.dma_semaphore, #tpu.memory_space<semaphore_mem>>) src(%arg11 : memref<128x128xf32, #tpu.memory_space<vmem>>) dst(%dma_wait3A_65 : memref<128x128xf32, #tpu.memory_space<vmem_shared>>)
    %barrier3A = arith.constant 0 : index
    tpu.barrier barrier_id(%barrier3A)
    %scan3A = arith.constant 0 : i32
    %scan3A_66 = arith.constant 0 : i32
    %scan3A_67 = arith.constant 5 : i32
    %scan3A_68 = arith.addi %scan3A_66, %scan3A_67 : i32
    %scan3A_69 = arith.constant 1 : i32
    scf.for %scan3A_164 = %scan3A_66 to %scan3A_68 step %scan3A_69  : i32 {
      %mul3A_165 = arith.constant 2 : i32
      %mul3A_166 = arith.muli %mul3A_165, %scan3A_164 : i32
      %dma_wait3A_167 = arith.constant 0 : i32
      %dma_wait3A_168 = arith.constant 0 : i32
      %dma_wait3A_169 = tpu.memref_slice %arg3[%dma_wait3A_167, %dma_wait3A_168] : memref<2560x128xi32, #tpu.memory_space<hbm>> -> memref<8x128xi32, #tpu.memory_space<hbm>>
      %dma_wait3A_170 = arith.constant 0 : i32
      %dma_wait3A_171 = arith.constant 0 : i32
      %dma_wait3A_172 = tpu.memref_slice %arg3[%dma_wait3A_170, %dma_wait3A_171] : memref<2560x128xi32, #tpu.memory_space<hbm>> -> memref<8x128xi32, #tpu.memory_space<hbm>>
      tpu.wait_dma2 semaphore(%arg14 : memref<!tpu.dma_semaphore, #tpu.memory_space<semaphore_mem>>) src(%dma_wait3A_172 : memref<8x128xi32, #tpu.memory_space<hbm>>) dst(%arg7 : memref<8x128xi32, #tpu.memory_space<vmem>>)
      %dma_wait3A_173 = arith.constant 0 : i32
      %dma_wait3A_174 = arith.constant 0 : i32
      %dma_wait3A_175 = tpu.memref_slice %arg4[%dma_wait3A_173, %dma_wait3A_174] : memref<2560x128xi32, #tpu.memory_space<hbm>> -> memref<8x128xi32, #tpu.memory_space<hbm>>
      %dma_wait3A_176 = arith.constant 0 : i32
      %dma_wait3A_177 = arith.constant 0 : i32
      %dma_wait3A_178 = tpu.memref_slice %arg4[%dma_wait3A_176, %dma_wait3A_177] : memref<2560x128xi32, #tpu.memory_space<hbm>> -> memref<8x128xi32, #tpu.memory_space<hbm>>
      tpu.wait_dma2 semaphore(%arg14 : memref<!tpu.dma_semaphore, #tpu.memory_space<semaphore_mem>>) src(%dma_wait3A_178 : memref<8x128xi32, #tpu.memory_space<hbm>>) dst(%arg8 : memref<8x128xi32, #tpu.memory_space<vmem>>)
      %add3A_179 = arith.constant 1 : i32
      %add3A_180 = arith.addi %mul3A_166, %add3A_179 : i32
      %mul3A_181 = arith.constant 10 : i32
      %mul3A_182 = arith.muli %add3A, %mul3A_181 : i32
      %min3A_183 = arith.constant 9 : i32
      %min3A_184 = arith.minsi %add3A_180, %min3A_183 : i32
      %add3A_185 = arith.addi %mul3A_182, %min3A_184 : i32
      %mul3A_186 = arith.constant 8 : i32
      %mul3A_187 = arith.muli %add3A_185, %mul3A_186 : i32
      %dma_start3A_188 = arith.constant 0 : i32
      %dma_start3A_189 = tpu.memref_slice %arg3[%mul3A_187, %dma_start3A_188] : memref<2560x128xi32, #tpu.memory_space<hbm>> -> memref<8x128xi32, #tpu.memory_space<hbm>>
      %dma_start3A_190 = arith.constant 0 : i32
      %dma_start3A_191 = tpu.memref_slice %arg3[%mul3A_187, %dma_start3A_190] : memref<2560x128xi32, #tpu.memory_space<hbm>> -> memref<8x128xi32, #tpu.memory_space<hbm>>
      tpu.enqueue_dma source(%dma_start3A_191 : memref<8x128xi32, #tpu.memory_space<hbm>>) target(%arg9 : memref<8x128xi32, #tpu.memory_space<vmem>>) target_semaphore(%arg15 : memref<!tpu.dma_semaphore, #tpu.memory_space<semaphore_mem>>)
      %dma_start3A_192 = arith.constant 0 : i32
      %dma_start3A_193 = tpu.memref_slice %arg4[%mul3A_187, %dma_start3A_192] : memref<2560x128xi32, #tpu.memory_space<hbm>> -> memref<8x128xi32, #tpu.memory_space<hbm>>
      %dma_start3A_194 = arith.constant 0 : i32
      %dma_start3A_195 = tpu.memref_slice %arg4[%mul3A_187, %dma_start3A_194] : memref<2560x128xi32, #tpu.memory_space<hbm>> -> memref<8x128xi32, #tpu.memory_space<hbm>>
      tpu.enqueue_dma source(%dma_start3A_195 : memref<8x128xi32, #tpu.memory_space<hbm>>) target(%arg10 : memref<8x128xi32, #tpu.memory_space<vmem>>) target_semaphore(%arg15 : memref<!tpu.dma_semaphore, #tpu.memory_space<semaphore_mem>>)
      %dma_start3A_196 = arith.constant 0 : i32
      %dma_start3A_197 = arith.constant 0 : i32
      %dma_start3A_198 = tpu.memref_slice %arg7[%dma_start3A_196, %dma_start3A_197] : memref<8x128xi32, #tpu.memory_space<vmem>> -> memref<1x128xi32, #tpu.memory_space<vmem>>
      %dma_start3A_199 = tpu.memref_squeeze %dma_start3A_198 : memref<1x128xi32, #tpu.memory_space<vmem>> -> memref<128xi32, #tpu.memory_space<vmem>>
      %dma_start3A_200 = arith.constant 0 : i32
      %dma_start3A_201 = arith.constant 0 : i32
      %dma_start3A_202 = tpu.memref_slice %arg2[%dma_start3A_200, %dma_start3A_201] : memref<10000x128xf32, #tpu.memory_space<hbm>> -> memref<10000x128xf32, #tpu.memory_space<hbm>>
      tpu.enqueue_indirect_dma source(%dma_start3A_202 : memref<10000x128xf32, #tpu.memory_space<hbm>>) target(%arg11 : memref<128x128xf32, #tpu.memory_space<vmem>>) offsets(%dma_start3A_199 : memref<128xi32, #tpu.memory_space<vmem>>) semaphore(%arg16 : memref<!tpu.dma_semaphore, #tpu.memory_space<semaphore_mem>>)
      %dma_start3A_203 = arith.constant 1 : i32
      %dma_start3A_204 = arith.constant 0 : i32
      %dma_start3A_205 = tpu.memref_slice %arg7[%dma_start3A_203, %dma_start3A_204] : memref<8x128xi32, #tpu.memory_space<vmem>> -> memref<1x128xi32, #tpu.memory_space<vmem>>
      %dma_start3A_206 = tpu.memref_squeeze %dma_start3A_205 : memref<1x128xi32, #tpu.memory_space<vmem>> -> memref<128xi32, #tpu.memory_space<vmem>>
      %dma_start3A_207 = arith.constant 0 : i32
      %dma_start3A_208 = arith.constant 0 : i32
      %dma_start3A_209 = tpu.memref_slice %arg2[%dma_start3A_207, %dma_start3A_208] : memref<10000x128xf32, #tpu.memory_space<hbm>> -> memref<10000x128xf32, #tpu.memory_space<hbm>>
      tpu.enqueue_indirect_dma source(%dma_start3A_209 : memref<10000x128xf32, #tpu.memory_space<hbm>>) target(%arg12 : memref<128x128xf32, #tpu.memory_space<vmem>>) offsets(%dma_start3A_206 : memref<128xi32, #tpu.memory_space<vmem>>) semaphore(%arg17 : memref<!tpu.dma_semaphore, #tpu.memory_space<semaphore_mem>>)
      %dma_wait3A_210 = arith.constant 0 : i32
      %dma_wait3A_211 = arith.constant 0 : i32
      %dma_wait3A_212 = tpu.memref_slice %arg7[%dma_wait3A_210, %dma_wait3A_211] : memref<8x128xi32, #tpu.memory_space<vmem>> -> memref<1x128xi32, #tpu.memory_space<vmem>>
      %dma_wait3A_213 = tpu.memref_squeeze %dma_wait3A_212 : memref<1x128xi32, #tpu.memory_space<vmem>> -> memref<128xi32, #tpu.memory_space<vmem>>
      %dma_wait3A_214 = arith.constant 0 : i32
      %dma_wait3A_215 = arith.constant 0 : i32
      %dma_wait3A_216 = tpu.memref_slice %arg2[%dma_wait3A_214, %dma_wait3A_215] : memref<10000x128xf32, #tpu.memory_space<hbm>> -> memref<10000x128xf32, #tpu.memory_space<hbm>>
      tpu.wait_indirect_dma semaphore(%arg16 : memref<!tpu.dma_semaphore, #tpu.memory_space<semaphore_mem>>) src(%dma_wait3A_216 : memref<10000x128xf32, #tpu.memory_space<hbm>>) dst(%arg11 : memref<128x128xf32, #tpu.memory_space<vmem>>)
      %run_scoped3A = arith.constant 0 : i32
      "tpu.region"() ({
        %run_scoped3A_464 = tpu.sem_alloc : memref<!tpu.dma_semaphore, #tpu.memory_space<semaphore_mem>>
        %dma_start3A_465 = arith.constant 0 : i32
        %dma_start3A_466 = tpu.memref_slice %arg8[%run_scoped3A, %dma_start3A_465] : memref<8x128xi32, #tpu.memory_space<vmem>> -> memref<1x128xi32, #tpu.memory_space<vmem>>
        %dma_start3A_467 = tpu.memref_squeeze %dma_start3A_466 : memref<1x128xi32, #tpu.memory_space<vmem>> -> memref<128xi32, #tpu.memory_space<vmem>>
        %dma_start3A_468 = arith.constant 0 : i32
        %dma_start3A_469 = arith.constant 0 : i32
        %dma_start3A_470 = tpu.memref_slice %arg13[%dma_start3A_468, %dma_start3A_469] : memref<10240x128xf32, #tpu.memory_space<vmem_shared>> -> memref<10240x128xf32, #tpu.memory_space<vmem_shared>>
        tpu.enqueue_indirect_dma source(%arg11 : memref<128x128xf32, #tpu.memory_space<vmem>>) target(%dma_start3A_470 : memref<10240x128xf32, #tpu.memory_space<vmem_shared>>) offsets(%dma_start3A_467 : memref<128xi32, #tpu.memory_space<vmem>>) semaphore(%run_scoped3A_464 : memref<!tpu.dma_semaphore, #tpu.memory_space<semaphore_mem>>) {add = true}
        %dma_wait3A_471 = arith.constant 0 : i32
        %dma_wait3A_472 = tpu.memref_slice %arg8[%run_scoped3A, %dma_wait3A_471] : memref<8x128xi32, #tpu.memory_space<vmem>> -> memref<1x128xi32, #tpu.memory_space<vmem>>
        %dma_wait3A_473 = tpu.memref_squeeze %dma_wait3A_472 : memref<1x128xi32, #tpu.memory_space<vmem>> -> memref<128xi32, #tpu.memory_space<vmem>>
        %dma_wait3A_474 = arith.constant 0 : i32
        %dma_wait3A_475 = arith.constant 0 : i32
        %dma_wait3A_476 = tpu.memref_slice %arg13[%dma_wait3A_474, %dma_wait3A_475] : memref<10240x128xf32, #tpu.memory_space<vmem_shared>> -> memref<10240x128xf32, #tpu.memory_space<vmem_shared>>
        tpu.wait_indirect_dma semaphore(%run_scoped3A_464 : memref<!tpu.dma_semaphore, #tpu.memory_space<semaphore_mem>>) src(%arg11 : memref<128x128xf32, #tpu.memory_space<vmem>>) dst(%dma_wait3A_476 : memref<10240x128xf32, #tpu.memory_space<vmem_shared>>)
        tpu.yield
      }) : () -> ()
      %dma_start3A_217 = arith.constant 2 : i32
      %dma_start3A_218 = arith.constant 0 : i32
      %dma_start3A_219 = tpu.memref_slice %arg7[%dma_start3A_217, %dma_start3A_218] : memref<8x128xi32, #tpu.memory_space<vmem>> -> memref<1x128xi32, #tpu.memory_space<vmem>>
      %dma_start3A_220 = tpu.memref_squeeze %dma_start3A_219 : memref<1x128xi32, #tpu.memory_space<vmem>> -> memref<128xi32, #tpu.memory_space<vmem>>
      %dma_start3A_221 = arith.constant 0 : i32
      %dma_start3A_222 = arith.constant 0 : i32
      %dma_start3A_223 = tpu.memref_slice %arg2[%dma_start3A_221, %dma_start3A_222] : memref<10000x128xf32, #tpu.memory_space<hbm>> -> memref<10000x128xf32, #tpu.memory_space<hbm>>
      tpu.enqueue_indirect_dma source(%dma_start3A_223 : memref<10000x128xf32, #tpu.memory_space<hbm>>) target(%arg11 : memref<128x128xf32, #tpu.memory_space<vmem>>) offsets(%dma_start3A_220 : memref<128xi32, #tpu.memory_space<vmem>>) semaphore(%arg16 : memref<!tpu.dma_semaphore, #tpu.memory_space<semaphore_mem>>)
      %dma_wait3A_224 = arith.constant 1 : i32
      %dma_wait3A_225 = arith.constant 0 : i32
      %dma_wait3A_226 = tpu.memref_slice %arg7[%dma_wait3A_224, %dma_wait3A_225] : memref<8x128xi32, #tpu.memory_space<vmem>> -> memref<1x128xi32, #tpu.memory_space<vmem>>
      %dma_wait3A_227 = tpu.memref_squeeze %dma_wait3A_226 : memref<1x128xi32, #tpu.memory_space<vmem>> -> memref<128xi32, #tpu.memory_space<vmem>>
      %dma_wait3A_228 = arith.constant 0 : i32
      %dma_wait3A_229 = arith.constant 0 : i32
      %dma_wait3A_230 = tpu.memref_slice %arg2[%dma_wait3A_228, %dma_wait3A_229] : memref<10000x128xf32, #tpu.memory_space<hbm>> -> memref<10000x128xf32, #tpu.memory_space<hbm>>
      tpu.wait_indirect_dma semaphore(%arg17 : memref<!tpu.dma_semaphore, #tpu.memory_space<semaphore_mem>>) src(%dma_wait3A_230 : memref<10000x128xf32, #tpu.memory_space<hbm>>) dst(%arg12 : memref<128x128xf32, #tpu.memory_space<vmem>>)
      %run_scoped3A_231 = arith.constant 1 : i32
      "tpu.region"() ({
        %run_scoped3A_464 = tpu.sem_alloc : memref<!tpu.dma_semaphore, #tpu.memory_space<semaphore_mem>>
        %dma_start3A_465 = arith.constant 0 : i32
        %dma_start3A_466 = tpu.memref_slice %arg8[%run_scoped3A_231, %dma_start3A_465] : memref<8x128xi32, #tpu.memory_space<vmem>> -> memref<1x128xi32, #tpu.memory_space<vmem>>
        %dma_start3A_467 = tpu.memref_squeeze %dma_start3A_466 : memref<1x128xi32, #tpu.memory_space<vmem>> -> memref<128xi32, #tpu.memory_space<vmem>>
        %dma_start3A_468 = arith.constant 0 : i32
        %dma_start3A_469 = arith.constant 0 : i32
        %dma_start3A_470 = tpu.memref_slice %arg13[%dma_start3A_468, %dma_start3A_469] : memref<10240x128xf32, #tpu.memory_space<vmem_shared>> -> memref<10240x128xf32, #tpu.memory_space<vmem_shared>>
        tpu.enqueue_indirect_dma source(%arg12 : memref<128x128xf32, #tpu.memory_space<vmem>>) target(%dma_start3A_470 : memref<10240x128xf32, #tpu.memory_space<vmem_shared>>) offsets(%dma_start3A_467 : memref<128xi32, #tpu.memory_space<vmem>>) semaphore(%run_scoped3A_464 : memref<!tpu.dma_semaphore, #tpu.memory_space<semaphore_mem>>) {add = true}
        %dma_wait3A_471 = arith.constant 0 : i32
        %dma_wait3A_472 = tpu.memref_slice %arg8[%run_scoped3A_231, %dma_wait3A_471] : memref<8x128xi32, #tpu.memory_space<vmem>> -> memref<1x128xi32, #tpu.memory_space<vmem>>
        %dma_wait3A_473 = tpu.memref_squeeze %dma_wait3A_472 : memref<1x128xi32, #tpu.memory_space<vmem>> -> memref<128xi32, #tpu.memory_space<vmem>>
        %dma_wait3A_474 = arith.constant 0 : i32
        %dma_wait3A_475 = arith.constant 0 : i32
        %dma_wait3A_476 = tpu.memref_slice %arg13[%dma_wait3A_474, %dma_wait3A_475] : memref<10240x128xf32, #tpu.memory_space<vmem_shared>> -> memref<10240x128xf32, #tpu.memory_space<vmem_shared>>
        tpu.wait_indirect_dma semaphore(%run_scoped3A_464 : memref<!tpu.dma_semaphore, #tpu.memory_space<semaphore_mem>>) src(%arg12 : memref<128x128xf32, #tpu.memory_space<vmem>>) dst(%dma_wait3A_476 : memref<10240x128xf32, #tpu.memory_space<vmem_shared>>)
        tpu.yield
      }) : () -> ()
      %dma_start3A_232 = arith.constant 3 : i32
      %dma_start3A_233 = arith.constant 0 : i32
      %dma_start3A_234 = tpu.memref_slice %arg7[%dma_start3A_232, %dma_start3A_233] : memref<8x128xi32, #tpu.memory_space<vmem>> -> memref<1x128xi32, #tpu.memory_space<vmem>>
      %dma_start3A_235 = tpu.memref_squeeze %dma_start3A_234 : memref<1x128xi32, #tpu.memory_space<vmem>> -> memref<128xi32, #tpu.memory_space<vmem>>
      %dma_start3A_236 = arith.constant 0 : i32
      %dma_start3A_237 = arith.constant 0 : i32
      %dma_start3A_238 = tpu.memref_slice %arg2[%dma_start3A_236, %dma_start3A_237] : memref<10000x128xf32, #tpu.memory_space<hbm>> -> memref<10000x128xf32, #tpu.memory_space<hbm>>
      tpu.enqueue_indirect_dma source(%dma_start3A_238 : memref<10000x128xf32, #tpu.memory_space<hbm>>) target(%arg12 : memref<128x128xf32, #tpu.memory_space<vmem>>) offsets(%dma_start3A_235 : memref<128xi32, #tpu.memory_space<vmem>>) semaphore(%arg17 : memref<!tpu.dma_semaphore, #tpu.memory_space<semaphore_mem>>)
      %dma_wait3A_239 = arith.constant 2 : i32
      %dma_wait3A_240 = arith.constant 0 : i32
      %dma_wait3A_241 = tpu.memref_slice %arg7[%dma_wait3A_239, %dma_wait3A_240] : memref<8x128xi32, #tpu.memory_space<vmem>> -> memref<1x128xi32, #tpu.memory_space<vmem>>
      %dma_wait3A_242 = tpu.memref_squeeze %dma_wait3A_241 : memref<1x128xi32, #tpu.memory_space<vmem>> -> memref<128xi32, #tpu.memory_space<vmem>>
      %dma_wait3A_243 = arith.constant 0 : i32
      %dma_wait3A_244 = arith.constant 0 : i32
      %dma_wait3A_245 = tpu.memref_slice %arg2[%dma_wait3A_243, %dma_wait3A_244] : memref<10000x128xf32, #tpu.memory_space<hbm>> -> memref<10000x128xf32, #tpu.memory_space<hbm>>
      tpu.wait_indirect_dma semaphore(%arg16 : memref<!tpu.dma_semaphore, #tpu.memory_space<semaphore_mem>>) src(%dma_wait3A_245 : memref<10000x128xf32, #tpu.memory_space<hbm>>) dst(%arg11 : memref<128x128xf32, #tpu.memory_space<vmem>>)
      %run_scoped3A_246 = arith.constant 2 : i32
      "tpu.region"() ({
        %run_scoped3A_464 = tpu.sem_alloc : memref<!tpu.dma_semaphore, #tpu.memory_space<semaphore_mem>>
        %dma_start3A_465 = arith.constant 0 : i32
        %dma_start3A_466 = tpu.memref_slice %arg8[%run_scoped3A_246, %dma_start3A_465] : memref<8x128xi32, #tpu.memory_space<vmem>> -> memref<1x128xi32, #tpu.memory_space<vmem>>
        %dma_start3A_467 = tpu.memref_squeeze %dma_start3A_466 : memref<1x128xi32, #tpu.memory_space<vmem>> -> memref<128xi32, #tpu.memory_space<vmem>>
        %dma_start3A_468 = arith.constant 0 : i32
        %dma_start3A_469 = arith.constant 0 : i32
        %dma_start3A_470 = tpu.memref_slice %arg13[%dma_start3A_468, %dma_start3A_469] : memref<10240x128xf32, #tpu.memory_space<vmem_shared>> -> memref<10240x128xf32, #tpu.memory_space<vmem_shared>>
        tpu.enqueue_indirect_dma source(%arg11 : memref<128x128xf32, #tpu.memory_space<vmem>>) target(%dma_start3A_470 : memref<10240x128xf32, #tpu.memory_space<vmem_shared>>) offsets(%dma_start3A_467 : memref<128xi32, #tpu.memory_space<vmem>>) semaphore(%run_scoped3A_464 : memref<!tpu.dma_semaphore, #tpu.memory_space<semaphore_mem>>) {add = true}
        %dma_wait3A_471 = arith.constant 0 : i32
        %dma_wait3A_472 = tpu.memref_slice %arg8[%run_scoped3A_246, %dma_wait3A_471] : memref<8x128xi32, #tpu.memory_space<vmem>> -> memref<1x128xi32, #tpu.memory_space<vmem>>
        %dma_wait3A_473 = tpu.memref_squeeze %dma_wait3A_472 : memref<1x128xi32, #tpu.memory_space<vmem>> -> memref<128xi32, #tpu.memory_space<vmem>>
        %dma_wait3A_474 = arith.constant 0 : i32
        %dma_wait3A_475 = arith.constant 0 : i32
        %dma_wait3A_476 = tpu.memref_slice %arg13[%dma_wait3A_474, %dma_wait3A_475] : memref<10240x128xf32, #tpu.memory_space<vmem_shared>> -> memref<10240x128xf32, #tpu.memory_space<vmem_shared>>
        tpu.wait_indirect_dma semaphore(%run_scoped3A_464 : memref<!tpu.dma_semaphore, #tpu.memory_space<semaphore_mem>>) src(%arg11 : memref<128x128xf32, #tpu.memory_space<vmem>>) dst(%dma_wait3A_476 : memref<10240x128xf32, #tpu.memory_space<vmem_shared>>)
        tpu.yield
      }) : () -> ()
      %dma_start3A_247 = arith.constant 4 : i32
      %dma_start3A_248 = arith.constant 0 : i32
      %dma_start3A_249 = tpu.memref_slice %arg7[%dma_start3A_247, %dma_start3A_248] : memref<8x128xi32, #tpu.memory_space<vmem>> -> memref<1x128xi32, #tpu.memory_space<vmem>>
      %dma_start3A_250 = tpu.memref_squeeze %dma_start3A_249 : memref<1x128xi32, #tpu.memory_space<vmem>> -> memref<128xi32, #tpu.memory_space<vmem>>
      %dma_start3A_251 = arith.constant 0 : i32
      %dma_start3A_252 = arith.constant 0 : i32
      %dma_start3A_253 = tpu.memref_slice %arg2[%dma_start3A_251, %dma_start3A_252] : memref<10000x128xf32, #tpu.memory_space<hbm>> -> memref<10000x128xf32, #tpu.memory_space<hbm>>
      tpu.enqueue_indirect_dma source(%dma_start3A_253 : memref<10000x128xf32, #tpu.memory_space<hbm>>) target(%arg11 : memref<128x128xf32, #tpu.memory_space<vmem>>) offsets(%dma_start3A_250 : memref<128xi32, #tpu.memory_space<vmem>>) semaphore(%arg16 : memref<!tpu.dma_semaphore, #tpu.memory_space<semaphore_mem>>)
      %dma_wait3A_254 = arith.constant 3 : i32
      %dma_wait3A_255 = arith.constant 0 : i32
      %dma_wait3A_256 = tpu.memref_slice %arg7[%dma_wait3A_254, %dma_wait3A_255] : memref<8x128xi32, #tpu.memory_space<vmem>> -> memref<1x128xi32, #tpu.memory_space<vmem>>
      %dma_wait3A_257 = tpu.memref_squeeze %dma_wait3A_256 : memref<1x128xi32, #tpu.memory_space<vmem>> -> memref<128xi32, #tpu.memory_space<vmem>>
      %dma_wait3A_258 = arith.constant 0 : i32
      %dma_wait3A_259 = arith.constant 0 : i32
      %dma_wait3A_260 = tpu.memref_slice %arg2[%dma_wait3A_258, %dma_wait3A_259] : memref<10000x128xf32, #tpu.memory_space<hbm>> -> memref<10000x128xf32, #tpu.memory_space<hbm>>
      tpu.wait_indirect_dma semaphore(%arg17 : memref<!tpu.dma_semaphore, #tpu.memory_space<semaphore_mem>>) src(%dma_wait3A_260 : memref<10000x128xf32, #tpu.memory_space<hbm>>) dst(%arg12 : memref<128x128xf32, #tpu.memory_space<vmem>>)
      %run_scoped3A_261 = arith.constant 3 : i32
      "tpu.region"() ({
        %run_scoped3A_464 = tpu.sem_alloc : memref<!tpu.dma_semaphore, #tpu.memory_space<semaphore_mem>>
        %dma_start3A_465 = arith.constant 0 : i32
        %dma_start3A_466 = tpu.memref_slice %arg8[%run_scoped3A_261, %dma_start3A_465] : memref<8x128xi32, #tpu.memory_space<vmem>> -> memref<1x128xi32, #tpu.memory_space<vmem>>
        %dma_start3A_467 = tpu.memref_squeeze %dma_start3A_466 : memref<1x128xi32, #tpu.memory_space<vmem>> -> memref<128xi32, #tpu.memory_space<vmem>>
        %dma_start3A_468 = arith.constant 0 : i32
        %dma_start3A_469 = arith.constant 0 : i32
        %dma_start3A_470 = tpu.memref_slice %arg13[%dma_start3A_468, %dma_start3A_469] : memref<10240x128xf32, #tpu.memory_space<vmem_shared>> -> memref<10240x128xf32, #tpu.memory_space<vmem_shared>>
        tpu.enqueue_indirect_dma source(%arg12 : memref<128x128xf32, #tpu.memory_space<vmem>>) target(%dma_start3A_470 : memref<10240x128xf32, #tpu.memory_space<vmem_shared>>) offsets(%dma_start3A_467 : memref<128xi32, #tpu.memory_space<vmem>>) semaphore(%run_scoped3A_464 : memref<!tpu.dma_semaphore, #tpu.memory_space<semaphore_mem>>) {add = true}
        %dma_wait3A_471 = arith.constant 0 : i32
        %dma_wait3A_472 = tpu.memref_slice %arg8[%run_scoped3A_261, %dma_wait3A_471] : memref<8x128xi32, #tpu.memory_space<vmem>> -> memref<1x128xi32, #tpu.memory_space<vmem>>
        %dma_wait3A_473 = tpu.memref_squeeze %dma_wait3A_472 : memref<1x128xi32, #tpu.memory_space<vmem>> -> memref<128xi32, #tpu.memory_space<vmem>>
        %dma_wait3A_474 = arith.constant 0 : i32
        %dma_wait3A_475 = arith.constant 0 : i32
        %dma_wait3A_476 = tpu.memref_slice %arg13[%dma_wait3A_474, %dma_wait3A_475] : memref<10240x128xf32, #tpu.memory_space<vmem_shared>> -> memref<10240x128xf32, #tpu.memory_space<vmem_shared>>
        tpu.wait_indirect_dma semaphore(%run_scoped3A_464 : memref<!tpu.dma_semaphore, #tpu.memory_space<semaphore_mem>>) src(%arg12 : memref<128x128xf32, #tpu.memory_space<vmem>>) dst(%dma_wait3A_476 : memref<10240x128xf32, #tpu.memory_space<vmem_shared>>)
        tpu.yield
      }) : () -> ()
      %dma_start3A_262 = arith.constant 5 : i32
      %dma_start3A_263 = arith.constant 0 : i32
      %dma_start3A_264 = tpu.memref_slice %arg7[%dma_start3A_262, %dma_start3A_263] : memref<8x128xi32, #tpu.memory_space<vmem>> -> memref<1x128xi32, #tpu.memory_space<vmem>>
      %dma_start3A_265 = tpu.memref_squeeze %dma_start3A_264 : memref<1x128xi32, #tpu.memory_space<vmem>> -> memref<128xi32, #tpu.memory_space<vmem>>
      %dma_start3A_266 = arith.constant 0 : i32
      %dma_start3A_267 = arith.constant 0 : i32
      %dma_start3A_268 = tpu.memref_slice %arg2[%dma_start3A_266, %dma_start3A_267] : memref<10000x128xf32, #tpu.memory_space<hbm>> -> memref<10000x128xf32, #tpu.memory_space<hbm>>
      tpu.enqueue_indirect_dma source(%dma_start3A_268 : memref<10000x128xf32, #tpu.memory_space<hbm>>) target(%arg12 : memref<128x128xf32, #tpu.memory_space<vmem>>) offsets(%dma_start3A_265 : memref<128xi32, #tpu.memory_space<vmem>>) semaphore(%arg17 : memref<!tpu.dma_semaphore, #tpu.memory_space<semaphore_mem>>)
      %dma_wait3A_269 = arith.constant 4 : i32
      %dma_wait3A_270 = arith.constant 0 : i32
      %dma_wait3A_271 = tpu.memref_slice %arg7[%dma_wait3A_269, %dma_wait3A_270] : memref<8x128xi32, #tpu.memory_space<vmem>> -> memref<1x128xi32, #tpu.memory_space<vmem>>
      %dma_wait3A_272 = tpu.memref_squeeze %dma_wait3A_271 : memref<1x128xi32, #tpu.memory_space<vmem>> -> memref<128xi32, #tpu.memory_space<vmem>>
      %dma_wait3A_273 = arith.constant 0 : i32
      %dma_wait3A_274 = arith.constant 0 : i32
      %dma_wait3A_275 = tpu.memref_slice %arg2[%dma_wait3A_273, %dma_wait3A_274] : memref<10000x128xf32, #tpu.memory_space<hbm>> -> memref<10000x128xf32, #tpu.memory_space<hbm>>
      tpu.wait_indirect_dma semaphore(%arg16 : memref<!tpu.dma_semaphore, #tpu.memory_space<semaphore_mem>>) src(%dma_wait3A_275 : memref<10000x128xf32, #tpu.memory_space<hbm>>) dst(%arg11 : memref<128x128xf32, #tpu.memory_space<vmem>>)
      %run_scoped3A_276 = arith.constant 4 : i32
      "tpu.region"() ({
        %run_scoped3A_464 = tpu.sem_alloc : memref<!tpu.dma_semaphore, #tpu.memory_space<semaphore_mem>>
        %dma_start3A_465 = arith.constant 0 : i32
        %dma_start3A_466 = tpu.memref_slice %arg8[%run_scoped3A_276, %dma_start3A_465] : memref<8x128xi32, #tpu.memory_space<vmem>> -> memref<1x128xi32, #tpu.memory_space<vmem>>
        %dma_start3A_467 = tpu.memref_squeeze %dma_start3A_466 : memref<1x128xi32, #tpu.memory_space<vmem>> -> memref<128xi32, #tpu.memory_space<vmem>>
        %dma_start3A_468 = arith.constant 0 : i32
        %dma_start3A_469 = arith.constant 0 : i32
        %dma_start3A_470 = tpu.memref_slice %arg13[%dma_start3A_468, %dma_start3A_469] : memref<10240x128xf32, #tpu.memory_space<vmem_shared>> -> memref<10240x128xf32, #tpu.memory_space<vmem_shared>>
        tpu.enqueue_indirect_dma source(%arg11 : memref<128x128xf32, #tpu.memory_space<vmem>>) target(%dma_start3A_470 : memref<10240x128xf32, #tpu.memory_space<vmem_shared>>) offsets(%dma_start3A_467 : memref<128xi32, #tpu.memory_space<vmem>>) semaphore(%run_scoped3A_464 : memref<!tpu.dma_semaphore, #tpu.memory_space<semaphore_mem>>) {add = true}
        %dma_wait3A_471 = arith.constant 0 : i32
        %dma_wait3A_472 = tpu.memref_slice %arg8[%run_scoped3A_276, %dma_wait3A_471] : memref<8x128xi32, #tpu.memory_space<vmem>> -> memref<1x128xi32, #tpu.memory_space<vmem>>
        %dma_wait3A_473 = tpu.memref_squeeze %dma_wait3A_472 : memref<1x128xi32, #tpu.memory_space<vmem>> -> memref<128xi32, #tpu.memory_space<vmem>>
        %dma_wait3A_474 = arith.constant 0 : i32
        %dma_wait3A_475 = arith.constant 0 : i32
        %dma_wait3A_476 = tpu.memref_slice %arg13[%dma_wait3A_474, %dma_wait3A_475] : memref<10240x128xf32, #tpu.memory_space<vmem_shared>> -> memref<10240x128xf32, #tpu.memory_space<vmem_shared>>
        tpu.wait_indirect_dma semaphore(%run_scoped3A_464 : memref<!tpu.dma_semaphore, #tpu.memory_space<semaphore_mem>>) src(%arg11 : memref<128x128xf32, #tpu.memory_space<vmem>>) dst(%dma_wait3A_476 : memref<10240x128xf32, #tpu.memory_space<vmem_shared>>)
        tpu.yield
      }) : () -> ()
      %dma_start3A_277 = arith.constant 6 : i32
      %dma_start3A_278 = arith.constant 0 : i32
      %dma_start3A_279 = tpu.memref_slice %arg7[%dma_start3A_277, %dma_start3A_278] : memref<8x128xi32, #tpu.memory_space<vmem>> -> memref<1x128xi32, #tpu.memory_space<vmem>>
      %dma_start3A_280 = tpu.memref_squeeze %dma_start3A_279 : memref<1x128xi32, #tpu.memory_space<vmem>> -> memref<128xi32, #tpu.memory_space<vmem>>
      %dma_start3A_281 = arith.constant 0 : i32
      %dma_start3A_282 = arith.constant 0 : i32
      %dma_start3A_283 = tpu.memref_slice %arg2[%dma_start3A_281, %dma_start3A_282] : memref<10000x128xf32, #tpu.memory_space<hbm>> -> memref<10000x128xf32, #tpu.memory_space<hbm>>
      tpu.enqueue_indirect_dma source(%dma_start3A_283 : memref<10000x128xf32, #tpu.memory_space<hbm>>) target(%arg11 : memref<128x128xf32, #tpu.memory_space<vmem>>) offsets(%dma_start3A_280 : memref<128xi32, #tpu.memory_space<vmem>>) semaphore(%arg16 : memref<!tpu.dma_semaphore, #tpu.memory_space<semaphore_mem>>)
      %dma_wait3A_284 = arith.constant 5 : i32
      %dma_wait3A_285 = arith.constant 0 : i32
      %dma_wait3A_286 = tpu.memref_slice %arg7[%dma_wait3A_284, %dma_wait3A_285] : memref<8x128xi32, #tpu.memory_space<vmem>> -> memref<1x128xi32, #tpu.memory_space<vmem>>
      %dma_wait3A_287 = tpu.memref_squeeze %dma_wait3A_286 : memref<1x128xi32, #tpu.memory_space<vmem>> -> memref<128xi32, #tpu.memory_space<vmem>>
      %dma_wait3A_288 = arith.constant 0 : i32
      %dma_wait3A_289 = arith.constant 0 : i32
      %dma_wait3A_290 = tpu.memref_slice %arg2[%dma_wait3A_288, %dma_wait3A_289] : memref<10000x128xf32, #tpu.memory_space<hbm>> -> memref<10000x128xf32, #tpu.memory_space<hbm>>
      tpu.wait_indirect_dma semaphore(%arg17 : memref<!tpu.dma_semaphore, #tpu.memory_space<semaphore_mem>>) src(%dma_wait3A_290 : memref<10000x128xf32, #tpu.memory_space<hbm>>) dst(%arg12 : memref<128x128xf32, #tpu.memory_space<vmem>>)
      %run_scoped3A_291 = arith.constant 5 : i32
      "tpu.region"() ({
        %run_scoped3A_464 = tpu.sem_alloc : memref<!tpu.dma_semaphore, #tpu.memory_space<semaphore_mem>>
        %dma_start3A_465 = arith.constant 0 : i32
        %dma_start3A_466 = tpu.memref_slice %arg8[%run_scoped3A_291, %dma_start3A_465] : memref<8x128xi32, #tpu.memory_space<vmem>> -> memref<1x128xi32, #tpu.memory_space<vmem>>
        %dma_start3A_467 = tpu.memref_squeeze %dma_start3A_466 : memref<1x128xi32, #tpu.memory_space<vmem>> -> memref<128xi32, #tpu.memory_space<vmem>>
        %dma_start3A_468 = arith.constant 0 : i32
        %dma_start3A_469 = arith.constant 0 : i32
        %dma_start3A_470 = tpu.memref_slice %arg13[%dma_start3A_468, %dma_start3A_469] : memref<10240x128xf32, #tpu.memory_space<vmem_shared>> -> memref<10240x128xf32, #tpu.memory_space<vmem_shared>>
        tpu.enqueue_indirect_dma source(%arg12 : memref<128x128xf32, #tpu.memory_space<vmem>>) target(%dma_start3A_470 : memref<10240x128xf32, #tpu.memory_space<vmem_shared>>) offsets(%dma_start3A_467 : memref<128xi32, #tpu.memory_space<vmem>>) semaphore(%run_scoped3A_464 : memref<!tpu.dma_semaphore, #tpu.memory_space<semaphore_mem>>) {add = true}
        %dma_wait3A_471 = arith.constant 0 : i32
        %dma_wait3A_472 = tpu.memref_slice %arg8[%run_scoped3A_291, %dma_wait3A_471] : memref<8x128xi32, #tpu.memory_space<vmem>> -> memref<1x128xi32, #tpu.memory_space<vmem>>
        %dma_wait3A_473 = tpu.memref_squeeze %dma_wait3A_472 : memref<1x128xi32, #tpu.memory_space<vmem>> -> memref<128xi32, #tpu.memory_space<vmem>>
        %dma_wait3A_474 = arith.constant 0 : i32
        %dma_wait3A_475 = arith.constant 0 : i32
        %dma_wait3A_476 = tpu.memref_slice %arg13[%dma_wait3A_474, %dma_wait3A_475] : memref<10240x128xf32, #tpu.memory_space<vmem_shared>> -> memref<10240x128xf32, #tpu.memory_space<vmem_shared>>
        tpu.wait_indirect_dma semaphore(%run_scoped3A_464 : memref<!tpu.dma_semaphore, #tpu.memory_space<semaphore_mem>>) src(%arg12 : memref<128x128xf32, #tpu.memory_space<vmem>>) dst(%dma_wait3A_476 : memref<10240x128xf32, #tpu.memory_space<vmem_shared>>)
        tpu.yield
      }) : () -> ()
      %dma_start3A_292 = arith.constant 7 : i32
      %dma_start3A_293 = arith.constant 0 : i32
      %dma_start3A_294 = tpu.memref_slice %arg7[%dma_start3A_292, %dma_start3A_293] : memref<8x128xi32, #tpu.memory_space<vmem>> -> memref<1x128xi32, #tpu.memory_space<vmem>>
      %dma_start3A_295 = tpu.memref_squeeze %dma_start3A_294 : memref<1x128xi32, #tpu.memory_space<vmem>> -> memref<128xi32, #tpu.memory_space<vmem>>
      %dma_start3A_296 = arith.constant 0 : i32
      %dma_start3A_297 = arith.constant 0 : i32
      %dma_start3A_298 = tpu.memref_slice %arg2[%dma_start3A_296, %dma_start3A_297] : memref<10000x128xf32, #tpu.memory_space<hbm>> -> memref<10000x128xf32, #tpu.memory_space<hbm>>
      tpu.enqueue_indirect_dma source(%dma_start3A_298 : memref<10000x128xf32, #tpu.memory_space<hbm>>) target(%arg12 : memref<128x128xf32, #tpu.memory_space<vmem>>) offsets(%dma_start3A_295 : memref<128xi32, #tpu.memory_space<vmem>>) semaphore(%arg17 : memref<!tpu.dma_semaphore, #tpu.memory_space<semaphore_mem>>)
      %dma_wait3A_299 = arith.constant 6 : i32
      %dma_wait3A_300 = arith.constant 0 : i32
      %dma_wait3A_301 = tpu.memref_slice %arg7[%dma_wait3A_299, %dma_wait3A_300] : memref<8x128xi32, #tpu.memory_space<vmem>> -> memref<1x128xi32, #tpu.memory_space<vmem>>
      %dma_wait3A_302 = tpu.memref_squeeze %dma_wait3A_301 : memref<1x128xi32, #tpu.memory_space<vmem>> -> memref<128xi32, #tpu.memory_space<vmem>>
      %dma_wait3A_303 = arith.constant 0 : i32
      %dma_wait3A_304 = arith.constant 0 : i32
      %dma_wait3A_305 = tpu.memref_slice %arg2[%dma_wait3A_303, %dma_wait3A_304] : memref<10000x128xf32, #tpu.memory_space<hbm>> -> memref<10000x128xf32, #tpu.memory_space<hbm>>
      tpu.wait_indirect_dma semaphore(%arg16 : memref<!tpu.dma_semaphore, #tpu.memory_space<semaphore_mem>>) src(%dma_wait3A_305 : memref<10000x128xf32, #tpu.memory_space<hbm>>) dst(%arg11 : memref<128x128xf32, #tpu.memory_space<vmem>>)
      %run_scoped3A_306 = arith.constant 6 : i32
      "tpu.region"() ({
        %run_scoped3A_464 = tpu.sem_alloc : memref<!tpu.dma_semaphore, #tpu.memory_space<semaphore_mem>>
        %dma_start3A_465 = arith.constant 0 : i32
        %dma_start3A_466 = tpu.memref_slice %arg8[%run_scoped3A_306, %dma_start3A_465] : memref<8x128xi32, #tpu.memory_space<vmem>> -> memref<1x128xi32, #tpu.memory_space<vmem>>
        %dma_start3A_467 = tpu.memref_squeeze %dma_start3A_466 : memref<1x128xi32, #tpu.memory_space<vmem>> -> memref<128xi32, #tpu.memory_space<vmem>>
        %dma_start3A_468 = arith.constant 0 : i32
        %dma_start3A_469 = arith.constant 0 : i32
        %dma_start3A_470 = tpu.memref_slice %arg13[%dma_start3A_468, %dma_start3A_469] : memref<10240x128xf32, #tpu.memory_space<vmem_shared>> -> memref<10240x128xf32, #tpu.memory_space<vmem_shared>>
        tpu.enqueue_indirect_dma source(%arg11 : memref<128x128xf32, #tpu.memory_space<vmem>>) target(%dma_start3A_470 : memref<10240x128xf32, #tpu.memory_space<vmem_shared>>) offsets(%dma_start3A_467 : memref<128xi32, #tpu.memory_space<vmem>>) semaphore(%run_scoped3A_464 : memref<!tpu.dma_semaphore, #tpu.memory_space<semaphore_mem>>) {add = true}
        %dma_wait3A_471 = arith.constant 0 : i32
        %dma_wait3A_472 = tpu.memref_slice %arg8[%run_scoped3A_306, %dma_wait3A_471] : memref<8x128xi32, #tpu.memory_space<vmem>> -> memref<1x128xi32, #tpu.memory_space<vmem>>
        %dma_wait3A_473 = tpu.memref_squeeze %dma_wait3A_472 : memref<1x128xi32, #tpu.memory_space<vmem>> -> memref<128xi32, #tpu.memory_space<vmem>>
        %dma_wait3A_474 = arith.constant 0 : i32
        %dma_wait3A_475 = arith.constant 0 : i32
        %dma_wait3A_476 = tpu.memref_slice %arg13[%dma_wait3A_474, %dma_wait3A_475] : memref<10240x128xf32, #tpu.memory_space<vmem_shared>> -> memref<10240x128xf32, #tpu.memory_space<vmem_shared>>
        tpu.wait_indirect_dma semaphore(%run_scoped3A_464 : memref<!tpu.dma_semaphore, #tpu.memory_space<semaphore_mem>>) src(%arg11 : memref<128x128xf32, #tpu.memory_space<vmem>>) dst(%dma_wait3A_476 : memref<10240x128xf32, #tpu.memory_space<vmem_shared>>)
        tpu.yield
      }) : () -> ()
      %dma_wait3A_307 = arith.constant 7 : i32
      %dma_wait3A_308 = arith.constant 0 : i32
      %dma_wait3A_309 = tpu.memref_slice %arg7[%dma_wait3A_307, %dma_wait3A_308] : memref<8x128xi32, #tpu.memory_space<vmem>> -> memref<1x128xi32, #tpu.memory_space<vmem>>
      %dma_wait3A_310 = tpu.memref_squeeze %dma_wait3A_309 : memref<1x128xi32, #tpu.memory_space<vmem>> -> memref<128xi32, #tpu.memory_space<vmem>>
      %dma_wait3A_311 = arith.constant 0 : i32
      %dma_wait3A_312 = arith.constant 0 : i32
      %dma_wait3A_313 = tpu.memref_slice %arg2[%dma_wait3A_311, %dma_wait3A_312] : memref<10000x128xf32, #tpu.memory_space<hbm>> -> memref<10000x128xf32, #tpu.memory_space<hbm>>
      tpu.wait_indirect_dma semaphore(%arg17 : memref<!tpu.dma_semaphore, #tpu.memory_space<semaphore_mem>>) src(%dma_wait3A_313 : memref<10000x128xf32, #tpu.memory_space<hbm>>) dst(%arg12 : memref<128x128xf32, #tpu.memory_space<vmem>>)
      %run_scoped3A_314 = arith.constant 7 : i32
      "tpu.region"() ({
        %run_scoped3A_464 = tpu.sem_alloc : memref<!tpu.dma_semaphore, #tpu.memory_space<semaphore_mem>>
        %dma_start3A_465 = arith.constant 0 : i32
        %dma_start3A_466 = tpu.memref_slice %arg8[%run_scoped3A_314, %dma_start3A_465] : memref<8x128xi32, #tpu.memory_space<vmem>> -> memref<1x128xi32, #tpu.memory_space<vmem>>
        %dma_start3A_467 = tpu.memref_squeeze %dma_start3A_466 : memref<1x128xi32, #tpu.memory_space<vmem>> -> memref<128xi32, #tpu.memory_space<vmem>>
        %dma_start3A_468 = arith.constant 0 : i32
        %dma_start3A_469 = arith.constant 0 : i32
        %dma_start3A_470 = tpu.memref_slice %arg13[%dma_start3A_468, %dma_start3A_469] : memref<10240x128xf32, #tpu.memory_space<vmem_shared>> -> memref<10240x128xf32, #tpu.memory_space<vmem_shared>>
        tpu.enqueue_indirect_dma source(%arg12 : memref<128x128xf32, #tpu.memory_space<vmem>>) target(%dma_start3A_470 : memref<10240x128xf32, #tpu.memory_space<vmem_shared>>) offsets(%dma_start3A_467 : memref<128xi32, #tpu.memory_space<vmem>>) semaphore(%run_scoped3A_464 : memref<!tpu.dma_semaphore, #tpu.memory_space<semaphore_mem>>) {add = true}
        %dma_wait3A_471 = arith.constant 0 : i32
        %dma_wait3A_472 = tpu.memref_slice %arg8[%run_scoped3A_314, %dma_wait3A_471] : memref<8x128xi32, #tpu.memory_space<vmem>> -> memref<1x128xi32, #tpu.memory_space<vmem>>
        %dma_wait3A_473 = tpu.memref_squeeze %dma_wait3A_472 : memref<1x128xi32, #tpu.memory_space<vmem>> -> memref<128xi32, #tpu.memory_space<vmem>>
        %dma_wait3A_474 = arith.constant 0 : i32
        %dma_wait3A_475 = arith.constant 0 : i32
        %dma_wait3A_476 = tpu.memref_slice %arg13[%dma_wait3A_474, %dma_wait3A_475] : memref<10240x128xf32, #tpu.memory_space<vmem_shared>> -> memref<10240x128xf32, #tpu.memory_space<vmem_shared>>
        tpu.wait_indirect_dma semaphore(%run_scoped3A_464 : memref<!tpu.dma_semaphore, #tpu.memory_space<semaphore_mem>>) src(%arg12 : memref<128x128xf32, #tpu.memory_space<vmem>>) dst(%dma_wait3A_476 : memref<10240x128xf32, #tpu.memory_space<vmem_shared>>)
        tpu.yield
      }) : () -> ()
      %dma_wait3A_315 = arith.constant 0 : i32
      %dma_wait3A_316 = arith.constant 0 : i32
      %dma_wait3A_317 = tpu.memref_slice %arg3[%dma_wait3A_315, %dma_wait3A_316] : memref<2560x128xi32, #tpu.memory_space<hbm>> -> memref<8x128xi32, #tpu.memory_space<hbm>>
      %dma_wait3A_318 = arith.constant 0 : i32
      %dma_wait3A_319 = arith.constant 0 : i32
      %dma_wait3A_320 = tpu.memref_slice %arg3[%dma_wait3A_318, %dma_wait3A_319] : memref<2560x128xi32, #tpu.memory_space<hbm>> -> memref<8x128xi32, #tpu.memory_space<hbm>>
      tpu.wait_dma2 semaphore(%arg15 : memref<!tpu.dma_semaphore, #tpu.memory_space<semaphore_mem>>) src(%dma_wait3A_320 : memref<8x128xi32, #tpu.memory_space<hbm>>) dst(%arg9 : memref<8x128xi32, #tpu.memory_space<vmem>>)
      %dma_wait3A_321 = arith.constant 0 : i32
      %dma_wait3A_322 = arith.constant 0 : i32
      %dma_wait3A_323 = tpu.memref_slice %arg4[%dma_wait3A_321, %dma_wait3A_322] : memref<2560x128xi32, #tpu.memory_space<hbm>> -> memref<8x128xi32, #tpu.memory_space<hbm>>
      %dma_wait3A_324 = arith.constant 0 : i32
      %dma_wait3A_325 = arith.constant 0 : i32
      %dma_wait3A_326 = tpu.memref_slice %arg4[%dma_wait3A_324, %dma_wait3A_325] : memref<2560x128xi32, #tpu.memory_space<hbm>> -> memref<8x128xi32, #tpu.memory_space<hbm>>
      tpu.wait_dma2 semaphore(%arg15 : memref<!tpu.dma_semaphore, #tpu.memory_space<semaphore_mem>>) src(%dma_wait3A_326 : memref<8x128xi32, #tpu.memory_space<hbm>>) dst(%arg10 : memref<8x128xi32, #tpu.memory_space<vmem>>)
      %add3A_327 = arith.constant 2 : i32
      %add3A_328 = arith.addi %mul3A_166, %add3A_327 : i32
      %mul3A_329 = arith.constant 10 : i32
      %mul3A_330 = arith.muli %add3A, %mul3A_329 : i32
      %min3A_331 = arith.constant 9 : i32
      %min3A_332 = arith.minsi %add3A_328, %min3A_331 : i32
      %add3A_333 = arith.addi %mul3A_330, %min3A_332 : i32
      %mul3A_334 = arith.constant 8 : i32
      %mul3A_335 = arith.muli %add3A_333, %mul3A_334 : i32
      %dma_start3A_336 = arith.constant 0 : i32
      %dma_start3A_337 = tpu.memref_slice %arg3[%mul3A_335, %dma_start3A_336] : memref<2560x128xi32, #tpu.memory_space<hbm>> -> memref<8x128xi32, #tpu.memory_space<hbm>>
      %dma_start3A_338 = arith.constant 0 : i32
      %dma_start3A_339 = tpu.memref_slice %arg3[%mul3A_335, %dma_start3A_338] : memref<2560x128xi32, #tpu.memory_space<hbm>> -> memref<8x128xi32, #tpu.memory_space<hbm>>
      tpu.enqueue_dma source(%dma_start3A_339 : memref<8x128xi32, #tpu.memory_space<hbm>>) target(%arg7 : memref<8x128xi32, #tpu.memory_space<vmem>>) target_semaphore(%arg14 : memref<!tpu.dma_semaphore, #tpu.memory_space<semaphore_mem>>)
      %dma_start3A_340 = arith.constant 0 : i32
      %dma_start3A_341 = tpu.memref_slice %arg4[%mul3A_335, %dma_start3A_340] : memref<2560x128xi32, #tpu.memory_space<hbm>> -> memref<8x128xi32, #tpu.memory_space<hbm>>
      %dma_start3A_342 = arith.constant 0 : i32
      %dma_start3A_343 = tpu.memref_slice %arg4[%mul3A_335, %dma_start3A_342] : memref<2560x128xi32, #tpu.memory_space<hbm>> -> memref<8x128xi32, #tpu.memory_space<hbm>>
      tpu.enqueue_dma source(%dma_start3A_343 : memref<8x128xi32, #tpu.memory_space<hbm>>) target(%arg8 : memref<8x128xi32, #tpu.memory_space<vmem>>) target_semaphore(%arg14 : memref<!tpu.dma_semaphore, #tpu.memory_space<semaphore_mem>>)
      %dma_start3A_344 = arith.constant 0 : i32
      %dma_start3A_345 = arith.constant 0 : i32
      %dma_start3A_346 = tpu.memref_slice %arg9[%dma_start3A_344, %dma_start3A_345] : memref<8x128xi32, #tpu.memory_space<vmem>> -> memref<1x128xi32, #tpu.memory_space<vmem>>
      %dma_start3A_347 = tpu.memref_squeeze %dma_start3A_346 : memref<1x128xi32, #tpu.memory_space<vmem>> -> memref<128xi32, #tpu.memory_space<vmem>>
      %dma_start3A_348 = arith.constant 0 : i32
      %dma_start3A_349 = arith.constant 0 : i32
      %dma_start3A_350 = tpu.memref_slice %arg2[%dma_start3A_348, %dma_start3A_349] : memref<10000x128xf32, #tpu.memory_space<hbm>> -> memref<10000x128xf32, #tpu.memory_space<hbm>>
      tpu.enqueue_indirect_dma source(%dma_start3A_350 : memref<10000x128xf32, #tpu.memory_space<hbm>>) target(%arg11 : memref<128x128xf32, #tpu.memory_space<vmem>>) offsets(%dma_start3A_347 : memref<128xi32, #tpu.memory_space<vmem>>) semaphore(%arg16 : memref<!tpu.dma_semaphore, #tpu.memory_space<semaphore_mem>>)
      %dma_start3A_351 = arith.constant 1 : i32
      %dma_start3A_352 = arith.constant 0 : i32
      %dma_start3A_353 = tpu.memref_slice %arg9[%dma_start3A_351, %dma_start3A_352] : memref<8x128xi32, #tpu.memory_space<vmem>> -> memref<1x128xi32, #tpu.memory_space<vmem>>
      %dma_start3A_354 = tpu.memref_squeeze %dma_start3A_353 : memref<1x128xi32, #tpu.memory_space<vmem>> -> memref<128xi32, #tpu.memory_space<vmem>>
      %dma_start3A_355 = arith.constant 0 : i32
      %dma_start3A_356 = arith.constant 0 : i32
      %dma_start3A_357 = tpu.memref_slice %arg2[%dma_start3A_355, %dma_start3A_356] : memref<10000x128xf32, #tpu.memory_space<hbm>> -> memref<10000x128xf32, #tpu.memory_space<hbm>>
      tpu.enqueue_indirect_dma source(%dma_start3A_357 : memref<10000x128xf32, #tpu.memory_space<hbm>>) target(%arg12 : memref<128x128xf32, #tpu.memory_space<vmem>>) offsets(%dma_start3A_354 : memref<128xi32, #tpu.memory_space<vmem>>) semaphore(%arg17 : memref<!tpu.dma_semaphore, #tpu.memory_space<semaphore_mem>>)
      %dma_wait3A_358 = arith.constant 0 : i32
      %dma_wait3A_359 = arith.constant 0 : i32
      %dma_wait3A_360 = tpu.memref_slice %arg9[%dma_wait3A_358, %dma_wait3A_359] : memref<8x128xi32, #tpu.memory_space<vmem>> -> memref<1x128xi32, #tpu.memory_space<vmem>>
      %dma_wait3A_361 = tpu.memref_squeeze %dma_wait3A_360 : memref<1x128xi32, #tpu.memory_space<vmem>> -> memref<128xi32, #tpu.memory_space<vmem>>
      %dma_wait3A_362 = arith.constant 0 : i32
      %dma_wait3A_363 = arith.constant 0 : i32
      %dma_wait3A_364 = tpu.memref_slice %arg2[%dma_wait3A_362, %dma_wait3A_363] : memref<10000x128xf32, #tpu.memory_space<hbm>> -> memref<10000x128xf32, #tpu.memory_space<hbm>>
      tpu.wait_indirect_dma semaphore(%arg16 : memref<!tpu.dma_semaphore, #tpu.memory_space<semaphore_mem>>) src(%dma_wait3A_364 : memref<10000x128xf32, #tpu.memory_space<hbm>>) dst(%arg11 : memref<128x128xf32, #tpu.memory_space<vmem>>)
      %run_scoped3A_365 = arith.constant 0 : i32
      "tpu.region"() ({
        %run_scoped3A_464 = tpu.sem_alloc : memref<!tpu.dma_semaphore, #tpu.memory_space<semaphore_mem>>
        %dma_start3A_465 = arith.constant 0 : i32
        %dma_start3A_466 = tpu.memref_slice %arg10[%run_scoped3A_365, %dma_start3A_465] : memref<8x128xi32, #tpu.memory_space<vmem>> -> memref<1x128xi32, #tpu.memory_space<vmem>>
        %dma_start3A_467 = tpu.memref_squeeze %dma_start3A_466 : memref<1x128xi32, #tpu.memory_space<vmem>> -> memref<128xi32, #tpu.memory_space<vmem>>
        %dma_start3A_468 = arith.constant 0 : i32
        %dma_start3A_469 = arith.constant 0 : i32
        %dma_start3A_470 = tpu.memref_slice %arg13[%dma_start3A_468, %dma_start3A_469] : memref<10240x128xf32, #tpu.memory_space<vmem_shared>> -> memref<10240x128xf32, #tpu.memory_space<vmem_shared>>
        tpu.enqueue_indirect_dma source(%arg11 : memref<128x128xf32, #tpu.memory_space<vmem>>) target(%dma_start3A_470 : memref<10240x128xf32, #tpu.memory_space<vmem_shared>>) offsets(%dma_start3A_467 : memref<128xi32, #tpu.memory_space<vmem>>) semaphore(%run_scoped3A_464 : memref<!tpu.dma_semaphore, #tpu.memory_space<semaphore_mem>>) {add = true}
        %dma_wait3A_471 = arith.constant 0 : i32
        %dma_wait3A_472 = tpu.memref_slice %arg10[%run_scoped3A_365, %dma_wait3A_471] : memref<8x128xi32, #tpu.memory_space<vmem>> -> memref<1x128xi32, #tpu.memory_space<vmem>>
        %dma_wait3A_473 = tpu.memref_squeeze %dma_wait3A_472 : memref<1x128xi32, #tpu.memory_space<vmem>> -> memref<128xi32, #tpu.memory_space<vmem>>
        %dma_wait3A_474 = arith.constant 0 : i32
        %dma_wait3A_475 = arith.constant 0 : i32
        %dma_wait3A_476 = tpu.memref_slice %arg13[%dma_wait3A_474, %dma_wait3A_475] : memref<10240x128xf32, #tpu.memory_space<vmem_shared>> -> memref<10240x128xf32, #tpu.memory_space<vmem_shared>>
        tpu.wait_indirect_dma semaphore(%run_scoped3A_464 : memref<!tpu.dma_semaphore, #tpu.memory_space<semaphore_mem>>) src(%arg11 : memref<128x128xf32, #tpu.memory_space<vmem>>) dst(%dma_wait3A_476 : memref<10240x128xf32, #tpu.memory_space<vmem_shared>>)
        tpu.yield
      }) : () -> ()
      %dma_start3A_366 = arith.constant 2 : i32
      %dma_start3A_367 = arith.constant 0 : i32
      %dma_start3A_368 = tpu.memref_slice %arg9[%dma_start3A_366, %dma_start3A_367] : memref<8x128xi32, #tpu.memory_space<vmem>> -> memref<1x128xi32, #tpu.memory_space<vmem>>
      %dma_start3A_369 = tpu.memref_squeeze %dma_start3A_368 : memref<1x128xi32, #tpu.memory_space<vmem>> -> memref<128xi32, #tpu.memory_space<vmem>>
      %dma_start3A_370 = arith.constant 0 : i32
      %dma_start3A_371 = arith.constant 0 : i32
      %dma_start3A_372 = tpu.memref_slice %arg2[%dma_start3A_370, %dma_start3A_371] : memref<10000x128xf32, #tpu.memory_space<hbm>> -> memref<10000x128xf32, #tpu.memory_space<hbm>>
      tpu.enqueue_indirect_dma source(%dma_start3A_372 : memref<10000x128xf32, #tpu.memory_space<hbm>>) target(%arg11 : memref<128x128xf32, #tpu.memory_space<vmem>>) offsets(%dma_start3A_369 : memref<128xi32, #tpu.memory_space<vmem>>) semaphore(%arg16 : memref<!tpu.dma_semaphore, #tpu.memory_space<semaphore_mem>>)
      %dma_wait3A_373 = arith.constant 1 : i32
      %dma_wait3A_374 = arith.constant 0 : i32
      %dma_wait3A_375 = tpu.memref_slice %arg9[%dma_wait3A_373, %dma_wait3A_374] : memref<8x128xi32, #tpu.memory_space<vmem>> -> memref<1x128xi32, #tpu.memory_space<vmem>>
      %dma_wait3A_376 = tpu.memref_squeeze %dma_wait3A_375 : memref<1x128xi32, #tpu.memory_space<vmem>> -> memref<128xi32, #tpu.memory_space<vmem>>
      %dma_wait3A_377 = arith.constant 0 : i32
      %dma_wait3A_378 = arith.constant 0 : i32
      %dma_wait3A_379 = tpu.memref_slice %arg2[%dma_wait3A_377, %dma_wait3A_378] : memref<10000x128xf32, #tpu.memory_space<hbm>> -> memref<10000x128xf32, #tpu.memory_space<hbm>>
      tpu.wait_indirect_dma semaphore(%arg17 : memref<!tpu.dma_semaphore, #tpu.memory_space<semaphore_mem>>) src(%dma_wait3A_379 : memref<10000x128xf32, #tpu.memory_space<hbm>>) dst(%arg12 : memref<128x128xf32, #tpu.memory_space<vmem>>)
      %run_scoped3A_380 = arith.constant 1 : i32
      "tpu.region"() ({
        %run_scoped3A_464 = tpu.sem_alloc : memref<!tpu.dma_semaphore, #tpu.memory_space<semaphore_mem>>
        %dma_start3A_465 = arith.constant 0 : i32
        %dma_start3A_466 = tpu.memref_slice %arg10[%run_scoped3A_380, %dma_start3A_465] : memref<8x128xi32, #tpu.memory_space<vmem>> -> memref<1x128xi32, #tpu.memory_space<vmem>>
        %dma_start3A_467 = tpu.memref_squeeze %dma_start3A_466 : memref<1x128xi32, #tpu.memory_space<vmem>> -> memref<128xi32, #tpu.memory_space<vmem>>
        %dma_start3A_468 = arith.constant 0 : i32
        %dma_start3A_469 = arith.constant 0 : i32
        %dma_start3A_470 = tpu.memref_slice %arg13[%dma_start3A_468, %dma_start3A_469] : memref<10240x128xf32, #tpu.memory_space<vmem_shared>> -> memref<10240x128xf32, #tpu.memory_space<vmem_shared>>
        tpu.enqueue_indirect_dma source(%arg12 : memref<128x128xf32, #tpu.memory_space<vmem>>) target(%dma_start3A_470 : memref<10240x128xf32, #tpu.memory_space<vmem_shared>>) offsets(%dma_start3A_467 : memref<128xi32, #tpu.memory_space<vmem>>) semaphore(%run_scoped3A_464 : memref<!tpu.dma_semaphore, #tpu.memory_space<semaphore_mem>>) {add = true}
        %dma_wait3A_471 = arith.constant 0 : i32
        %dma_wait3A_472 = tpu.memref_slice %arg10[%run_scoped3A_380, %dma_wait3A_471] : memref<8x128xi32, #tpu.memory_space<vmem>> -> memref<1x128xi32, #tpu.memory_space<vmem>>
        %dma_wait3A_473 = tpu.memref_squeeze %dma_wait3A_472 : memref<1x128xi32, #tpu.memory_space<vmem>> -> memref<128xi32, #tpu.memory_space<vmem>>
        %dma_wait3A_474 = arith.constant 0 : i32
        %dma_wait3A_475 = arith.constant 0 : i32
        %dma_wait3A_476 = tpu.memref_slice %arg13[%dma_wait3A_474, %dma_wait3A_475] : memref<10240x128xf32, #tpu.memory_space<vmem_shared>> -> memref<10240x128xf32, #tpu.memory_space<vmem_shared>>
        tpu.wait_indirect_dma semaphore(%run_scoped3A_464 : memref<!tpu.dma_semaphore, #tpu.memory_space<semaphore_mem>>) src(%arg12 : memref<128x128xf32, #tpu.memory_space<vmem>>) dst(%dma_wait3A_476 : memref<10240x128xf32, #tpu.memory_space<vmem_shared>>)
        tpu.yield
      }) : () -> ()
      %dma_start3A_381 = arith.constant 3 : i32
      %dma_start3A_382 = arith.constant 0 : i32
      %dma_start3A_383 = tpu.memref_slice %arg9[%dma_start3A_381, %dma_start3A_382] : memref<8x128xi32, #tpu.memory_space<vmem>> -> memref<1x128xi32, #tpu.memory_space<vmem>>
      %dma_start3A_384 = tpu.memref_squeeze %dma_start3A_383 : memref<1x128xi32, #tpu.memory_space<vmem>> -> memref<128xi32, #tpu.memory_space<vmem>>
      %dma_start3A_385 = arith.constant 0 : i32
      %dma_start3A_386 = arith.constant 0 : i32
      %dma_start3A_387 = tpu.memref_slice %arg2[%dma_start3A_385, %dma_start3A_386] : memref<10000x128xf32, #tpu.memory_space<hbm>> -> memref<10000x128xf32, #tpu.memory_space<hbm>>
      tpu.enqueue_indirect_dma source(%dma_start3A_387 : memref<10000x128xf32, #tpu.memory_space<hbm>>) target(%arg12 : memref<128x128xf32, #tpu.memory_space<vmem>>) offsets(%dma_start3A_384 : memref<128xi32, #tpu.memory_space<vmem>>) semaphore(%arg17 : memref<!tpu.dma_semaphore, #tpu.memory_space<semaphore_mem>>)
      %dma_wait3A_388 = arith.constant 2 : i32
      %dma_wait3A_389 = arith.constant 0 : i32
      %dma_wait3A_390 = tpu.memref_slice %arg9[%dma_wait3A_388, %dma_wait3A_389] : memref<8x128xi32, #tpu.memory_space<vmem>> -> memref<1x128xi32, #tpu.memory_space<vmem>>
      %dma_wait3A_391 = tpu.memref_squeeze %dma_wait3A_390 : memref<1x128xi32, #tpu.memory_space<vmem>> -> memref<128xi32, #tpu.memory_space<vmem>>
      %dma_wait3A_392 = arith.constant 0 : i32
      %dma_wait3A_393 = arith.constant 0 : i32
      %dma_wait3A_394 = tpu.memref_slice %arg2[%dma_wait3A_392, %dma_wait3A_393] : memref<10000x128xf32, #tpu.memory_space<hbm>> -> memref<10000x128xf32, #tpu.memory_space<hbm>>
      tpu.wait_indirect_dma semaphore(%arg16 : memref<!tpu.dma_semaphore, #tpu.memory_space<semaphore_mem>>) src(%dma_wait3A_394 : memref<10000x128xf32, #tpu.memory_space<hbm>>) dst(%arg11 : memref<128x128xf32, #tpu.memory_space<vmem>>)
      %run_scoped3A_395 = arith.constant 2 : i32
      "tpu.region"() ({
        %run_scoped3A_464 = tpu.sem_alloc : memref<!tpu.dma_semaphore, #tpu.memory_space<semaphore_mem>>
        %dma_start3A_465 = arith.constant 0 : i32
        %dma_start3A_466 = tpu.memref_slice %arg10[%run_scoped3A_395, %dma_start3A_465] : memref<8x128xi32, #tpu.memory_space<vmem>> -> memref<1x128xi32, #tpu.memory_space<vmem>>
        %dma_start3A_467 = tpu.memref_squeeze %dma_start3A_466 : memref<1x128xi32, #tpu.memory_space<vmem>> -> memref<128xi32, #tpu.memory_space<vmem>>
        %dma_start3A_468 = arith.constant 0 : i32
        %dma_start3A_469 = arith.constant 0 : i32
        %dma_start3A_470 = tpu.memref_slice %arg13[%dma_start3A_468, %dma_start3A_469] : memref<10240x128xf32, #tpu.memory_space<vmem_shared>> -> memref<10240x128xf32, #tpu.memory_space<vmem_shared>>
        tpu.enqueue_indirect_dma source(%arg11 : memref<128x128xf32, #tpu.memory_space<vmem>>) target(%dma_start3A_470 : memref<10240x128xf32, #tpu.memory_space<vmem_shared>>) offsets(%dma_start3A_467 : memref<128xi32, #tpu.memory_space<vmem>>) semaphore(%run_scoped3A_464 : memref<!tpu.dma_semaphore, #tpu.memory_space<semaphore_mem>>) {add = true}
        %dma_wait3A_471 = arith.constant 0 : i32
        %dma_wait3A_472 = tpu.memref_slice %arg10[%run_scoped3A_395, %dma_wait3A_471] : memref<8x128xi32, #tpu.memory_space<vmem>> -> memref<1x128xi32, #tpu.memory_space<vmem>>
        %dma_wait3A_473 = tpu.memref_squeeze %dma_wait3A_472 : memref<1x128xi32, #tpu.memory_space<vmem>> -> memref<128xi32, #tpu.memory_space<vmem>>
        %dma_wait3A_474 = arith.constant 0 : i32
        %dma_wait3A_475 = arith.constant 0 : i32
        %dma_wait3A_476 = tpu.memref_slice %arg13[%dma_wait3A_474, %dma_wait3A_475] : memref<10240x128xf32, #tpu.memory_space<vmem_shared>> -> memref<10240x128xf32, #tpu.memory_space<vmem_shared>>
        tpu.wait_indirect_dma semaphore(%run_scoped3A_464 : memref<!tpu.dma_semaphore, #tpu.memory_space<semaphore_mem>>) src(%arg11 : memref<128x128xf32, #tpu.memory_space<vmem>>) dst(%dma_wait3A_476 : memref<10240x128xf32, #tpu.memory_space<vmem_shared>>)
        tpu.yield
      }) : () -> ()
      %dma_start3A_396 = arith.constant 4 : i32
      %dma_start3A_397 = arith.constant 0 : i32
      %dma_start3A_398 = tpu.memref_slice %arg9[%dma_start3A_396, %dma_start3A_397] : memref<8x128xi32, #tpu.memory_space<vmem>> -> memref<1x128xi32, #tpu.memory_space<vmem>>
      %dma_start3A_399 = tpu.memref_squeeze %dma_start3A_398 : memref<1x128xi32, #tpu.memory_space<vmem>> -> memref<128xi32, #tpu.memory_space<vmem>>
      %dma_start3A_400 = arith.constant 0 : i32
      %dma_start3A_401 = arith.constant 0 : i32
      %dma_start3A_402 = tpu.memref_slice %arg2[%dma_start3A_400, %dma_start3A_401] : memref<10000x128xf32, #tpu.memory_space<hbm>> -> memref<10000x128xf32, #tpu.memory_space<hbm>>
      tpu.enqueue_indirect_dma source(%dma_start3A_402 : memref<10000x128xf32, #tpu.memory_space<hbm>>) target(%arg11 : memref<128x128xf32, #tpu.memory_space<vmem>>) offsets(%dma_start3A_399 : memref<128xi32, #tpu.memory_space<vmem>>) semaphore(%arg16 : memref<!tpu.dma_semaphore, #tpu.memory_space<semaphore_mem>>)
      %dma_wait3A_403 = arith.constant 3 : i32
      %dma_wait3A_404 = arith.constant 0 : i32
      %dma_wait3A_405 = tpu.memref_slice %arg9[%dma_wait3A_403, %dma_wait3A_404] : memref<8x128xi32, #tpu.memory_space<vmem>> -> memref<1x128xi32, #tpu.memory_space<vmem>>
      %dma_wait3A_406 = tpu.memref_squeeze %dma_wait3A_405 : memref<1x128xi32, #tpu.memory_space<vmem>> -> memref<128xi32, #tpu.memory_space<vmem>>
      %dma_wait3A_407 = arith.constant 0 : i32
      %dma_wait3A_408 = arith.constant 0 : i32
      %dma_wait3A_409 = tpu.memref_slice %arg2[%dma_wait3A_407, %dma_wait3A_408] : memref<10000x128xf32, #tpu.memory_space<hbm>> -> memref<10000x128xf32, #tpu.memory_space<hbm>>
      tpu.wait_indirect_dma semaphore(%arg17 : memref<!tpu.dma_semaphore, #tpu.memory_space<semaphore_mem>>) src(%dma_wait3A_409 : memref<10000x128xf32, #tpu.memory_space<hbm>>) dst(%arg12 : memref<128x128xf32, #tpu.memory_space<vmem>>)
      %run_scoped3A_410 = arith.constant 3 : i32
      "tpu.region"() ({
        %run_scoped3A_464 = tpu.sem_alloc : memref<!tpu.dma_semaphore, #tpu.memory_space<semaphore_mem>>
        %dma_start3A_465 = arith.constant 0 : i32
        %dma_start3A_466 = tpu.memref_slice %arg10[%run_scoped3A_410, %dma_start3A_465] : memref<8x128xi32, #tpu.memory_space<vmem>> -> memref<1x128xi32, #tpu.memory_space<vmem>>
        %dma_start3A_467 = tpu.memref_squeeze %dma_start3A_466 : memref<1x128xi32, #tpu.memory_space<vmem>> -> memref<128xi32, #tpu.memory_space<vmem>>
        %dma_start3A_468 = arith.constant 0 : i32
        %dma_start3A_469 = arith.constant 0 : i32
        %dma_start3A_470 = tpu.memref_slice %arg13[%dma_start3A_468, %dma_start3A_469] : memref<10240x128xf32, #tpu.memory_space<vmem_shared>> -> memref<10240x128xf32, #tpu.memory_space<vmem_shared>>
        tpu.enqueue_indirect_dma source(%arg12 : memref<128x128xf32, #tpu.memory_space<vmem>>) target(%dma_start3A_470 : memref<10240x128xf32, #tpu.memory_space<vmem_shared>>) offsets(%dma_start3A_467 : memref<128xi32, #tpu.memory_space<vmem>>) semaphore(%run_scoped3A_464 : memref<!tpu.dma_semaphore, #tpu.memory_space<semaphore_mem>>) {add = true}
        %dma_wait3A_471 = arith.constant 0 : i32
        %dma_wait3A_472 = tpu.memref_slice %arg10[%run_scoped3A_410, %dma_wait3A_471] : memref<8x128xi32, #tpu.memory_space<vmem>> -> memref<1x128xi32, #tpu.memory_space<vmem>>
        %dma_wait3A_473 = tpu.memref_squeeze %dma_wait3A_472 : memref<1x128xi32, #tpu.memory_space<vmem>> -> memref<128xi32, #tpu.memory_space<vmem>>
        %dma_wait3A_474 = arith.constant 0 : i32
        %dma_wait3A_475 = arith.constant 0 : i32
        %dma_wait3A_476 = tpu.memref_slice %arg13[%dma_wait3A_474, %dma_wait3A_475] : memref<10240x128xf32, #tpu.memory_space<vmem_shared>> -> memref<10240x128xf32, #tpu.memory_space<vmem_shared>>
        tpu.wait_indirect_dma semaphore(%run_scoped3A_464 : memref<!tpu.dma_semaphore, #tpu.memory_space<semaphore_mem>>) src(%arg12 : memref<128x128xf32, #tpu.memory_space<vmem>>) dst(%dma_wait3A_476 : memref<10240x128xf32, #tpu.memory_space<vmem_shared>>)
        tpu.yield
      }) : () -> ()
      %dma_start3A_411 = arith.constant 5 : i32
      %dma_start3A_412 = arith.constant 0 : i32
      %dma_start3A_413 = tpu.memref_slice %arg9[%dma_start3A_411, %dma_start3A_412] : memref<8x128xi32, #tpu.memory_space<vmem>> -> memref<1x128xi32, #tpu.memory_space<vmem>>
      %dma_start3A_414 = tpu.memref_squeeze %dma_start3A_413 : memref<1x128xi32, #tpu.memory_space<vmem>> -> memref<128xi32, #tpu.memory_space<vmem>>
      %dma_start3A_415 = arith.constant 0 : i32
      %dma_start3A_416 = arith.constant 0 : i32
      %dma_start3A_417 = tpu.memref_slice %arg2[%dma_start3A_415, %dma_start3A_416] : memref<10000x128xf32, #tpu.memory_space<hbm>> -> memref<10000x128xf32, #tpu.memory_space<hbm>>
      tpu.enqueue_indirect_dma source(%dma_start3A_417 : memref<10000x128xf32, #tpu.memory_space<hbm>>) target(%arg12 : memref<128x128xf32, #tpu.memory_space<vmem>>) offsets(%dma_start3A_414 : memref<128xi32, #tpu.memory_space<vmem>>) semaphore(%arg17 : memref<!tpu.dma_semaphore, #tpu.memory_space<semaphore_mem>>)
      %dma_wait3A_418 = arith.constant 4 : i32
      %dma_wait3A_419 = arith.constant 0 : i32
      %dma_wait3A_420 = tpu.memref_slice %arg9[%dma_wait3A_418, %dma_wait3A_419] : memref<8x128xi32, #tpu.memory_space<vmem>> -> memref<1x128xi32, #tpu.memory_space<vmem>>
      %dma_wait3A_421 = tpu.memref_squeeze %dma_wait3A_420 : memref<1x128xi32, #tpu.memory_space<vmem>> -> memref<128xi32, #tpu.memory_space<vmem>>
      %dma_wait3A_422 = arith.constant 0 : i32
      %dma_wait3A_423 = arith.constant 0 : i32
      %dma_wait3A_424 = tpu.memref_slice %arg2[%dma_wait3A_422, %dma_wait3A_423] : memref<10000x128xf32, #tpu.memory_space<hbm>> -> memref<10000x128xf32, #tpu.memory_space<hbm>>
      tpu.wait_indirect_dma semaphore(%arg16 : memref<!tpu.dma_semaphore, #tpu.memory_space<semaphore_mem>>) src(%dma_wait3A_424 : memref<10000x128xf32, #tpu.memory_space<hbm>>) dst(%arg11 : memref<128x128xf32, #tpu.memory_space<vmem>>)
      %run_scoped3A_425 = arith.constant 4 : i32
      "tpu.region"() ({
        %run_scoped3A_464 = tpu.sem_alloc : memref<!tpu.dma_semaphore, #tpu.memory_space<semaphore_mem>>
        %dma_start3A_465 = arith.constant 0 : i32
        %dma_start3A_466 = tpu.memref_slice %arg10[%run_scoped3A_425, %dma_start3A_465] : memref<8x128xi32, #tpu.memory_space<vmem>> -> memref<1x128xi32, #tpu.memory_space<vmem>>
        %dma_start3A_467 = tpu.memref_squeeze %dma_start3A_466 : memref<1x128xi32, #tpu.memory_space<vmem>> -> memref<128xi32, #tpu.memory_space<vmem>>
        %dma_start3A_468 = arith.constant 0 : i32
        %dma_start3A_469 = arith.constant 0 : i32
        %dma_start3A_470 = tpu.memref_slice %arg13[%dma_start3A_468, %dma_start3A_469] : memref<10240x128xf32, #tpu.memory_space<vmem_shared>> -> memref<10240x128xf32, #tpu.memory_space<vmem_shared>>
        tpu.enqueue_indirect_dma source(%arg11 : memref<128x128xf32, #tpu.memory_space<vmem>>) target(%dma_start3A_470 : memref<10240x128xf32, #tpu.memory_space<vmem_shared>>) offsets(%dma_start3A_467 : memref<128xi32, #tpu.memory_space<vmem>>) semaphore(%run_scoped3A_464 : memref<!tpu.dma_semaphore, #tpu.memory_space<semaphore_mem>>) {add = true}
        %dma_wait3A_471 = arith.constant 0 : i32
        %dma_wait3A_472 = tpu.memref_slice %arg10[%run_scoped3A_425, %dma_wait3A_471] : memref<8x128xi32, #tpu.memory_space<vmem>> -> memref<1x128xi32, #tpu.memory_space<vmem>>
        %dma_wait3A_473 = tpu.memref_squeeze %dma_wait3A_472 : memref<1x128xi32, #tpu.memory_space<vmem>> -> memref<128xi32, #tpu.memory_space<vmem>>
        %dma_wait3A_474 = arith.constant 0 : i32
        %dma_wait3A_475 = arith.constant 0 : i32
        %dma_wait3A_476 = tpu.memref_slice %arg13[%dma_wait3A_474, %dma_wait3A_475] : memref<10240x128xf32, #tpu.memory_space<vmem_shared>> -> memref<10240x128xf32, #tpu.memory_space<vmem_shared>>
        tpu.wait_indirect_dma semaphore(%run_scoped3A_464 : memref<!tpu.dma_semaphore, #tpu.memory_space<semaphore_mem>>) src(%arg11 : memref<128x128xf32, #tpu.memory_space<vmem>>) dst(%dma_wait3A_476 : memref<10240x128xf32, #tpu.memory_space<vmem_shared>>)
        tpu.yield
      }) : () -> ()
      %dma_start3A_426 = arith.constant 6 : i32
      %dma_start3A_427 = arith.constant 0 : i32
      %dma_start3A_428 = tpu.memref_slice %arg9[%dma_start3A_426, %dma_start3A_427] : memref<8x128xi32, #tpu.memory_space<vmem>> -> memref<1x128xi32, #tpu.memory_space<vmem>>
      %dma_start3A_429 = tpu.memref_squeeze %dma_start3A_428 : memref<1x128xi32, #tpu.memory_space<vmem>> -> memref<128xi32, #tpu.memory_space<vmem>>
      %dma_start3A_430 = arith.constant 0 : i32
      %dma_start3A_431 = arith.constant 0 : i32
      %dma_start3A_432 = tpu.memref_slice %arg2[%dma_start3A_430, %dma_start3A_431] : memref<10000x128xf32, #tpu.memory_space<hbm>> -> memref<10000x128xf32, #tpu.memory_space<hbm>>
      tpu.enqueue_indirect_dma source(%dma_start3A_432 : memref<10000x128xf32, #tpu.memory_space<hbm>>) target(%arg11 : memref<128x128xf32, #tpu.memory_space<vmem>>) offsets(%dma_start3A_429 : memref<128xi32, #tpu.memory_space<vmem>>) semaphore(%arg16 : memref<!tpu.dma_semaphore, #tpu.memory_space<semaphore_mem>>)
      %dma_wait3A_433 = arith.constant 5 : i32
      %dma_wait3A_434 = arith.constant 0 : i32
      %dma_wait3A_435 = tpu.memref_slice %arg9[%dma_wait3A_433, %dma_wait3A_434] : memref<8x128xi32, #tpu.memory_space<vmem>> -> memref<1x128xi32, #tpu.memory_space<vmem>>
      %dma_wait3A_436 = tpu.memref_squeeze %dma_wait3A_435 : memref<1x128xi32, #tpu.memory_space<vmem>> -> memref<128xi32, #tpu.memory_space<vmem>>
      %dma_wait3A_437 = arith.constant 0 : i32
      %dma_wait3A_438 = arith.constant 0 : i32
      %dma_wait3A_439 = tpu.memref_slice %arg2[%dma_wait3A_437, %dma_wait3A_438] : memref<10000x128xf32, #tpu.memory_space<hbm>> -> memref<10000x128xf32, #tpu.memory_space<hbm>>
      tpu.wait_indirect_dma semaphore(%arg17 : memref<!tpu.dma_semaphore, #tpu.memory_space<semaphore_mem>>) src(%dma_wait3A_439 : memref<10000x128xf32, #tpu.memory_space<hbm>>) dst(%arg12 : memref<128x128xf32, #tpu.memory_space<vmem>>)
      %run_scoped3A_440 = arith.constant 5 : i32
      "tpu.region"() ({
        %run_scoped3A_464 = tpu.sem_alloc : memref<!tpu.dma_semaphore, #tpu.memory_space<semaphore_mem>>
        %dma_start3A_465 = arith.constant 0 : i32
        %dma_start3A_466 = tpu.memref_slice %arg10[%run_scoped3A_440, %dma_start3A_465] : memref<8x128xi32, #tpu.memory_space<vmem>> -> memref<1x128xi32, #tpu.memory_space<vmem>>
        %dma_start3A_467 = tpu.memref_squeeze %dma_start3A_466 : memref<1x128xi32, #tpu.memory_space<vmem>> -> memref<128xi32, #tpu.memory_space<vmem>>
        %dma_start3A_468 = arith.constant 0 : i32
        %dma_start3A_469 = arith.constant 0 : i32
        %dma_start3A_470 = tpu.memref_slice %arg13[%dma_start3A_468, %dma_start3A_469] : memref<10240x128xf32, #tpu.memory_space<vmem_shared>> -> memref<10240x128xf32, #tpu.memory_space<vmem_shared>>
        tpu.enqueue_indirect_dma source(%arg12 : memref<128x128xf32, #tpu.memory_space<vmem>>) target(%dma_start3A_470 : memref<10240x128xf32, #tpu.memory_space<vmem_shared>>) offsets(%dma_start3A_467 : memref<128xi32, #tpu.memory_space<vmem>>) semaphore(%run_scoped3A_464 : memref<!tpu.dma_semaphore, #tpu.memory_space<semaphore_mem>>) {add = true}
        %dma_wait3A_471 = arith.constant 0 : i32
        %dma_wait3A_472 = tpu.memref_slice %arg10[%run_scoped3A_440, %dma_wait3A_471] : memref<8x128xi32, #tpu.memory_space<vmem>> -> memref<1x128xi32, #tpu.memory_space<vmem>>
        %dma_wait3A_473 = tpu.memref_squeeze %dma_wait3A_472 : memref<1x128xi32, #tpu.memory_space<vmem>> -> memref<128xi32, #tpu.memory_space<vmem>>
        %dma_wait3A_474 = arith.constant 0 : i32
        %dma_wait3A_475 = arith.constant 0 : i32
        %dma_wait3A_476 = tpu.memref_slice %arg13[%dma_wait3A_474, %dma_wait3A_475] : memref<10240x128xf32, #tpu.memory_space<vmem_shared>> -> memref<10240x128xf32, #tpu.memory_space<vmem_shared>>
        tpu.wait_indirect_dma semaphore(%run_scoped3A_464 : memref<!tpu.dma_semaphore, #tpu.memory_space<semaphore_mem>>) src(%arg12 : memref<128x128xf32, #tpu.memory_space<vmem>>) dst(%dma_wait3A_476 : memref<10240x128xf32, #tpu.memory_space<vmem_shared>>)
        tpu.yield
      }) : () -> ()
      %dma_start3A_441 = arith.constant 7 : i32
      %dma_start3A_442 = arith.constant 0 : i32
      %dma_start3A_443 = tpu.memref_slice %arg9[%dma_start3A_441, %dma_start3A_442] : memref<8x128xi32, #tpu.memory_space<vmem>> -> memref<1x128xi32, #tpu.memory_space<vmem>>
      %dma_start3A_444 = tpu.memref_squeeze %dma_start3A_443 : memref<1x128xi32, #tpu.memory_space<vmem>> -> memref<128xi32, #tpu.memory_space<vmem>>
      %dma_start3A_445 = arith.constant 0 : i32
      %dma_start3A_446 = arith.constant 0 : i32
      %dma_start3A_447 = tpu.memref_slice %arg2[%dma_start3A_445, %dma_start3A_446] : memref<10000x128xf32, #tpu.memory_space<hbm>> -> memref<10000x128xf32, #tpu.memory_space<hbm>>
      tpu.enqueue_indirect_dma source(%dma_start3A_447 : memref<10000x128xf32, #tpu.memory_space<hbm>>) target(%arg12 : memref<128x128xf32, #tpu.memory_space<vmem>>) offsets(%dma_start3A_444 : memref<128xi32, #tpu.memory_space<vmem>>) semaphore(%arg17 : memref<!tpu.dma_semaphore, #tpu.memory_space<semaphore_mem>>)
      %dma_wait3A_448 = arith.constant 6 : i32
      %dma_wait3A_449 = arith.constant 0 : i32
      %dma_wait3A_450 = tpu.memref_slice %arg9[%dma_wait3A_448, %dma_wait3A_449] : memref<8x128xi32, #tpu.memory_space<vmem>> -> memref<1x128xi32, #tpu.memory_space<vmem>>
      %dma_wait3A_451 = tpu.memref_squeeze %dma_wait3A_450 : memref<1x128xi32, #tpu.memory_space<vmem>> -> memref<128xi32, #tpu.memory_space<vmem>>
      %dma_wait3A_452 = arith.constant 0 : i32
      %dma_wait3A_453 = arith.constant 0 : i32
      %dma_wait3A_454 = tpu.memref_slice %arg2[%dma_wait3A_452, %dma_wait3A_453] : memref<10000x128xf32, #tpu.memory_space<hbm>> -> memref<10000x128xf32, #tpu.memory_space<hbm>>
      tpu.wait_indirect_dma semaphore(%arg16 : memref<!tpu.dma_semaphore, #tpu.memory_space<semaphore_mem>>) src(%dma_wait3A_454 : memref<10000x128xf32, #tpu.memory_space<hbm>>) dst(%arg11 : memref<128x128xf32, #tpu.memory_space<vmem>>)
      %run_scoped3A_455 = arith.constant 6 : i32
      "tpu.region"() ({
        %run_scoped3A_464 = tpu.sem_alloc : memref<!tpu.dma_semaphore, #tpu.memory_space<semaphore_mem>>
        %dma_start3A_465 = arith.constant 0 : i32
        %dma_start3A_466 = tpu.memref_slice %arg10[%run_scoped3A_455, %dma_start3A_465] : memref<8x128xi32, #tpu.memory_space<vmem>> -> memref<1x128xi32, #tpu.memory_space<vmem>>
        %dma_start3A_467 = tpu.memref_squeeze %dma_start3A_466 : memref<1x128xi32, #tpu.memory_space<vmem>> -> memref<128xi32, #tpu.memory_space<vmem>>
        %dma_start3A_468 = arith.constant 0 : i32
        %dma_start3A_469 = arith.constant 0 : i32
        %dma_start3A_470 = tpu.memref_slice %arg13[%dma_start3A_468, %dma_start3A_469] : memref<10240x128xf32, #tpu.memory_space<vmem_shared>> -> memref<10240x128xf32, #tpu.memory_space<vmem_shared>>
        tpu.enqueue_indirect_dma source(%arg11 : memref<128x128xf32, #tpu.memory_space<vmem>>) target(%dma_start3A_470 : memref<10240x128xf32, #tpu.memory_space<vmem_shared>>) offsets(%dma_start3A_467 : memref<128xi32, #tpu.memory_space<vmem>>) semaphore(%run_scoped3A_464 : memref<!tpu.dma_semaphore, #tpu.memory_space<semaphore_mem>>) {add = true}
        %dma_wait3A_471 = arith.constant 0 : i32
        %dma_wait3A_472 = tpu.memref_slice %arg10[%run_scoped3A_455, %dma_wait3A_471] : memref<8x128xi32, #tpu.memory_space<vmem>> -> memref<1x128xi32, #tpu.memory_space<vmem>>
        %dma_wait3A_473 = tpu.memref_squeeze %dma_wait3A_472 : memref<1x128xi32, #tpu.memory_space<vmem>> -> memref<128xi32, #tpu.memory_space<vmem>>
        %dma_wait3A_474 = arith.constant 0 : i32
        %dma_wait3A_475 = arith.constant 0 : i32
        %dma_wait3A_476 = tpu.memref_slice %arg13[%dma_wait3A_474, %dma_wait3A_475] : memref<10240x128xf32, #tpu.memory_space<vmem_shared>> -> memref<10240x128xf32, #tpu.memory_space<vmem_shared>>
        tpu.wait_indirect_dma semaphore(%run_scoped3A_464 : memref<!tpu.dma_semaphore, #tpu.memory_space<semaphore_mem>>) src(%arg11 : memref<128x128xf32, #tpu.memory_space<vmem>>) dst(%dma_wait3A_476 : memref<10240x128xf32, #tpu.memory_space<vmem_shared>>)
        tpu.yield
      }) : () -> ()
      %dma_wait3A_456 = arith.constant 7 : i32
      %dma_wait3A_457 = arith.constant 0 : i32
      %dma_wait3A_458 = tpu.memref_slice %arg9[%dma_wait3A_456, %dma_wait3A_457] : memref<8x128xi32, #tpu.memory_space<vmem>> -> memref<1x128xi32, #tpu.memory_space<vmem>>
      %dma_wait3A_459 = tpu.memref_squeeze %dma_wait3A_458 : memref<1x128xi32, #tpu.memory_space<vmem>> -> memref<128xi32, #tpu.memory_space<vmem>>
      %dma_wait3A_460 = arith.constant 0 : i32
      %dma_wait3A_461 = arith.constant 0 : i32
      %dma_wait3A_462 = tpu.memref_slice %arg2[%dma_wait3A_460, %dma_wait3A_461] : memref<10000x128xf32, #tpu.memory_space<hbm>> -> memref<10000x128xf32, #tpu.memory_space<hbm>>
      tpu.wait_indirect_dma semaphore(%arg17 : memref<!tpu.dma_semaphore, #tpu.memory_space<semaphore_mem>>) src(%dma_wait3A_462 : memref<10000x128xf32, #tpu.memory_space<hbm>>) dst(%arg12 : memref<128x128xf32, #tpu.memory_space<vmem>>)
      %run_scoped3A_463 = arith.constant 7 : i32
      "tpu.region"() ({
        %run_scoped3A_464 = tpu.sem_alloc : memref<!tpu.dma_semaphore, #tpu.memory_space<semaphore_mem>>
        %dma_start3A_465 = arith.constant 0 : i32
        %dma_start3A_466 = tpu.memref_slice %arg10[%run_scoped3A_463, %dma_start3A_465] : memref<8x128xi32, #tpu.memory_space<vmem>> -> memref<1x128xi32, #tpu.memory_space<vmem>>
        %dma_start3A_467 = tpu.memref_squeeze %dma_start3A_466 : memref<1x128xi32, #tpu.memory_space<vmem>> -> memref<128xi32, #tpu.memory_space<vmem>>
        %dma_start3A_468 = arith.constant 0 : i32
        %dma_start3A_469 = arith.constant 0 : i32
        %dma_start3A_470 = tpu.memref_slice %arg13[%dma_start3A_468, %dma_start3A_469] : memref<10240x128xf32, #tpu.memory_space<vmem_shared>> -> memref<10240x128xf32, #tpu.memory_space<vmem_shared>>
        tpu.enqueue_indirect_dma source(%arg12 : memref<128x128xf32, #tpu.memory_space<vmem>>) target(%dma_start3A_470 : memref<10240x128xf32, #tpu.memory_space<vmem_shared>>) offsets(%dma_start3A_467 : memref<128xi32, #tpu.memory_space<vmem>>) semaphore(%run_scoped3A_464 : memref<!tpu.dma_semaphore, #tpu.memory_space<semaphore_mem>>) {add = true}
        %dma_wait3A_471 = arith.constant 0 : i32
        %dma_wait3A_472 = tpu.memref_slice %arg10[%run_scoped3A_463, %dma_wait3A_471] : memref<8x128xi32, #tpu.memory_space<vmem>> -> memref<1x128xi32, #tpu.memory_space<vmem>>
        %dma_wait3A_473 = tpu.memref_squeeze %dma_wait3A_472 : memref<1x128xi32, #tpu.memory_space<vmem>> -> memref<128xi32, #tpu.memory_space<vmem>>
        %dma_wait3A_474 = arith.constant 0 : i32
        %dma_wait3A_475 = arith.constant 0 : i32
        %dma_wait3A_476 = tpu.memref_slice %arg13[%dma_wait3A_474, %dma_wait3A_475] : memref<10240x128xf32, #tpu.memory_space<vmem_shared>> -> memref<10240x128xf32, #tpu.memory_space<vmem_shared>>
        tpu.wait_indirect_dma semaphore(%run_scoped3A_464 : memref<!tpu.dma_semaphore, #tpu.memory_space<semaphore_mem>>) src(%arg12 : memref<128x128xf32, #tpu.memory_space<vmem>>) dst(%dma_wait3A_476 : memref<10240x128xf32, #tpu.memory_space<vmem_shared>>)
        tpu.yield
      }) : () -> ()
    }
    %scan3A_70 = arith.constant 5 : i32
    %dma_wait3A_71 = arith.constant 0 : i32
    %dma_wait3A_72 = arith.constant 0 : i32
    %dma_wait3A_73 = tpu.memref_slice %arg3[%dma_wait3A_71, %dma_wait3A_72] : memref<2560x128xi32, #tpu.memory_space<hbm>> -> memref<8x128xi32, #tpu.memory_space<hbm>>
    %dma_wait3A_74 = arith.constant 0 : i32
    %dma_wait3A_75 = arith.constant 0 : i32
    %dma_wait3A_76 = tpu.memref_slice %arg3[%dma_wait3A_74, %dma_wait3A_75] : memref<2560x128xi32, #tpu.memory_space<hbm>> -> memref<8x128xi32, #tpu.memory_space<hbm>>
    tpu.wait_dma2 semaphore(%arg14 : memref<!tpu.dma_semaphore, #tpu.memory_space<semaphore_mem>>) src(%dma_wait3A_76 : memref<8x128xi32, #tpu.memory_space<hbm>>) dst(%arg7 : memref<8x128xi32, #tpu.memory_space<vmem>>)
    %dma_wait3A_77 = arith.constant 0 : i32
    %dma_wait3A_78 = arith.constant 0 : i32
    %dma_wait3A_79 = tpu.memref_slice %arg4[%dma_wait3A_77, %dma_wait3A_78] : memref<2560x128xi32, #tpu.memory_space<hbm>> -> memref<8x128xi32, #tpu.memory_space<hbm>>
    %dma_wait3A_80 = arith.constant 0 : i32
    %dma_wait3A_81 = arith.constant 0 : i32
    %dma_wait3A_82 = tpu.memref_slice %arg4[%dma_wait3A_80, %dma_wait3A_81] : memref<2560x128xi32, #tpu.memory_space<hbm>> -> memref<8x128xi32, #tpu.memory_space<hbm>>
    tpu.wait_dma2 semaphore(%arg14 : memref<!tpu.dma_semaphore, #tpu.memory_space<semaphore_mem>>) src(%dma_wait3A_82 : memref<8x128xi32, #tpu.memory_space<hbm>>) dst(%arg8 : memref<8x128xi32, #tpu.memory_space<vmem>>)
    %barrier3A_83 = arith.constant 0 : index
    tpu.barrier barrier_id(%barrier3A_83)
    %add3A_84 = arith.constant 0 : i32
    %add3A_85 = arith.addi %mul3A_2, %add3A_84 : i32
    "tpu.region"() ({
      %run_scoped3A = tpu.sem_alloc : memref<!tpu.dma_semaphore, #tpu.memory_space<semaphore_mem>>
      %dma_start3A_164 = arith.constant 0 : i32
      %dma_start3A_165 = tpu.memref_slice %arg13[%add3A_85, %dma_start3A_164] : memref<10240x128xf32, #tpu.memory_space<vmem_shared>> -> memref<128x128xf32, #tpu.memory_space<vmem_shared>>
      %dma_start3A_166 = arith.constant 0 : i32
      %dma_start3A_167 = tpu.memref_slice %arg13[%add3A_85, %dma_start3A_166] : memref<10240x128xf32, #tpu.memory_space<vmem_shared>> -> memref<128x128xf32, #tpu.memory_space<vmem_shared>>
      tpu.enqueue_dma source(%dma_start3A_167 : memref<128x128xf32, #tpu.memory_space<vmem_shared>>) target(%arg11 : memref<128x128xf32, #tpu.memory_space<vmem>>) target_semaphore(%run_scoped3A : memref<!tpu.dma_semaphore, #tpu.memory_space<semaphore_mem>>)
      %dma_wait3A_168 = arith.constant 0 : i32
      %dma_wait3A_169 = tpu.memref_slice %arg13[%add3A_85, %dma_wait3A_168] : memref<10240x128xf32, #tpu.memory_space<vmem_shared>> -> memref<128x128xf32, #tpu.memory_space<vmem_shared>>
      %dma_wait3A_170 = arith.constant 0 : i32
      %dma_wait3A_171 = tpu.memref_slice %arg13[%add3A_85, %dma_wait3A_170] : memref<10240x128xf32, #tpu.memory_space<vmem_shared>> -> memref<128x128xf32, #tpu.memory_space<vmem_shared>>
      tpu.wait_dma2 semaphore(%run_scoped3A : memref<!tpu.dma_semaphore, #tpu.memory_space<semaphore_mem>>) src(%dma_wait3A_171 : memref<128x128xf32, #tpu.memory_space<vmem_shared>>) dst(%arg11 : memref<128x128xf32, #tpu.memory_space<vmem>>)
      tpu.yield
    }) : () -> ()
    %add3A_86 = arith.constant 0 : i32
    %add3A_87 = arith.addi %mul3A_2, %add3A_86 : i32
    %dma_start3A_88 = arith.constant 0 : i32
    %dma_start3A_89 = tpu.memref_slice %arg6[%arg0, %add3A_87, %dma_start3A_88] : memref<2x10240x128xf32, #tpu.memory_space<hbm>> -> memref<1x128x128xf32, #tpu.memory_space<hbm>>
    %dma_start3A_90 = tpu.memref_squeeze %dma_start3A_89 : memref<1x128x128xf32, #tpu.memory_space<hbm>> -> memref<128x128xf32, #tpu.memory_space<hbm>>
    %dma_start3A_91 = arith.constant 0 : i32
    %dma_start3A_92 = tpu.memref_slice %arg6[%arg0, %add3A_87, %dma_start3A_91] : memref<2x10240x128xf32, #tpu.memory_space<hbm>> -> memref<1x128x128xf32, #tpu.memory_space<hbm>>
    %dma_start3A_93 = tpu.memref_squeeze %dma_start3A_92 : memref<1x128x128xf32, #tpu.memory_space<hbm>> -> memref<128x128xf32, #tpu.memory_space<hbm>>
    tpu.enqueue_dma source(%arg11 : memref<128x128xf32, #tpu.memory_space<vmem>>) target(%dma_start3A_93 : memref<128x128xf32, #tpu.memory_space<hbm>>) target_semaphore(%arg17 : memref<!tpu.dma_semaphore, #tpu.memory_space<semaphore_mem>>)
    %add3A_94 = arith.constant 128 : i32
    %add3A_95 = arith.addi %mul3A_2, %add3A_94 : i32
    "tpu.region"() ({
      %run_scoped3A = tpu.sem_alloc : memref<!tpu.dma_semaphore, #tpu.memory_space<semaphore_mem>>
      %dma_start3A_164 = arith.constant 0 : i32
      %dma_start3A_165 = tpu.memref_slice %arg13[%add3A_95, %dma_start3A_164] : memref<10240x128xf32, #tpu.memory_space<vmem_shared>> -> memref<128x128xf32, #tpu.memory_space<vmem_shared>>
      %dma_start3A_166 = arith.constant 0 : i32
      %dma_start3A_167 = tpu.memref_slice %arg13[%add3A_95, %dma_start3A_166] : memref<10240x128xf32, #tpu.memory_space<vmem_shared>> -> memref<128x128xf32, #tpu.memory_space<vmem_shared>>
      tpu.enqueue_dma source(%dma_start3A_167 : memref<128x128xf32, #tpu.memory_space<vmem_shared>>) target(%arg12 : memref<128x128xf32, #tpu.memory_space<vmem>>) target_semaphore(%run_scoped3A : memref<!tpu.dma_semaphore, #tpu.memory_space<semaphore_mem>>)
      %dma_wait3A_168 = arith.constant 0 : i32
      %dma_wait3A_169 = tpu.memref_slice %arg13[%add3A_95, %dma_wait3A_168] : memref<10240x128xf32, #tpu.memory_space<vmem_shared>> -> memref<128x128xf32, #tpu.memory_space<vmem_shared>>
      %dma_wait3A_170 = arith.constant 0 : i32
      %dma_wait3A_171 = tpu.memref_slice %arg13[%add3A_95, %dma_wait3A_170] : memref<10240x128xf32, #tpu.memory_space<vmem_shared>> -> memref<128x128xf32, #tpu.memory_space<vmem_shared>>
      tpu.wait_dma2 semaphore(%run_scoped3A : memref<!tpu.dma_semaphore, #tpu.memory_space<semaphore_mem>>) src(%dma_wait3A_171 : memref<128x128xf32, #tpu.memory_space<vmem_shared>>) dst(%arg12 : memref<128x128xf32, #tpu.memory_space<vmem>>)
      tpu.yield
    }) : () -> ()
    %add3A_96 = arith.constant 128 : i32
    %add3A_97 = arith.addi %mul3A_2, %add3A_96 : i32
    %dma_start3A_98 = arith.constant 0 : i32
    %dma_start3A_99 = tpu.memref_slice %arg6[%arg0, %add3A_97, %dma_start3A_98] : memref<2x10240x128xf32, #tpu.memory_space<hbm>> -> memref<1x128x128xf32, #tpu.memory_space<hbm>>
    %dma_start3A_100 = tpu.memref_squeeze %dma_start3A_99 : memref<1x128x128xf32, #tpu.memory_space<hbm>> -> memref<128x128xf32, #tpu.memory_space<hbm>>
    %dma_start3A_101 = arith.constant 0 : i32
    %dma_start3A_102 = tpu.memref_slice %arg6[%arg0, %add3A_97, %dma_start3A_101] : memref<2x10240x128xf32, #tpu.memory_space<hbm>> -> memref<1x128x128xf32, #tpu.memory_space<hbm>>
    %dma_start3A_103 = tpu.memref_squeeze %dma_start3A_102 : memref<1x128x128xf32, #tpu.memory_space<hbm>> -> memref<128x128xf32, #tpu.memory_space<hbm>>
    tpu.enqueue_dma source(%arg12 : memref<128x128xf32, #tpu.memory_space<vmem>>) target(%dma_start3A_103 : memref<128x128xf32, #tpu.memory_space<hbm>>) target_semaphore(%arg17 : memref<!tpu.dma_semaphore, #tpu.memory_space<semaphore_mem>>)
    %dma_wait3A_104 = arith.constant 0 : i32
    %dma_wait3A_105 = tpu.memref_slice %arg6[%arg0, %add3A_87, %dma_wait3A_104] : memref<2x10240x128xf32, #tpu.memory_space<hbm>> -> memref<1x128x128xf32, #tpu.memory_space<hbm>>
    %dma_wait3A_106 = tpu.memref_squeeze %dma_wait3A_105 : memref<1x128x128xf32, #tpu.memory_space<hbm>> -> memref<128x128xf32, #tpu.memory_space<hbm>>
    %dma_wait3A_107 = arith.constant 0 : i32
    %dma_wait3A_108 = tpu.memref_slice %arg6[%arg0, %add3A_87, %dma_wait3A_107] : memref<2x10240x128xf32, #tpu.memory_space<hbm>> -> memref<1x128x128xf32, #tpu.memory_space<hbm>>
    %dma_wait3A_109 = tpu.memref_squeeze %dma_wait3A_108 : memref<1x128x128xf32, #tpu.memory_space<hbm>> -> memref<128x128xf32, #tpu.memory_space<hbm>>
    tpu.wait_dma2 semaphore(%arg17 : memref<!tpu.dma_semaphore, #tpu.memory_space<semaphore_mem>>) src(%arg11 : memref<128x128xf32, #tpu.memory_space<vmem>>) dst(%dma_wait3A_109 : memref<128x128xf32, #tpu.memory_space<hbm>>)
    %add3A_110 = arith.constant 256 : i32
    %add3A_111 = arith.addi %mul3A_2, %add3A_110 : i32
    "tpu.region"() ({
      %run_scoped3A = tpu.sem_alloc : memref<!tpu.dma_semaphore, #tpu.memory_space<semaphore_mem>>
      %dma_start3A_164 = arith.constant 0 : i32
      %dma_start3A_165 = tpu.memref_slice %arg13[%add3A_111, %dma_start3A_164] : memref<10240x128xf32, #tpu.memory_space<vmem_shared>> -> memref<128x128xf32, #tpu.memory_space<vmem_shared>>
      %dma_start3A_166 = arith.constant 0 : i32
      %dma_start3A_167 = tpu.memref_slice %arg13[%add3A_111, %dma_start3A_166] : memref<10240x128xf32, #tpu.memory_space<vmem_shared>> -> memref<128x128xf32, #tpu.memory_space<vmem_shared>>
      tpu.enqueue_dma source(%dma_start3A_167 : memref<128x128xf32, #tpu.memory_space<vmem_shared>>) target(%arg11 : memref<128x128xf32, #tpu.memory_space<vmem>>) target_semaphore(%run_scoped3A : memref<!tpu.dma_semaphore, #tpu.memory_space<semaphore_mem>>)
      %dma_wait3A_168 = arith.constant 0 : i32
      %dma_wait3A_169 = tpu.memref_slice %arg13[%add3A_111, %dma_wait3A_168] : memref<10240x128xf32, #tpu.memory_space<vmem_shared>> -> memref<128x128xf32, #tpu.memory_space<vmem_shared>>
      %dma_wait3A_170 = arith.constant 0 : i32
      %dma_wait3A_171 = tpu.memref_slice %arg13[%add3A_111, %dma_wait3A_170] : memref<10240x128xf32, #tpu.memory_space<vmem_shared>> -> memref<128x128xf32, #tpu.memory_space<vmem_shared>>
      tpu.wait_dma2 semaphore(%run_scoped3A : memref<!tpu.dma_semaphore, #tpu.memory_space<semaphore_mem>>) src(%dma_wait3A_171 : memref<128x128xf32, #tpu.memory_space<vmem_shared>>) dst(%arg11 : memref<128x128xf32, #tpu.memory_space<vmem>>)
      tpu.yield
    }) : () -> ()
    %add3A_112 = arith.constant 256 : i32
    %add3A_113 = arith.addi %mul3A_2, %add3A_112 : i32
    %dma_start3A_114 = arith.constant 0 : i32
    %dma_start3A_115 = tpu.memref_slice %arg6[%arg0, %add3A_113, %dma_start3A_114] : memref<2x10240x128xf32, #tpu.memory_space<hbm>> -> memref<1x128x128xf32, #tpu.memory_space<hbm>>
    %dma_start3A_116 = tpu.memref_squeeze %dma_start3A_115 : memref<1x128x128xf32, #tpu.memory_space<hbm>> -> memref<128x128xf32, #tpu.memory_space<hbm>>
    %dma_start3A_117 = arith.constant 0 : i32
    %dma_start3A_118 = tpu.memref_slice %arg6[%arg0, %add3A_113, %dma_start3A_117] : memref<2x10240x128xf32, #tpu.memory_space<hbm>> -> memref<1x128x128xf32, #tpu.memory_space<hbm>>
    %dma_start3A_119 = tpu.memref_squeeze %dma_start3A_118 : memref<1x128x128xf32, #tpu.memory_space<hbm>> -> memref<128x128xf32, #tpu.memory_space<hbm>>
    tpu.enqueue_dma source(%arg11 : memref<128x128xf32, #tpu.memory_space<vmem>>) target(%dma_start3A_119 : memref<128x128xf32, #tpu.memory_space<hbm>>) target_semaphore(%arg17 : memref<!tpu.dma_semaphore, #tpu.memory_space<semaphore_mem>>)
    %dma_wait3A_120 = arith.constant 0 : i32
    %dma_wait3A_121 = tpu.memref_slice %arg6[%arg0, %add3A_97, %dma_wait3A_120] : memref<2x10240x128xf32, #tpu.memory_space<hbm>> -> memref<1x128x128xf32, #tpu.memory_space<hbm>>
    %dma_wait3A_122 = tpu.memref_squeeze %dma_wait3A_121 : memref<1x128x128xf32, #tpu.memory_space<hbm>> -> memref<128x128xf32, #tpu.memory_space<hbm>>
    %dma_wait3A_123 = arith.constant 0 : i32
    %dma_wait3A_124 = tpu.memref_slice %arg6[%arg0, %add3A_97, %dma_wait3A_123] : memref<2x10240x128xf32, #tpu.memory_space<hbm>> -> memref<1x128x128xf32, #tpu.memory_space<hbm>>
    %dma_wait3A_125 = tpu.memref_squeeze %dma_wait3A_124 : memref<1x128x128xf32, #tpu.memory_space<hbm>> -> memref<128x128xf32, #tpu.memory_space<hbm>>
    tpu.wait_dma2 semaphore(%arg17 : memref<!tpu.dma_semaphore, #tpu.memory_space<semaphore_mem>>) src(%arg12 : memref<128x128xf32, #tpu.memory_space<vmem>>) dst(%dma_wait3A_125 : memref<128x128xf32, #tpu.memory_space<hbm>>)
    %add3A_126 = arith.constant 384 : i32
    %add3A_127 = arith.addi %mul3A_2, %add3A_126 : i32
    "tpu.region"() ({
      %run_scoped3A = tpu.sem_alloc : memref<!tpu.dma_semaphore, #tpu.memory_space<semaphore_mem>>
      %dma_start3A_164 = arith.constant 0 : i32
      %dma_start3A_165 = tpu.memref_slice %arg13[%add3A_127, %dma_start3A_164] : memref<10240x128xf32, #tpu.memory_space<vmem_shared>> -> memref<128x128xf32, #tpu.memory_space<vmem_shared>>
      %dma_start3A_166 = arith.constant 0 : i32
      %dma_start3A_167 = tpu.memref_slice %arg13[%add3A_127, %dma_start3A_166] : memref<10240x128xf32, #tpu.memory_space<vmem_shared>> -> memref<128x128xf32, #tpu.memory_space<vmem_shared>>
      tpu.enqueue_dma source(%dma_start3A_167 : memref<128x128xf32, #tpu.memory_space<vmem_shared>>) target(%arg12 : memref<128x128xf32, #tpu.memory_space<vmem>>) target_semaphore(%run_scoped3A : memref<!tpu.dma_semaphore, #tpu.memory_space<semaphore_mem>>)
      %dma_wait3A_168 = arith.constant 0 : i32
      %dma_wait3A_169 = tpu.memref_slice %arg13[%add3A_127, %dma_wait3A_168] : memref<10240x128xf32, #tpu.memory_space<vmem_shared>> -> memref<128x128xf32, #tpu.memory_space<vmem_shared>>
      %dma_wait3A_170 = arith.constant 0 : i32
      %dma_wait3A_171 = tpu.memref_slice %arg13[%add3A_127, %dma_wait3A_170] : memref<10240x128xf32, #tpu.memory_space<vmem_shared>> -> memref<128x128xf32, #tpu.memory_space<vmem_shared>>
      tpu.wait_dma2 semaphore(%run_scoped3A : memref<!tpu.dma_semaphore, #tpu.memory_space<semaphore_mem>>) src(%dma_wait3A_171 : memref<128x128xf32, #tpu.memory_space<vmem_shared>>) dst(%arg12 : memref<128x128xf32, #tpu.memory_space<vmem>>)
      tpu.yield
    }) : () -> ()
    %add3A_128 = arith.constant 384 : i32
    %add3A_129 = arith.addi %mul3A_2, %add3A_128 : i32
    %dma_start3A_130 = arith.constant 0 : i32
    %dma_start3A_131 = tpu.memref_slice %arg6[%arg0, %add3A_129, %dma_start3A_130] : memref<2x10240x128xf32, #tpu.memory_space<hbm>> -> memref<1x128x128xf32, #tpu.memory_space<hbm>>
    %dma_start3A_132 = tpu.memref_squeeze %dma_start3A_131 : memref<1x128x128xf32, #tpu.memory_space<hbm>> -> memref<128x128xf32, #tpu.memory_space<hbm>>
    %dma_start3A_133 = arith.constant 0 : i32
    %dma_start3A_134 = tpu.memref_slice %arg6[%arg0, %add3A_129, %dma_start3A_133] : memref<2x10240x128xf32, #tpu.memory_space<hbm>> -> memref<1x128x128xf32, #tpu.memory_space<hbm>>
    %dma_start3A_135 = tpu.memref_squeeze %dma_start3A_134 : memref<1x128x128xf32, #tpu.memory_space<hbm>> -> memref<128x128xf32, #tpu.memory_space<hbm>>
    tpu.enqueue_dma source(%arg12 : memref<128x128xf32, #tpu.memory_space<vmem>>) target(%dma_start3A_135 : memref<128x128xf32, #tpu.memory_space<hbm>>) target_semaphore(%arg17 : memref<!tpu.dma_semaphore, #tpu.memory_space<semaphore_mem>>)
    %dma_wait3A_136 = arith.constant 0 : i32
    %dma_wait3A_137 = tpu.memref_slice %arg6[%arg0, %add3A_113, %dma_wait3A_136] : memref<2x10240x128xf32, #tpu.memory_space<hbm>> -> memref<1x128x128xf32, #tpu.memory_space<hbm>>
    %dma_wait3A_138 = tpu.memref_squeeze %dma_wait3A_137 : memref<1x128x128xf32, #tpu.memory_space<hbm>> -> memref<128x128xf32, #tpu.memory_space<hbm>>
    %dma_wait3A_139 = arith.constant 0 : i32
    %dma_wait3A_140 = tpu.memref_slice %arg6[%arg0, %add3A_113, %dma_wait3A_139] : memref<2x10240x128xf32, #tpu.memory_space<hbm>> -> memref<1x128x128xf32, #tpu.memory_space<hbm>>
    %dma_wait3A_141 = tpu.memref_squeeze %dma_wait3A_140 : memref<1x128x128xf32, #tpu.memory_space<hbm>> -> memref<128x128xf32, #tpu.memory_space<hbm>>
    tpu.wait_dma2 semaphore(%arg17 : memref<!tpu.dma_semaphore, #tpu.memory_space<semaphore_mem>>) src(%arg11 : memref<128x128xf32, #tpu.memory_space<vmem>>) dst(%dma_wait3A_141 : memref<128x128xf32, #tpu.memory_space<hbm>>)
    %add3A_142 = arith.constant 512 : i32
    %add3A_143 = arith.addi %mul3A_2, %add3A_142 : i32
    "tpu.region"() ({
      %run_scoped3A = tpu.sem_alloc : memref<!tpu.dma_semaphore, #tpu.memory_space<semaphore_mem>>
      %dma_start3A_164 = arith.constant 0 : i32
      %dma_start3A_165 = tpu.memref_slice %arg13[%add3A_143, %dma_start3A_164] : memref<10240x128xf32, #tpu.memory_space<vmem_shared>> -> memref<128x128xf32, #tpu.memory_space<vmem_shared>>
      %dma_start3A_166 = arith.constant 0 : i32
      %dma_start3A_167 = tpu.memref_slice %arg13[%add3A_143, %dma_start3A_166] : memref<10240x128xf32, #tpu.memory_space<vmem_shared>> -> memref<128x128xf32, #tpu.memory_space<vmem_shared>>
      tpu.enqueue_dma source(%dma_start3A_167 : memref<128x128xf32, #tpu.memory_space<vmem_shared>>) target(%arg11 : memref<128x128xf32, #tpu.memory_space<vmem>>) target_semaphore(%run_scoped3A : memref<!tpu.dma_semaphore, #tpu.memory_space<semaphore_mem>>)
      %dma_wait3A_168 = arith.constant 0 : i32
      %dma_wait3A_169 = tpu.memref_slice %arg13[%add3A_143, %dma_wait3A_168] : memref<10240x128xf32, #tpu.memory_space<vmem_shared>> -> memref<128x128xf32, #tpu.memory_space<vmem_shared>>
      %dma_wait3A_170 = arith.constant 0 : i32
      %dma_wait3A_171 = tpu.memref_slice %arg13[%add3A_143, %dma_wait3A_170] : memref<10240x128xf32, #tpu.memory_space<vmem_shared>> -> memref<128x128xf32, #tpu.memory_space<vmem_shared>>
      tpu.wait_dma2 semaphore(%run_scoped3A : memref<!tpu.dma_semaphore, #tpu.memory_space<semaphore_mem>>) src(%dma_wait3A_171 : memref<128x128xf32, #tpu.memory_space<vmem_shared>>) dst(%arg11 : memref<128x128xf32, #tpu.memory_space<vmem>>)
      tpu.yield
    }) : () -> ()
    %add3A_144 = arith.constant 512 : i32
    %add3A_145 = arith.addi %mul3A_2, %add3A_144 : i32
    %dma_start3A_146 = arith.constant 0 : i32
    %dma_start3A_147 = tpu.memref_slice %arg6[%arg0, %add3A_145, %dma_start3A_146] : memref<2x10240x128xf32, #tpu.memory_space<hbm>> -> memref<1x128x128xf32, #tpu.memory_space<hbm>>
    %dma_start3A_148 = tpu.memref_squeeze %dma_start3A_147 : memref<1x128x128xf32, #tpu.memory_space<hbm>> -> memref<128x128xf32, #tpu.memory_space<hbm>>
    %dma_start3A_149 = arith.constant 0 : i32
    %dma_start3A_150 = tpu.memref_slice %arg6[%arg0, %add3A_145, %dma_start3A_149] : memref<2x10240x128xf32, #tpu.memory_space<hbm>> -> memref<1x128x128xf32, #tpu.memory_space<hbm>>
    %dma_start3A_151 = tpu.memref_squeeze %dma_start3A_150 : memref<1x128x128xf32, #tpu.memory_space<hbm>> -> memref<128x128xf32, #tpu.memory_space<hbm>>
    tpu.enqueue_dma source(%arg11 : memref<128x128xf32, #tpu.memory_space<vmem>>) target(%dma_start3A_151 : memref<128x128xf32, #tpu.memory_space<hbm>>) target_semaphore(%arg17 : memref<!tpu.dma_semaphore, #tpu.memory_space<semaphore_mem>>)
    %dma_wait3A_152 = arith.constant 0 : i32
    %dma_wait3A_153 = tpu.memref_slice %arg6[%arg0, %add3A_129, %dma_wait3A_152] : memref<2x10240x128xf32, #tpu.memory_space<hbm>> -> memref<1x128x128xf32, #tpu.memory_space<hbm>>
    %dma_wait3A_154 = tpu.memref_squeeze %dma_wait3A_153 : memref<1x128x128xf32, #tpu.memory_space<hbm>> -> memref<128x128xf32, #tpu.memory_space<hbm>>
    %dma_wait3A_155 = arith.constant 0 : i32
    %dma_wait3A_156 = tpu.memref_slice %arg6[%arg0, %add3A_129, %dma_wait3A_155] : memref<2x10240x128xf32, #tpu.memory_space<hbm>> -> memref<1x128x128xf32, #tpu.memory_space<hbm>>
    %dma_wait3A_157 = tpu.memref_squeeze %dma_wait3A_156 : memref<1x128x128xf32, #tpu.memory_space<hbm>> -> memref<128x128xf32, #tpu.memory_space<hbm>>
    tpu.wait_dma2 semaphore(%arg17 : memref<!tpu.dma_semaphore, #tpu.memory_space<semaphore_mem>>) src(%arg12 : memref<128x128xf32, #tpu.memory_space<vmem>>) dst(%dma_wait3A_157 : memref<128x128xf32, #tpu.memory_space<hbm>>)
    %dma_wait3A_158 = arith.constant 0 : i32
    %dma_wait3A_159 = tpu.memref_slice %arg6[%arg0, %add3A_145, %dma_wait3A_158] : memref<2x10240x128xf32, #tpu.memory_space<hbm>> -> memref<1x128x128xf32, #tpu.memory_space<hbm>>
    %dma_wait3A_160 = tpu.memref_squeeze %dma_wait3A_159 : memref<1x128x128xf32, #tpu.memory_space<hbm>> -> memref<128x128xf32, #tpu.memory_space<hbm>>
    %dma_wait3A_161 = arith.constant 0 : i32
    %dma_wait3A_162 = tpu.memref_slice %arg6[%arg0, %add3A_145, %dma_wait3A_161] : memref<2x10240x128xf32, #tpu.memory_space<hbm>> -> memref<1x128x128xf32, #tpu.memory_space<hbm>>
    %dma_wait3A_163 = tpu.memref_squeeze %dma_wait3A_162 : memref<1x128x128xf32, #tpu.memory_space<hbm>> -> memref<128x128xf32, #tpu.memory_space<hbm>>
    tpu.wait_dma2 semaphore(%arg17 : memref<!tpu.dma_semaphore, #tpu.memory_space<semaphore_mem>>) src(%arg11 : memref<128x128xf32, #tpu.memory_space<vmem>>) dst(%dma_wait3A_163 : memref<128x128xf32, #tpu.memory_space<hbm>>)
    return
  }
}

#map = affine_map<(d0, d1) -> (0, 0)>
#map1 = affine_map<(d0, d1) -> (0, 0, 0)>
module attributes {stable_mosaic.version = 14 : i64} {
  func.func @cnt_k(%arg0: i32, %arg1: i32, %arg2: memref<2560x128xi32, #tpu.memory_space<hbm>>, %arg3: memref<128x128xf32, #tpu.memory_space<hbm>>, %arg4: memref<128x128xf32, #tpu.memory_space<hbm>>, %arg5: memref<2x10240x128xf32, #tpu.memory_space<hbm>>, %arg6: memref<8x128xi32, #tpu.memory_space<vmem>>, %arg7: memref<8x128xi32, #tpu.memory_space<vmem>>, %arg8: memref<128x128xf32, #tpu.memory_space<vmem>>, %arg9: memref<128x128xf32, #tpu.memory_space<vmem>>, %arg10: memref<10240x128xf32, #tpu.memory_space<vmem_shared>>, %arg11: memref<!tpu.dma_semaphore, #tpu.memory_space<semaphore_mem>>, %arg12: memref<!tpu.dma_semaphore, #tpu.memory_space<semaphore_mem>>, %arg13: memref<!tpu.dma_semaphore, #tpu.memory_space<semaphore_mem>>, %arg14: memref<!tpu.dma_semaphore, #tpu.memory_space<semaphore_mem>>) attributes {dimension_semantics = [#tpu.dimension_semantics<core_parallel>, #tpu.dimension_semantics<subcore_parallel>], iteration_bounds = array<i64: 2, 16>, scalar_prefetch = 0 : i64, scratch_operands = 9 : i64, tpu.core_type = #tpu.core_type<sc_vector_subcore>, window_params = [{transform_indices = #map}, {transform_indices = #map}, {transform_indices = #map}, {transform_indices = #map1}]} {
    %mul3A = arith.constant 16 : i32
    %mul3A_0 = arith.muli %arg0, %mul3A : i32
    %add3A = arith.addi %mul3A_0, %arg1 : i32
    "tpu.region"() ({
      %run_scoped3A = tpu.sem_alloc : memref<!tpu.dma_semaphore, #tpu.memory_space<semaphore_mem>>
      tpu.enqueue_dma source(%arg3 : memref<128x128xf32, #tpu.memory_space<hbm>>) target(%arg8 : memref<128x128xf32, #tpu.memory_space<vmem>>) target_semaphore(%run_scoped3A : memref<!tpu.dma_semaphore, #tpu.memory_space<semaphore_mem>>)
      tpu.wait_dma2 semaphore(%run_scoped3A : memref<!tpu.dma_semaphore, #tpu.memory_space<semaphore_mem>>) src(%arg3 : memref<128x128xf32, #tpu.memory_space<hbm>>) dst(%arg8 : memref<128x128xf32, #tpu.memory_space<vmem>>)
      tpu.yield
    }) : () -> ()
    %mul3A_1 = arith.constant 640 : i32
    %mul3A_2 = arith.muli %arg1, %mul3A_1 : i32
    %add3A_3 = arith.constant 0 : i32
    %add3A_4 = arith.addi %mul3A_2, %add3A_3 : i32
    %dma_start3A = arith.constant 0 : i32
    %dma_start3A_5 = tpu.memref_slice %arg10[%add3A_4, %dma_start3A] : memref<10240x128xf32, #tpu.memory_space<vmem_shared>> -> memref<128x128xf32, #tpu.memory_space<vmem_shared>>
    %dma_start3A_6 = arith.constant 0 : i32
    %dma_start3A_7 = tpu.memref_slice %arg10[%add3A_4, %dma_start3A_6] : memref<10240x128xf32, #tpu.memory_space<vmem_shared>> -> memref<128x128xf32, #tpu.memory_space<vmem_shared>>
    tpu.enqueue_dma source(%arg8 : memref<128x128xf32, #tpu.memory_space<vmem>>) target(%dma_start3A_7 : memref<128x128xf32, #tpu.memory_space<vmem_shared>>) target_semaphore(%arg13 : memref<!tpu.dma_semaphore, #tpu.memory_space<semaphore_mem>>)
    %add3A_8 = arith.constant 128 : i32
    %add3A_9 = arith.addi %mul3A_2, %add3A_8 : i32
    %dma_start3A_10 = arith.constant 0 : i32
    %dma_start3A_11 = tpu.memref_slice %arg10[%add3A_9, %dma_start3A_10] : memref<10240x128xf32, #tpu.memory_space<vmem_shared>> -> memref<128x128xf32, #tpu.memory_space<vmem_shared>>
    %dma_start3A_12 = arith.constant 0 : i32
    %dma_start3A_13 = tpu.memref_slice %arg10[%add3A_9, %dma_start3A_12] : memref<10240x128xf32, #tpu.memory_space<vmem_shared>> -> memref<128x128xf32, #tpu.memory_space<vmem_shared>>
    tpu.enqueue_dma source(%arg8 : memref<128x128xf32, #tpu.memory_space<vmem>>) target(%dma_start3A_13 : memref<128x128xf32, #tpu.memory_space<vmem_shared>>) target_semaphore(%arg13 : memref<!tpu.dma_semaphore, #tpu.memory_space<semaphore_mem>>)
    %add3A_14 = arith.constant 256 : i32
    %add3A_15 = arith.addi %mul3A_2, %add3A_14 : i32
    %dma_start3A_16 = arith.constant 0 : i32
    %dma_start3A_17 = tpu.memref_slice %arg10[%add3A_15, %dma_start3A_16] : memref<10240x128xf32, #tpu.memory_space<vmem_shared>> -> memref<128x128xf32, #tpu.memory_space<vmem_shared>>
    %dma_start3A_18 = arith.constant 0 : i32
    %dma_start3A_19 = tpu.memref_slice %arg10[%add3A_15, %dma_start3A_18] : memref<10240x128xf32, #tpu.memory_space<vmem_shared>> -> memref<128x128xf32, #tpu.memory_space<vmem_shared>>
    tpu.enqueue_dma source(%arg8 : memref<128x128xf32, #tpu.memory_space<vmem>>) target(%dma_start3A_19 : memref<128x128xf32, #tpu.memory_space<vmem_shared>>) target_semaphore(%arg13 : memref<!tpu.dma_semaphore, #tpu.memory_space<semaphore_mem>>)
    %add3A_20 = arith.constant 384 : i32
    %add3A_21 = arith.addi %mul3A_2, %add3A_20 : i32
    %dma_start3A_22 = arith.constant 0 : i32
    %dma_start3A_23 = tpu.memref_slice %arg10[%add3A_21, %dma_start3A_22] : memref<10240x128xf32, #tpu.memory_space<vmem_shared>> -> memref<128x128xf32, #tpu.memory_space<vmem_shared>>
    %dma_start3A_24 = arith.constant 0 : i32
    %dma_start3A_25 = tpu.memref_slice %arg10[%add3A_21, %dma_start3A_24] : memref<10240x128xf32, #tpu.memory_space<vmem_shared>> -> memref<128x128xf32, #tpu.memory_space<vmem_shared>>
    tpu.enqueue_dma source(%arg8 : memref<128x128xf32, #tpu.memory_space<vmem>>) target(%dma_start3A_25 : memref<128x128xf32, #tpu.memory_space<vmem_shared>>) target_semaphore(%arg13 : memref<!tpu.dma_semaphore, #tpu.memory_space<semaphore_mem>>)
    %add3A_26 = arith.constant 512 : i32
    %add3A_27 = arith.addi %mul3A_2, %add3A_26 : i32
    %dma_start3A_28 = arith.constant 0 : i32
    %dma_start3A_29 = tpu.memref_slice %arg10[%add3A_27, %dma_start3A_28] : memref<10240x128xf32, #tpu.memory_space<vmem_shared>> -> memref<128x128xf32, #tpu.memory_space<vmem_shared>>
    %dma_start3A_30 = arith.constant 0 : i32
    %dma_start3A_31 = tpu.memref_slice %arg10[%add3A_27, %dma_start3A_30] : memref<10240x128xf32, #tpu.memory_space<vmem_shared>> -> memref<128x128xf32, #tpu.memory_space<vmem_shared>>
    tpu.enqueue_dma source(%arg8 : memref<128x128xf32, #tpu.memory_space<vmem>>) target(%dma_start3A_31 : memref<128x128xf32, #tpu.memory_space<vmem_shared>>) target_semaphore(%arg13 : memref<!tpu.dma_semaphore, #tpu.memory_space<semaphore_mem>>)
    "tpu.region"() ({
      %run_scoped3A = tpu.sem_alloc : memref<!tpu.dma_semaphore, #tpu.memory_space<semaphore_mem>>
      tpu.enqueue_dma source(%arg4 : memref<128x128xf32, #tpu.memory_space<hbm>>) target(%arg9 : memref<128x128xf32, #tpu.memory_space<vmem>>) target_semaphore(%run_scoped3A : memref<!tpu.dma_semaphore, #tpu.memory_space<semaphore_mem>>)
      tpu.wait_dma2 semaphore(%run_scoped3A : memref<!tpu.dma_semaphore, #tpu.memory_space<semaphore_mem>>) src(%arg4 : memref<128x128xf32, #tpu.memory_space<hbm>>) dst(%arg9 : memref<128x128xf32, #tpu.memory_space<vmem>>)
      tpu.yield
    }) : () -> ()
    %mul3A_32 = arith.constant 10 : i32
    %mul3A_33 = arith.muli %add3A, %mul3A_32 : i32
    %min3A = arith.constant 0 : i32
    %min3A_34 = arith.constant 9 : i32
    %min3A_35 = arith.minsi %min3A, %min3A_34 : i32
    %add3A_36 = arith.addi %mul3A_33, %min3A_35 : i32
    %mul3A_37 = arith.constant 8 : i32
    %mul3A_38 = arith.muli %add3A_36, %mul3A_37 : i32
    %dma_start3A_39 = arith.constant 0 : i32
    %dma_start3A_40 = tpu.memref_slice %arg2[%mul3A_38, %dma_start3A_39] : memref<2560x128xi32, #tpu.memory_space<hbm>> -> memref<8x128xi32, #tpu.memory_space<hbm>>
    %dma_start3A_41 = arith.constant 0 : i32
    %dma_start3A_42 = tpu.memref_slice %arg2[%mul3A_38, %dma_start3A_41] : memref<2560x128xi32, #tpu.memory_space<hbm>> -> memref<8x128xi32, #tpu.memory_space<hbm>>
    tpu.enqueue_dma source(%dma_start3A_42 : memref<8x128xi32, #tpu.memory_space<hbm>>) target(%arg6 : memref<8x128xi32, #tpu.memory_space<vmem>>) target_semaphore(%arg11 : memref<!tpu.dma_semaphore, #tpu.memory_space<semaphore_mem>>)
    %dma_wait3A = arith.constant 0 : i32
    %dma_wait3A_43 = tpu.memref_slice %arg10[%add3A_4, %dma_wait3A] : memref<10240x128xf32, #tpu.memory_space<vmem_shared>> -> memref<128x128xf32, #tpu.memory_space<vmem_shared>>
    %dma_wait3A_44 = arith.constant 0 : i32
    %dma_wait3A_45 = tpu.memref_slice %arg10[%add3A_4, %dma_wait3A_44] : memref<10240x128xf32, #tpu.memory_space<vmem_shared>> -> memref<128x128xf32, #tpu.memory_space<vmem_shared>>
    tpu.wait_dma2 semaphore(%arg13 : memref<!tpu.dma_semaphore, #tpu.memory_space<semaphore_mem>>) src(%arg8 : memref<128x128xf32, #tpu.memory_space<vmem>>) dst(%dma_wait3A_45 : memref<128x128xf32, #tpu.memory_space<vmem_shared>>)
    %dma_wait3A_46 = arith.constant 0 : i32
    %dma_wait3A_47 = tpu.memref_slice %arg10[%add3A_9, %dma_wait3A_46] : memref<10240x128xf32, #tpu.memory_space<vmem_shared>> -> memref<128x128xf32, #tpu.memory_space<vmem_shared>>
    %dma_wait3A_48 = arith.constant 0 : i32
    %dma_wait3A_49 = tpu.memref_slice %arg10[%add3A_9, %dma_wait3A_48] : memref<10240x128xf32, #tpu.memory_space<vmem_shared>> -> memref<128x128xf32, #tpu.memory_space<vmem_shared>>
    tpu.wait_dma2 semaphore(%arg13 : memref<!tpu.dma_semaphore, #tpu.memory_space<semaphore_mem>>) src(%arg8 : memref<128x128xf32, #tpu.memory_space<vmem>>) dst(%dma_wait3A_49 : memref<128x128xf32, #tpu.memory_space<vmem_shared>>)
    %dma_wait3A_50 = arith.constant 0 : i32
    %dma_wait3A_51 = tpu.memref_slice %arg10[%add3A_15, %dma_wait3A_50] : memref<10240x128xf32, #tpu.memory_space<vmem_shared>> -> memref<128x128xf32, #tpu.memory_space<vmem_shared>>
    %dma_wait3A_52 = arith.constant 0 : i32
    %dma_wait3A_53 = tpu.memref_slice %arg10[%add3A_15, %dma_wait3A_52] : memref<10240x128xf32, #tpu.memory_space<vmem_shared>> -> memref<128x128xf32, #tpu.memory_space<vmem_shared>>
    tpu.wait_dma2 semaphore(%arg13 : memref<!tpu.dma_semaphore, #tpu.memory_space<semaphore_mem>>) src(%arg8 : memref<128x128xf32, #tpu.memory_space<vmem>>) dst(%dma_wait3A_53 : memref<128x128xf32, #tpu.memory_space<vmem_shared>>)
    %dma_wait3A_54 = arith.constant 0 : i32
    %dma_wait3A_55 = tpu.memref_slice %arg10[%add3A_21, %dma_wait3A_54] : memref<10240x128xf32, #tpu.memory_space<vmem_shared>> -> memref<128x128xf32, #tpu.memory_space<vmem_shared>>
    %dma_wait3A_56 = arith.constant 0 : i32
    %dma_wait3A_57 = tpu.memref_slice %arg10[%add3A_21, %dma_wait3A_56] : memref<10240x128xf32, #tpu.memory_space<vmem_shared>> -> memref<128x128xf32, #tpu.memory_space<vmem_shared>>
    tpu.wait_dma2 semaphore(%arg13 : memref<!tpu.dma_semaphore, #tpu.memory_space<semaphore_mem>>) src(%arg8 : memref<128x128xf32, #tpu.memory_space<vmem>>) dst(%dma_wait3A_57 : memref<128x128xf32, #tpu.memory_space<vmem_shared>>)
    %dma_wait3A_58 = arith.constant 0 : i32
    %dma_wait3A_59 = tpu.memref_slice %arg10[%add3A_27, %dma_wait3A_58] : memref<10240x128xf32, #tpu.memory_space<vmem_shared>> -> memref<128x128xf32, #tpu.memory_space<vmem_shared>>
    %dma_wait3A_60 = arith.constant 0 : i32
    %dma_wait3A_61 = tpu.memref_slice %arg10[%add3A_27, %dma_wait3A_60] : memref<10240x128xf32, #tpu.memory_space<vmem_shared>> -> memref<128x128xf32, #tpu.memory_space<vmem_shared>>
    tpu.wait_dma2 semaphore(%arg13 : memref<!tpu.dma_semaphore, #tpu.memory_space<semaphore_mem>>) src(%arg8 : memref<128x128xf32, #tpu.memory_space<vmem>>) dst(%dma_wait3A_61 : memref<128x128xf32, #tpu.memory_space<vmem_shared>>)
    %barrier3A = arith.constant 0 : index
    tpu.barrier barrier_id(%barrier3A)
    %scan3A = arith.constant 0 : i32
    %scan3A_62 = arith.constant 0 : i32
    %scan3A_63 = arith.constant 5 : i32
    %scan3A_64 = arith.addi %scan3A_62, %scan3A_63 : i32
    %scan3A_65 = arith.constant 1 : i32
    scf.for %scan3A_154 = %scan3A_62 to %scan3A_64 step %scan3A_65  : i32 {
      %mul3A_155 = arith.constant 2 : i32
      %mul3A_156 = arith.muli %mul3A_155, %scan3A_154 : i32
      %dma_wait3A_157 = arith.constant 0 : i32
      %dma_wait3A_158 = arith.constant 0 : i32
      %dma_wait3A_159 = tpu.memref_slice %arg2[%dma_wait3A_157, %dma_wait3A_158] : memref<2560x128xi32, #tpu.memory_space<hbm>> -> memref<8x128xi32, #tpu.memory_space<hbm>>
      %dma_wait3A_160 = arith.constant 0 : i32
      %dma_wait3A_161 = arith.constant 0 : i32
      %dma_wait3A_162 = tpu.memref_slice %arg2[%dma_wait3A_160, %dma_wait3A_161] : memref<2560x128xi32, #tpu.memory_space<hbm>> -> memref<8x128xi32, #tpu.memory_space<hbm>>
      tpu.wait_dma2 semaphore(%arg11 : memref<!tpu.dma_semaphore, #tpu.memory_space<semaphore_mem>>) src(%dma_wait3A_162 : memref<8x128xi32, #tpu.memory_space<hbm>>) dst(%arg6 : memref<8x128xi32, #tpu.memory_space<vmem>>)
      %add3A_163 = arith.constant 1 : i32
      %add3A_164 = arith.addi %mul3A_156, %add3A_163 : i32
      %mul3A_165 = arith.constant 10 : i32
      %mul3A_166 = arith.muli %add3A, %mul3A_165 : i32
      %min3A_167 = arith.constant 9 : i32
      %min3A_168 = arith.minsi %add3A_164, %min3A_167 : i32
      %add3A_169 = arith.addi %mul3A_166, %min3A_168 : i32
      %mul3A_170 = arith.constant 8 : i32
      %mul3A_171 = arith.muli %add3A_169, %mul3A_170 : i32
      %dma_start3A_172 = arith.constant 0 : i32
      %dma_start3A_173 = tpu.memref_slice %arg2[%mul3A_171, %dma_start3A_172] : memref<2560x128xi32, #tpu.memory_space<hbm>> -> memref<8x128xi32, #tpu.memory_space<hbm>>
      %dma_start3A_174 = arith.constant 0 : i32
      %dma_start3A_175 = tpu.memref_slice %arg2[%mul3A_171, %dma_start3A_174] : memref<2560x128xi32, #tpu.memory_space<hbm>> -> memref<8x128xi32, #tpu.memory_space<hbm>>
      tpu.enqueue_dma source(%dma_start3A_175 : memref<8x128xi32, #tpu.memory_space<hbm>>) target(%arg7 : memref<8x128xi32, #tpu.memory_space<vmem>>) target_semaphore(%arg12 : memref<!tpu.dma_semaphore, #tpu.memory_space<semaphore_mem>>)
      %dma_start3A_176 = arith.constant 0 : i32
      %dma_start3A_177 = arith.constant 0 : i32
      %dma_start3A_178 = tpu.memref_slice %arg6[%dma_start3A_176, %dma_start3A_177] : memref<8x128xi32, #tpu.memory_space<vmem>> -> memref<1x128xi32, #tpu.memory_space<vmem>>
      %dma_start3A_179 = tpu.memref_squeeze %dma_start3A_178 : memref<1x128xi32, #tpu.memory_space<vmem>> -> memref<128xi32, #tpu.memory_space<vmem>>
      %dma_start3A_180 = arith.constant 0 : i32
      %dma_start3A_181 = arith.constant 0 : i32
      %dma_start3A_182 = tpu.memref_slice %arg10[%dma_start3A_180, %dma_start3A_181] : memref<10240x128xf32, #tpu.memory_space<vmem_shared>> -> memref<10240x128xf32, #tpu.memory_space<vmem_shared>>
      tpu.enqueue_indirect_dma source(%arg9 : memref<128x128xf32, #tpu.memory_space<vmem>>) target(%dma_start3A_182 : memref<10240x128xf32, #tpu.memory_space<vmem_shared>>) offsets(%dma_start3A_179 : memref<128xi32, #tpu.memory_space<vmem>>) semaphore(%arg13 : memref<!tpu.dma_semaphore, #tpu.memory_space<semaphore_mem>>) {add = true}
      %dma_start3A_183 = arith.constant 1 : i32
      %dma_start3A_184 = arith.constant 0 : i32
      %dma_start3A_185 = tpu.memref_slice %arg6[%dma_start3A_183, %dma_start3A_184] : memref<8x128xi32, #tpu.memory_space<vmem>> -> memref<1x128xi32, #tpu.memory_space<vmem>>
      %dma_start3A_186 = tpu.memref_squeeze %dma_start3A_185 : memref<1x128xi32, #tpu.memory_space<vmem>> -> memref<128xi32, #tpu.memory_space<vmem>>
      %dma_start3A_187 = arith.constant 0 : i32
      %dma_start3A_188 = arith.constant 0 : i32
      %dma_start3A_189 = tpu.memref_slice %arg10[%dma_start3A_187, %dma_start3A_188] : memref<10240x128xf32, #tpu.memory_space<vmem_shared>> -> memref<10240x128xf32, #tpu.memory_space<vmem_shared>>
      tpu.enqueue_indirect_dma source(%arg9 : memref<128x128xf32, #tpu.memory_space<vmem>>) target(%dma_start3A_189 : memref<10240x128xf32, #tpu.memory_space<vmem_shared>>) offsets(%dma_start3A_186 : memref<128xi32, #tpu.memory_space<vmem>>) semaphore(%arg13 : memref<!tpu.dma_semaphore, #tpu.memory_space<semaphore_mem>>) {add = true}
      %dma_start3A_190 = arith.constant 2 : i32
      %dma_start3A_191 = arith.constant 0 : i32
      %dma_start3A_192 = tpu.memref_slice %arg6[%dma_start3A_190, %dma_start3A_191] : memref<8x128xi32, #tpu.memory_space<vmem>> -> memref<1x128xi32, #tpu.memory_space<vmem>>
      %dma_start3A_193 = tpu.memref_squeeze %dma_start3A_192 : memref<1x128xi32, #tpu.memory_space<vmem>> -> memref<128xi32, #tpu.memory_space<vmem>>
      %dma_start3A_194 = arith.constant 0 : i32
      %dma_start3A_195 = arith.constant 0 : i32
      %dma_start3A_196 = tpu.memref_slice %arg10[%dma_start3A_194, %dma_start3A_195] : memref<10240x128xf32, #tpu.memory_space<vmem_shared>> -> memref<10240x128xf32, #tpu.memory_space<vmem_shared>>
      tpu.enqueue_indirect_dma source(%arg9 : memref<128x128xf32, #tpu.memory_space<vmem>>) target(%dma_start3A_196 : memref<10240x128xf32, #tpu.memory_space<vmem_shared>>) offsets(%dma_start3A_193 : memref<128xi32, #tpu.memory_space<vmem>>) semaphore(%arg13 : memref<!tpu.dma_semaphore, #tpu.memory_space<semaphore_mem>>) {add = true}
      %dma_start3A_197 = arith.constant 3 : i32
      %dma_start3A_198 = arith.constant 0 : i32
      %dma_start3A_199 = tpu.memref_slice %arg6[%dma_start3A_197, %dma_start3A_198] : memref<8x128xi32, #tpu.memory_space<vmem>> -> memref<1x128xi32, #tpu.memory_space<vmem>>
      %dma_start3A_200 = tpu.memref_squeeze %dma_start3A_199 : memref<1x128xi32, #tpu.memory_space<vmem>> -> memref<128xi32, #tpu.memory_space<vmem>>
      %dma_start3A_201 = arith.constant 0 : i32
      %dma_start3A_202 = arith.constant 0 : i32
      %dma_start3A_203 = tpu.memref_slice %arg10[%dma_start3A_201, %dma_start3A_202] : memref<10240x128xf32, #tpu.memory_space<vmem_shared>> -> memref<10240x128xf32, #tpu.memory_space<vmem_shared>>
      tpu.enqueue_indirect_dma source(%arg9 : memref<128x128xf32, #tpu.memory_space<vmem>>) target(%dma_start3A_203 : memref<10240x128xf32, #tpu.memory_space<vmem_shared>>) offsets(%dma_start3A_200 : memref<128xi32, #tpu.memory_space<vmem>>) semaphore(%arg13 : memref<!tpu.dma_semaphore, #tpu.memory_space<semaphore_mem>>) {add = true}
      %dma_start3A_204 = arith.constant 4 : i32
      %dma_start3A_205 = arith.constant 0 : i32
      %dma_start3A_206 = tpu.memref_slice %arg6[%dma_start3A_204, %dma_start3A_205] : memref<8x128xi32, #tpu.memory_space<vmem>> -> memref<1x128xi32, #tpu.memory_space<vmem>>
      %dma_start3A_207 = tpu.memref_squeeze %dma_start3A_206 : memref<1x128xi32, #tpu.memory_space<vmem>> -> memref<128xi32, #tpu.memory_space<vmem>>
      %dma_start3A_208 = arith.constant 0 : i32
      %dma_start3A_209 = arith.constant 0 : i32
      %dma_start3A_210 = tpu.memref_slice %arg10[%dma_start3A_208, %dma_start3A_209] : memref<10240x128xf32, #tpu.memory_space<vmem_shared>> -> memref<10240x128xf32, #tpu.memory_space<vmem_shared>>
      tpu.enqueue_indirect_dma source(%arg9 : memref<128x128xf32, #tpu.memory_space<vmem>>) target(%dma_start3A_210 : memref<10240x128xf32, #tpu.memory_space<vmem_shared>>) offsets(%dma_start3A_207 : memref<128xi32, #tpu.memory_space<vmem>>) semaphore(%arg13 : memref<!tpu.dma_semaphore, #tpu.memory_space<semaphore_mem>>) {add = true}
      %dma_start3A_211 = arith.constant 5 : i32
      %dma_start3A_212 = arith.constant 0 : i32
      %dma_start3A_213 = tpu.memref_slice %arg6[%dma_start3A_211, %dma_start3A_212] : memref<8x128xi32, #tpu.memory_space<vmem>> -> memref<1x128xi32, #tpu.memory_space<vmem>>
      %dma_start3A_214 = tpu.memref_squeeze %dma_start3A_213 : memref<1x128xi32, #tpu.memory_space<vmem>> -> memref<128xi32, #tpu.memory_space<vmem>>
      %dma_start3A_215 = arith.constant 0 : i32
      %dma_start3A_216 = arith.constant 0 : i32
      %dma_start3A_217 = tpu.memref_slice %arg10[%dma_start3A_215, %dma_start3A_216] : memref<10240x128xf32, #tpu.memory_space<vmem_shared>> -> memref<10240x128xf32, #tpu.memory_space<vmem_shared>>
      tpu.enqueue_indirect_dma source(%arg9 : memref<128x128xf32, #tpu.memory_space<vmem>>) target(%dma_start3A_217 : memref<10240x128xf32, #tpu.memory_space<vmem_shared>>) offsets(%dma_start3A_214 : memref<128xi32, #tpu.memory_space<vmem>>) semaphore(%arg13 : memref<!tpu.dma_semaphore, #tpu.memory_space<semaphore_mem>>) {add = true}
      %dma_start3A_218 = arith.constant 6 : i32
      %dma_start3A_219 = arith.constant 0 : i32
      %dma_start3A_220 = tpu.memref_slice %arg6[%dma_start3A_218, %dma_start3A_219] : memref<8x128xi32, #tpu.memory_space<vmem>> -> memref<1x128xi32, #tpu.memory_space<vmem>>
      %dma_start3A_221 = tpu.memref_squeeze %dma_start3A_220 : memref<1x128xi32, #tpu.memory_space<vmem>> -> memref<128xi32, #tpu.memory_space<vmem>>
      %dma_start3A_222 = arith.constant 0 : i32
      %dma_start3A_223 = arith.constant 0 : i32
      %dma_start3A_224 = tpu.memref_slice %arg10[%dma_start3A_222, %dma_start3A_223] : memref<10240x128xf32, #tpu.memory_space<vmem_shared>> -> memref<10240x128xf32, #tpu.memory_space<vmem_shared>>
      tpu.enqueue_indirect_dma source(%arg9 : memref<128x128xf32, #tpu.memory_space<vmem>>) target(%dma_start3A_224 : memref<10240x128xf32, #tpu.memory_space<vmem_shared>>) offsets(%dma_start3A_221 : memref<128xi32, #tpu.memory_space<vmem>>) semaphore(%arg13 : memref<!tpu.dma_semaphore, #tpu.memory_space<semaphore_mem>>) {add = true}
      %dma_start3A_225 = arith.constant 7 : i32
      %dma_start3A_226 = arith.constant 0 : i32
      %dma_start3A_227 = tpu.memref_slice %arg6[%dma_start3A_225, %dma_start3A_226] : memref<8x128xi32, #tpu.memory_space<vmem>> -> memref<1x128xi32, #tpu.memory_space<vmem>>
      %dma_start3A_228 = tpu.memref_squeeze %dma_start3A_227 : memref<1x128xi32, #tpu.memory_space<vmem>> -> memref<128xi32, #tpu.memory_space<vmem>>
      %dma_start3A_229 = arith.constant 0 : i32
      %dma_start3A_230 = arith.constant 0 : i32
      %dma_start3A_231 = tpu.memref_slice %arg10[%dma_start3A_229, %dma_start3A_230] : memref<10240x128xf32, #tpu.memory_space<vmem_shared>> -> memref<10240x128xf32, #tpu.memory_space<vmem_shared>>
      tpu.enqueue_indirect_dma source(%arg9 : memref<128x128xf32, #tpu.memory_space<vmem>>) target(%dma_start3A_231 : memref<10240x128xf32, #tpu.memory_space<vmem_shared>>) offsets(%dma_start3A_228 : memref<128xi32, #tpu.memory_space<vmem>>) semaphore(%arg13 : memref<!tpu.dma_semaphore, #tpu.memory_space<semaphore_mem>>) {add = true}
      %dma_wait3A_232 = arith.constant 0 : i32
      %dma_wait3A_233 = arith.constant 0 : i32
      %dma_wait3A_234 = tpu.memref_slice %arg2[%dma_wait3A_232, %dma_wait3A_233] : memref<2560x128xi32, #tpu.memory_space<hbm>> -> memref<8x128xi32, #tpu.memory_space<hbm>>
      %dma_wait3A_235 = arith.constant 0 : i32
      %dma_wait3A_236 = arith.constant 0 : i32
      %dma_wait3A_237 = tpu.memref_slice %arg2[%dma_wait3A_235, %dma_wait3A_236] : memref<2560x128xi32, #tpu.memory_space<hbm>> -> memref<8x128xi32, #tpu.memory_space<hbm>>
      tpu.wait_dma2 semaphore(%arg12 : memref<!tpu.dma_semaphore, #tpu.memory_space<semaphore_mem>>) src(%dma_wait3A_237 : memref<8x128xi32, #tpu.memory_space<hbm>>) dst(%arg7 : memref<8x128xi32, #tpu.memory_space<vmem>>)
      %dma_start3A_238 = arith.constant 0 : i32
      %dma_start3A_239 = arith.constant 0 : i32
      %dma_start3A_240 = tpu.memref_slice %arg7[%dma_start3A_238, %dma_start3A_239] : memref<8x128xi32, #tpu.memory_space<vmem>> -> memref<1x128xi32, #tpu.memory_space<vmem>>
      %dma_start3A_241 = tpu.memref_squeeze %dma_start3A_240 : memref<1x128xi32, #tpu.memory_space<vmem>> -> memref<128xi32, #tpu.memory_space<vmem>>
      %dma_start3A_242 = arith.constant 0 : i32
      %dma_start3A_243 = arith.constant 0 : i32
      %dma_start3A_244 = tpu.memref_slice %arg10[%dma_start3A_242, %dma_start3A_243] : memref<10240x128xf32, #tpu.memory_space<vmem_shared>> -> memref<10240x128xf32, #tpu.memory_space<vmem_shared>>
      tpu.enqueue_indirect_dma source(%arg9 : memref<128x128xf32, #tpu.memory_space<vmem>>) target(%dma_start3A_244 : memref<10240x128xf32, #tpu.memory_space<vmem_shared>>) offsets(%dma_start3A_241 : memref<128xi32, #tpu.memory_space<vmem>>) semaphore(%arg14 : memref<!tpu.dma_semaphore, #tpu.memory_space<semaphore_mem>>) {add = true}
      %dma_start3A_245 = arith.constant 1 : i32
      %dma_start3A_246 = arith.constant 0 : i32
      %dma_start3A_247 = tpu.memref_slice %arg7[%dma_start3A_245, %dma_start3A_246] : memref<8x128xi32, #tpu.memory_space<vmem>> -> memref<1x128xi32, #tpu.memory_space<vmem>>
      %dma_start3A_248 = tpu.memref_squeeze %dma_start3A_247 : memref<1x128xi32, #tpu.memory_space<vmem>> -> memref<128xi32, #tpu.memory_space<vmem>>
      %dma_start3A_249 = arith.constant 0 : i32
      %dma_start3A_250 = arith.constant 0 : i32
      %dma_start3A_251 = tpu.memref_slice %arg10[%dma_start3A_249, %dma_start3A_250] : memref<10240x128xf32, #tpu.memory_space<vmem_shared>> -> memref<10240x128xf32, #tpu.memory_space<vmem_shared>>
      tpu.enqueue_indirect_dma source(%arg9 : memref<128x128xf32, #tpu.memory_space<vmem>>) target(%dma_start3A_251 : memref<10240x128xf32, #tpu.memory_space<vmem_shared>>) offsets(%dma_start3A_248 : memref<128xi32, #tpu.memory_space<vmem>>) semaphore(%arg14 : memref<!tpu.dma_semaphore, #tpu.memory_space<semaphore_mem>>) {add = true}
      %dma_start3A_252 = arith.constant 2 : i32
      %dma_start3A_253 = arith.constant 0 : i32
      %dma_start3A_254 = tpu.memref_slice %arg7[%dma_start3A_252, %dma_start3A_253] : memref<8x128xi32, #tpu.memory_space<vmem>> -> memref<1x128xi32, #tpu.memory_space<vmem>>
      %dma_start3A_255 = tpu.memref_squeeze %dma_start3A_254 : memref<1x128xi32, #tpu.memory_space<vmem>> -> memref<128xi32, #tpu.memory_space<vmem>>
      %dma_start3A_256 = arith.constant 0 : i32
      %dma_start3A_257 = arith.constant 0 : i32
      %dma_start3A_258 = tpu.memref_slice %arg10[%dma_start3A_256, %dma_start3A_257] : memref<10240x128xf32, #tpu.memory_space<vmem_shared>> -> memref<10240x128xf32, #tpu.memory_space<vmem_shared>>
      tpu.enqueue_indirect_dma source(%arg9 : memref<128x128xf32, #tpu.memory_space<vmem>>) target(%dma_start3A_258 : memref<10240x128xf32, #tpu.memory_space<vmem_shared>>) offsets(%dma_start3A_255 : memref<128xi32, #tpu.memory_space<vmem>>) semaphore(%arg14 : memref<!tpu.dma_semaphore, #tpu.memory_space<semaphore_mem>>) {add = true}
      %dma_start3A_259 = arith.constant 3 : i32
      %dma_start3A_260 = arith.constant 0 : i32
      %dma_start3A_261 = tpu.memref_slice %arg7[%dma_start3A_259, %dma_start3A_260] : memref<8x128xi32, #tpu.memory_space<vmem>> -> memref<1x128xi32, #tpu.memory_space<vmem>>
      %dma_start3A_262 = tpu.memref_squeeze %dma_start3A_261 : memref<1x128xi32, #tpu.memory_space<vmem>> -> memref<128xi32, #tpu.memory_space<vmem>>
      %dma_start3A_263 = arith.constant 0 : i32
      %dma_start3A_264 = arith.constant 0 : i32
      %dma_start3A_265 = tpu.memref_slice %arg10[%dma_start3A_263, %dma_start3A_264] : memref<10240x128xf32, #tpu.memory_space<vmem_shared>> -> memref<10240x128xf32, #tpu.memory_space<vmem_shared>>
      tpu.enqueue_indirect_dma source(%arg9 : memref<128x128xf32, #tpu.memory_space<vmem>>) target(%dma_start3A_265 : memref<10240x128xf32, #tpu.memory_space<vmem_shared>>) offsets(%dma_start3A_262 : memref<128xi32, #tpu.memory_space<vmem>>) semaphore(%arg14 : memref<!tpu.dma_semaphore, #tpu.memory_space<semaphore_mem>>) {add = true}
      %dma_start3A_266 = arith.constant 4 : i32
      %dma_start3A_267 = arith.constant 0 : i32
      %dma_start3A_268 = tpu.memref_slice %arg7[%dma_start3A_266, %dma_start3A_267] : memref<8x128xi32, #tpu.memory_space<vmem>> -> memref<1x128xi32, #tpu.memory_space<vmem>>
      %dma_start3A_269 = tpu.memref_squeeze %dma_start3A_268 : memref<1x128xi32, #tpu.memory_space<vmem>> -> memref<128xi32, #tpu.memory_space<vmem>>
      %dma_start3A_270 = arith.constant 0 : i32
      %dma_start3A_271 = arith.constant 0 : i32
      %dma_start3A_272 = tpu.memref_slice %arg10[%dma_start3A_270, %dma_start3A_271] : memref<10240x128xf32, #tpu.memory_space<vmem_shared>> -> memref<10240x128xf32, #tpu.memory_space<vmem_shared>>
      tpu.enqueue_indirect_dma source(%arg9 : memref<128x128xf32, #tpu.memory_space<vmem>>) target(%dma_start3A_272 : memref<10240x128xf32, #tpu.memory_space<vmem_shared>>) offsets(%dma_start3A_269 : memref<128xi32, #tpu.memory_space<vmem>>) semaphore(%arg14 : memref<!tpu.dma_semaphore, #tpu.memory_space<semaphore_mem>>) {add = true}
      %dma_start3A_273 = arith.constant 5 : i32
      %dma_start3A_274 = arith.constant 0 : i32
      %dma_start3A_275 = tpu.memref_slice %arg7[%dma_start3A_273, %dma_start3A_274] : memref<8x128xi32, #tpu.memory_space<vmem>> -> memref<1x128xi32, #tpu.memory_space<vmem>>
      %dma_start3A_276 = tpu.memref_squeeze %dma_start3A_275 : memref<1x128xi32, #tpu.memory_space<vmem>> -> memref<128xi32, #tpu.memory_space<vmem>>
      %dma_start3A_277 = arith.constant 0 : i32
      %dma_start3A_278 = arith.constant 0 : i32
      %dma_start3A_279 = tpu.memref_slice %arg10[%dma_start3A_277, %dma_start3A_278] : memref<10240x128xf32, #tpu.memory_space<vmem_shared>> -> memref<10240x128xf32, #tpu.memory_space<vmem_shared>>
      tpu.enqueue_indirect_dma source(%arg9 : memref<128x128xf32, #tpu.memory_space<vmem>>) target(%dma_start3A_279 : memref<10240x128xf32, #tpu.memory_space<vmem_shared>>) offsets(%dma_start3A_276 : memref<128xi32, #tpu.memory_space<vmem>>) semaphore(%arg14 : memref<!tpu.dma_semaphore, #tpu.memory_space<semaphore_mem>>) {add = true}
      %dma_start3A_280 = arith.constant 6 : i32
      %dma_start3A_281 = arith.constant 0 : i32
      %dma_start3A_282 = tpu.memref_slice %arg7[%dma_start3A_280, %dma_start3A_281] : memref<8x128xi32, #tpu.memory_space<vmem>> -> memref<1x128xi32, #tpu.memory_space<vmem>>
      %dma_start3A_283 = tpu.memref_squeeze %dma_start3A_282 : memref<1x128xi32, #tpu.memory_space<vmem>> -> memref<128xi32, #tpu.memory_space<vmem>>
      %dma_start3A_284 = arith.constant 0 : i32
      %dma_start3A_285 = arith.constant 0 : i32
      %dma_start3A_286 = tpu.memref_slice %arg10[%dma_start3A_284, %dma_start3A_285] : memref<10240x128xf32, #tpu.memory_space<vmem_shared>> -> memref<10240x128xf32, #tpu.memory_space<vmem_shared>>
      tpu.enqueue_indirect_dma source(%arg9 : memref<128x128xf32, #tpu.memory_space<vmem>>) target(%dma_start3A_286 : memref<10240x128xf32, #tpu.memory_space<vmem_shared>>) offsets(%dma_start3A_283 : memref<128xi32, #tpu.memory_space<vmem>>) semaphore(%arg14 : memref<!tpu.dma_semaphore, #tpu.memory_space<semaphore_mem>>) {add = true}
      %dma_start3A_287 = arith.constant 7 : i32
      %dma_start3A_288 = arith.constant 0 : i32
      %dma_start3A_289 = tpu.memref_slice %arg7[%dma_start3A_287, %dma_start3A_288] : memref<8x128xi32, #tpu.memory_space<vmem>> -> memref<1x128xi32, #tpu.memory_space<vmem>>
      %dma_start3A_290 = tpu.memref_squeeze %dma_start3A_289 : memref<1x128xi32, #tpu.memory_space<vmem>> -> memref<128xi32, #tpu.memory_space<vmem>>
      %dma_start3A_291 = arith.constant 0 : i32
      %dma_start3A_292 = arith.constant 0 : i32
      %dma_start3A_293 = tpu.memref_slice %arg10[%dma_start3A_291, %dma_start3A_292] : memref<10240x128xf32, #tpu.memory_space<vmem_shared>> -> memref<10240x128xf32, #tpu.memory_space<vmem_shared>>
      tpu.enqueue_indirect_dma source(%arg9 : memref<128x128xf32, #tpu.memory_space<vmem>>) target(%dma_start3A_293 : memref<10240x128xf32, #tpu.memory_space<vmem_shared>>) offsets(%dma_start3A_290 : memref<128xi32, #tpu.memory_space<vmem>>) semaphore(%arg14 : memref<!tpu.dma_semaphore, #tpu.memory_space<semaphore_mem>>) {add = true}
      %dma_wait3A_294 = arith.constant 0 : i32
      %dma_wait3A_295 = arith.constant 0 : i32
      %dma_wait3A_296 = tpu.memref_slice %arg6[%dma_wait3A_294, %dma_wait3A_295] : memref<8x128xi32, #tpu.memory_space<vmem>> -> memref<1x128xi32, #tpu.memory_space<vmem>>
      %dma_wait3A_297 = tpu.memref_squeeze %dma_wait3A_296 : memref<1x128xi32, #tpu.memory_space<vmem>> -> memref<128xi32, #tpu.memory_space<vmem>>
      %dma_wait3A_298 = arith.constant 0 : i32
      %dma_wait3A_299 = arith.constant 0 : i32
      %dma_wait3A_300 = tpu.memref_slice %arg10[%dma_wait3A_298, %dma_wait3A_299] : memref<10240x128xf32, #tpu.memory_space<vmem_shared>> -> memref<10240x128xf32, #tpu.memory_space<vmem_shared>>
      tpu.wait_indirect_dma semaphore(%arg13 : memref<!tpu.dma_semaphore, #tpu.memory_space<semaphore_mem>>) src(%arg9 : memref<128x128xf32, #tpu.memory_space<vmem>>) dst(%dma_wait3A_300 : memref<10240x128xf32, #tpu.memory_space<vmem_shared>>)
      %dma_wait3A_301 = arith.constant 1 : i32
      %dma_wait3A_302 = arith.constant 0 : i32
      %dma_wait3A_303 = tpu.memref_slice %arg6[%dma_wait3A_301, %dma_wait3A_302] : memref<8x128xi32, #tpu.memory_space<vmem>> -> memref<1x128xi32, #tpu.memory_space<vmem>>
      %dma_wait3A_304 = tpu.memref_squeeze %dma_wait3A_303 : memref<1x128xi32, #tpu.memory_space<vmem>> -> memref<128xi32, #tpu.memory_space<vmem>>
      %dma_wait3A_305 = arith.constant 0 : i32
      %dma_wait3A_306 = arith.constant 0 : i32
      %dma_wait3A_307 = tpu.memref_slice %arg10[%dma_wait3A_305, %dma_wait3A_306] : memref<10240x128xf32, #tpu.memory_space<vmem_shared>> -> memref<10240x128xf32, #tpu.memory_space<vmem_shared>>
      tpu.wait_indirect_dma semaphore(%arg13 : memref<!tpu.dma_semaphore, #tpu.memory_space<semaphore_mem>>) src(%arg9 : memref<128x128xf32, #tpu.memory_space<vmem>>) dst(%dma_wait3A_307 : memref<10240x128xf32, #tpu.memory_space<vmem_shared>>)
      %dma_wait3A_308 = arith.constant 2 : i32
      %dma_wait3A_309 = arith.constant 0 : i32
      %dma_wait3A_310 = tpu.memref_slice %arg6[%dma_wait3A_308, %dma_wait3A_309] : memref<8x128xi32, #tpu.memory_space<vmem>> -> memref<1x128xi32, #tpu.memory_space<vmem>>
      %dma_wait3A_311 = tpu.memref_squeeze %dma_wait3A_310 : memref<1x128xi32, #tpu.memory_space<vmem>> -> memref<128xi32, #tpu.memory_space<vmem>>
      %dma_wait3A_312 = arith.constant 0 : i32
      %dma_wait3A_313 = arith.constant 0 : i32
      %dma_wait3A_314 = tpu.memref_slice %arg10[%dma_wait3A_312, %dma_wait3A_313] : memref<10240x128xf32, #tpu.memory_space<vmem_shared>> -> memref<10240x128xf32, #tpu.memory_space<vmem_shared>>
      tpu.wait_indirect_dma semaphore(%arg13 : memref<!tpu.dma_semaphore, #tpu.memory_space<semaphore_mem>>) src(%arg9 : memref<128x128xf32, #tpu.memory_space<vmem>>) dst(%dma_wait3A_314 : memref<10240x128xf32, #tpu.memory_space<vmem_shared>>)
      %dma_wait3A_315 = arith.constant 3 : i32
      %dma_wait3A_316 = arith.constant 0 : i32
      %dma_wait3A_317 = tpu.memref_slice %arg6[%dma_wait3A_315, %dma_wait3A_316] : memref<8x128xi32, #tpu.memory_space<vmem>> -> memref<1x128xi32, #tpu.memory_space<vmem>>
      %dma_wait3A_318 = tpu.memref_squeeze %dma_wait3A_317 : memref<1x128xi32, #tpu.memory_space<vmem>> -> memref<128xi32, #tpu.memory_space<vmem>>
      %dma_wait3A_319 = arith.constant 0 : i32
      %dma_wait3A_320 = arith.constant 0 : i32
      %dma_wait3A_321 = tpu.memref_slice %arg10[%dma_wait3A_319, %dma_wait3A_320] : memref<10240x128xf32, #tpu.memory_space<vmem_shared>> -> memref<10240x128xf32, #tpu.memory_space<vmem_shared>>
      tpu.wait_indirect_dma semaphore(%arg13 : memref<!tpu.dma_semaphore, #tpu.memory_space<semaphore_mem>>) src(%arg9 : memref<128x128xf32, #tpu.memory_space<vmem>>) dst(%dma_wait3A_321 : memref<10240x128xf32, #tpu.memory_space<vmem_shared>>)
      %dma_wait3A_322 = arith.constant 4 : i32
      %dma_wait3A_323 = arith.constant 0 : i32
      %dma_wait3A_324 = tpu.memref_slice %arg6[%dma_wait3A_322, %dma_wait3A_323] : memref<8x128xi32, #tpu.memory_space<vmem>> -> memref<1x128xi32, #tpu.memory_space<vmem>>
      %dma_wait3A_325 = tpu.memref_squeeze %dma_wait3A_324 : memref<1x128xi32, #tpu.memory_space<vmem>> -> memref<128xi32, #tpu.memory_space<vmem>>
      %dma_wait3A_326 = arith.constant 0 : i32
      %dma_wait3A_327 = arith.constant 0 : i32
      %dma_wait3A_328 = tpu.memref_slice %arg10[%dma_wait3A_326, %dma_wait3A_327] : memref<10240x128xf32, #tpu.memory_space<vmem_shared>> -> memref<10240x128xf32, #tpu.memory_space<vmem_shared>>
      tpu.wait_indirect_dma semaphore(%arg13 : memref<!tpu.dma_semaphore, #tpu.memory_space<semaphore_mem>>) src(%arg9 : memref<128x128xf32, #tpu.memory_space<vmem>>) dst(%dma_wait3A_328 : memref<10240x128xf32, #tpu.memory_space<vmem_shared>>)
      %dma_wait3A_329 = arith.constant 5 : i32
      %dma_wait3A_330 = arith.constant 0 : i32
      %dma_wait3A_331 = tpu.memref_slice %arg6[%dma_wait3A_329, %dma_wait3A_330] : memref<8x128xi32, #tpu.memory_space<vmem>> -> memref<1x128xi32, #tpu.memory_space<vmem>>
      %dma_wait3A_332 = tpu.memref_squeeze %dma_wait3A_331 : memref<1x128xi32, #tpu.memory_space<vmem>> -> memref<128xi32, #tpu.memory_space<vmem>>
      %dma_wait3A_333 = arith.constant 0 : i32
      %dma_wait3A_334 = arith.constant 0 : i32
      %dma_wait3A_335 = tpu.memref_slice %arg10[%dma_wait3A_333, %dma_wait3A_334] : memref<10240x128xf32, #tpu.memory_space<vmem_shared>> -> memref<10240x128xf32, #tpu.memory_space<vmem_shared>>
      tpu.wait_indirect_dma semaphore(%arg13 : memref<!tpu.dma_semaphore, #tpu.memory_space<semaphore_mem>>) src(%arg9 : memref<128x128xf32, #tpu.memory_space<vmem>>) dst(%dma_wait3A_335 : memref<10240x128xf32, #tpu.memory_space<vmem_shared>>)
      %dma_wait3A_336 = arith.constant 6 : i32
      %dma_wait3A_337 = arith.constant 0 : i32
      %dma_wait3A_338 = tpu.memref_slice %arg6[%dma_wait3A_336, %dma_wait3A_337] : memref<8x128xi32, #tpu.memory_space<vmem>> -> memref<1x128xi32, #tpu.memory_space<vmem>>
      %dma_wait3A_339 = tpu.memref_squeeze %dma_wait3A_338 : memref<1x128xi32, #tpu.memory_space<vmem>> -> memref<128xi32, #tpu.memory_space<vmem>>
      %dma_wait3A_340 = arith.constant 0 : i32
      %dma_wait3A_341 = arith.constant 0 : i32
      %dma_wait3A_342 = tpu.memref_slice %arg10[%dma_wait3A_340, %dma_wait3A_341] : memref<10240x128xf32, #tpu.memory_space<vmem_shared>> -> memref<10240x128xf32, #tpu.memory_space<vmem_shared>>
      tpu.wait_indirect_dma semaphore(%arg13 : memref<!tpu.dma_semaphore, #tpu.memory_space<semaphore_mem>>) src(%arg9 : memref<128x128xf32, #tpu.memory_space<vmem>>) dst(%dma_wait3A_342 : memref<10240x128xf32, #tpu.memory_space<vmem_shared>>)
      %dma_wait3A_343 = arith.constant 7 : i32
      %dma_wait3A_344 = arith.constant 0 : i32
      %dma_wait3A_345 = tpu.memref_slice %arg6[%dma_wait3A_343, %dma_wait3A_344] : memref<8x128xi32, #tpu.memory_space<vmem>> -> memref<1x128xi32, #tpu.memory_space<vmem>>
      %dma_wait3A_346 = tpu.memref_squeeze %dma_wait3A_345 : memref<1x128xi32, #tpu.memory_space<vmem>> -> memref<128xi32, #tpu.memory_space<vmem>>
      %dma_wait3A_347 = arith.constant 0 : i32
      %dma_wait3A_348 = arith.constant 0 : i32
      %dma_wait3A_349 = tpu.memref_slice %arg10[%dma_wait3A_347, %dma_wait3A_348] : memref<10240x128xf32, #tpu.memory_space<vmem_shared>> -> memref<10240x128xf32, #tpu.memory_space<vmem_shared>>
      tpu.wait_indirect_dma semaphore(%arg13 : memref<!tpu.dma_semaphore, #tpu.memory_space<semaphore_mem>>) src(%arg9 : memref<128x128xf32, #tpu.memory_space<vmem>>) dst(%dma_wait3A_349 : memref<10240x128xf32, #tpu.memory_space<vmem_shared>>)
      %add3A_350 = arith.constant 2 : i32
      %add3A_351 = arith.addi %mul3A_156, %add3A_350 : i32
      %mul3A_352 = arith.constant 10 : i32
      %mul3A_353 = arith.muli %add3A, %mul3A_352 : i32
      %min3A_354 = arith.constant 9 : i32
      %min3A_355 = arith.minsi %add3A_351, %min3A_354 : i32
      %add3A_356 = arith.addi %mul3A_353, %min3A_355 : i32
      %mul3A_357 = arith.constant 8 : i32
      %mul3A_358 = arith.muli %add3A_356, %mul3A_357 : i32
      %dma_start3A_359 = arith.constant 0 : i32
      %dma_start3A_360 = tpu.memref_slice %arg2[%mul3A_358, %dma_start3A_359] : memref<2560x128xi32, #tpu.memory_space<hbm>> -> memref<8x128xi32, #tpu.memory_space<hbm>>
      %dma_start3A_361 = arith.constant 0 : i32
      %dma_start3A_362 = tpu.memref_slice %arg2[%mul3A_358, %dma_start3A_361] : memref<2560x128xi32, #tpu.memory_space<hbm>> -> memref<8x128xi32, #tpu.memory_space<hbm>>
      tpu.enqueue_dma source(%dma_start3A_362 : memref<8x128xi32, #tpu.memory_space<hbm>>) target(%arg6 : memref<8x128xi32, #tpu.memory_space<vmem>>) target_semaphore(%arg11 : memref<!tpu.dma_semaphore, #tpu.memory_space<semaphore_mem>>)
      %dma_wait3A_363 = arith.constant 0 : i32
      %dma_wait3A_364 = arith.constant 0 : i32
      %dma_wait3A_365 = tpu.memref_slice %arg7[%dma_wait3A_363, %dma_wait3A_364] : memref<8x128xi32, #tpu.memory_space<vmem>> -> memref<1x128xi32, #tpu.memory_space<vmem>>
      %dma_wait3A_366 = tpu.memref_squeeze %dma_wait3A_365 : memref<1x128xi32, #tpu.memory_space<vmem>> -> memref<128xi32, #tpu.memory_space<vmem>>
      %dma_wait3A_367 = arith.constant 0 : i32
      %dma_wait3A_368 = arith.constant 0 : i32
      %dma_wait3A_369 = tpu.memref_slice %arg10[%dma_wait3A_367, %dma_wait3A_368] : memref<10240x128xf32, #tpu.memory_space<vmem_shared>> -> memref<10240x128xf32, #tpu.memory_space<vmem_shared>>
      tpu.wait_indirect_dma semaphore(%arg14 : memref<!tpu.dma_semaphore, #tpu.memory_space<semaphore_mem>>) src(%arg9 : memref<128x128xf32, #tpu.memory_space<vmem>>) dst(%dma_wait3A_369 : memref<10240x128xf32, #tpu.memory_space<vmem_shared>>)
      %dma_wait3A_370 = arith.constant 1 : i32
      %dma_wait3A_371 = arith.constant 0 : i32
      %dma_wait3A_372 = tpu.memref_slice %arg7[%dma_wait3A_370, %dma_wait3A_371] : memref<8x128xi32, #tpu.memory_space<vmem>> -> memref<1x128xi32, #tpu.memory_space<vmem>>
      %dma_wait3A_373 = tpu.memref_squeeze %dma_wait3A_372 : memref<1x128xi32, #tpu.memory_space<vmem>> -> memref<128xi32, #tpu.memory_space<vmem>>
      %dma_wait3A_374 = arith.constant 0 : i32
      %dma_wait3A_375 = arith.constant 0 : i32
      %dma_wait3A_376 = tpu.memref_slice %arg10[%dma_wait3A_374, %dma_wait3A_375] : memref<10240x128xf32, #tpu.memory_space<vmem_shared>> -> memref<10240x128xf32, #tpu.memory_space<vmem_shared>>
      tpu.wait_indirect_dma semaphore(%arg14 : memref<!tpu.dma_semaphore, #tpu.memory_space<semaphore_mem>>) src(%arg9 : memref<128x128xf32, #tpu.memory_space<vmem>>) dst(%dma_wait3A_376 : memref<10240x128xf32, #tpu.memory_space<vmem_shared>>)
      %dma_wait3A_377 = arith.constant 2 : i32
      %dma_wait3A_378 = arith.constant 0 : i32
      %dma_wait3A_379 = tpu.memref_slice %arg7[%dma_wait3A_377, %dma_wait3A_378] : memref<8x128xi32, #tpu.memory_space<vmem>> -> memref<1x128xi32, #tpu.memory_space<vmem>>
      %dma_wait3A_380 = tpu.memref_squeeze %dma_wait3A_379 : memref<1x128xi32, #tpu.memory_space<vmem>> -> memref<128xi32, #tpu.memory_space<vmem>>
      %dma_wait3A_381 = arith.constant 0 : i32
      %dma_wait3A_382 = arith.constant 0 : i32
      %dma_wait3A_383 = tpu.memref_slice %arg10[%dma_wait3A_381, %dma_wait3A_382] : memref<10240x128xf32, #tpu.memory_space<vmem_shared>> -> memref<10240x128xf32, #tpu.memory_space<vmem_shared>>
      tpu.wait_indirect_dma semaphore(%arg14 : memref<!tpu.dma_semaphore, #tpu.memory_space<semaphore_mem>>) src(%arg9 : memref<128x128xf32, #tpu.memory_space<vmem>>) dst(%dma_wait3A_383 : memref<10240x128xf32, #tpu.memory_space<vmem_shared>>)
      %dma_wait3A_384 = arith.constant 3 : i32
      %dma_wait3A_385 = arith.constant 0 : i32
      %dma_wait3A_386 = tpu.memref_slice %arg7[%dma_wait3A_384, %dma_wait3A_385] : memref<8x128xi32, #tpu.memory_space<vmem>> -> memref<1x128xi32, #tpu.memory_space<vmem>>
      %dma_wait3A_387 = tpu.memref_squeeze %dma_wait3A_386 : memref<1x128xi32, #tpu.memory_space<vmem>> -> memref<128xi32, #tpu.memory_space<vmem>>
      %dma_wait3A_388 = arith.constant 0 : i32
      %dma_wait3A_389 = arith.constant 0 : i32
      %dma_wait3A_390 = tpu.memref_slice %arg10[%dma_wait3A_388, %dma_wait3A_389] : memref<10240x128xf32, #tpu.memory_space<vmem_shared>> -> memref<10240x128xf32, #tpu.memory_space<vmem_shared>>
      tpu.wait_indirect_dma semaphore(%arg14 : memref<!tpu.dma_semaphore, #tpu.memory_space<semaphore_mem>>) src(%arg9 : memref<128x128xf32, #tpu.memory_space<vmem>>) dst(%dma_wait3A_390 : memref<10240x128xf32, #tpu.memory_space<vmem_shared>>)
      %dma_wait3A_391 = arith.constant 4 : i32
      %dma_wait3A_392 = arith.constant 0 : i32
      %dma_wait3A_393 = tpu.memref_slice %arg7[%dma_wait3A_391, %dma_wait3A_392] : memref<8x128xi32, #tpu.memory_space<vmem>> -> memref<1x128xi32, #tpu.memory_space<vmem>>
      %dma_wait3A_394 = tpu.memref_squeeze %dma_wait3A_393 : memref<1x128xi32, #tpu.memory_space<vmem>> -> memref<128xi32, #tpu.memory_space<vmem>>
      %dma_wait3A_395 = arith.constant 0 : i32
      %dma_wait3A_396 = arith.constant 0 : i32
      %dma_wait3A_397 = tpu.memref_slice %arg10[%dma_wait3A_395, %dma_wait3A_396] : memref<10240x128xf32, #tpu.memory_space<vmem_shared>> -> memref<10240x128xf32, #tpu.memory_space<vmem_shared>>
      tpu.wait_indirect_dma semaphore(%arg14 : memref<!tpu.dma_semaphore, #tpu.memory_space<semaphore_mem>>) src(%arg9 : memref<128x128xf32, #tpu.memory_space<vmem>>) dst(%dma_wait3A_397 : memref<10240x128xf32, #tpu.memory_space<vmem_shared>>)
      %dma_wait3A_398 = arith.constant 5 : i32
      %dma_wait3A_399 = arith.constant 0 : i32
      %dma_wait3A_400 = tpu.memref_slice %arg7[%dma_wait3A_398, %dma_wait3A_399] : memref<8x128xi32, #tpu.memory_space<vmem>> -> memref<1x128xi32, #tpu.memory_space<vmem>>
      %dma_wait3A_401 = tpu.memref_squeeze %dma_wait3A_400 : memref<1x128xi32, #tpu.memory_space<vmem>> -> memref<128xi32, #tpu.memory_space<vmem>>
      %dma_wait3A_402 = arith.constant 0 : i32
      %dma_wait3A_403 = arith.constant 0 : i32
      %dma_wait3A_404 = tpu.memref_slice %arg10[%dma_wait3A_402, %dma_wait3A_403] : memref<10240x128xf32, #tpu.memory_space<vmem_shared>> -> memref<10240x128xf32, #tpu.memory_space<vmem_shared>>
      tpu.wait_indirect_dma semaphore(%arg14 : memref<!tpu.dma_semaphore, #tpu.memory_space<semaphore_mem>>) src(%arg9 : memref<128x128xf32, #tpu.memory_space<vmem>>) dst(%dma_wait3A_404 : memref<10240x128xf32, #tpu.memory_space<vmem_shared>>)
      %dma_wait3A_405 = arith.constant 6 : i32
      %dma_wait3A_406 = arith.constant 0 : i32
      %dma_wait3A_407 = tpu.memref_slice %arg7[%dma_wait3A_405, %dma_wait3A_406] : memref<8x128xi32, #tpu.memory_space<vmem>> -> memref<1x128xi32, #tpu.memory_space<vmem>>
      %dma_wait3A_408 = tpu.memref_squeeze %dma_wait3A_407 : memref<1x128xi32, #tpu.memory_space<vmem>> -> memref<128xi32, #tpu.memory_space<vmem>>
      %dma_wait3A_409 = arith.constant 0 : i32
      %dma_wait3A_410 = arith.constant 0 : i32
      %dma_wait3A_411 = tpu.memref_slice %arg10[%dma_wait3A_409, %dma_wait3A_410] : memref<10240x128xf32, #tpu.memory_space<vmem_shared>> -> memref<10240x128xf32, #tpu.memory_space<vmem_shared>>
      tpu.wait_indirect_dma semaphore(%arg14 : memref<!tpu.dma_semaphore, #tpu.memory_space<semaphore_mem>>) src(%arg9 : memref<128x128xf32, #tpu.memory_space<vmem>>) dst(%dma_wait3A_411 : memref<10240x128xf32, #tpu.memory_space<vmem_shared>>)
      %dma_wait3A_412 = arith.constant 7 : i32
      %dma_wait3A_413 = arith.constant 0 : i32
      %dma_wait3A_414 = tpu.memref_slice %arg7[%dma_wait3A_412, %dma_wait3A_413] : memref<8x128xi32, #tpu.memory_space<vmem>> -> memref<1x128xi32, #tpu.memory_space<vmem>>
      %dma_wait3A_415 = tpu.memref_squeeze %dma_wait3A_414 : memref<1x128xi32, #tpu.memory_space<vmem>> -> memref<128xi32, #tpu.memory_space<vmem>>
      %dma_wait3A_416 = arith.constant 0 : i32
      %dma_wait3A_417 = arith.constant 0 : i32
      %dma_wait3A_418 = tpu.memref_slice %arg10[%dma_wait3A_416, %dma_wait3A_417] : memref<10240x128xf32, #tpu.memory_space<vmem_shared>> -> memref<10240x128xf32, #tpu.memory_space<vmem_shared>>
      tpu.wait_indirect_dma semaphore(%arg14 : memref<!tpu.dma_semaphore, #tpu.memory_space<semaphore_mem>>) src(%arg9 : memref<128x128xf32, #tpu.memory_space<vmem>>) dst(%dma_wait3A_418 : memref<10240x128xf32, #tpu.memory_space<vmem_shared>>)
    }
    %scan3A_66 = arith.constant 5 : i32
    %dma_wait3A_67 = arith.constant 0 : i32
    %dma_wait3A_68 = arith.constant 0 : i32
    %dma_wait3A_69 = tpu.memref_slice %arg2[%dma_wait3A_67, %dma_wait3A_68] : memref<2560x128xi32, #tpu.memory_space<hbm>> -> memref<8x128xi32, #tpu.memory_space<hbm>>
    %dma_wait3A_70 = arith.constant 0 : i32
    %dma_wait3A_71 = arith.constant 0 : i32
    %dma_wait3A_72 = tpu.memref_slice %arg2[%dma_wait3A_70, %dma_wait3A_71] : memref<2560x128xi32, #tpu.memory_space<hbm>> -> memref<8x128xi32, #tpu.memory_space<hbm>>
    tpu.wait_dma2 semaphore(%arg11 : memref<!tpu.dma_semaphore, #tpu.memory_space<semaphore_mem>>) src(%dma_wait3A_72 : memref<8x128xi32, #tpu.memory_space<hbm>>) dst(%arg6 : memref<8x128xi32, #tpu.memory_space<vmem>>)
    %barrier3A_73 = arith.constant 0 : index
    tpu.barrier barrier_id(%barrier3A_73)
    %add3A_74 = arith.constant 0 : i32
    %add3A_75 = arith.addi %mul3A_2, %add3A_74 : i32
    "tpu.region"() ({
      %run_scoped3A = tpu.sem_alloc : memref<!tpu.dma_semaphore, #tpu.memory_space<semaphore_mem>>
      %dma_start3A_154 = arith.constant 0 : i32
      %dma_start3A_155 = tpu.memref_slice %arg10[%add3A_75, %dma_start3A_154] : memref<10240x128xf32, #tpu.memory_space<vmem_shared>> -> memref<128x128xf32, #tpu.memory_space<vmem_shared>>
      %dma_start3A_156 = arith.constant 0 : i32
      %dma_start3A_157 = tpu.memref_slice %arg10[%add3A_75, %dma_start3A_156] : memref<10240x128xf32, #tpu.memory_space<vmem_shared>> -> memref<128x128xf32, #tpu.memory_space<vmem_shared>>
      tpu.enqueue_dma source(%dma_start3A_157 : memref<128x128xf32, #tpu.memory_space<vmem_shared>>) target(%arg8 : memref<128x128xf32, #tpu.memory_space<vmem>>) target_semaphore(%run_scoped3A : memref<!tpu.dma_semaphore, #tpu.memory_space<semaphore_mem>>)
      %dma_wait3A_158 = arith.constant 0 : i32
      %dma_wait3A_159 = tpu.memref_slice %arg10[%add3A_75, %dma_wait3A_158] : memref<10240x128xf32, #tpu.memory_space<vmem_shared>> -> memref<128x128xf32, #tpu.memory_space<vmem_shared>>
      %dma_wait3A_160 = arith.constant 0 : i32
      %dma_wait3A_161 = tpu.memref_slice %arg10[%add3A_75, %dma_wait3A_160] : memref<10240x128xf32, #tpu.memory_space<vmem_shared>> -> memref<128x128xf32, #tpu.memory_space<vmem_shared>>
      tpu.wait_dma2 semaphore(%run_scoped3A : memref<!tpu.dma_semaphore, #tpu.memory_space<semaphore_mem>>) src(%dma_wait3A_161 : memref<128x128xf32, #tpu.memory_space<vmem_shared>>) dst(%arg8 : memref<128x128xf32, #tpu.memory_space<vmem>>)
      tpu.yield
    }) : () -> ()
    %add3A_76 = arith.constant 0 : i32
    %add3A_77 = arith.addi %mul3A_2, %add3A_76 : i32
    %dma_start3A_78 = arith.constant 0 : i32
    %dma_start3A_79 = tpu.memref_slice %arg5[%arg0, %add3A_77, %dma_start3A_78] : memref<2x10240x128xf32, #tpu.memory_space<hbm>> -> memref<1x128x128xf32, #tpu.memory_space<hbm>>
    %dma_start3A_80 = tpu.memref_squeeze %dma_start3A_79 : memref<1x128x128xf32, #tpu.memory_space<hbm>> -> memref<128x128xf32, #tpu.memory_space<hbm>>
    %dma_start3A_81 = arith.constant 0 : i32
    %dma_start3A_82 = tpu.memref_slice %arg5[%arg0, %add3A_77, %dma_start3A_81] : memref<2x10240x128xf32, #tpu.memory_space<hbm>> -> memref<1x128x128xf32, #tpu.memory_space<hbm>>
    %dma_start3A_83 = tpu.memref_squeeze %dma_start3A_82 : memref<1x128x128xf32, #tpu.memory_space<hbm>> -> memref<128x128xf32, #tpu.memory_space<hbm>>
    tpu.enqueue_dma source(%arg8 : memref<128x128xf32, #tpu.memory_space<vmem>>) target(%dma_start3A_83 : memref<128x128xf32, #tpu.memory_space<hbm>>) target_semaphore(%arg14 : memref<!tpu.dma_semaphore, #tpu.memory_space<semaphore_mem>>)
    %add3A_84 = arith.constant 128 : i32
    %add3A_85 = arith.addi %mul3A_2, %add3A_84 : i32
    "tpu.region"() ({
      %run_scoped3A = tpu.sem_alloc : memref<!tpu.dma_semaphore, #tpu.memory_space<semaphore_mem>>
      %dma_start3A_154 = arith.constant 0 : i32
      %dma_start3A_155 = tpu.memref_slice %arg10[%add3A_85, %dma_start3A_154] : memref<10240x128xf32, #tpu.memory_space<vmem_shared>> -> memref<128x128xf32, #tpu.memory_space<vmem_shared>>
      %dma_start3A_156 = arith.constant 0 : i32
      %dma_start3A_157 = tpu.memref_slice %arg10[%add3A_85, %dma_start3A_156] : memref<10240x128xf32, #tpu.memory_space<vmem_shared>> -> memref<128x128xf32, #tpu.memory_space<vmem_shared>>
      tpu.enqueue_dma source(%dma_start3A_157 : memref<128x128xf32, #tpu.memory_space<vmem_shared>>) target(%arg9 : memref<128x128xf32, #tpu.memory_space<vmem>>) target_semaphore(%run_scoped3A : memref<!tpu.dma_semaphore, #tpu.memory_space<semaphore_mem>>)
      %dma_wait3A_158 = arith.constant 0 : i32
      %dma_wait3A_159 = tpu.memref_slice %arg10[%add3A_85, %dma_wait3A_158] : memref<10240x128xf32, #tpu.memory_space<vmem_shared>> -> memref<128x128xf32, #tpu.memory_space<vmem_shared>>
      %dma_wait3A_160 = arith.constant 0 : i32
      %dma_wait3A_161 = tpu.memref_slice %arg10[%add3A_85, %dma_wait3A_160] : memref<10240x128xf32, #tpu.memory_space<vmem_shared>> -> memref<128x128xf32, #tpu.memory_space<vmem_shared>>
      tpu.wait_dma2 semaphore(%run_scoped3A : memref<!tpu.dma_semaphore, #tpu.memory_space<semaphore_mem>>) src(%dma_wait3A_161 : memref<128x128xf32, #tpu.memory_space<vmem_shared>>) dst(%arg9 : memref<128x128xf32, #tpu.memory_space<vmem>>)
      tpu.yield
    }) : () -> ()
    %add3A_86 = arith.constant 128 : i32
    %add3A_87 = arith.addi %mul3A_2, %add3A_86 : i32
    %dma_start3A_88 = arith.constant 0 : i32
    %dma_start3A_89 = tpu.memref_slice %arg5[%arg0, %add3A_87, %dma_start3A_88] : memref<2x10240x128xf32, #tpu.memory_space<hbm>> -> memref<1x128x128xf32, #tpu.memory_space<hbm>>
    %dma_start3A_90 = tpu.memref_squeeze %dma_start3A_89 : memref<1x128x128xf32, #tpu.memory_space<hbm>> -> memref<128x128xf32, #tpu.memory_space<hbm>>
    %dma_start3A_91 = arith.constant 0 : i32
    %dma_start3A_92 = tpu.memref_slice %arg5[%arg0, %add3A_87, %dma_start3A_91] : memref<2x10240x128xf32, #tpu.memory_space<hbm>> -> memref<1x128x128xf32, #tpu.memory_space<hbm>>
    %dma_start3A_93 = tpu.memref_squeeze %dma_start3A_92 : memref<1x128x128xf32, #tpu.memory_space<hbm>> -> memref<128x128xf32, #tpu.memory_space<hbm>>
    tpu.enqueue_dma source(%arg9 : memref<128x128xf32, #tpu.memory_space<vmem>>) target(%dma_start3A_93 : memref<128x128xf32, #tpu.memory_space<hbm>>) target_semaphore(%arg14 : memref<!tpu.dma_semaphore, #tpu.memory_space<semaphore_mem>>)
    %dma_wait3A_94 = arith.constant 0 : i32
    %dma_wait3A_95 = tpu.memref_slice %arg5[%arg0, %add3A_77, %dma_wait3A_94] : memref<2x10240x128xf32, #tpu.memory_space<hbm>> -> memref<1x128x128xf32, #tpu.memory_space<hbm>>
    %dma_wait3A_96 = tpu.memref_squeeze %dma_wait3A_95 : memref<1x128x128xf32, #tpu.memory_space<hbm>> -> memref<128x128xf32, #tpu.memory_space<hbm>>
    %dma_wait3A_97 = arith.constant 0 : i32
    %dma_wait3A_98 = tpu.memref_slice %arg5[%arg0, %add3A_77, %dma_wait3A_97] : memref<2x10240x128xf32, #tpu.memory_space<hbm>> -> memref<1x128x128xf32, #tpu.memory_space<hbm>>
    %dma_wait3A_99 = tpu.memref_squeeze %dma_wait3A_98 : memref<1x128x128xf32, #tpu.memory_space<hbm>> -> memref<128x128xf32, #tpu.memory_space<hbm>>
    tpu.wait_dma2 semaphore(%arg14 : memref<!tpu.dma_semaphore, #tpu.memory_space<semaphore_mem>>) src(%arg8 : memref<128x128xf32, #tpu.memory_space<vmem>>) dst(%dma_wait3A_99 : memref<128x128xf32, #tpu.memory_space<hbm>>)
    %add3A_100 = arith.constant 256 : i32
    %add3A_101 = arith.addi %mul3A_2, %add3A_100 : i32
    "tpu.region"() ({
      %run_scoped3A = tpu.sem_alloc : memref<!tpu.dma_semaphore, #tpu.memory_space<semaphore_mem>>
      %dma_start3A_154 = arith.constant 0 : i32
      %dma_start3A_155 = tpu.memref_slice %arg10[%add3A_101, %dma_start3A_154] : memref<10240x128xf32, #tpu.memory_space<vmem_shared>> -> memref<128x128xf32, #tpu.memory_space<vmem_shared>>
      %dma_start3A_156 = arith.constant 0 : i32
      %dma_start3A_157 = tpu.memref_slice %arg10[%add3A_101, %dma_start3A_156] : memref<10240x128xf32, #tpu.memory_space<vmem_shared>> -> memref<128x128xf32, #tpu.memory_space<vmem_shared>>
      tpu.enqueue_dma source(%dma_start3A_157 : memref<128x128xf32, #tpu.memory_space<vmem_shared>>) target(%arg8 : memref<128x128xf32, #tpu.memory_space<vmem>>) target_semaphore(%run_scoped3A : memref<!tpu.dma_semaphore, #tpu.memory_space<semaphore_mem>>)
      %dma_wait3A_158 = arith.constant 0 : i32
      %dma_wait3A_159 = tpu.memref_slice %arg10[%add3A_101, %dma_wait3A_158] : memref<10240x128xf32, #tpu.memory_space<vmem_shared>> -> memref<128x128xf32, #tpu.memory_space<vmem_shared>>
      %dma_wait3A_160 = arith.constant 0 : i32
      %dma_wait3A_161 = tpu.memref_slice %arg10[%add3A_101, %dma_wait3A_160] : memref<10240x128xf32, #tpu.memory_space<vmem_shared>> -> memref<128x128xf32, #tpu.memory_space<vmem_shared>>
      tpu.wait_dma2 semaphore(%run_scoped3A : memref<!tpu.dma_semaphore, #tpu.memory_space<semaphore_mem>>) src(%dma_wait3A_161 : memref<128x128xf32, #tpu.memory_space<vmem_shared>>) dst(%arg8 : memref<128x128xf32, #tpu.memory_space<vmem>>)
      tpu.yield
    }) : () -> ()
    %add3A_102 = arith.constant 256 : i32
    %add3A_103 = arith.addi %mul3A_2, %add3A_102 : i32
    %dma_start3A_104 = arith.constant 0 : i32
    %dma_start3A_105 = tpu.memref_slice %arg5[%arg0, %add3A_103, %dma_start3A_104] : memref<2x10240x128xf32, #tpu.memory_space<hbm>> -> memref<1x128x128xf32, #tpu.memory_space<hbm>>
    %dma_start3A_106 = tpu.memref_squeeze %dma_start3A_105 : memref<1x128x128xf32, #tpu.memory_space<hbm>> -> memref<128x128xf32, #tpu.memory_space<hbm>>
    %dma_start3A_107 = arith.constant 0 : i32
    %dma_start3A_108 = tpu.memref_slice %arg5[%arg0, %add3A_103, %dma_start3A_107] : memref<2x10240x128xf32, #tpu.memory_space<hbm>> -> memref<1x128x128xf32, #tpu.memory_space<hbm>>
    %dma_start3A_109 = tpu.memref_squeeze %dma_start3A_108 : memref<1x128x128xf32, #tpu.memory_space<hbm>> -> memref<128x128xf32, #tpu.memory_space<hbm>>
    tpu.enqueue_dma source(%arg8 : memref<128x128xf32, #tpu.memory_space<vmem>>) target(%dma_start3A_109 : memref<128x128xf32, #tpu.memory_space<hbm>>) target_semaphore(%arg14 : memref<!tpu.dma_semaphore, #tpu.memory_space<semaphore_mem>>)
    %dma_wait3A_110 = arith.constant 0 : i32
    %dma_wait3A_111 = tpu.memref_slice %arg5[%arg0, %add3A_87, %dma_wait3A_110] : memref<2x10240x128xf32, #tpu.memory_space<hbm>> -> memref<1x128x128xf32, #tpu.memory_space<hbm>>
    %dma_wait3A_112 = tpu.memref_squeeze %dma_wait3A_111 : memref<1x128x128xf32, #tpu.memory_space<hbm>> -> memref<128x128xf32, #tpu.memory_space<hbm>>
    %dma_wait3A_113 = arith.constant 0 : i32
    %dma_wait3A_114 = tpu.memref_slice %arg5[%arg0, %add3A_87, %dma_wait3A_113] : memref<2x10240x128xf32, #tpu.memory_space<hbm>> -> memref<1x128x128xf32, #tpu.memory_space<hbm>>
    %dma_wait3A_115 = tpu.memref_squeeze %dma_wait3A_114 : memref<1x128x128xf32, #tpu.memory_space<hbm>> -> memref<128x128xf32, #tpu.memory_space<hbm>>
    tpu.wait_dma2 semaphore(%arg14 : memref<!tpu.dma_semaphore, #tpu.memory_space<semaphore_mem>>) src(%arg9 : memref<128x128xf32, #tpu.memory_space<vmem>>) dst(%dma_wait3A_115 : memref<128x128xf32, #tpu.memory_space<hbm>>)
    %add3A_116 = arith.constant 384 : i32
    %add3A_117 = arith.addi %mul3A_2, %add3A_116 : i32
    "tpu.region"() ({
      %run_scoped3A = tpu.sem_alloc : memref<!tpu.dma_semaphore, #tpu.memory_space<semaphore_mem>>
      %dma_start3A_154 = arith.constant 0 : i32
      %dma_start3A_155 = tpu.memref_slice %arg10[%add3A_117, %dma_start3A_154] : memref<10240x128xf32, #tpu.memory_space<vmem_shared>> -> memref<128x128xf32, #tpu.memory_space<vmem_shared>>
      %dma_start3A_156 = arith.constant 0 : i32
      %dma_start3A_157 = tpu.memref_slice %arg10[%add3A_117, %dma_start3A_156] : memref<10240x128xf32, #tpu.memory_space<vmem_shared>> -> memref<128x128xf32, #tpu.memory_space<vmem_shared>>
      tpu.enqueue_dma source(%dma_start3A_157 : memref<128x128xf32, #tpu.memory_space<vmem_shared>>) target(%arg9 : memref<128x128xf32, #tpu.memory_space<vmem>>) target_semaphore(%run_scoped3A : memref<!tpu.dma_semaphore, #tpu.memory_space<semaphore_mem>>)
      %dma_wait3A_158 = arith.constant 0 : i32
      %dma_wait3A_159 = tpu.memref_slice %arg10[%add3A_117, %dma_wait3A_158] : memref<10240x128xf32, #tpu.memory_space<vmem_shared>> -> memref<128x128xf32, #tpu.memory_space<vmem_shared>>
      %dma_wait3A_160 = arith.constant 0 : i32
      %dma_wait3A_161 = tpu.memref_slice %arg10[%add3A_117, %dma_wait3A_160] : memref<10240x128xf32, #tpu.memory_space<vmem_shared>> -> memref<128x128xf32, #tpu.memory_space<vmem_shared>>
      tpu.wait_dma2 semaphore(%run_scoped3A : memref<!tpu.dma_semaphore, #tpu.memory_space<semaphore_mem>>) src(%dma_wait3A_161 : memref<128x128xf32, #tpu.memory_space<vmem_shared>>) dst(%arg9 : memref<128x128xf32, #tpu.memory_space<vmem>>)
      tpu.yield
    }) : () -> ()
    %add3A_118 = arith.constant 384 : i32
    %add3A_119 = arith.addi %mul3A_2, %add3A_118 : i32
    %dma_start3A_120 = arith.constant 0 : i32
    %dma_start3A_121 = tpu.memref_slice %arg5[%arg0, %add3A_119, %dma_start3A_120] : memref<2x10240x128xf32, #tpu.memory_space<hbm>> -> memref<1x128x128xf32, #tpu.memory_space<hbm>>
    %dma_start3A_122 = tpu.memref_squeeze %dma_start3A_121 : memref<1x128x128xf32, #tpu.memory_space<hbm>> -> memref<128x128xf32, #tpu.memory_space<hbm>>
    %dma_start3A_123 = arith.constant 0 : i32
    %dma_start3A_124 = tpu.memref_slice %arg5[%arg0, %add3A_119, %dma_start3A_123] : memref<2x10240x128xf32, #tpu.memory_space<hbm>> -> memref<1x128x128xf32, #tpu.memory_space<hbm>>
    %dma_start3A_125 = tpu.memref_squeeze %dma_start3A_124 : memref<1x128x128xf32, #tpu.memory_space<hbm>> -> memref<128x128xf32, #tpu.memory_space<hbm>>
    tpu.enqueue_dma source(%arg9 : memref<128x128xf32, #tpu.memory_space<vmem>>) target(%dma_start3A_125 : memref<128x128xf32, #tpu.memory_space<hbm>>) target_semaphore(%arg14 : memref<!tpu.dma_semaphore, #tpu.memory_space<semaphore_mem>>)
    %dma_wait3A_126 = arith.constant 0 : i32
    %dma_wait3A_127 = tpu.memref_slice %arg5[%arg0, %add3A_103, %dma_wait3A_126] : memref<2x10240x128xf32, #tpu.memory_space<hbm>> -> memref<1x128x128xf32, #tpu.memory_space<hbm>>
    %dma_wait3A_128 = tpu.memref_squeeze %dma_wait3A_127 : memref<1x128x128xf32, #tpu.memory_space<hbm>> -> memref<128x128xf32, #tpu.memory_space<hbm>>
    %dma_wait3A_129 = arith.constant 0 : i32
    %dma_wait3A_130 = tpu.memref_slice %arg5[%arg0, %add3A_103, %dma_wait3A_129] : memref<2x10240x128xf32, #tpu.memory_space<hbm>> -> memref<1x128x128xf32, #tpu.memory_space<hbm>>
    %dma_wait3A_131 = tpu.memref_squeeze %dma_wait3A_130 : memref<1x128x128xf32, #tpu.memory_space<hbm>> -> memref<128x128xf32, #tpu.memory_space<hbm>>
    tpu.wait_dma2 semaphore(%arg14 : memref<!tpu.dma_semaphore, #tpu.memory_space<semaphore_mem>>) src(%arg8 : memref<128x128xf32, #tpu.memory_space<vmem>>) dst(%dma_wait3A_131 : memref<128x128xf32, #tpu.memory_space<hbm>>)
    %add3A_132 = arith.constant 512 : i32
    %add3A_133 = arith.addi %mul3A_2, %add3A_132 : i32
    "tpu.region"() ({
      %run_scoped3A = tpu.sem_alloc : memref<!tpu.dma_semaphore, #tpu.memory_space<semaphore_mem>>
      %dma_start3A_154 = arith.constant 0 : i32
      %dma_start3A_155 = tpu.memref_slice %arg10[%add3A_133, %dma_start3A_154] : memref<10240x128xf32, #tpu.memory_space<vmem_shared>> -> memref<128x128xf32, #tpu.memory_space<vmem_shared>>
      %dma_start3A_156 = arith.constant 0 : i32
      %dma_start3A_157 = tpu.memref_slice %arg10[%add3A_133, %dma_start3A_156] : memref<10240x128xf32, #tpu.memory_space<vmem_shared>> -> memref<128x128xf32, #tpu.memory_space<vmem_shared>>
      tpu.enqueue_dma source(%dma_start3A_157 : memref<128x128xf32, #tpu.memory_space<vmem_shared>>) target(%arg8 : memref<128x128xf32, #tpu.memory_space<vmem>>) target_semaphore(%run_scoped3A : memref<!tpu.dma_semaphore, #tpu.memory_space<semaphore_mem>>)
      %dma_wait3A_158 = arith.constant 0 : i32
      %dma_wait3A_159 = tpu.memref_slice %arg10[%add3A_133, %dma_wait3A_158] : memref<10240x128xf32, #tpu.memory_space<vmem_shared>> -> memref<128x128xf32, #tpu.memory_space<vmem_shared>>
      %dma_wait3A_160 = arith.constant 0 : i32
      %dma_wait3A_161 = tpu.memref_slice %arg10[%add3A_133, %dma_wait3A_160] : memref<10240x128xf32, #tpu.memory_space<vmem_shared>> -> memref<128x128xf32, #tpu.memory_space<vmem_shared>>
      tpu.wait_dma2 semaphore(%run_scoped3A : memref<!tpu.dma_semaphore, #tpu.memory_space<semaphore_mem>>) src(%dma_wait3A_161 : memref<128x128xf32, #tpu.memory_space<vmem_shared>>) dst(%arg8 : memref<128x128xf32, #tpu.memory_space<vmem>>)
      tpu.yield
    }) : () -> ()
    %add3A_134 = arith.constant 512 : i32
    %add3A_135 = arith.addi %mul3A_2, %add3A_134 : i32
    %dma_start3A_136 = arith.constant 0 : i32
    %dma_start3A_137 = tpu.memref_slice %arg5[%arg0, %add3A_135, %dma_start3A_136] : memref<2x10240x128xf32, #tpu.memory_space<hbm>> -> memref<1x128x128xf32, #tpu.memory_space<hbm>>
    %dma_start3A_138 = tpu.memref_squeeze %dma_start3A_137 : memref<1x128x128xf32, #tpu.memory_space<hbm>> -> memref<128x128xf32, #tpu.memory_space<hbm>>
    %dma_start3A_139 = arith.constant 0 : i32
    %dma_start3A_140 = tpu.memref_slice %arg5[%arg0, %add3A_135, %dma_start3A_139] : memref<2x10240x128xf32, #tpu.memory_space<hbm>> -> memref<1x128x128xf32, #tpu.memory_space<hbm>>
    %dma_start3A_141 = tpu.memref_squeeze %dma_start3A_140 : memref<1x128x128xf32, #tpu.memory_space<hbm>> -> memref<128x128xf32, #tpu.memory_space<hbm>>
    tpu.enqueue_dma source(%arg8 : memref<128x128xf32, #tpu.memory_space<vmem>>) target(%dma_start3A_141 : memref<128x128xf32, #tpu.memory_space<hbm>>) target_semaphore(%arg14 : memref<!tpu.dma_semaphore, #tpu.memory_space<semaphore_mem>>)
    %dma_wait3A_142 = arith.constant 0 : i32
    %dma_wait3A_143 = tpu.memref_slice %arg5[%arg0, %add3A_119, %dma_wait3A_142] : memref<2x10240x128xf32, #tpu.memory_space<hbm>> -> memref<1x128x128xf32, #tpu.memory_space<hbm>>
    %dma_wait3A_144 = tpu.memref_squeeze %dma_wait3A_143 : memref<1x128x128xf32, #tpu.memory_space<hbm>> -> memref<128x128xf32, #tpu.memory_space<hbm>>
    %dma_wait3A_145 = arith.constant 0 : i32
    %dma_wait3A_146 = tpu.memref_slice %arg5[%arg0, %add3A_119, %dma_wait3A_145] : memref<2x10240x128xf32, #tpu.memory_space<hbm>> -> memref<1x128x128xf32, #tpu.memory_space<hbm>>
    %dma_wait3A_147 = tpu.memref_squeeze %dma_wait3A_146 : memref<1x128x128xf32, #tpu.memory_space<hbm>> -> memref<128x128xf32, #tpu.memory_space<hbm>>
    tpu.wait_dma2 semaphore(%arg14 : memref<!tpu.dma_semaphore, #tpu.memory_space<semaphore_mem>>) src(%arg9 : memref<128x128xf32, #tpu.memory_space<vmem>>) dst(%dma_wait3A_147 : memref<128x128xf32, #tpu.memory_space<hbm>>)
    %dma_wait3A_148 = arith.constant 0 : i32
    %dma_wait3A_149 = tpu.memref_slice %arg5[%arg0, %add3A_135, %dma_wait3A_148] : memref<2x10240x128xf32, #tpu.memory_space<hbm>> -> memref<1x128x128xf32, #tpu.memory_space<hbm>>
    %dma_wait3A_150 = tpu.memref_squeeze %dma_wait3A_149 : memref<1x128x128xf32, #tpu.memory_space<hbm>> -> memref<128x128xf32, #tpu.memory_space<hbm>>
    %dma_wait3A_151 = arith.constant 0 : i32
    %dma_wait3A_152 = tpu.memref_slice %arg5[%arg0, %add3A_135, %dma_wait3A_151] : memref<2x10240x128xf32, #tpu.memory_space<hbm>> -> memref<1x128x128xf32, #tpu.memory_space<hbm>>
    %dma_wait3A_153 = tpu.memref_squeeze %dma_wait3A_152 : memref<1x128x128xf32, #tpu.memory_space<hbm>> -> memref<128x128xf32, #tpu.memory_space<hbm>>
    tpu.wait_dma2 semaphore(%arg14 : memref<!tpu.dma_semaphore, #tpu.memory_space<semaphore_mem>>) src(%arg8 : memref<128x128xf32, #tpu.memory_space<vmem>>) dst(%dma_wait3A_153 : memref<128x128xf32, #tpu.memory_space<hbm>>)
    return
  }
}

module attributes {stable_mosaic.version = 14 : i64} {
  func.func @body(%arg0: i32, %arg1: memref<2000x128xf32, #tpu.memory_space<vmem>>, %arg2: memref<2x2000x128xf32, #tpu.memory_space<vmem>>, %arg3: memref<2x2000x128xf32, #tpu.memory_space<vmem>>, %arg4: memref<128x128xf32, #tpu.memory_space<vmem>>, %arg5: memref<128x128xf32, #tpu.memory_space<vmem>>, %arg6: memref<128xf32, #tpu.memory_space<vmem>>, %arg7: memref<2000x128xf32, #tpu.memory_space<vmem>>) attributes {dimension_semantics = [#tpu.dimension_semantics<arbitrary>], iteration_bounds = array<i64: 5>, scalar_prefetch = 0 : i64, scratch_operands = 0 : i64, tpu.core_type = #tpu.core_type<tc>, window_params = [{transform_indices = @transform_0, window_bounds = array<i64: 2000, 128>}, {transform_indices = @transform_1, window_bounds = array<i64: 2, 2000, 128>}, {transform_indices = @transform_2, window_bounds = array<i64: 2, 2000, 128>}, {pipeline_mode = #tpu.pipeline_mode<synchronous>, transform_indices = @transform_3, window_bounds = array<i64: 128, 128>}, {pipeline_mode = #tpu.pipeline_mode<synchronous>, transform_indices = @transform_4, window_bounds = array<i64: 128, 128>}, {pipeline_mode = #tpu.pipeline_mode<synchronous>, transform_indices = @transform_5, window_bounds = array<i64: 128>}, {transform_indices = @transform_6, window_bounds = array<i64: 2000, 128>}]} {
    %get3A = arith.constant 0 : index
    %get3A_0 = arith.constant 0 : index
    %get3A_1 = arith.constant 0 : index
    %get3A_2 = vector.load %arg2[%get3A, %get3A_0, %get3A_1] : memref<2x2000x128xf32, #tpu.memory_space<vmem>>, vector<1x2000x128xf32>
    %get3A_3 = vector.shape_cast %get3A_2 : vector<1x2000x128xf32> to vector<2000x128xf32>
    %get3A_4 = arith.constant 1 : index
    %get3A_5 = arith.constant 0 : index
    %get3A_6 = arith.constant 0 : index
    %get3A_7 = vector.load %arg2[%get3A_4, %get3A_5, %get3A_6] : memref<2x2000x128xf32, #tpu.memory_space<vmem>>, vector<1x2000x128xf32>
    %get3A_8 = vector.shape_cast %get3A_7 : vector<1x2000x128xf32> to vector<2000x128xf32>
    %add3A = arith.addf %get3A_3, %get3A_8 : vector<2000x128xf32>
    %get3A_9 = arith.constant 0 : index
    %get3A_10 = arith.constant 0 : index
    %get3A_11 = arith.constant 0 : index
    %get3A_12 = vector.load %arg3[%get3A_9, %get3A_10, %get3A_11] : memref<2x2000x128xf32, #tpu.memory_space<vmem>>, vector<1x2000x128xf32>
    %get3A_13 = vector.shape_cast %get3A_12 : vector<1x2000x128xf32> to vector<2000x128xf32>
    %get3A_14 = arith.constant 1 : index
    %get3A_15 = arith.constant 0 : index
    %get3A_16 = arith.constant 0 : index
    %get3A_17 = vector.load %arg3[%get3A_14, %get3A_15, %get3A_16] : memref<2x2000x128xf32, #tpu.memory_space<vmem>>, vector<1x2000x128xf32>
    %get3A_18 = vector.shape_cast %get3A_17 : vector<1x2000x128xf32> to vector<2000x128xf32>
    %add3A_19 = arith.addf %get3A_13, %get3A_18 : vector<2000x128xf32>
    %max3A = arith.constant 1.000000e+00 : f32
    %max3A_20 = vector.broadcast %max3A : f32 to vector<2000x128xf32>
    %max3A_21 = arith.maximumf %add3A_19, %max3A_20 : vector<2000x128xf32>
    %div3A = arith.divf %add3A, %max3A_21 : vector<2000x128xf32>
    %get3A_22 = arith.constant 0 : index
    %get3A_23 = arith.constant 0 : index
    %get3A_24 = vector.load %arg4[%get3A_22, %get3A_23] : memref<128x128xf32, #tpu.memory_space<vmem>>, vector<128x128xf32>
    %dot_general3A = arith.constant dense<0.000000e+00> : vector<2000x128xf32>
    %dot_general3A_25 = tpu.matmul %div3A, %get3A_24, %dot_general3A {dimension_numbers = #tpu.dot_dimension_numbers<[1], [1], [0], [0], [0, 0, 1, 0], [], []>, transpose_lhs_hint = false} : vector<2000x128xf32>, vector<128x128xf32>, vector<2000x128xf32> -> vector<2000x128xf32>
    %get3A_26 = arith.constant 0 : index
    %get3A_27 = arith.constant 0 : index
    %get3A_28 = vector.load %arg1[%get3A_26, %get3A_27] : memref<2000x128xf32, #tpu.memory_space<vmem>>, vector<2000x128xf32>
    %get3A_29 = arith.constant 0 : index
    %get3A_30 = arith.constant 0 : index
    %get3A_31 = vector.load %arg5[%get3A_29, %get3A_30] : memref<128x128xf32, #tpu.memory_space<vmem>>, vector<128x128xf32>
    %dot_general3A_32 = arith.constant dense<0.000000e+00> : vector<2000x128xf32>
    %dot_general3A_33 = tpu.matmul %get3A_28, %get3A_31, %dot_general3A_32 {dimension_numbers = #tpu.dot_dimension_numbers<[1], [1], [0], [0], [0, 0, 1, 0], [], []>, transpose_lhs_hint = false} : vector<2000x128xf32>, vector<128x128xf32>, vector<2000x128xf32> -> vector<2000x128xf32>
    %add3A_34 = arith.addf %dot_general3A_25, %dot_general3A_33 : vector<2000x128xf32>
    %get3A_35 = arith.constant 0 : index
    %get3A_36 = vector.load %arg6[%get3A_35] : memref<128xf32, #tpu.memory_space<vmem>>, vector<128xf32>
    %broadcast_in_dim3A = vector.shape_cast %get3A_36 : vector<128xf32> to vector<1x128xf32>
    %add3A_37 = vector.broadcast %broadcast_in_dim3A : vector<1x128xf32> to vector<2000x128xf32>
    %add3A_38 = arith.addf %add3A_34, %add3A_37 : vector<2000x128xf32>
    %max3A_39 = arith.constant 0.000000e+00 : f32
    %max3A_40 = vector.broadcast %max3A_39 : f32 to vector<2000x128xf32>
    %max3A_41 = arith.maximumf %add3A_38, %max3A_40 : vector<2000x128xf32>
    %swap3A = arith.constant 0 : index
    %swap3A_42 = arith.constant 0 : index
    %swap3A_43 = vector.load %arg7[%swap3A, %swap3A_42] : memref<2000x128xf32, #tpu.memory_space<vmem>>, vector<2000x128xf32>
    tpu.vector_store %arg7[%swap3A, %swap3A_42], %max3A_41 {strides = array<i32>} : memref<2000x128xf32, #tpu.memory_space<vmem>>, vector<2000x128xf32>,
    return
  }
  func.func @transform_0(%arg0: i32) -> (i32, i32) {
    %c0_i32 = arith.constant 0 : i32
    %c0_i32_0 = arith.constant 0 : i32
    return %arg0, %c0_i32 : i32, i32
  }
  func.func @transform_1(%arg0: i32) -> (i32, i32, i32) {
    %c0_i32 = arith.constant 0 : i32
    %c0_i32_0 = arith.constant 0 : i32
    %c0_i32_1 = arith.constant 0 : i32
    return %c0_i32, %arg0, %c0_i32_0 : i32, i32, i32
  }
  func.func @transform_2(%arg0: i32) -> (i32, i32, i32) {
    %c0_i32 = arith.constant 0 : i32
    %c0_i32_0 = arith.constant 0 : i32
    %c0_i32_1 = arith.constant 0 : i32
    return %c0_i32, %arg0, %c0_i32_0 : i32, i32, i32
  }
  func.func @transform_3(%arg0: i32) -> (i32, i32) {
    %c0_i32 = arith.constant 0 : i32
    %c0_i32_0 = arith.constant 0 : i32
    %c0_i32_1 = arith.constant 0 : i32
    return %c0_i32, %c0_i32_0 : i32, i32
  }
  func.func @transform_4(%arg0: i32) -> (i32, i32) {
    %c0_i32 = arith.constant 0 : i32
    %c0_i32_0 = arith.constant 0 : i32
    %c0_i32_1 = arith.constant 0 : i32
    return %c0_i32, %c0_i32_0 : i32, i32
  }
  func.func @transform_5(%arg0: i32) -> i32 {
    %c0_i32 = arith.constant 0 : i32
    %c0_i32_0 = arith.constant 0 : i32
    return %c0_i32 : i32
  }
  func.func @transform_6(%arg0: i32) -> (i32, i32) {
    %c0_i32 = arith.constant 0 : i32
    %c0_i32_0 = arith.constant 0 : i32
    return %arg0, %c0_i32 : i32, i32
  }
}

module attributes {stable_mosaic.version = 14 : i64} {
  func.func @body(%arg0: i32, %arg1: memref<2000x128xf32, #tpu.memory_space<vmem>>, %arg2: memref<2x2000x128xf32, #tpu.memory_space<vmem>>, %arg3: memref<2x2000x128xf32, #tpu.memory_space<vmem>>, %arg4: memref<128x128xf32, #tpu.memory_space<vmem>>, %arg5: memref<128x128xf32, #tpu.memory_space<vmem>>, %arg6: memref<128xf32, #tpu.memory_space<vmem>>, %arg7: memref<2000x128xf32, #tpu.memory_space<vmem>>) attributes {dimension_semantics = [#tpu.dimension_semantics<arbitrary>], iteration_bounds = array<i64: 5>, scalar_prefetch = 0 : i64, scratch_operands = 0 : i64, tpu.core_type = #tpu.core_type<tc>, window_params = [{transform_indices = @transform_0, window_bounds = array<i64: 2000, 128>}, {transform_indices = @transform_1, window_bounds = array<i64: 2, 2000, 128>}, {transform_indices = @transform_2, window_bounds = array<i64: 2, 2000, 128>}, {pipeline_mode = #tpu.pipeline_mode<synchronous>, transform_indices = @transform_3, window_bounds = array<i64: 128, 128>}, {pipeline_mode = #tpu.pipeline_mode<synchronous>, transform_indices = @transform_4, window_bounds = array<i64: 128, 128>}, {pipeline_mode = #tpu.pipeline_mode<synchronous>, transform_indices = @transform_5, window_bounds = array<i64: 128>}, {transform_indices = @transform_6, window_bounds = array<i64: 2000, 128>}]} {
    %get3A = arith.constant 0 : index
    %get3A_0 = arith.constant 0 : index
    %get3A_1 = arith.constant 0 : index
    %get3A_2 = vector.load %arg2[%get3A, %get3A_0, %get3A_1] : memref<2x2000x128xf32, #tpu.memory_space<vmem>>, vector<1x2000x128xf32>
    %get3A_3 = vector.shape_cast %get3A_2 : vector<1x2000x128xf32> to vector<2000x128xf32>
    %get3A_4 = arith.constant 1 : index
    %get3A_5 = arith.constant 0 : index
    %get3A_6 = arith.constant 0 : index
    %get3A_7 = vector.load %arg2[%get3A_4, %get3A_5, %get3A_6] : memref<2x2000x128xf32, #tpu.memory_space<vmem>>, vector<1x2000x128xf32>
    %get3A_8 = vector.shape_cast %get3A_7 : vector<1x2000x128xf32> to vector<2000x128xf32>
    %add3A = arith.addf %get3A_3, %get3A_8 : vector<2000x128xf32>
    %get3A_9 = arith.constant 0 : index
    %get3A_10 = arith.constant 0 : index
    %get3A_11 = arith.constant 0 : index
    %get3A_12 = vector.load %arg3[%get3A_9, %get3A_10, %get3A_11] : memref<2x2000x128xf32, #tpu.memory_space<vmem>>, vector<1x2000x128xf32>
    %get3A_13 = vector.shape_cast %get3A_12 : vector<1x2000x128xf32> to vector<2000x128xf32>
    %get3A_14 = arith.constant 1 : index
    %get3A_15 = arith.constant 0 : index
    %get3A_16 = arith.constant 0 : index
    %get3A_17 = vector.load %arg3[%get3A_14, %get3A_15, %get3A_16] : memref<2x2000x128xf32, #tpu.memory_space<vmem>>, vector<1x2000x128xf32>
    %get3A_18 = vector.shape_cast %get3A_17 : vector<1x2000x128xf32> to vector<2000x128xf32>
    %add3A_19 = arith.addf %get3A_13, %get3A_18 : vector<2000x128xf32>
    %max3A = arith.constant 1.000000e+00 : f32
    %max3A_20 = vector.broadcast %max3A : f32 to vector<2000x128xf32>
    %max3A_21 = arith.maximumf %add3A_19, %max3A_20 : vector<2000x128xf32>
    %div3A = arith.divf %add3A, %max3A_21 : vector<2000x128xf32>
    %get3A_22 = arith.constant 0 : index
    %get3A_23 = arith.constant 0 : index
    %get3A_24 = vector.load %arg4[%get3A_22, %get3A_23] : memref<128x128xf32, #tpu.memory_space<vmem>>, vector<128x128xf32>
    %dot_general3A = arith.constant dense<0.000000e+00> : vector<2000x128xf32>
    %dot_general3A_25 = tpu.matmul %div3A, %get3A_24, %dot_general3A {dimension_numbers = #tpu.dot_dimension_numbers<[1], [1], [0], [0], [0, 0, 1, 0], [], []>, transpose_lhs_hint = false} : vector<2000x128xf32>, vector<128x128xf32>, vector<2000x128xf32> -> vector<2000x128xf32>
    %get3A_26 = arith.constant 0 : index
    %get3A_27 = arith.constant 0 : index
    %get3A_28 = vector.load %arg1[%get3A_26, %get3A_27] : memref<2000x128xf32, #tpu.memory_space<vmem>>, vector<2000x128xf32>
    %get3A_29 = arith.constant 0 : index
    %get3A_30 = arith.constant 0 : index
    %get3A_31 = vector.load %arg5[%get3A_29, %get3A_30] : memref<128x128xf32, #tpu.memory_space<vmem>>, vector<128x128xf32>
    %dot_general3A_32 = arith.constant dense<0.000000e+00> : vector<2000x128xf32>
    %dot_general3A_33 = tpu.matmul %get3A_28, %get3A_31, %dot_general3A_32 {dimension_numbers = #tpu.dot_dimension_numbers<[1], [1], [0], [0], [0, 0, 1, 0], [], []>, transpose_lhs_hint = false} : vector<2000x128xf32>, vector<128x128xf32>, vector<2000x128xf32> -> vector<2000x128xf32>
    %add3A_34 = arith.addf %dot_general3A_25, %dot_general3A_33 : vector<2000x128xf32>
    %get3A_35 = arith.constant 0 : index
    %get3A_36 = vector.load %arg6[%get3A_35] : memref<128xf32, #tpu.memory_space<vmem>>, vector<128xf32>
    %broadcast_in_dim3A = vector.shape_cast %get3A_36 : vector<128xf32> to vector<1x128xf32>
    %add3A_37 = vector.broadcast %broadcast_in_dim3A : vector<1x128xf32> to vector<2000x128xf32>
    %add3A_38 = arith.addf %add3A_34, %add3A_37 : vector<2000x128xf32>
    %swap3A = arith.constant 0 : index
    %swap3A_39 = arith.constant 0 : index
    %swap3A_40 = vector.load %arg7[%swap3A, %swap3A_39] : memref<2000x128xf32, #tpu.memory_space<vmem>>, vector<2000x128xf32>
    tpu.vector_store %arg7[%swap3A, %swap3A_39], %add3A_38 {strides = array<i32>} : memref<2000x128xf32, #tpu.memory_space<vmem>>, vector<2000x128xf32>,
    return
  }
  func.func @transform_0(%arg0: i32) -> (i32, i32) {
    %c0_i32 = arith.constant 0 : i32
    %c0_i32_0 = arith.constant 0 : i32
    return %arg0, %c0_i32 : i32, i32
  }
  func.func @transform_1(%arg0: i32) -> (i32, i32, i32) {
    %c0_i32 = arith.constant 0 : i32
    %c0_i32_0 = arith.constant 0 : i32
    %c0_i32_1 = arith.constant 0 : i32
    return %c0_i32, %arg0, %c0_i32_0 : i32, i32, i32
  }
  func.func @transform_2(%arg0: i32) -> (i32, i32, i32) {
    %c0_i32 = arith.constant 0 : i32
    %c0_i32_0 = arith.constant 0 : i32
    %c0_i32_1 = arith.constant 0 : i32
    return %c0_i32, %arg0, %c0_i32_0 : i32, i32, i32
  }
  func.func @transform_3(%arg0: i32) -> (i32, i32) {
    %c0_i32 = arith.constant 0 : i32
    %c0_i32_0 = arith.constant 0 : i32
    %c0_i32_1 = arith.constant 0 : i32
    return %c0_i32, %c0_i32_0 : i32, i32
  }
  func.func @transform_4(%arg0: i32) -> (i32, i32) {
    %c0_i32 = arith.constant 0 : i32
    %c0_i32_0 = arith.constant 0 : i32
    %c0_i32_1 = arith.constant 0 : i32
    return %c0_i32, %c0_i32_0 : i32, i32
  }
  func.func @transform_5(%arg0: i32) -> i32 {
    %c0_i32 = arith.constant 0 : i32
    %c0_i32_0 = arith.constant 0 : i32
    return %c0_i32 : i32
  }
  func.func @transform_6(%arg0: i32) -> (i32, i32) {
    %c0_i32 = arith.constant 0 : i32
    %c0_i32_0 = arith.constant 0 : i32
    return %arg0, %c0_i32 : i32, i32
  }
}

</mosaic_0001>

<sc_bundles>
// kernel: kernel.10.cloned.1.call-start
scs
__scs_entry_jumppad:
0x0: {  	(pc) =	sbr.rel $0x88, $3  }
0x1: {  	(tag) =	ssettag $0x0;
	lr =	simm.s32 $0x1  }
0x2: {  	[smem:$0x3F99] =	sst lr;
	_ =	strace $0xD0000000  }
0x3: {  	_ = 	snop  }
0x4: {  	_ = 	snop  }
0x5: {  	_ = 	snop  }
0x6: {  	_ = 	snop  }
0x7: {  	_ = 	snop  }
__scs_overlays_trampoline_lowered:
0x8: {  	[smem:$0x3FA8] =	sst s0  }
0x9: {  	[smem:$0x3FA9] =	sst s1  }
0xa: {  	[smem:$0x3FAA] =	sst s2  }
0xb: {  	[smem:$0x3FAB] =	sst s3  }
0xc: {  	[smem:$0x3FAC] =	sst s4  }
0xd: {  	[smem:$0x3FAD] =	sst s5  }
0xe: {  	[smem:$0x3FAE] =	sst s6  }
0xf: {  	[smem:$0x3FAF] =	sst s7  }
0x10: {  	[smem:$0x3FB0] =	sst s8  }
0x11: {  	[smem:$0x3FB1] =	sst s9;
	s0 =	simm.s32 @!p0 $0x0  }
0x12: {  	s1 =	sld [smem:$0x3F97];
	s0 =	simm.s32 @p0 $0x1  }
0x13: {  	[smem:$0x3FB2] =	sst s0;
	s0 =	simm.s32 @!p1 $0x0  }
0x14: {  	s2 =	sld [smem:$0x3F96];
	s0 =	simm.s32 @p1 $0x1  }
0x15: {  	[smem:$0x3FB3] =	sst s0;
	s0 =	simm.s32 @!p2 $0x0  }
0x16: {  	s3 =	sld [smem:$0x3FDB];
	s0 =	simm.s32 @p2 $0x1  }
0x17: {  	s4 =	simm.s32 $0x1BF5;
	[smem:$0x3FB5] =	sst s0  }
0x18: {  	s0 =	sld [smem:$0x3F98];
	_ =	swait.ge [sflag:s4], $0x0  }
0x19: {  	s7 =	sld [smem:$0x3F99]  }
0x1a: {  	s8 =	sadd.s32 $0xFFFFE003, lr  }
0x1b: {  	s9 =	sadd.s32 $0xFFFFFEF7, lr;
	s5 =	simm.s32 $0xFFFFFFFF;
	p2 =	slt.u32 s8, $0xFFFFF086  }
0x1c: {  	p1 =	slt.u32 s9, $0xF7A;
	s5 =	simm.s32 @!p2 $0x0  }
0x1d: {  	s5 =	simm.s32 @p1 $0x1;
	p0 =	seq.s32 s7, s2  }
0x1e: {  	s7 =	smul.u32 @!p0 $0xF7A, s2;
	p2 =	seq.s32 @!p0 s5, $0x0  }
0x1f: {  	s9 =	smul.u32 $0xF7A, s1;
	s8 =	simm.s32 @!p0 $0x1BF5;
	p2 =	por !p2, p0  }
0x20: {  	[sflag:s8] =	ssyncset.s32 @!p0 $0xFFFFF086;
	s6 =	sadd.s32 @!p0 s3, s7;
	s7 =	simm.s32 @!p0 $0x108  }
0x21: {  	s3 =	sadd.s32 s3, s9;
	s6 =	sadd.s32 @!p0 $0x88, s6;
	s7 =	simm.s32 @p2 $0x1082  }
0x22: {  	[simem:s7], [sflag:s8] =	dma.local @!p0 [hbm:s6], $0xF7A  }
0x23: {  	s9 =	sor.u32 $0xD0000000, s2;
	s6 =	simm.s32 $0x108;
	_ =	swait.ge @!p0 [sflag:s8], $0x0  }
0x24: {  	s3 =	sadd.s32 $0x88, s3;
	s6 =	simm.s32 @!p1 $0x1082;
	[sflag:s4] =	ssyncset.s32 $0xFFFFF086  }
0x25: {  	[simem:s6], [sflag:s4] =	dma.local [hbm:s3], $0xF7A  }
0x26: {  	[smem:$0x3F99] =	sst s1;
	(tag) =	ssettag s2;
	_ =	strace s9  }
0x27: {  	s1 =	sld [smem:$0x3FA9]  }
0x28: {  	s2 =	sld [smem:$0x3FAA]  }
0x29: {  	s4 =	sld [smem:$0x3FAC]  }
0x2a: {  	p0 =	seq.s32 s5, $0x0;
	s5 =	sld [smem:$0x3FAD]  }
0x2b: {  	s6 =	sld [smem:$0x3FAE]  }
0x2c: {  	s7 =	sld [smem:$0x3FAF]  }
0x2d: {  	s3 =	simm.s32 $0x108;
	s8 =	sld [smem:$0x3FB0]  }
0x2e: {  	s3 =	simm.s32 @!p0 $0x1082;
	s9 =	sld [smem:$0x3FB1]  }
0x2f: {  	lr =	sadd.s32 s0, s3;
	s0 =	sld [smem:$0x3FA8]  }
0x30: {  	s3 =	sld [smem:$0x3FAB]  }
0x31: {  	[smem:$0x3FB4] =	sst s10  }
0x32: {  	s10 =	sld [smem:$0x3FB2];
	_ =	sdelay $0x3  }
0x33: {  	p0 =	seq.s32 s10, $0x1;
	s10 =	sld [smem:$0x3FB4];
	_ =	sdelay $0x3  }
0x34: {  	[smem:$0x3FB4] =	sst s10  }
0x35: {  	s10 =	sld [smem:$0x3FB3];
	_ =	sdelay $0x3  }
0x36: {  	p1 =	seq.s32 s10, $0x1;
	s10 =	sld [smem:$0x3FB4];
	_ =	sdelay $0x3  }
0x37: {  	[smem:$0x3FB4] =	sst s10  }
0x38: {  	s10 =	sld [smem:$0x3FB5]  }
0x39: {  	_ = 	snop;
	(pc) =	sbr.ind lr, $3  }
0x3a: {  	_ = 	snop  }
0x3b: {  	_ = 	snop  }
0x3c: {  	p2 =	seq.s32 s10, $0x1;
	s10 =	sld [smem:$0x3FB4]  }
0x3d: {  	_ =	shalt  }
0x3e: {  	_ =	shalt  }
0x3f: {  	_ =	shalt  }
0x40: {  	_ =	shalt  }
0x41: {  	_ =	shalt  }
0x42: {  	_ =	shalt  }
0x43: {  	_ =	shalt  }
0x44: {  	_ =	shalt  }
0x45: {  	_ =	shalt  }
0x46: {  	_ =	shalt  }
0x47: {  	_ =	shalt  }
0x48: {  	_ =	shalt  }
0x49: {  	_ =	shalt  }
0x4a: {  	_ =	shalt  }
0x4b: {  	_ =	shalt  }
0x4c: {  	_ =	shalt  }
0x4d: {  	_ =	shalt  }
0x4e: {  	_ =	shalt  }
0x4f: {  	_ =	shalt  }
0x50: {  	_ =	shalt  }
0x51: {  	_ =	shalt  }
0x52: {  	_ =	shalt  }
0x53: {  	_ =	shalt  }
0x54: {  	_ =	shalt  }
0x55: {  	_ =	shalt  }
0x56: {  	_ =	shalt  }
0x57: {  	_ =	shalt  }
0x58: {  	_ =	shalt  }
0x59: {  	_ =	shalt  }
0x5a: {  	_ =	shalt  }
0x5b: {  	_ =	shalt  }
0x5c: {  	_ =	shalt  }
0x5d: {  	_ =	shalt  }
0x5e: {  	_ =	shalt  }
0x5f: {  	_ =	shalt  }
0x60: {  	_ =	shalt  }
0x61: {  	_ =	shalt  }
0x62: {  	_ =	shalt  }
0x63: {  	_ =	shalt  }
0x64: {  	_ =	shalt  }
0x65: {  	_ =	shalt  }
0x66: {  	_ =	shalt  }
0x67: {  	_ =	shalt  }
0x68: {  	_ =	shalt  }
0x69: {  	_ =	shalt  }
0x6a: {  	_ =	shalt  }
0x6b: {  	_ =	shalt  }
0x6c: {  	_ =	shalt  }
0x6d: {  	_ =	shalt  }
0x6e: {  	_ =	shalt  }
0x6f: {  	_ =	shalt  }
0x70: {  	_ =	shalt  }
0x71: {  	_ =	shalt  }
0x72: {  	_ =	shalt  }
0x73: {  	_ =	shalt  }
0x74: {  	_ =	shalt  }
0x75: {  	_ =	shalt  }
0x76: {  	_ =	shalt  }
0x77: {  	_ =	shalt  }
0x78: {  	_ =	shalt  }
0x79: {  	_ =	shalt  }
0x7a: {  	_ =	shalt  }
0x7b: {  	_ =	shalt  }
0x7c: {  	_ =	shalt  }
0x7d: {  	_ =	shalt  }
0x7e: {  	_ =	shalt  }
0x7f: {  	_ =	shalt  }
0x80: {  	_ =	shalt  }
0x81: {  	_ =	shalt  }
0x82: {  	_ =	shalt  }
0x83: {  	_ =	shalt  }
0x84: {  	_ =	shalt  }
0x85: {  	_ =	shalt  }
0x86: {  	_ =	shalt  }
0x87: {  	_ =	shalt  }
.Lfunc_end0:
.L_simem_size_0:
called_computation.1_lowered:
.L_overlay_start_0:
0x88: {  	s2 =	sld [smem:$0x3FD9]  }
0x89: {  	s3 =	sld [smem:$0x3FFE];
	_ =	sdelay $0x1  }
0x8a: {  	s1 =	srdreg.scid  }
0x8b: {  	s0 =	sand.u32 $0x1, s1  }
0x8c: {  	s17 =	sshll.u32 s0, $0xA;
	s2 =	sadd.s32 s3, s2  }
0x8d: {  	s2 =	sadd.s32 s2, s17  }
0x8e: {  	[smem:$0x3FC0] =	sst s2  }
0x8f: {  	_ = 	snop  }
0x90: {  	s2 =	sld [smem:$0x3FC9];
	(tm) =	ssettm $0x1  }
0x91: {  	s18 =	sld [smem:$0x3FFB];
	_ =	sdelay $0x3  }
0x92: {  	_ =	strace s18  }
0x93: {  	s3 =	sld [smem:$0x3FFC];
	_ =	sdelay $0x3  }
0x94: {  	_ =	strace s3  }
0x95: {  	s3 =	sld [smem:$0x3FFD];
	_ =	sdelay $0x3  }
0x96: {  	_ =	strace s3  }
0x97: {  	_ =	strace $0x8FFFFFFF  }
0x98: {  	s19 =	sld [smem:$0x3FDB];
	_ =	sdelay $0x1  }
0x99: {  	s4 =	simm.s32 $_scs_section_size  }
0x9a: {  	s5 =	simm.s32 $_size__tile_overlayer_lowered;
	s6 =	simm.s32 $_tile_overlayer_lowered  }
0x9b: {  	s22 =	simm.s32 $0x1BFF;
	s21 =	sshll.u32 s6, $0x1;
	s3 =	sadd.s32 s4, s19  }
0x9c: {  	s7 =	simm.s32 $0x0;
	s20 =	sshll.u32 s5, $0x1;
	s5 =	sadd.s32 s21, s3  }
0x9d: {  	[timem:s7], [sflag:s22] =	dma.local [hbm:s5], s20  }
0x9e: {  	_ =	swait.ge [sflag:s22], s20  }
0x9f: {  	s4 =	ssub.s32 $0x0, s20;
	[sflag:s22] =	ssyncset.done $0x0  }
0xa0: {  	[sflag:s22] =	ssyncadd.s32 s4;
	_ =	sdelay $0x1  }
0xa1: {  	s23 =	simm.s32 $0x1B8B  }
0xa2: {  	_ =	swait.ge [sflag:s23], $0x1  }
0xa3: {  	[sflag:s23] =	ssyncset.done $0x0  }
0xa4: {  	s25 =	simm.s32 $0x1B8E;
	s24 =	sld [smem:$0x3FFE];
	[sflag:s23] =	ssyncadd.s32 $0xFFFFFFFF  }
0xa5: {  	s26 =	simm.s32 $execute0_lowered;
	[smem:$0x3FD2] =	sst s25  }
0xa6: {  	s5 =	sshll.u32 s26, $0x1;
	_ =	strace $0x80000046;
	[dreg:$0x1] =	wrdreg $0xFFFFFFFF  }
0xa7: {  	s28 =	simm.s32 $_size_execute0_lowered;
	s3 =	sadd.s32 s3, s5;
	[dreg:$0x0] =	wrdreg $0x0  }
0xa8: {  	s5 =	sshll.u32 s28, $0x1;
	[dreg:$0x2] =	wrdreg s3  }
0xa9: {  	[dreg:$0x3] =	wrdreg s5  }
0xaa: {  	[dreg:$0x4] =	wrdreg $0xC0  }
0xab: {  	_ =	task [dreg:s7], $0x5FFFF  }
0xac: {  	[dreg:$0x1] =	wrdreg $0xFFFFFFFF  }
0xad: {  	[dreg:$0x0] =	wrdreg $0x60  }
0xae: {  	[dreg:$0x2] =	wrdreg s2  }
0xaf: {  	[dreg:$0x3] =	wrdreg s24  }
0xb0: {  	[dreg:$0x4] =	wrdreg $0x90000  }
0xb1: {  	[dreg:$0x5] =	wrdreg $0xA  }
0xb2: {  	_ =	task.clear_ibuf [dreg:s7], $0x6FFFF;
	_ =	strace $0x90000046  }
0xb3: {  	s29 =	simm.s32 $0xA;
	_ =	strace $0x80000048  }
0xb4: {  	_ =	swait.ge [sflag:s29], $0x1  }
0xb5: {  	[sflag:s29] =	ssyncadd.s32 $0xFFFFFFFF  }
0xb6: {  	_ =	strace $0x90000048  }
0xb7: {  	_ =	sfence  }
0xb8: {  	s30 =	sld [smem:$0x0];
	_ =	sdelay $0x2  }
0xb9: {  	s31 =	sshll.u32 s1, $0xD;
	s1 =	sshrl.u32 s1, $0x2  }
0xba: {  	s3 =	sand.u32 $0x4000, s31;
	s1 =	sadd.s32 s1, s30  }
0xbb: {  	s0 =	sor.u32 s3, s0;
	s1 =	sshll.u32 s1, $0x11  }
0xbc: {  	s0 =	sor.u32 s1, s0  }
0xbd: {  	s0 =	sadd.s32 $0x8F2B, s0  }
0xbe: {  	[sflag:s0] =	ssyncadd.remote.s32 $0x1  }
0xbf: {  	_ =	sfence.sel $0xFFFF  }
0xc0: {  	[dreg:$0x0] =	wrdreg $0xFFFFFFFF;
	(pc) =	sbr.abs _section_cstart, $3  }
0xc1: {  	[dreg:$0x1] =	wrdreg $0xFFFFFFFF  }
0xc2: {  	_ =	task.clear_ibuf [dreg:s7], $0x2FFFF;
	_ =	strace $0x9FFFFFFF  }
0xc3: {  	(tm) =	ssettm $0x7FFFFFFF  }
tec
execute0_lowered:
.L_overlay_start_1:
0x0: {  	(tag) =	ssettag $0x1  }
0x1: {  	s1 =	rddreg [dreg:$0x0]  }
0x2: {  	s4 =	rddreg [dreg:$0x1]  }
0x3: {  	s2 =	rddreg [dreg:$0x2]  }
0x4: {  	s3 =	simm.s32 $0x0;
	s0 =	srdreg.scid;
	s10 =	stileid.u32  }
0x5: {  	s28 =	simm.s32 $0x1;
	s29 =	simm.s32 $0x800;
	s30 =	simm.s32 $0xC00  }
0x6: {  	s31 =	simm.s32 $0x80;
	[smem:$0x7FF] =	sst s3;
	s5 =	sadd.s32 $0x2200, s4  }
0x7: {  	s6 =	sadd.s32 $0xC200, s4;
	s0 =	sand.u32 $0x1, s0;
	s8 =	smul.u32 $0x50000, s10  }
0x8: {  	s7 =	sadd.s32 $0x16200, s4;
	s9 =	sadd.s32 $0x16A00, s4;
	s13 =	smul.u32 $0x14000, s10  }
0x9: {  	_ =	strace $0x80000047;
	[dreg:$0x1b] =	wrdreg s7;
	s23 =	ssub.s32 $0x2, s0  }
0xa: {  	s25 =	sshll.u32 s0, $0x4;
	s17 =	smul.u32 $0x140000, s0;
	s24 =	sshrl.u32 s23, $0x1  }
0xb: {  	s8 =	sshrl.u32 s8, $0x2;
	s7 =	sor.u32 s10, s25;
	s26 =	sadd.s32 $0x4000, s13  }
0xc: {  	s14 =	sadd.s32 $0x8000, s13;
	s18 =	sadd.s32 $0x10000, s13;
	s4 =	ssub.s32 s23, s24  }
0xd: {  	s19 =	sadd.s32 s8, s2;
	s21 =	sadd.s32 s26, s2;
	s23 =	simm.s32 $0x180  }
0xe: {  	s22 =	sadd.s32 s14, s2;
	s24 =	simm.s32 $0x500;
	[dreg:$0x7] =	wrdreg s23  }
0xf: {  	s8 =	sadd.s32 s17, s26;
	s26 =	simm.s32 $0x200;
	[dreg:$0x8] =	wrdreg s24  }
0x10: {  	s25 =	sadd.s32 s17, s14;
	s14 =	simm.s32 $0x280;
	[dreg:$0x9] =	wrdreg s26  }
0x11: {  	s0 =	smul.u32 $0xA0, s0;
	s12 =	sadd.s32 s18, s2;
	[dreg:$0xb] =	wrdreg s14  }
0x12: {  	s16 =	sadd.s32 $0xC000, s13;
	s23 =	simm.s32 $0x680;
	[dreg:$0x1c] =	wrdreg s12  }
0x13: {  	s15 =	smul.u32 $0x500, s7;
	s26 =	simm.s32 $0x700;
	[dreg:$0xe] =	wrdreg s23  }
0x14: {  	s11 =	sadd.s32 s16, s2;
	s4 =	smax.u32 s4, $0x1;
	[dreg:$0x10] =	wrdreg s26  }
0x15: {  	s24 =	sadd.s32 s17, s18;
	s18 =	simm.s32 $0xD00;
	[smem:$0x7FB] =	sst s4  }
0x16: {  	s7 =	smul.u32 $0xA, s7;
	s20 =	sadd.s32 s5, s15;
	[dreg:$0x16] =	wrdreg s18  }
0x17: {  	s13 =	sadd.s32 s13, s17;
	s15 =	sadd.s32 s6, s15;
	[dreg:$0x1d] =	wrdreg s20  }
0x18: {  	s13 =	sshrl.u32 s13, $0x3;
	s7 =	sadd.s32 $0x2, s7;
	[dreg:$0x1e] =	wrdreg s15  }
0x19: {  	s8 =	sshrl.u32 s8, $0x3;
	s13 =	sadd.s32 s9, s13;
	[dreg:$0x4] =	wrdreg s7  }
0x1a: {  	s14 =	smul.u32 $0xA, s10;
	s8 =	sadd.s32 s9, s8;
	[dreg:$0x1f] =	wrdreg s13  }
0x1b: {  	s10 =	smov.u32 s11;
	s23 =	simm.s32 $0xA00;
	[smem:$0x7F7] =	sst s8  }
0x1c: {  	s26 =	simm.s32 $0xE00;
	s4 =	simm.s32 $0x4;
	[dreg:$0x17] =	wrdreg s23  }
0x1d: {  	s18 =	simm.s32 $0x0;
	s15 =	simm.s32 $0x100;
	[dreg:$0x1a] =	wrdreg s26  }
0x1e: {  	s20 =	simm.s32 $0x480;
	s8 =	sshrl.u32 s25, $0x3;
	[dreg:$0x5] =	wrdreg s15  }
0x1f: {  	s13 =	simm.s32 $0x580;
	s25 =	simm.s32 $0x380;
	[dreg:$0x6] =	wrdreg s20  }
0x20: {  	s0 =	sadd.s32 s14, s0;
	s23 =	simm.s32 $0x1000;
	[dreg:$0xa] =	wrdreg s13  }
0x21: {  	s26 =	simm.s32 $0x3;
	s8 =	sadd.s32 s9, s8;
	[dreg:$0xf] =	wrdreg s25  }
0x22: {  	s15 =	sadd.s32 s17, s16;
	s16 =	simm.s32 $0x600;
	[smem:$0x7F8] =	sst s8  }
0x23: {  	s14 =	simm.s32 $0xE80;
	s20 =	simm.s32 $0x300;
	[dreg:$0xc] =	wrdreg s16  }
0x24: {  	s13 =	simm.s32 $0x880;
	s17 =	simm.s32 $0x980;
	[dreg:$0xd] =	wrdreg s20  }
0x25: {  	s0 =	sshll.u32 s0, $0x7;
	s25 =	simm.s32 $0xA80;
	[dreg:$0x12] =	wrdreg s13  }
0x26: {  	s8 =	sshrl.u32 s15, $0x3;
	s15 =	simm.s32 $0x900;
	[dreg:$0x15] =	wrdreg s17  }
0x27: {  	s16 =	simm.s32 $0xC80;
	s20 =	sadd.s32 s0, s5;
	[dreg:$0x19] =	wrdreg s25  }
0x28: {  	s0 =	sadd.s32 s0, s6;
	s25 =	simm.s32 $0x400;
	[dreg:$0x13] =	wrdreg s15  }
0x29: {  	s13 =	simm.s32 $0xB00;
	s8 =	sadd.s32 s9, s8;
	[dreg:$0x14] =	wrdreg s16  }
0x2a: {  	s17 =	simm.s32 $0xF80;
	s7 =	sadd.s32 $0x80, s20;
	[smem:$0x7F9] =	sst s8  }
0x2b: {  	s0 =	sadd.s32 $0x80, s0;
	s15 =	simm.s32 $0xB80;
	[smem:$0x7FC] =	sst s7  }
0x2c: {  	s8 =	sshrl.u32 s24, $0x3;
	s24 =	simm.s32 $0xD80;
	[smem:$0x7FD] =	sst s0  }
0x2d: {  	s16 =	simm.s32 $0xF00;
	s8 =	sadd.s32 s9, s8;
	[dreg:$0x18] =	wrdreg s24  }
0x2e: {  	s0 =	simm.s32 $0x5000;
	s9 =	simm.s32 $0x780;
	[smem:$0x7FA] =	sst s8  }
0x2f: {  	s7 =	simm.s32 $0x2;
	s24 =	simm.s32 $0x5;
	[dreg:$0x11] =	wrdreg s9  }
.LBB2_1:
0x30: {  	s9 =	rddreg [dreg:$0x1b]  }
0x31: {  	[tilespmem:s23], [sflag:$0x5] =	stream.linear.gather [hbm4b:s9+s3], $0x4000, $0x38;
	[tilespmem:$0x1D000] =	vst v63  }
0x32: {  	_ =	swait.ge [sflag:s24], $0x4000  }
0x33: {  	[sflag:s24] =	ssyncset.done $0x0  }
0x34: {  	[sflag:s24] =	ssyncadd.s32 $0xFFFFC000  }
0x35: {  	[spmem:s19] =	stream.linear.scatter [tilespmem:s23], [sflag:$0x3], $0x4000, $0x38;
	[tilespmem:$0x1D000] =	vst v63  }
0x36: {  	_ = 	snop  }
0x37: {  	[spmem:s21] =	stream.linear.scatter [tilespmem:s23], [sflag:$0x3], $0x4000, $0x38;
	[tilespmem:$0x1D000] =	vst v63  }
0x38: {  	_ = 	snop  }
0x39: {  	[spmem:s22] =	stream.linear.scatter [tilespmem:s23], [sflag:$0x3], $0x4000, $0x38;
	[tilespmem:$0x1D000] =	vst v63  }
0x3a: {  	_ = 	snop  }
0x3b: {  	[spmem:s10] =	stream.linear.scatter [tilespmem:s23], [sflag:$0x3], $0x4000, $0x38;
	[tilespmem:$0x1D000] =	vst v63  }
0x3c: {  	s11 =	smov.u32 s19;
	s19 =	smov.u32 s12  }
0x3d: {  	[spmem:s19] =	stream.linear.scatter [tilespmem:s23], [sflag:$0x3], $0x4000, $0x38;
	[tilespmem:$0x1D000] =	vst v63  }
0x3e: {  	s12 =	smov.u32 s21;
	s21 =	rddreg [dreg:$0x1d]  }
0x3f: {  	[tilespmem:s3], [sflag:$0x1] =	stream.linear.gather [hbm4b:s21+s3], $0x400, $0x38;
	[tilespmem:$0x1D000] =	vst v63  }
0x40: {  	s20 =	smov.u32 s22;
	s22 =	rddreg [dreg:$0x1e]  }
0x41: {  	[tilespmem:s25], [sflag:$0x1] =	stream.linear.gather [hbm4b:s22+s3], $0x400, $0x38;
	[tilespmem:$0x1D000] =	vst v63  }
0x42: {  	_ =	swait.ge [sflag:s26], $0x4000  }
0x43: {  	[sflag:s26] =	ssyncset.done $0x0  }
0x44: {  	[sflag:s26] =	ssyncadd.s32 $0xFFFFC000  }
0x45: {  	_ =	swait.ge [sflag:s26], $0x4000  }
0x46: {  	[sflag:s26] =	ssyncset.done $0x0  }
0x47: {  	[sflag:s26] =	ssyncadd.s32 $0xFFFFC000  }
0x48: {  	_ =	swait.ge [sflag:s26], $0x4000  }
0x49: {  	[sflag:s26] =	ssyncset.done $0x0  }
0x4a: {  	[sflag:s26] =	ssyncadd.s32 $0xFFFFC000  }
0x4b: {  	_ =	swait.ge [sflag:s26], $0x4000  }
0x4c: {  	[sflag:s26] =	ssyncset.done $0x0  }
0x4d: {  	[sflag:s26] =	ssyncadd.s32 $0xFFFFC000  }
0x4e: {  	_ =	swait.ge [sflag:s26], $0x4000  }
0x4f: {  	[sflag:s26] =	ssyncset.done $0x0  }
0x50: {  	[sflag:s26] =	ssyncadd.s32 $0xFFFFC000  }
0x51: {  	[bflag:$0x0] =	sbarrier.arrive $0xFFFF  }
0x52: {  	_ =	swait.ge [sflag:s28], $0x400  }
0x53: {  	[sflag:s28] =	ssyncset.done $0x0  }
0x54: {  	[sflag:s28] =	ssyncadd.s32 $0xFFFFFC00  }
0x55: {  	_ =	swait.ge [sflag:s28], $0x400  }
0x56: {  	s21 =	sld [smem:$0x7FC]  }
0x57: {  	[sflag:s28] =	ssyncset.done $0x0  }
0x58: {  	s22 =	sld [smem:$0x7FD];
	[sflag:s28] =	ssyncadd.s32 $0xFFFFFC00  }
0x59: {  	[tilespmem:s29], [sflag:$0x2] =	stream.linear.gather [hbm4b:s21+s3], $0x400, $0x38;
	[tilespmem:$0x1D000] =	vst v63  }
0x5a: {  	_ = 	snop  }
0x5b: {  	[tilespmem:s30], [sflag:$0x2] =	stream.linear.gather [hbm4b:s22+s3], $0x400, $0x38;
	[tilespmem:$0x1D000] =	vst v63  }
0x5c: {  	_ = 	snop  }
0x5d: {  	[tilespmem:s23], [sflag:$0x3] =	stream.indirect.gather [hbm4b:s1+s31], $0x80, s3, s31, $0xb8;
	[tilespmem:$0x1D000] =	vst v63  }
0x5e: {  	_ = 	snop  }
0x5f: {  	[tilespmem:s0], [sflag:$0x4] =	stream.indirect.gather [hbm4b:s1+s31], $0x80, s31, s31, $0xb8;
	[tilespmem:$0x1D000] =	vst v63  }
0x60: {  	_ =	swait.ge [sflag:s26], $0x4000  }
0x61: {  	[sflag:s26] =	ssyncset.done $0x0  }
0x62: {  	[sflag:s26] =	ssyncadd.s32 $0xFFFFC000  }
0x63: {  	[spmem:s2] =	stream.indirect.scatter.add.f32 [tilespmem:s23], [sflag:$0x5], $0x80, s25, s31, $0xb8;
	[tilespmem:$0x1D000] =	vst v63  }
0x64: {  	_ =	swait.ge [sflag:s24], $0x4000  }
0x65: {  	[sflag:s24] =	ssyncset.done $0x0  }
0x66: {  	s8 =	smov.u32 s10;
	s10 =	rddreg [dreg:$0x5];
	[sflag:s24] =	ssyncadd.s32 $0xFFFFC000  }
0x67: {  	[tilespmem:s23], [sflag:$0x3] =	stream.indirect.gather [hbm4b:s1+s31], $0x80, s10, s31, $0xb8;
	[tilespmem:$0x1D000] =	vst v63  }
0x68: {  	_ =	swait.ge [sflag:s4], $0x4000  }
0x69: {  	[sflag:s4] =	ssyncset.done $0x0  }
0x6a: {  	s19 =	rddreg [dreg:$0x6];
	[sflag:s4] =	ssyncadd.s32 $0xFFFFC000  }
0x6b: {  	[spmem:s2] =	stream.indirect.scatter.add.f32 [tilespmem:s0], [sflag:$0x5], $0x80, s19, s31, $0xb8;
	[tilespmem:$0x1D000] =	vst v63  }
0x6c: {  	_ =	swait.ge [sflag:s24], $0x4000  }
0x6d: {  	[sflag:s24] =	ssyncset.done $0x0  }
0x6e: {  	s10 =	rddreg [dreg:$0x7];
	[sflag:s24] =	ssyncadd.s32 $0xFFFFC000  }
0x6f: {  	[tilespmem:s0], [sflag:$0x4] =	stream.indirect.gather [hbm4b:s1+s31], $0x80, s10, s31, $0xb8;
	[tilespmem:$0x1D000] =	vst v63  }
0x70: {  	_ =	swait.ge [sflag:s26], $0x4000  }
0x71: {  	[sflag:s26] =	ssyncset.done $0x0  }
0x72: {  	s19 =	rddreg [dreg:$0x8];
	[sflag:s26] =	ssyncadd.s32 $0xFFFFC000  }
0x73: {  	[spmem:s2] =	stream.indirect.scatter.add.f32 [tilespmem:s23], [sflag:$0x5], $0x80, s19, s31, $0xb8;
	[tilespmem:$0x1D000] =	vst v63  }
0x74: {  	_ =	swait.ge [sflag:s24], $0x4000  }
0x75: {  	[sflag:s24] =	ssyncset.done $0x0  }
0x76: {  	s10 =	rddreg [dreg:$0x9];
	[sflag:s24] =	ssyncadd.s32 $0xFFFFC000  }
0x77: {  	[tilespmem:s23], [sflag:$0x3] =	stream.indirect.gather [hbm4b:s1+s31], $0x80, s10, s31, $0xb8;
	[tilespmem:$0x1D000] =	vst v63  }
0x78: {  	_ =	swait.ge [sflag:s4], $0x4000  }
0x79: {  	[sflag:s4] =	ssyncset.done $0x0  }
0x7a: {  	s19 =	rddreg [dreg:$0xa];
	[sflag:s4] =	ssyncadd.s32 $0xFFFFC000  }
0x7b: {  	[spmem:s2] =	stream.indirect.scatter.add.f32 [tilespmem:s0], [sflag:$0x5], $0x80, s19, s31, $0xb8;
	[tilespmem:$0x1D000] =	vst v63  }
0x7c: {  	_ =	swait.ge [sflag:s24], $0x4000  }
0x7d: {  	[sflag:s24] =	ssyncset.done $0x0  }
0x7e: {  	s10 =	rddreg [dreg:$0xb];
	[sflag:s24] =	ssyncadd.s32 $0xFFFFC000  }
0x7f: {  	[tilespmem:s0], [sflag:$0x4] =	stream.indirect.gather [hbm4b:s1+s31], $0x80, s10, s31, $0xb8;
	[tilespmem:$0x1D000] =	vst v63  }
0x80: {  	_ =	swait.ge [sflag:s26], $0x4000  }
0x81: {  	[sflag:s26] =	ssyncset.done $0x0  }
0x82: {  	s19 =	rddreg [dreg:$0xc];
	[sflag:s26] =	ssyncadd.s32 $0xFFFFC000  }
0x83: {  	[spmem:s2] =	stream.indirect.scatter.add.f32 [tilespmem:s23], [sflag:$0x5], $0x80, s19, s31, $0xb8;
	[tilespmem:$0x1D000] =	vst v63  }
0x84: {  	_ =	swait.ge [sflag:s24], $0x4000  }
0x85: {  	[sflag:s24] =	ssyncset.done $0x0  }
0x86: {  	s10 =	rddreg [dreg:$0xd];
	[sflag:s24] =	ssyncadd.s32 $0xFFFFC000  }
0x87: {  	[tilespmem:s23], [sflag:$0x3] =	stream.indirect.gather [hbm4b:s1+s31], $0x80, s10, s31, $0xb8;
	[tilespmem:$0x1D000] =	vst v63  }
0x88: {  	_ =	swait.ge [sflag:s4], $0x4000  }
0x89: {  	[sflag:s4] =	ssyncset.done $0x0  }
0x8a: {  	s19 =	rddreg [dreg:$0xe];
	[sflag:s4] =	ssyncadd.s32 $0xFFFFC000  }
0x8b: {  	[spmem:s2] =	stream.indirect.scatter.add.f32 [tilespmem:s0], [sflag:$0x5], $0x80, s19, s31, $0xb8;
	[tilespmem:$0x1D000] =	vst v63  }
0x8c: {  	_ =	swait.ge [sflag:s24], $0x4000  }
0x8d: {  	[sflag:s24] =	ssyncset.done $0x0  }
0x8e: {  	s10 =	rddreg [dreg:$0xf];
	[sflag:s24] =	ssyncadd.s32 $0xFFFFC000  }
0x8f: {  	[tilespmem:s0], [sflag:$0x4] =	stream.indirect.gather [hbm4b:s1+s31], $0x80, s10, s31, $0xb8;
	[tilespmem:$0x1D000] =	vst v63  }
0x90: {  	_ =	swait.ge [sflag:s26], $0x4000  }
0x91: {  	[sflag:s26] =	ssyncset.done $0x0  }
0x92: {  	s19 =	rddreg [dreg:$0x10];
	[sflag:s26] =	ssyncadd.s32 $0xFFFFC000  }
0x93: {  	[spmem:s2] =	stream.indirect.scatter.add.f32 [tilespmem:s23], [sflag:$0x5], $0x80, s19, s31, $0xb8;
	[tilespmem:$0x1D000] =	vst v63  }
0x94: {  	_ =	swait.ge [sflag:s24], $0x4000  }
0x95: {  	[sflag:s24] =	ssyncset.done $0x0  }
0x96: {  	[sflag:s24] =	ssyncadd.s32 $0xFFFFC000  }
0x97: {  	_ =	swait.ge [sflag:s4], $0x4000  }
0x98: {  	[sflag:s4] =	ssyncset.done $0x0  }
0x99: {  	s10 =	rddreg [dreg:$0x11];
	[sflag:s4] =	ssyncadd.s32 $0xFFFFC000  }
0x9a: {  	[spmem:s2] =	stream.indirect.scatter.add.f32 [tilespmem:s0], [sflag:$0x5], $0x80, s10, s31, $0xb8;
	[tilespmem:$0x1D000] =	vst v63  }
0x9b: {  	_ =	swait.ge [sflag:s24], $0x4000  }
0x9c: {  	[sflag:s24] =	ssyncset.done $0x0  }
0x9d: {  	[sflag:s24] =	ssyncadd.s32 $0xFFFFC000  }
0x9e: {  	_ =	swait.ge [sflag:s7], $0x400  }
0x9f: {  	[sflag:s7] =	ssyncset.done $0x0  }
0xa0: {  	[sflag:s7] =	ssyncadd.s32 $0xFFFFFC00  }
0xa1: {  	_ =	swait.ge [sflag:s7], $0x400  }
0xa2: {  	s10 =	smin.u32 s3, $0x7;
	s19 =	rddreg [dreg:$0x4]  }
0xa3: {  	s9 =	sadd.s32 s10, s19  }
0xa4: {  	[sflag:s7] =	ssyncset.done $0x0;
	s9 =	sshll.u32 s9, $0x7  }
0xa5: {  	[sflag:s7] =	ssyncadd.s32 $0xFFFFFC00;
	s10 =	sadd.s32 s5, s9  }
0xa6: {  	[tilespmem:s3], [sflag:$0x1] =	stream.linear.gather [hbm4b:s10+s3], $0x400, $0x38;
	[tilespmem:$0x1D000] =	vst v63  }
0xa7: {  	s9 =	sadd.s32 s6, s9  }
0xa8: {  	[tilespmem:s25], [sflag:$0x1] =	stream.linear.gather [hbm4b:s9+s3], $0x400, $0x38;
	[tilespmem:$0x1D000] =	vst v63  }
0xa9: {  	_ = 	snop  }
0xaa: {  	[tilespmem:s23], [sflag:$0x3] =	stream.indirect.gather [hbm4b:s1+s31], $0x80, s29, s31, $0xb8;
	[tilespmem:$0x1D000] =	vst v63  }
0xab: {  	s19 =	rddreg [dreg:$0x12]  }
0xac: {  	[tilespmem:s0], [sflag:$0x4] =	stream.indirect.gather [hbm4b:s1+s31], $0x80, s19, s31, $0xb8;
	[tilespmem:$0x1D000] =	vst v63  }
0xad: {  	_ =	swait.ge [sflag:s26], $0x4000  }
0xae: {  	[sflag:s26] =	ssyncset.done $0x0  }
0xaf: {  	[sflag:s26] =	ssyncadd.s32 $0xFFFFC000  }
0xb0: {  	[spmem:s2] =	stream.indirect.scatter.add.f32 [tilespmem:s23], [sflag:$0x5], $0x80, s30, s31, $0xb8;
	[tilespmem:$0x1D000] =	vst v63  }
0xb1: {  	_ =	swait.ge [sflag:s24], $0x4000  }
0xb2: {  	[sflag:s24] =	ssyncset.done $0x0  }
0xb3: {  	s10 =	rddreg [dreg:$0x13];
	[sflag:s24] =	ssyncadd.s32 $0xFFFFC000  }
0xb4: {  	[tilespmem:s23], [sflag:$0x3] =	stream.indirect.gather [hbm4b:s1+s31], $0x80, s10, s31, $0xb8;
	[tilespmem:$0x1D000] =	vst v63  }
0xb5: {  	_ =	swait.ge [sflag:s4], $0x4000  }
0xb6: {  	[sflag:s4] =	ssyncset.done $0x0  }
0xb7: {  	s19 =	rddreg [dreg:$0x14];
	[sflag:s4] =	ssyncadd.s32 $0xFFFFC000  }
0xb8: {  	[spmem:s2] =	stream.indirect.scatter.add.f32 [tilespmem:s0], [sflag:$0x5], $0x80, s19, s31, $0xb8;
	[tilespmem:$0x1D000] =	vst v63  }
0xb9: {  	_ =	swait.ge [sflag:s24], $0x4000  }
0xba: {  	[sflag:s24] =	ssyncset.done $0x0  }
0xbb: {  	s10 =	rddreg [dreg:$0x15];
	[sflag:s24] =	ssyncadd.s32 $0xFFFFC000  }
0xbc: {  	[tilespmem:s0], [sflag:$0x4] =	stream.indirect.gather [hbm4b:s1+s31], $0x80, s10, s31, $0xb8;
	[tilespmem:$0x1D000] =	vst v63  }
0xbd: {  	_ =	swait.ge [sflag:s26], $0x4000  }
0xbe: {  	[sflag:s26] =	ssyncset.done $0x0  }
0xbf: {  	s19 =	rddreg [dreg:$0x16];
	[sflag:s26] =	ssyncadd.s32 $0xFFFFC000  }
0xc0: {  	[spmem:s2] =	stream.indirect.scatter.add.f32 [tilespmem:s23], [sflag:$0x5], $0x80, s19, s31, $0xb8;
	[tilespmem:$0x1D000] =	vst v63  }
0xc1: {  	_ =	swait.ge [sflag:s24], $0x4000  }
0xc2: {  	[sflag:s24] =	ssyncset.done $0x0  }
0xc3: {  	s10 =	rddreg [dreg:$0x17];
	[sflag:s24] =	ssyncadd.s32 $0xFFFFC000  }
0xc4: {  	[tilespmem:s23], [sflag:$0x3] =	stream.indirect.gather [hbm4b:s1+s31], $0x80, s10, s31, $0xb8;
	[tilespmem:$0x1D000] =	vst v63  }
0xc5: {  	_ =	swait.ge [sflag:s4], $0x4000  }
0xc6: {  	[sflag:s4] =	ssyncset.done $0x0  }
0xc7: {  	s19 =	rddreg [dreg:$0x18];
	[sflag:s4] =	ssyncadd.s32 $0xFFFFC000  }
0xc8: {  	[spmem:s2] =	stream.indirect.scatter.add.f32 [tilespmem:s0], [sflag:$0x5], $0x80, s19, s31, $0xb8;
	[tilespmem:$0x1D000] =	vst v63  }
0xc9: {  	_ =	swait.ge [sflag:s24], $0x4000  }
0xca: {  	[sflag:s24] =	ssyncset.done $0x0  }
0xcb: {  	s10 =	rddreg [dreg:$0x19];
	[sflag:s24] =	ssyncadd.s32 $0xFFFFC000  }
0xcc: {  	[tilespmem:s0], [sflag:$0x4] =	stream.indirect.gather [hbm4b:s1+s31], $0x80, s10, s31, $0xb8;
	[tilespmem:$0x1D000] =	vst v63  }
0xcd: {  	_ =	swait.ge [sflag:s26], $0x4000  }
0xce: {  	[sflag:s26] =	ssyncset.done $0x0  }
0xcf: {  	s19 =	rddreg [dreg:$0x1a];
	[sflag:s26] =	ssyncadd.s32 $0xFFFFC000  }
0xd0: {  	[spmem:s2] =	stream.indirect.scatter.add.f32 [tilespmem:s23], [sflag:$0x5], $0x80, s19, s31, $0xb8;
	[tilespmem:$0x1D000] =	vst v63  }
0xd1: {  	_ =	swait.ge [sflag:s24], $0x4000  }
0xd2: {  	[sflag:s24] =	ssyncset.done $0x0  }
0xd3: {  	[sflag:s24] =	ssyncadd.s32 $0xFFFFC000  }
0xd4: {  	[tilespmem:s23], [sflag:$0x3] =	stream.indirect.gather [hbm4b:s1+s31], $0x80, s13, s31, $0xb8;
	[tilespmem:$0x1D000] =	vst v63  }
0xd5: {  	_ =	swait.ge [sflag:s4], $0x4000  }
0xd6: {  	[sflag:s4] =	ssyncset.done $0x0  }
0xd7: {  	[sflag:s4] =	ssyncadd.s32 $0xFFFFC000  }
0xd8: {  	[spmem:s2] =	stream.indirect.scatter.add.f32 [tilespmem:s0], [sflag:$0x5], $0x80, s14, s31, $0xb8;
	[tilespmem:$0x1D000] =	vst v63  }
0xd9: {  	_ =	swait.ge [sflag:s24], $0x4000  }
0xda: {  	[sflag:s24] =	ssyncset.done $0x0  }
0xdb: {  	[sflag:s24] =	ssyncadd.s32 $0xFFFFC000  }
0xdc: {  	[tilespmem:s0], [sflag:$0x4] =	stream.indirect.gather [hbm4b:s1+s31], $0x80, s15, s31, $0xb8;
	[tilespmem:$0x1D000] =	vst v63  }
0xdd: {  	_ =	swait.ge [sflag:s26], $0x4000  }
0xde: {  	[sflag:s26] =	ssyncset.done $0x0  }
0xdf: {  	[sflag:s26] =	ssyncadd.s32 $0xFFFFC000  }
0xe0: {  	[spmem:s2] =	stream.indirect.scatter.add.f32 [tilespmem:s23], [sflag:$0x5], $0x80, s16, s31, $0xb8;
	[tilespmem:$0x1D000] =	vst v63  }
0xe1: {  	_ =	swait.ge [sflag:s24], $0x4000  }
0xe2: {  	[sflag:s24] =	ssyncset.done $0x0  }
0xe3: {  	[sflag:s24] =	ssyncadd.s32 $0xFFFFC000  }
0xe4: {  	_ =	swait.ge [sflag:s4], $0x4000  }
0xe5: {  	[sflag:s4] =	ssyncset.done $0x0  }
0xe6: {  	[sflag:s4] =	ssyncadd.s32 $0xFFFFC000  }
0xe7: {  	[spmem:s2] =	stream.indirect.scatter.add.f32 [tilespmem:s0], [sflag:$0x5], $0x80, s17, s31, $0xb8;
	[tilespmem:$0x1D000] =	vst v63  }
0xe8: {  	_ =	swait.ge [sflag:s24], $0x4000  }
0xe9: {  	s19 =	simm.s32 $0x2;
	[sflag:s24] =	ssyncset.done $0x0  }
.LBB2_2:
0xea: {  	[sflag:s24] =	ssyncadd.s32 $0xFFFFC000  }
0xeb: {  	_ =	swait.ge [sflag:s28], $0x400  }
0xec: {  	[sflag:s28] =	ssyncset.done $0x0  }
0xed: {  	[sflag:s28] =	ssyncadd.s32 $0xFFFFFC00  }
0xee: {  	_ =	swait.ge [sflag:s28], $0x400  }
0xef: {  	[sflag:s28] =	ssyncset.done $0x0  }
0xf0: {  	s21 =	sadd.s32 $0x100, s21;
	[sflag:s28] =	ssyncadd.s32 $0xFFFFFC00  }
0xf1: {  	[tilespmem:s29], [sflag:$0x2] =	stream.linear.gather [hbm4b:s21+s3], $0x400, $0x38;
	[tilespmem:$0x1D000] =	vst v63  }
0xf2: {  	s22 =	sadd.s32 $0x100, s22  }
0xf3: {  	[tilespmem:s30], [sflag:$0x2] =	stream.linear.gather [hbm4b:s22+s3], $0x400, $0x38;
	[tilespmem:$0x1D000] =	vst v63  }
0xf4: {  	_ = 	snop  }
0xf5: {  	[tilespmem:s23], [sflag:$0x3] =	stream.indirect.gather [hbm4b:s1+s31], $0x80, s3, s31, $0xb8;
	[tilespmem:$0x1D000] =	vst v63  }
0xf6: {  	_ = 	snop  }
0xf7: {  	[tilespmem:s0], [sflag:$0x4] =	stream.indirect.gather [hbm4b:s1+s31], $0x80, s31, s31, $0xb8;
	[tilespmem:$0x1D000] =	vst v63  }
0xf8: {  	_ =	swait.ge [sflag:s26], $0x4000  }
0xf9: {  	[sflag:s26] =	ssyncset.done $0x0  }
0xfa: {  	[sflag:s26] =	ssyncadd.s32 $0xFFFFC000  }
0xfb: {  	[spmem:s2] =	stream.indirect.scatter.add.f32 [tilespmem:s23], [sflag:$0x5], $0x80, s25, s31, $0xb8;
	[tilespmem:$0x1D000] =	vst v63  }
0xfc: {  	_ =	swait.ge [sflag:s24], $0x4000  }
0xfd: {  	[sflag:s24] =	ssyncset.done $0x0  }
0xfe: {  	s10 =	rddreg [dreg:$0x5];
	[sflag:s24] =	ssyncadd.s32 $0xFFFFC000  }
0xff: {  	[tilespmem:s23], [sflag:$0x3] =	stream.indirect.gather [hbm4b:s1+s31], $0x80, s10, s31, $0xb8;
	[tilespmem:$0x1D000] =	vst v63  }
0x100: {  	_ =	swait.ge [sflag:s4], $0x4000  }
0x101: {  	[sflag:s4] =	ssyncset.done $0x0  }
0x102: {  	s10 =	rddreg [dreg:$0x6];
	[sflag:s4] =	ssyncadd.s32 $0xFFFFC000  }
0x103: {  	[spmem:s2] =	stream.indirect.scatter.add.f32 [tilespmem:s0], [sflag:$0x5], $0x80, s10, s31, $0xb8;
	[tilespmem:$0x1D000] =	vst v63  }
0x104: {  	_ =	swait.ge [sflag:s24], $0x4000  }
0x105: {  	[sflag:s24] =	ssyncset.done $0x0  }
0x106: {  	s10 =	rddreg [dreg:$0x7];
	[sflag:s24] =	ssyncadd.s32 $0xFFFFC000  }
0x107: {  	[tilespmem:s0], [sflag:$0x4] =	stream.indirect.gather [hbm4b:s1+s31], $0x80, s10, s31, $0xb8;
	[tilespmem:$0x1D000] =	vst v63  }
0x108: {  	_ =	swait.ge [sflag:s26], $0x4000  }
0x109: {  	[sflag:s26] =	ssyncset.done $0x0  }
0x10a: {  	s10 =	rddreg [dreg:$0x8];
	[sflag:s26] =	ssyncadd.s32 $0xFFFFC000  }
0x10b: {  	[spmem:s2] =	stream.indirect.scatter.add.f32 [tilespmem:s23], [sflag:$0x5], $0x80, s10, s31, $0xb8;
	[tilespmem:$0x1D000] =	vst v63  }
0x10c: {  	_ =	swait.ge [sflag:s24], $0x4000  }
0x10d: {  	[sflag:s24] =	ssyncset.done $0x0  }
0x10e: {  	s10 =	rddreg [dreg:$0x9];
	[sflag:s24] =	ssyncadd.s32 $0xFFFFC000  }
0x10f: {  	[tilespmem:s23], [sflag:$0x3] =	stream.indirect.gather [hbm4b:s1+s31], $0x80, s10, s31, $0xb8;
	[tilespmem:$0x1D000] =	vst v63  }
0x110: {  	_ =	swait.ge [sflag:s4], $0x4000  }
0x111: {  	[sflag:s4] =	ssyncset.done $0x0  }
0x112: {  	s10 =	rddreg [dreg:$0xa];
	[sflag:s4] =	ssyncadd.s32 $0xFFFFC000  }
0x113: {  	[spmem:s2] =	stream.indirect.scatter.add.f32 [tilespmem:s0], [sflag:$0x5], $0x80, s10, s31, $0xb8;
	[tilespmem:$0x1D000] =	vst v63  }
0x114: {  	_ =	swait.ge [sflag:s24], $0x4000  }
0x115: {  	[sflag:s24] =	ssyncset.done $0x0  }
0x116: {  	s10 =	rddreg [dreg:$0xb];
	[sflag:s24] =	ssyncadd.s32 $0xFFFFC000  }
0x117: {  	[tilespmem:s0], [sflag:$0x4] =	stream.indirect.gather [hbm4b:s1+s31], $0x80, s10, s31, $0xb8;
	[tilespmem:$0x1D000] =	vst v63  }
0x118: {  	_ =	swait.ge [sflag:s26], $0x4000  }
0x119: {  	[sflag:s26] =	ssyncset.done $0x0  }
0x11a: {  	s10 =	rddreg [dreg:$0xc];
	[sflag:s26] =	ssyncadd.s32 $0xFFFFC000  }
0x11b: {  	[spmem:s2] =	stream.indirect.scatter.add.f32 [tilespmem:s23], [sflag:$0x5], $0x80, s10, s31, $0xb8;
	[tilespmem:$0x1D000] =	vst v63  }
0x11c: {  	_ =	swait.ge [sflag:s24], $0x4000  }
0x11d: {  	[sflag:s24] =	ssyncset.done $0x0  }
0x11e: {  	s10 =	rddreg [dreg:$0xd];
	[sflag:s24] =	ssyncadd.s32 $0xFFFFC000  }
0x11f: {  	[tilespmem:s23], [sflag:$0x3] =	stream.indirect.gather [hbm4b:s1+s31], $0x80, s10, s31, $0xb8;
	[tilespmem:$0x1D000] =	vst v63  }
0x120: {  	_ =	swait.ge [sflag:s4], $0x4000  }
0x121: {  	[sflag:s4] =	ssyncset.done $0x0  }
0x122: {  	s10 =	rddreg [dreg:$0xe];
	[sflag:s4] =	ssyncadd.s32 $0xFFFFC000  }
0x123: {  	[spmem:s2] =	stream.indirect.scatter.add.f32 [tilespmem:s0], [sflag:$0x5], $0x80, s10, s31, $0xb8;
	[tilespmem:$0x1D000] =	vst v63  }
0x124: {  	_ =	swait.ge [sflag:s24], $0x4000  }
0x125: {  	[sflag:s24] =	ssyncset.done $0x0  }
0x126: {  	s10 =	rddreg [dreg:$0xf];
	[sflag:s24] =	ssyncadd.s32 $0xFFFFC000  }
0x127: {  	[tilespmem:s0], [sflag:$0x4] =	stream.indirect.gather [hbm4b:s1+s31], $0x80, s10, s31, $0xb8;
	[tilespmem:$0x1D000] =	vst v63  }
0x128: {  	_ =	swait.ge [sflag:s26], $0x4000  }
0x129: {  	[sflag:s26] =	ssyncset.done $0x0  }
0x12a: {  	s10 =	rddreg [dreg:$0x10];
	[sflag:s26] =	ssyncadd.s32 $0xFFFFC000  }
0x12b: {  	[spmem:s2] =	stream.indirect.scatter.add.f32 [tilespmem:s23], [sflag:$0x5], $0x80, s10, s31, $0xb8;
	[tilespmem:$0x1D000] =	vst v63  }
0x12c: {  	_ =	swait.ge [sflag:s24], $0x4000  }
0x12d: {  	[sflag:s24] =	ssyncset.done $0x0  }
0x12e: {  	[sflag:s24] =	ssyncadd.s32 $0xFFFFC000  }
0x12f: {  	_ =	swait.ge [sflag:s4], $0x4000  }
0x130: {  	[sflag:s4] =	ssyncset.done $0x0  }
0x131: {  	s10 =	rddreg [dreg:$0x11];
	[sflag:s4] =	ssyncadd.s32 $0xFFFFC000  }
0x132: {  	[spmem:s2] =	stream.indirect.scatter.add.f32 [tilespmem:s0], [sflag:$0x5], $0x80, s10, s31, $0xb8;
	[tilespmem:$0x1D000] =	vst v63  }
0x133: {  	_ =	swait.ge [sflag:s24], $0x4000  }
0x134: {  	[sflag:s24] =	ssyncset.done $0x0  }
0x135: {  	[sflag:s24] =	ssyncadd.s32 $0xFFFFC000  }
0x136: {  	_ =	swait.ge [sflag:s7], $0x400  }
0x137: {  	[sflag:s7] =	ssyncset.done $0x0  }
0x138: {  	[sflag:s7] =	ssyncadd.s32 $0xFFFFFC00  }
0x139: {  	s9 =	smov.u32 s19;
	_ =	swait.ge [sflag:s7], $0x400  }
0x13a: {  	s9 =	smin.u32 s9, $0x7;
	s10 =	rddreg [dreg:$0x4]  }
0x13b: {  	s9 =	sadd.s32 s9, s10  }
0x13c: {  	[sflag:s7] =	ssyncset.done $0x0;
	s9 =	sshll.u32 s9, $0x7  }
0x13d: {  	[sflag:s7] =	ssyncadd.s32 $0xFFFFFC00;
	s10 =	sadd.s32 s5, s9  }
0x13e: {  	[tilespmem:s3], [sflag:$0x1] =	stream.linear.gather [hbm4b:s10+s3], $0x400, $0x38;
	[tilespmem:$0x1D000] =	vst v63  }
0x13f: {  	s9 =	sadd.s32 s6, s9  }
0x140: {  	[tilespmem:s25], [sflag:$0x1] =	stream.linear.gather [hbm4b:s9+s3], $0x400, $0x38;
	[tilespmem:$0x1D000] =	vst v63  }
0x141: {  	_ = 	snop  }
0x142: {  	[tilespmem:s23], [sflag:$0x3] =	stream.indirect.gather [hbm4b:s1+s31], $0x80, s29, s31, $0xb8;
	[tilespmem:$0x1D000] =	vst v63  }
0x143: {  	s10 =	rddreg [dreg:$0x12]  }
0x144: {  	[tilespmem:s0], [sflag:$0x4] =	stream.indirect.gather [hbm4b:s1+s31], $0x80, s10, s31, $0xb8;
	[tilespmem:$0x1D000] =	vst v63  }
0x145: {  	_ =	swait.ge [sflag:s26], $0x4000  }
0x146: {  	[sflag:s26] =	ssyncset.done $0x0  }
0x147: {  	[sflag:s26] =	ssyncadd.s32 $0xFFFFC000  }
0x148: {  	[spmem:s2] =	stream.indirect.scatter.add.f32 [tilespmem:s23], [sflag:$0x5], $0x80, s30, s31, $0xb8;
	[tilespmem:$0x1D000] =	vst v63  }
0x149: {  	_ =	swait.ge [sflag:s24], $0x4000  }
0x14a: {  	[sflag:s24] =	ssyncset.done $0x0  }
0x14b: {  	s10 =	rddreg [dreg:$0x13];
	[sflag:s24] =	ssyncadd.s32 $0xFFFFC000  }
0x14c: {  	[tilespmem:s23], [sflag:$0x3] =	stream.indirect.gather [hbm4b:s1+s31], $0x80, s10, s31, $0xb8;
	[tilespmem:$0x1D000] =	vst v63  }
0x14d: {  	_ =	swait.ge [sflag:s4], $0x4000  }
0x14e: {  	[sflag:s4] =	ssyncset.done $0x0  }
0x14f: {  	s10 =	rddreg [dreg:$0x14];
	[sflag:s4] =	ssyncadd.s32 $0xFFFFC000  }
0x150: {  	[spmem:s2] =	stream.indirect.scatter.add.f32 [tilespmem:s0], [sflag:$0x5], $0x80, s10, s31, $0xb8;
	[tilespmem:$0x1D000] =	vst v63  }
0x151: {  	_ =	swait.ge [sflag:s24], $0x4000  }
0x152: {  	[sflag:s24] =	ssyncset.done $0x0  }
0x153: {  	s10 =	rddreg [dreg:$0x15];
	[sflag:s24] =	ssyncadd.s32 $0xFFFFC000  }
0x154: {  	[tilespmem:s0], [sflag:$0x4] =	stream.indirect.gather [hbm4b:s1+s31], $0x80, s10, s31, $0xb8;
	[tilespmem:$0x1D000] =	vst v63  }
0x155: {  	_ =	swait.ge [sflag:s26], $0x4000  }
0x156: {  	[sflag:s26] =	ssyncset.done $0x0  }
0x157: {  	s10 =	rddreg [dreg:$0x16];
	[sflag:s26] =	ssyncadd.s32 $0xFFFFC000  }
0x158: {  	[spmem:s2] =	stream.indirect.scatter.add.f32 [tilespmem:s23], [sflag:$0x5], $0x80, s10, s31, $0xb8;
	[tilespmem:$0x1D000] =	vst v63  }
0x159: {  	_ =	swait.ge [sflag:s24], $0x4000  }
0x15a: {  	[sflag:s24] =	ssyncset.done $0x0  }
0x15b: {  	s10 =	rddreg [dreg:$0x17];
	[sflag:s24] =	ssyncadd.s32 $0xFFFFC000  }
0x15c: {  	[tilespmem:s23], [sflag:$0x3] =	stream.indirect.gather [hbm4b:s1+s31], $0x80, s10, s31, $0xb8;
	[tilespmem:$0x1D000] =	vst v63  }
0x15d: {  	_ =	swait.ge [sflag:s4], $0x4000  }
0x15e: {  	[sflag:s4] =	ssyncset.done $0x0  }
0x15f: {  	s10 =	rddreg [dreg:$0x18];
	[sflag:s4] =	ssyncadd.s32 $0xFFFFC000  }
0x160: {  	[spmem:s2] =	stream.indirect.scatter.add.f32 [tilespmem:s0], [sflag:$0x5], $0x80, s10, s31, $0xb8;
	[tilespmem:$0x1D000] =	vst v63  }
0x161: {  	_ =	swait.ge [sflag:s24], $0x4000  }
0x162: {  	[sflag:s24] =	ssyncset.done $0x0  }
0x163: {  	s10 =	rddreg [dreg:$0x19];
	[sflag:s24] =	ssyncadd.s32 $0xFFFFC000  }
0x164: {  	[tilespmem:s0], [sflag:$0x4] =	stream.indirect.gather [hbm4b:s1+s31], $0x80, s10, s31, $0xb8;
	[tilespmem:$0x1D000] =	vst v63  }
0x165: {  	_ =	swait.ge [sflag:s26], $0x4000  }
0x166: {  	[sflag:s26] =	ssyncset.done $0x0  }
0x167: {  	s10 =	rddreg [dreg:$0x1a];
	[sflag:s26] =	ssyncadd.s32 $0xFFFFC000  }
0x168: {  	[spmem:s2] =	stream.indirect.scatter.add.f32 [tilespmem:s23], [sflag:$0x5], $0x80, s10, s31, $0xb8;
	[tilespmem:$0x1D000] =	vst v63  }
0x169: {  	_ =	swait.ge [sflag:s24], $0x4000  }
0x16a: {  	[sflag:s24] =	ssyncset.done $0x0  }
0x16b: {  	[sflag:s24] =	ssyncadd.s32 $0xFFFFC000  }
0x16c: {  	[tilespmem:s23], [sflag:$0x3] =	stream.indirect.gather [hbm4b:s1+s31], $0x80, s13, s31, $0xb8;
	[tilespmem:$0x1D000] =	vst v63  }
0x16d: {  	_ =	swait.ge [sflag:s4], $0x4000  }
0x16e: {  	[sflag:s4] =	ssyncset.done $0x0  }
0x16f: {  	[sflag:s4] =	ssyncadd.s32 $0xFFFFC000  }
0x170: {  	[spmem:s2] =	stream.indirect.scatter.add.f32 [tilespmem:s0], [sflag:$0x5], $0x80, s14, s31, $0xb8;
	[tilespmem:$0x1D000] =	vst v63  }
0x171: {  	_ =	swait.ge [sflag:s24], $0x4000  }
0x172: {  	[sflag:s24] =	ssyncset.done $0x0  }
0x173: {  	[sflag:s24] =	ssyncadd.s32 $0xFFFFC000  }
0x174: {  	[tilespmem:s0], [sflag:$0x4] =	stream.indirect.gather [hbm4b:s1+s31], $0x80, s15, s31, $0xb8;
	[tilespmem:$0x1D000] =	vst v63  }
0x175: {  	_ =	swait.ge [sflag:s26], $0x4000  }
0x176: {  	[sflag:s26] =	ssyncset.done $0x0  }
0x177: {  	[sflag:s26] =	ssyncadd.s32 $0xFFFFC000  }
0x178: {  	[spmem:s2] =	stream.indirect.scatter.add.f32 [tilespmem:s23], [sflag:$0x5], $0x80, s16, s31, $0xb8;
	[tilespmem:$0x1D000] =	vst v63  }
0x179: {  	_ =	swait.ge [sflag:s24], $0x4000  }
0x17a: {  	[sflag:s24] =	ssyncset.done $0x0  }
0x17b: {  	[sflag:s24] =	ssyncadd.s32 $0xFFFFC000  }
0x17c: {  	p0 =	sne.s32 s19, $0x8;
	_ =	swait.ge [sflag:s4], $0x4000  }
.Ltmp0:
0x17d: {  	[sflag:s4] =	ssyncset.done $0x0;
	(pc) =	sbr.rel @p0 .LBB2_2-.Ltmp0, $4  }
0x17e: {  	[sflag:s4] =	ssyncadd.s32 $0xFFFFC000  }
0x17f: {  	[spmem:s2] =	stream.indirect.scatter.add.f32 [tilespmem:s0], [sflag:$0x5], $0x80, s17, s31, $0xb8;
	[tilespmem:$0x1D000] =	vst v63  }
0x180: {  	_ =	swait.ge [sflag:s24], $0x4000  }
0x181: {  	s19 =	sadd.s32 $0x2, s19;
	[sflag:s24] =	ssyncset.done $0x0  }
0x182: {  	[sflag:s24] =	ssyncadd.s32 $0xFFFFC000  }
0x183: {  	_ =	swait.ge [sflag:s28], $0x400  }
0x184: {  	[sflag:s28] =	ssyncset.done $0x0  }
0x185: {  	[sflag:s28] =	ssyncadd.s32 $0xFFFFFC00  }
0x186: {  	_ =	swait.ge [sflag:s28], $0x400  }
0x187: {  	[sflag:s28] =	ssyncset.done $0x0  }
0x188: {  	[sflag:s28] =	ssyncadd.s32 $0xFFFFFC00  }
0x189: {  	[bflag:$0x0] =	sbarrier.arrive $0xFFFF  }
0x18a: {  	[tilespmem:s23], [sflag:$0x5] =	stream.linear.gather [spmem:s11], $0x4000, $0x38;
	[tilespmem:$0x1D000] =	vst v63  }
0x18b: {  	_ =	swait.ge [sflag:s24], $0x4000  }
0x18c: {  	[sflag:s24] =	ssyncset.done $0x0  }
0x18d: {  	s9 =	rddreg [dreg:$0x1f];
	[sflag:s24] =	ssyncadd.s32 $0xFFFFC000  }
0x18e: {  	[hbm4b:s9+s3] =	stream.linear.scatter [tilespmem:s23], [sflag:$0x4], $0x4000, $0x38;
	[tilespmem:$0x1D000] =	vst v63  }
0x18f: {  	_ = 	snop  }
0x190: {  	[tilespmem:s0], [sflag:$0x5] =	stream.linear.gather [spmem:s12], $0x4000, $0x38;
	[tilespmem:$0x1D000] =	vst v63  }
0x191: {  	_ =	swait.ge [sflag:s24], $0x4000  }
0x192: {  	s21 =	smov.u32 s12;
	s12 =	sld [smem:$0x7F7]  }
0x193: {  	[sflag:s24] =	ssyncset.done $0x0  }
0x194: {  	[sflag:s24] =	ssyncadd.s32 $0xFFFFC000  }
0x195: {  	[hbm4b:s12+s3] =	stream.linear.scatter [tilespmem:s0], [sflag:$0x4], $0x4000, $0x38;
	[tilespmem:$0x1D000] =	vst v63  }
0x196: {  	_ =	swait.ge [sflag:s4], $0x4000  }
0x197: {  	[sflag:s4] =	ssyncset.done $0x0  }
0x198: {  	[sflag:s4] =	ssyncadd.s32 $0xFFFFC000  }
0x199: {  	[tilespmem:s23], [sflag:$0x5] =	stream.linear.gather [spmem:s20], $0x4000, $0x38;
	[tilespmem:$0x1D000] =	vst v63  }
0x19a: {  	_ =	swait.ge [sflag:s24], $0x4000  }
0x19b: {  	s22 =	smov.u32 s20;
	s20 =	sld [smem:$0x7F8]  }
0x19c: {  	[sflag:s24] =	ssyncset.done $0x0  }
0x19d: {  	[sflag:s24] =	ssyncadd.s32 $0xFFFFC000  }
0x19e: {  	[hbm4b:s20+s3] =	stream.linear.scatter [tilespmem:s23], [sflag:$0x4], $0x4000, $0x38;
	[tilespmem:$0x1D000] =	vst v63  }
0x19f: {  	_ =	swait.ge [sflag:s4], $0x4000  }
0x1a0: {  	[sflag:s4] =	ssyncset.done $0x0  }
0x1a1: {  	[sflag:s4] =	ssyncadd.s32 $0xFFFFC000  }
0x1a2: {  	[tilespmem:s0], [sflag:$0x5] =	stream.linear.gather [spmem:s8], $0x4000, $0x38;
	[tilespmem:$0x1D000] =	vst v63  }
0x1a3: {  	_ =	swait.ge [sflag:s24], $0x4000  }
0x1a4: {  	s9 =	sld [smem:$0x7F9]  }
0x1a5: {  	[sflag:s24] =	ssyncset.done $0x0  }
0x1a6: {  	[sflag:s24] =	ssyncadd.s32 $0xFFFFC000  }
0x1a7: {  	[hbm4b:s9+s3] =	stream.linear.scatter [tilespmem:s0], [sflag:$0x4], $0x4000, $0x38;
	[tilespmem:$0x1D000] =	vst v63  }
0x1a8: {  	_ =	swait.ge [sflag:s4], $0x4000  }
0x1a9: {  	[sflag:s4] =	ssyncset.done $0x0  }
0x1aa: {  	s12 =	rddreg [dreg:$0x1c];
	[sflag:s4] =	ssyncadd.s32 $0xFFFFC000  }
0x1ab: {  	[tilespmem:s23], [sflag:$0x5] =	stream.linear.gather [spmem:s12], $0x4000, $0x38;
	[tilespmem:$0x1D000] =	vst v63  }
0x1ac: {  	_ =	swait.ge [sflag:s24], $0x4000  }
0x1ad: {  	s19 =	smov.u32 s11;
	s11 =	sld [smem:$0x7FA]  }
0x1ae: {  	[sflag:s24] =	ssyncset.done $0x0  }
0x1af: {  	[sflag:s24] =	ssyncadd.s32 $0xFFFFC000  }
0x1b0: {  	[hbm4b:s11+s3] =	stream.linear.scatter [tilespmem:s23], [sflag:$0x4], $0x4000, $0x38;
	[tilespmem:$0x1D000] =	vst v63  }
0x1b1: {  	_ =	swait.ge [sflag:s4], $0x4000  }
0x1b2: {  	[sflag:s4] =	ssyncset.done $0x0  }
0x1b3: {  	[sflag:s4] =	ssyncadd.s32 $0xFFFFC000  }
0x1b4: {  	_ =	swait.ge [sflag:s4], $0x4000  }
0x1b5: {  	s20 =	sld [smem:$0x7FB];
	_ =	sdelay $0x1  }
0x1b6: {  	s18 =	sadd.s32 $0x1, s18  }
0x1b7: {  	p0 =	sne.s32 s18, s20  }
.Ltmp1:
0x1b8: {  	_ = 	snop;
	(pc) =	sbr.rel @p0 .LBB2_1-.Ltmp1, $3  }
0x1b9: {  	_ =	sdelay $0x1  }
0x1ba: {  	[sflag:s4] =	ssyncset.done $0x0  }
0x1bb: {  	s10 =	smov.u32 s8;
	[sflag:s4] =	ssyncadd.s32 $0xFFFFC000  }
0x1bc: {  	_ =	sfence.sel $0x180000  }
0x1bd: {  	[bflag:$0x0] =	sbarrier.arrive $0xFFFF  }
0x1be: {  	_ =	strace $0x90000047  }
0x1bf: {  	s0 =	stileid.u32;
	[bflag:$0x2] =	sbarrier.arrive $0xFFFF  }
0x1c0: {  	p0 =	sne.s32 s0, $0x0;
	s0 =	rddreg [dreg:$0x3]  }
0x1c1: {  	s0 =	sadd.s32 @!p0 $0x100000, s0  }
0x1c2: {  	[sflag:s0] =	ssyncadd.tile.s32 @!p0 $0x1;
	_ =	shalt  }
.Lfunc_end2:
_tile_overlayer_lowered:
.L_overlay_start_2:
0x1c3: {  	(tag) =	ssettag $0x2  }
0x1c4: {  	s0 =	rddreg [dreg:$0x0];
	s2 =	stileid.u32  }
0x1c5: {  	s1 =	rddreg [dreg:$0x1];
	p0 =	sne.s32 s2, $0x0  }
0x1c6: {  	s3 =	rddreg [dreg:$0x2];
	[bflag:$0x3] =	sbarrier.arrive $0xFFFF;
	s2 =	simm.s32 @!p0 $0x1C05  }
0x1c7: {  	[timem:s3], [sflag:s2] =	dma.local @!p0 [hbm:s0], s1  }
0x1c8: {  	s0 =	simm.s32 @!p0 $0x5  }
0x1c9: {  	_ =	swait.ge @!p0 [sflag:s0], s1  }
0x1ca: {  	s1 =	ssub.s32 @!p0 $0x0, s1;
	[sflag:s0] =	ssyncset.done @!p0 $0x0  }
0x1cb: {  	[sflag:s0] =	ssyncadd.s32 @!p0 s1  }
0x1cc: {  	[bflag:$0x3] =	sbarrier.arrive $0xFFFF  }
0x1cd: {  	_ =	shalt  }

// kernel: kernel.13.cloned.1.call-start
scs
__scs_entry_jumppad:
0x0: {  	(pc) =	sbr.rel $0x88, $3  }
0x1: {  	(tag) =	ssettag $0x0;
	lr =	simm.s32 $0x1  }
0x2: {  	[smem:$0x3F99] =	sst lr;
	_ =	strace $0xD0000000  }
0x3: {  	_ = 	snop  }
0x4: {  	_ = 	snop  }
0x5: {  	_ = 	snop  }
0x6: {  	_ = 	snop  }
0x7: {  	_ = 	snop  }
__scs_overlays_trampoline_lowered:
0x8: {  	[smem:$0x3FA8] =	sst s0  }
0x9: {  	[smem:$0x3FA9] =	sst s1  }
0xa: {  	[smem:$0x3FAA] =	sst s2  }
0xb: {  	[smem:$0x3FAB] =	sst s3  }
0xc: {  	[smem:$0x3FAC] =	sst s4  }
0xd: {  	[smem:$0x3FAD] =	sst s5  }
0xe: {  	[smem:$0x3FAE] =	sst s6  }
0xf: {  	[smem:$0x3FAF] =	sst s7  }
0x10: {  	[smem:$0x3FB0] =	sst s8  }
0x11: {  	[smem:$0x3FB1] =	sst s9;
	s0 =	simm.s32 @!p0 $0x0  }
0x12: {  	s1 =	sld [smem:$0x3F97];
	s0 =	simm.s32 @p0 $0x1  }
0x13: {  	[smem:$0x3FB2] =	sst s0;
	s0 =	simm.s32 @!p1 $0x0  }
0x14: {  	s2 =	sld [smem:$0x3F96];
	s0 =	simm.s32 @p1 $0x1  }
0x15: {  	[smem:$0x3FB3] =	sst s0;
	s0 =	simm.s32 @!p2 $0x0  }
0x16: {  	s3 =	sld [smem:$0x3FDB];
	s0 =	simm.s32 @p2 $0x1  }
0x17: {  	s4 =	simm.s32 $0x1BF5;
	[smem:$0x3FB5] =	sst s0  }
0x18: {  	s0 =	sld [smem:$0x3F98];
	_ =	swait.ge [sflag:s4], $0x0  }
0x19: {  	s7 =	sld [smem:$0x3F99]  }
0x1a: {  	s8 =	sadd.s32 $0xFFFFE003, lr  }
0x1b: {  	s9 =	sadd.s32 $0xFFFFFEF7, lr;
	s5 =	simm.s32 $0xFFFFFFFF;
	p2 =	slt.u32 s8, $0xFFFFF086  }
0x1c: {  	p1 =	slt.u32 s9, $0xF7A;
	s5 =	simm.s32 @!p2 $0x0  }
0x1d: {  	s5 =	simm.s32 @p1 $0x1;
	p0 =	seq.s32 s7, s2  }
0x1e: {  	s7 =	smul.u32 @!p0 $0xF7A, s2;
	p2 =	seq.s32 @!p0 s5, $0x0  }
0x1f: {  	s9 =	smul.u32 $0xF7A, s1;
	s8 =	simm.s32 @!p0 $0x1BF5;
	p2 =	por !p2, p0  }
0x20: {  	[sflag:s8] =	ssyncset.s32 @!p0 $0xFFFFF086;
	s6 =	sadd.s32 @!p0 s3, s7;
	s7 =	simm.s32 @!p0 $0x108  }
0x21: {  	s3 =	sadd.s32 s3, s9;
	s6 =	sadd.s32 @!p0 $0x88, s6;
	s7 =	simm.s32 @p2 $0x1082  }
0x22: {  	[simem:s7], [sflag:s8] =	dma.local @!p0 [hbm:s6], $0xF7A  }
0x23: {  	s9 =	sor.u32 $0xD0000000, s2;
	s6 =	simm.s32 $0x108;
	_ =	swait.ge @!p0 [sflag:s8], $0x0  }
0x24: {  	s3 =	sadd.s32 $0x88, s3;
	s6 =	simm.s32 @!p1 $0x1082;
	[sflag:s4] =	ssyncset.s32 $0xFFFFF086  }
0x25: {  	[simem:s6], [sflag:s4] =	dma.local [hbm:s3], $0xF7A  }
0x26: {  	[smem:$0x3F99] =	sst s1;
	(tag) =	ssettag s2;
	_ =	strace s9  }
0x27: {  	s1 =	sld [smem:$0x3FA9]  }
0x28: {  	s2 =	sld [smem:$0x3FAA]  }
0x29: {  	s4 =	sld [smem:$0x3FAC]  }
0x2a: {  	p0 =	seq.s32 s5, $0x0;
	s5 =	sld [smem:$0x3FAD]  }
0x2b: {  	s6 =	sld [smem:$0x3FAE]  }
0x2c: {  	s7 =	sld [smem:$0x3FAF]  }
0x2d: {  	s3 =	simm.s32 $0x108;
	s8 =	sld [smem:$0x3FB0]  }
0x2e: {  	s3 =	simm.s32 @!p0 $0x1082;
	s9 =	sld [smem:$0x3FB1]  }
0x2f: {  	lr =	sadd.s32 s0, s3;
	s0 =	sld [smem:$0x3FA8]  }
0x30: {  	s3 =	sld [smem:$0x3FAB]  }
0x31: {  	[smem:$0x3FB4] =	sst s10  }
0x32: {  	s10 =	sld [smem:$0x3FB2];
	_ =	sdelay $0x3  }
0x33: {  	p0 =	seq.s32 s10, $0x1;
	s10 =	sld [smem:$0x3FB4];
	_ =	sdelay $0x3  }
0x34: {  	[smem:$0x3FB4] =	sst s10  }
0x35: {  	s10 =	sld [smem:$0x3FB3];
	_ =	sdelay $0x3  }
0x36: {  	p1 =	seq.s32 s10, $0x1;
	s10 =	sld [smem:$0x3FB4];
	_ =	sdelay $0x3  }
0x37: {  	[smem:$0x3FB4] =	sst s10  }
0x38: {  	s10 =	sld [smem:$0x3FB5]  }
0x39: {  	_ = 	snop;
	(pc) =	sbr.ind lr, $3  }
0x3a: {  	_ = 	snop  }
0x3b: {  	_ = 	snop  }
0x3c: {  	p2 =	seq.s32 s10, $0x1;
	s10 =	sld [smem:$0x3FB4]  }
0x3d: {  	_ =	shalt  }
0x3e: {  	_ =	shalt  }
0x3f: {  	_ =	shalt  }
0x40: {  	_ =	shalt  }
0x41: {  	_ =	shalt  }
0x42: {  	_ =	shalt  }
0x43: {  	_ =	shalt  }
0x44: {  	_ =	shalt  }
0x45: {  	_ =	shalt  }
0x46: {  	_ =	shalt  }
0x47: {  	_ =	shalt  }
0x48: {  	_ =	shalt  }
0x49: {  	_ =	shalt  }
0x4a: {  	_ =	shalt  }
0x4b: {  	_ =	shalt  }
0x4c: {  	_ =	shalt  }
0x4d: {  	_ =	shalt  }
0x4e: {  	_ =	shalt  }
0x4f: {  	_ =	shalt  }
0x50: {  	_ =	shalt  }
0x51: {  	_ =	shalt  }
0x52: {  	_ =	shalt  }
0x53: {  	_ =	shalt  }
0x54: {  	_ =	shalt  }
0x55: {  	_ =	shalt  }
0x56: {  	_ =	shalt  }
0x57: {  	_ =	shalt  }
0x58: {  	_ =	shalt  }
0x59: {  	_ =	shalt  }
0x5a: {  	_ =	shalt  }
0x5b: {  	_ =	shalt  }
0x5c: {  	_ =	shalt  }
0x5d: {  	_ =	shalt  }
0x5e: {  	_ =	shalt  }
0x5f: {  	_ =	shalt  }
0x60: {  	_ =	shalt  }
0x61: {  	_ =	shalt  }
0x62: {  	_ =	shalt  }
0x63: {  	_ =	shalt  }
0x64: {  	_ =	shalt  }
0x65: {  	_ =	shalt  }
0x66: {  	_ =	shalt  }
0x67: {  	_ =	shalt  }
0x68: {  	_ =	shalt  }
0x69: {  	_ =	shalt  }
0x6a: {  	_ =	shalt  }
0x6b: {  	_ =	shalt  }
0x6c: {  	_ =	shalt  }
0x6d: {  	_ =	shalt  }
0x6e: {  	_ =	shalt  }
0x6f: {  	_ =	shalt  }
0x70: {  	_ =	shalt  }
0x71: {  	_ =	shalt  }
0x72: {  	_ =	shalt  }
0x73: {  	_ =	shalt  }
0x74: {  	_ =	shalt  }
0x75: {  	_ =	shalt  }
0x76: {  	_ =	shalt  }
0x77: {  	_ =	shalt  }
0x78: {  	_ =	shalt  }
0x79: {  	_ =	shalt  }
0x7a: {  	_ =	shalt  }
0x7b: {  	_ =	shalt  }
0x7c: {  	_ =	shalt  }
0x7d: {  	_ =	shalt  }
0x7e: {  	_ =	shalt  }
0x7f: {  	_ =	shalt  }
0x80: {  	_ =	shalt  }
0x81: {  	_ =	shalt  }
0x82: {  	_ =	shalt  }
0x83: {  	_ =	shalt  }
0x84: {  	_ =	shalt  }
0x85: {  	_ =	shalt  }
0x86: {  	_ =	shalt  }
0x87: {  	_ =	shalt  }
.Lfunc_end0:
.L_simem_size_0:
called_computation.2_lowered:
.L_overlay_start_0:
0x88: {  	s2 =	sld [smem:$0x3FD9]  }
0x89: {  	s3 =	sld [smem:$0x3FFE];
	_ =	sdelay $0x1  }
0x8a: {  	s1 =	srdreg.scid  }
0x8b: {  	s0 =	sand.u32 $0x1, s1  }
0x8c: {  	s17 =	sshll.u32 s0, $0xA;
	s2 =	sadd.s32 s3, s2  }
0x8d: {  	s2 =	sadd.s32 s2, s17  }
0x8e: {  	[smem:$0x3FC0] =	sst s2  }
0x8f: {  	_ = 	snop  }
0x90: {  	s2 =	sld [smem:$0x3FD0];
	(tm) =	ssettm $0x1  }
0x91: {  	s18 =	sld [smem:$0x3FFB];
	_ =	sdelay $0x3  }
0x92: {  	_ =	strace s18  }
0x93: {  	s3 =	sld [smem:$0x3FFC];
	_ =	sdelay $0x3  }
0x94: {  	_ =	strace s3  }
0x95: {  	s3 =	sld [smem:$0x3FFD];
	_ =	sdelay $0x3  }
0x96: {  	_ =	strace s3  }
0x97: {  	_ =	strace $0x8FFFFFFF  }
0x98: {  	s19 =	sld [smem:$0x3FDB];
	_ =	sdelay $0x1  }
0x99: {  	s4 =	simm.s32 $_scs_section_size  }
0x9a: {  	s5 =	simm.s32 $_size__tile_overlayer_lowered;
	s6 =	simm.s32 $_tile_overlayer_lowered  }
0x9b: {  	s22 =	simm.s32 $0x1BFF;
	s21 =	sshll.u32 s6, $0x1;
	s3 =	sadd.s32 s4, s19  }
0x9c: {  	s7 =	simm.s32 $0x0;
	s20 =	sshll.u32 s5, $0x1;
	s5 =	sadd.s32 s21, s3  }
0x9d: {  	[timem:s7], [sflag:s22] =	dma.local [hbm:s5], s20  }
0x9e: {  	_ =	swait.ge [sflag:s22], s20  }
0x9f: {  	s4 =	ssub.s32 $0x0, s20;
	[sflag:s22] =	ssyncset.done $0x0  }
0xa0: {  	[sflag:s22] =	ssyncadd.s32 s4;
	_ =	sdelay $0x1  }
0xa1: {  	s23 =	simm.s32 $0x1B8B  }
0xa2: {  	_ =	swait.ge [sflag:s23], $0x1  }
0xa3: {  	[sflag:s23] =	ssyncset.done $0x0  }
0xa4: {  	s25 =	simm.s32 $0x1B8E;
	s24 =	sld [smem:$0x3FFE];
	[sflag:s23] =	ssyncadd.s32 $0xFFFFFFFF  }
0xa5: {  	s26 =	simm.s32 $execute0_lowered;
	[smem:$0x3FD2] =	sst s25  }
0xa6: {  	s5 =	sshll.u32 s26, $0x1;
	_ =	strace $0x8000004C;
	[dreg:$0x1] =	wrdreg $0xFFFFFFFF  }
0xa7: {  	s28 =	simm.s32 $_size_execute0_lowered;
	s3 =	sadd.s32 s3, s5;
	[dreg:$0x0] =	wrdreg $0x0  }
0xa8: {  	s5 =	sshll.u32 s28, $0x1;
	[dreg:$0x2] =	wrdreg s3  }
0xa9: {  	[dreg:$0x3] =	wrdreg s5  }
0xaa: {  	[dreg:$0x4] =	wrdreg $0xC0  }
0xab: {  	_ =	task [dreg:s7], $0x5FFFF  }
0xac: {  	[dreg:$0x1] =	wrdreg $0xFFFFFFFF  }
0xad: {  	[dreg:$0x0] =	wrdreg $0x60  }
0xae: {  	[dreg:$0x2] =	wrdreg s2  }
0xaf: {  	[dreg:$0x3] =	wrdreg s24  }
0xb0: {  	[dreg:$0x4] =	wrdreg $0x90000  }
0xb1: {  	[dreg:$0x5] =	wrdreg $0x9  }
0xb2: {  	_ =	task.clear_ibuf [dreg:s7], $0x6FFFF;
	_ =	strace $0x9000004C  }
0xb3: {  	s29 =	simm.s32 $0x9;
	_ =	strace $0x8000004E  }
0xb4: {  	_ =	swait.ge [sflag:s29], $0x1  }
0xb5: {  	[sflag:s29] =	ssyncadd.s32 $0xFFFFFFFF  }
0xb6: {  	_ =	strace $0x9000004E  }
0xb7: {  	_ =	sfence  }
0xb8: {  	s30 =	sld [smem:$0x0];
	_ =	sdelay $0x2  }
0xb9: {  	s31 =	sshll.u32 s1, $0xD;
	s1 =	sshrl.u32 s1, $0x2  }
0xba: {  	s3 =	sand.u32 $0x4000, s31;
	s1 =	sadd.s32 s1, s30  }
0xbb: {  	s0 =	sor.u32 s3, s0;
	s1 =	sshll.u32 s1, $0x11  }
0xbc: {  	s0 =	sor.u32 s1, s0  }
0xbd: {  	s0 =	sadd.s32 $0x8F2B, s0  }
0xbe: {  	[sflag:s0] =	ssyncadd.remote.s32 $0x1  }
0xbf: {  	_ =	sfence.sel $0xFFFF  }
0xc0: {  	[dreg:$0x0] =	wrdreg $0xFFFFFFFF;
	(pc) =	sbr.abs _section_cstart, $3  }
0xc1: {  	[dreg:$0x1] =	wrdreg $0xFFFFFFFF  }
0xc2: {  	_ =	task.clear_ibuf [dreg:s7], $0x2FFFF;
	_ =	strace $0x9FFFFFFF  }
0xc3: {  	(tm) =	ssettm $0x7FFFFFFF  }
tec
execute0_lowered:
.L_overlay_start_1:
0x0: {  	(tag) =	ssettag $0x1  }
0x1: {  	s1 =	rddreg [dreg:$0x0]  }
0x2: {  	s4 =	rddreg [dreg:$0x1]  }
0x3: {  	s2 =	rddreg [dreg:$0x2]  }
0x4: {  	s3 =	simm.s32 $0x0;
	s0 =	srdreg.scid;
	s10 =	stileid.u32  }
0x5: {  	s28 =	simm.s32 $0x1;
	s29 =	simm.s32 $0x800;
	s30 =	simm.s32 $0xC00  }
0x6: {  	s31 =	simm.s32 $0x80;
	[smem:$0x7FF] =	sst s3;
	s5 =	sadd.s32 $0x2200, s4  }
0x7: {  	s6 =	sadd.s32 $0xC200, s4;
	s0 =	sand.u32 $0x1, s0;
	s8 =	smul.u32 $0x50000, s10  }
0x8: {  	s7 =	sadd.s32 $0x16200, s4;
	s9 =	sadd.s32 $0x16A00, s4;
	s13 =	smul.u32 $0x14000, s10  }
0x9: {  	_ =	strace $0x8000004D;
	[dreg:$0x1b] =	wrdreg s7;
	s23 =	ssub.s32 $0x2, s0  }
0xa: {  	s25 =	sshll.u32 s0, $0x4;
	s17 =	smul.u32 $0x140000, s0;
	s24 =	sshrl.u32 s23, $0x1  }
0xb: {  	s8 =	sshrl.u32 s8, $0x2;
	s7 =	sor.u32 s10, s25;
	s26 =	sadd.s32 $0x4000, s13  }
0xc: {  	s14 =	sadd.s32 $0x8000, s13;
	s18 =	sadd.s32 $0x10000, s13;
	s4 =	ssub.s32 s23, s24  }
0xd: {  	s19 =	sadd.s32 s8, s2;
	s21 =	sadd.s32 s26, s2;
	s23 =	simm.s32 $0x180  }
0xe: {  	s22 =	sadd.s32 s14, s2;
	s24 =	simm.s32 $0x500;
	[dreg:$0x7] =	wrdreg s23  }
0xf: {  	s8 =	sadd.s32 s17, s26;
	s26 =	simm.s32 $0x200;
	[dreg:$0x8] =	wrdreg s24  }
0x10: {  	s25 =	sadd.s32 s17, s14;
	s14 =	simm.s32 $0x280;
	[dreg:$0x9] =	wrdreg s26  }
0x11: {  	s0 =	smul.u32 $0xA0, s0;
	s12 =	sadd.s32 s18, s2;
	[dreg:$0xb] =	wrdreg s14  }
0x12: {  	s16 =	sadd.s32 $0xC000, s13;
	s23 =	simm.s32 $0x680;
	[dreg:$0x1c] =	wrdreg s12  }
0x13: {  	s15 =	smul.u32 $0x500, s7;
	s26 =	simm.s32 $0x700;
	[dreg:$0xe] =	wrdreg s23  }
0x14: {  	s11 =	sadd.s32 s16, s2;
	s4 =	smax.u32 s4, $0x1;
	[dreg:$0x10] =	wrdreg s26  }
0x15: {  	s24 =	sadd.s32 s17, s18;
	s18 =	simm.s32 $0xD00;
	[smem:$0x7FB] =	sst s4  }
0x16: {  	s7 =	smul.u32 $0xA, s7;
	s20 =	sadd.s32 s5, s15;
	[dreg:$0x16] =	wrdreg s18  }
0x17: {  	s13 =	sadd.s32 s13, s17;
	s15 =	sadd.s32 s6, s15;
	[dreg:$0x1d] =	wrdreg s20  }
0x18: {  	s13 =	sshrl.u32 s13, $0x3;
	s7 =	sadd.s32 $0x2, s7;
	[dreg:$0x1e] =	wrdreg s15  }
0x19: {  	s8 =	sshrl.u32 s8, $0x3;
	s13 =	sadd.s32 s9, s13;
	[dreg:$0x4] =	wrdreg s7  }
0x1a: {  	s14 =	smul.u32 $0xA, s10;
	s8 =	sadd.s32 s9, s8;
	[dreg:$0x1f] =	wrdreg s13  }
0x1b: {  	s10 =	smov.u32 s11;
	s23 =	simm.s32 $0xA00;
	[smem:$0x7F7] =	sst s8  }
0x1c: {  	s26 =	simm.s32 $0xE00;
	s4 =	simm.s32 $0x4;
	[dreg:$0x17] =	wrdreg s23  }
0x1d: {  	s18 =	simm.s32 $0x0;
	s15 =	simm.s32 $0x100;
	[dreg:$0x1a] =	wrdreg s26  }
0x1e: {  	s20 =	simm.s32 $0x480;
	s8 =	sshrl.u32 s25, $0x3;
	[dreg:$0x5] =	wrdreg s15  }
0x1f: {  	s13 =	simm.s32 $0x580;
	s25 =	simm.s32 $0x380;
	[dreg:$0x6] =	wrdreg s20  }
0x20: {  	s0 =	sadd.s32 s14, s0;
	s23 =	simm.s32 $0x1000;
	[dreg:$0xa] =	wrdreg s13  }
0x21: {  	s26 =	simm.s32 $0x3;
	s8 =	sadd.s32 s9, s8;
	[dreg:$0xf] =	wrdreg s25  }
0x22: {  	s15 =	sadd.s32 s17, s16;
	s16 =	simm.s32 $0x600;
	[smem:$0x7F8] =	sst s8  }
0x23: {  	s14 =	simm.s32 $0xE80;
	s20 =	simm.s32 $0x300;
	[dreg:$0xc] =	wrdreg s16  }
0x24: {  	s13 =	simm.s32 $0x880;
	s17 =	simm.s32 $0x980;
	[dreg:$0xd] =	wrdreg s20  }
0x25: {  	s0 =	sshll.u32 s0, $0x7;
	s25 =	simm.s32 $0xA80;
	[dreg:$0x12] =	wrdreg s13  }
0x26: {  	s8 =	sshrl.u32 s15, $0x3;
	s15 =	simm.s32 $0x900;
	[dreg:$0x15] =	wrdreg s17  }
0x27: {  	s16 =	simm.s32 $0xC80;
	s20 =	sadd.s32 s0, s5;
	[dreg:$0x19] =	wrdreg s25  }
0x28: {  	s0 =	sadd.s32 s0, s6;
	s25 =	simm.s32 $0x400;
	[dreg:$0x13] =	wrdreg s15  }
0x29: {  	s13 =	simm.s32 $0xB00;
	s8 =	sadd.s32 s9, s8;
	[dreg:$0x14] =	wrdreg s16  }
0x2a: {  	s17 =	simm.s32 $0xF80;
	s7 =	sadd.s32 $0x80, s20;
	[smem:$0x7F9] =	sst s8  }
0x2b: {  	s0 =	sadd.s32 $0x80, s0;
	s15 =	simm.s32 $0xB80;
	[smem:$0x7FC] =	sst s7  }
0x2c: {  	s8 =	sshrl.u32 s24, $0x3;
	s24 =	simm.s32 $0xD80;
	[smem:$0x7FD] =	sst s0  }
0x2d: {  	s16 =	simm.s32 $0xF00;
	s8 =	sadd.s32 s9, s8;
	[dreg:$0x18] =	wrdreg s24  }
0x2e: {  	s0 =	simm.s32 $0x5000;
	s9 =	simm.s32 $0x780;
	[smem:$0x7FA] =	sst s8  }
0x2f: {  	s7 =	simm.s32 $0x2;
	s24 =	simm.s32 $0x5;
	[dreg:$0x11] =	wrdreg s9  }
.LBB2_1:
0x30: {  	s9 =	rddreg [dreg:$0x1b]  }
0x31: {  	[tilespmem:s23], [sflag:$0x5] =	stream.linear.gather [hbm4b:s9+s3], $0x4000, $0x38;
	[tilespmem:$0x1D000] =	vst v63  }
0x32: {  	_ =	swait.ge [sflag:s24], $0x4000  }
0x33: {  	[sflag:s24] =	ssyncset.done $0x0  }
0x34: {  	[sflag:s24] =	ssyncadd.s32 $0xFFFFC000  }
0x35: {  	[spmem:s19] =	stream.linear.scatter [tilespmem:s23], [sflag:$0x3], $0x4000, $0x38;
	[tilespmem:$0x1D000] =	vst v63  }
0x36: {  	_ = 	snop  }
0x37: {  	[spmem:s21] =	stream.linear.scatter [tilespmem:s23], [sflag:$0x3], $0x4000, $0x38;
	[tilespmem:$0x1D000] =	vst v63  }
0x38: {  	_ = 	snop  }
0x39: {  	[spmem:s22] =	stream.linear.scatter [tilespmem:s23], [sflag:$0x3], $0x4000, $0x38;
	[tilespmem:$0x1D000] =	vst v63  }
0x3a: {  	_ = 	snop  }
0x3b: {  	[spmem:s10] =	stream.linear.scatter [tilespmem:s23], [sflag:$0x3], $0x4000, $0x38;
	[tilespmem:$0x1D000] =	vst v63  }
0x3c: {  	s11 =	smov.u32 s19;
	s19 =	smov.u32 s12  }
0x3d: {  	[spmem:s19] =	stream.linear.scatter [tilespmem:s23], [sflag:$0x3], $0x4000, $0x38;
	[tilespmem:$0x1D000] =	vst v63  }
0x3e: {  	s12 =	smov.u32 s21;
	s21 =	rddreg [dreg:$0x1d]  }
0x3f: {  	[tilespmem:s3], [sflag:$0x1] =	stream.linear.gather [hbm4b:s21+s3], $0x400, $0x38;
	[tilespmem:$0x1D000] =	vst v63  }
0x40: {  	s20 =	smov.u32 s22;
	s22 =	rddreg [dreg:$0x1e]  }
0x41: {  	[tilespmem:s25], [sflag:$0x1] =	stream.linear.gather [hbm4b:s22+s3], $0x400, $0x38;
	[tilespmem:$0x1D000] =	vst v63  }
0x42: {  	_ =	swait.ge [sflag:s26], $0x4000  }
0x43: {  	[sflag:s26] =	ssyncset.done $0x0  }
0x44: {  	[sflag:s26] =	ssyncadd.s32 $0xFFFFC000  }
0x45: {  	_ =	swait.ge [sflag:s26], $0x4000  }
0x46: {  	[sflag:s26] =	ssyncset.done $0x0  }
0x47: {  	[sflag:s26] =	ssyncadd.s32 $0xFFFFC000  }
0x48: {  	_ =	swait.ge [sflag:s26], $0x4000  }
0x49: {  	[sflag:s26] =	ssyncset.done $0x0  }
0x4a: {  	[sflag:s26] =	ssyncadd.s32 $0xFFFFC000  }
0x4b: {  	_ =	swait.ge [sflag:s26], $0x4000  }
0x4c: {  	[sflag:s26] =	ssyncset.done $0x0  }
0x4d: {  	[sflag:s26] =	ssyncadd.s32 $0xFFFFC000  }
0x4e: {  	_ =	swait.ge [sflag:s26], $0x4000  }
0x4f: {  	[sflag:s26] =	ssyncset.done $0x0  }
0x50: {  	[sflag:s26] =	ssyncadd.s32 $0xFFFFC000  }
0x51: {  	[bflag:$0x0] =	sbarrier.arrive $0xFFFF  }
0x52: {  	_ =	swait.ge [sflag:s28], $0x400  }
0x53: {  	[sflag:s28] =	ssyncset.done $0x0  }
0x54: {  	[sflag:s28] =	ssyncadd.s32 $0xFFFFFC00  }
0x55: {  	_ =	swait.ge [sflag:s28], $0x400  }
0x56: {  	s21 =	sld [smem:$0x7FC]  }
0x57: {  	[sflag:s28] =	ssyncset.done $0x0  }
0x58: {  	s22 =	sld [smem:$0x7FD];
	[sflag:s28] =	ssyncadd.s32 $0xFFFFFC00  }
0x59: {  	[tilespmem:s29], [sflag:$0x2] =	stream.linear.gather [hbm4b:s21+s3], $0x400, $0x38;
	[tilespmem:$0x1D000] =	vst v63  }
0x5a: {  	_ = 	snop  }
0x5b: {  	[tilespmem:s30], [sflag:$0x2] =	stream.linear.gather [hbm4b:s22+s3], $0x400, $0x38;
	[tilespmem:$0x1D000] =	vst v63  }
0x5c: {  	_ = 	snop  }
0x5d: {  	[tilespmem:s23], [sflag:$0x3] =	stream.indirect.gather [hbm4b:s1+s31], $0x80, s3, s31, $0xb8;
	[tilespmem:$0x1D000] =	vst v63  }
0x5e: {  	_ = 	snop  }
0x5f: {  	[tilespmem:s0], [sflag:$0x4] =	stream.indirect.gather [hbm4b:s1+s31], $0x80, s31, s31, $0xb8;
	[tilespmem:$0x1D000] =	vst v63  }
0x60: {  	_ =	swait.ge [sflag:s26], $0x4000  }
0x61: {  	[sflag:s26] =	ssyncset.done $0x0  }
0x62: {  	[sflag:s26] =	ssyncadd.s32 $0xFFFFC000  }
0x63: {  	[spmem:s2] =	stream.indirect.scatter.add.f32 [tilespmem:s23], [sflag:$0x5], $0x80, s25, s31, $0xb8;
	[tilespmem:$0x1D000] =	vst v63  }
0x64: {  	_ =	swait.ge [sflag:s24], $0x4000  }
0x65: {  	[sflag:s24] =	ssyncset.done $0x0  }
0x66: {  	s8 =	smov.u32 s10;
	s10 =	rddreg [dreg:$0x5];
	[sflag:s24] =	ssyncadd.s32 $0xFFFFC000  }
0x67: {  	[tilespmem:s23], [sflag:$0x3] =	stream.indirect.gather [hbm4b:s1+s31], $0x80, s10, s31, $0xb8;
	[tilespmem:$0x1D000] =	vst v63  }
0x68: {  	_ =	swait.ge [sflag:s4], $0x4000  }
0x69: {  	[sflag:s4] =	ssyncset.done $0x0  }
0x6a: {  	s19 =	rddreg [dreg:$0x6];
	[sflag:s4] =	ssyncadd.s32 $0xFFFFC000  }
0x6b: {  	[spmem:s2] =	stream.indirect.scatter.add.f32 [tilespmem:s0], [sflag:$0x5], $0x80, s19, s31, $0xb8;
	[tilespmem:$0x1D000] =	vst v63  }
0x6c: {  	_ =	swait.ge [sflag:s24], $0x4000  }
0x6d: {  	[sflag:s24] =	ssyncset.done $0x0  }
0x6e: {  	s10 =	rddreg [dreg:$0x7];
	[sflag:s24] =	ssyncadd.s32 $0xFFFFC000  }
0x6f: {  	[tilespmem:s0], [sflag:$0x4] =	stream.indirect.gather [hbm4b:s1+s31], $0x80, s10, s31, $0xb8;
	[tilespmem:$0x1D000] =	vst v63  }
0x70: {  	_ =	swait.ge [sflag:s26], $0x4000  }
0x71: {  	[sflag:s26] =	ssyncset.done $0x0  }
0x72: {  	s19 =	rddreg [dreg:$0x8];
	[sflag:s26] =	ssyncadd.s32 $0xFFFFC000  }
0x73: {  	[spmem:s2] =	stream.indirect.scatter.add.f32 [tilespmem:s23], [sflag:$0x5], $0x80, s19, s31, $0xb8;
	[tilespmem:$0x1D000] =	vst v63  }
0x74: {  	_ =	swait.ge [sflag:s24], $0x4000  }
0x75: {  	[sflag:s24] =	ssyncset.done $0x0  }
0x76: {  	s10 =	rddreg [dreg:$0x9];
	[sflag:s24] =	ssyncadd.s32 $0xFFFFC000  }
0x77: {  	[tilespmem:s23], [sflag:$0x3] =	stream.indirect.gather [hbm4b:s1+s31], $0x80, s10, s31, $0xb8;
	[tilespmem:$0x1D000] =	vst v63  }
0x78: {  	_ =	swait.ge [sflag:s4], $0x4000  }
0x79: {  	[sflag:s4] =	ssyncset.done $0x0  }
0x7a: {  	s19 =	rddreg [dreg:$0xa];
	[sflag:s4] =	ssyncadd.s32 $0xFFFFC000  }
0x7b: {  	[spmem:s2] =	stream.indirect.scatter.add.f32 [tilespmem:s0], [sflag:$0x5], $0x80, s19, s31, $0xb8;
	[tilespmem:$0x1D000] =	vst v63  }
0x7c: {  	_ =	swait.ge [sflag:s24], $0x4000  }
0x7d: {  	[sflag:s24] =	ssyncset.done $0x0  }
0x7e: {  	s10 =	rddreg [dreg:$0xb];
	[sflag:s24] =	ssyncadd.s32 $0xFFFFC000  }
0x7f: {  	[tilespmem:s0], [sflag:$0x4] =	stream.indirect.gather [hbm4b:s1+s31], $0x80, s10, s31, $0xb8;
	[tilespmem:$0x1D000] =	vst v63  }
0x80: {  	_ =	swait.ge [sflag:s26], $0x4000  }
0x81: {  	[sflag:s26] =	ssyncset.done $0x0  }
0x82: {  	s19 =	rddreg [dreg:$0xc];
	[sflag:s26] =	ssyncadd.s32 $0xFFFFC000  }
0x83: {  	[spmem:s2] =	stream.indirect.scatter.add.f32 [tilespmem:s23], [sflag:$0x5], $0x80, s19, s31, $0xb8;
	[tilespmem:$0x1D000] =	vst v63  }
0x84: {  	_ =	swait.ge [sflag:s24], $0x4000  }
0x85: {  	[sflag:s24] =	ssyncset.done $0x0  }
0x86: {  	s10 =	rddreg [dreg:$0xd];
	[sflag:s24] =	ssyncadd.s32 $0xFFFFC000  }
0x87: {  	[tilespmem:s23], [sflag:$0x3] =	stream.indirect.gather [hbm4b:s1+s31], $0x80, s10, s31, $0xb8;
	[tilespmem:$0x1D000] =	vst v63  }
0x88: {  	_ =	swait.ge [sflag:s4], $0x4000  }
0x89: {  	[sflag:s4] =	ssyncset.done $0x0  }
0x8a: {  	s19 =	rddreg [dreg:$0xe];
	[sflag:s4] =	ssyncadd.s32 $0xFFFFC000  }
0x8b: {  	[spmem:s2] =	stream.indirect.scatter.add.f32 [tilespmem:s0], [sflag:$0x5], $0x80, s19, s31, $0xb8;
	[tilespmem:$0x1D000] =	vst v63  }
0x8c: {  	_ =	swait.ge [sflag:s24], $0x4000  }
0x8d: {  	[sflag:s24] =	ssyncset.done $0x0  }
0x8e: {  	s10 =	rddreg [dreg:$0xf];
	[sflag:s24] =	ssyncadd.s32 $0xFFFFC000  }
0x8f: {  	[tilespmem:s0], [sflag:$0x4] =	stream.indirect.gather [hbm4b:s1+s31], $0x80, s10, s31, $0xb8;
	[tilespmem:$0x1D000] =	vst v63  }
0x90: {  	_ =	swait.ge [sflag:s26], $0x4000  }
0x91: {  	[sflag:s26] =	ssyncset.done $0x0  }
0x92: {  	s19 =	rddreg [dreg:$0x10];
	[sflag:s26] =	ssyncadd.s32 $0xFFFFC000  }
0x93: {  	[spmem:s2] =	stream.indirect.scatter.add.f32 [tilespmem:s23], [sflag:$0x5], $0x80, s19, s31, $0xb8;
	[tilespmem:$0x1D000] =	vst v63  }
0x94: {  	_ =	swait.ge [sflag:s24], $0x4000  }
0x95: {  	[sflag:s24] =	ssyncset.done $0x0  }
0x96: {  	[sflag:s24] =	ssyncadd.s32 $0xFFFFC000  }
0x97: {  	_ =	swait.ge [sflag:s4], $0x4000  }
0x98: {  	[sflag:s4] =	ssyncset.done $0x0  }
0x99: {  	s10 =	rddreg [dreg:$0x11];
	[sflag:s4] =	ssyncadd.s32 $0xFFFFC000  }
0x9a: {  	[spmem:s2] =	stream.indirect.scatter.add.f32 [tilespmem:s0], [sflag:$0x5], $0x80, s10, s31, $0xb8;
	[tilespmem:$0x1D000] =	vst v63  }
0x9b: {  	_ =	swait.ge [sflag:s24], $0x4000  }
0x9c: {  	[sflag:s24] =	ssyncset.done $0x0  }
0x9d: {  	[sflag:s24] =	ssyncadd.s32 $0xFFFFC000  }
0x9e: {  	_ =	swait.ge [sflag:s7], $0x400  }
0x9f: {  	[sflag:s7] =	ssyncset.done $0x0  }
0xa0: {  	[sflag:s7] =	ssyncadd.s32 $0xFFFFFC00  }
0xa1: {  	_ =	swait.ge [sflag:s7], $0x400  }
0xa2: {  	s10 =	smin.u32 s3, $0x7;
	s19 =	rddreg [dreg:$0x4]  }
0xa3: {  	s9 =	sadd.s32 s10, s19  }
0xa4: {  	[sflag:s7] =	ssyncset.done $0x0;
	s9 =	sshll.u32 s9, $0x7  }
0xa5: {  	[sflag:s7] =	ssyncadd.s32 $0xFFFFFC00;
	s10 =	sadd.s32 s5, s9  }
0xa6: {  	[tilespmem:s3], [sflag:$0x1] =	stream.linear.gather [hbm4b:s10+s3], $0x400, $0x38;
	[tilespmem:$0x1D000] =	vst v63  }
0xa7: {  	s9 =	sadd.s32 s6, s9  }
0xa8: {  	[tilespmem:s25], [sflag:$0x1] =	stream.linear.gather [hbm4b:s9+s3], $0x400, $0x38;
	[tilespmem:$0x1D000] =	vst v63  }
0xa9: {  	_ = 	snop  }
0xaa: {  	[tilespmem:s23], [sflag:$0x3] =	stream.indirect.gather [hbm4b:s1+s31], $0x80, s29, s31, $0xb8;
	[tilespmem:$0x1D000] =	vst v63  }
0xab: {  	s19 =	rddreg [dreg:$0x12]  }
0xac: {  	[tilespmem:s0], [sflag:$0x4] =	stream.indirect.gather [hbm4b:s1+s31], $0x80, s19, s31, $0xb8;
	[tilespmem:$0x1D000] =	vst v63  }
0xad: {  	_ =	swait.ge [sflag:s26], $0x4000  }
0xae: {  	[sflag:s26] =	ssyncset.done $0x0  }
0xaf: {  	[sflag:s26] =	ssyncadd.s32 $0xFFFFC000  }
0xb0: {  	[spmem:s2] =	stream.indirect.scatter.add.f32 [tilespmem:s23], [sflag:$0x5], $0x80, s30, s31, $0xb8;
	[tilespmem:$0x1D000] =	vst v63  }
0xb1: {  	_ =	swait.ge [sflag:s24], $0x4000  }
0xb2: {  	[sflag:s24] =	ssyncset.done $0x0  }
0xb3: {  	s10 =	rddreg [dreg:$0x13];
	[sflag:s24] =	ssyncadd.s32 $0xFFFFC000  }
0xb4: {  	[tilespmem:s23], [sflag:$0x3] =	stream.indirect.gather [hbm4b:s1+s31], $0x80, s10, s31, $0xb8;
	[tilespmem:$0x1D000] =	vst v63  }
0xb5: {  	_ =	swait.ge [sflag:s4], $0x4000  }
0xb6: {  	[sflag:s4] =	ssyncset.done $0x0  }
0xb7: {  	s19 =	rddreg [dreg:$0x14];
	[sflag:s4] =	ssyncadd.s32 $0xFFFFC000  }
0xb8: {  	[spmem:s2] =	stream.indirect.scatter.add.f32 [tilespmem:s0], [sflag:$0x5], $0x80, s19, s31, $0xb8;
	[tilespmem:$0x1D000] =	vst v63  }
0xb9: {  	_ =	swait.ge [sflag:s24], $0x4000  }
0xba: {  	[sflag:s24] =	ssyncset.done $0x0  }
0xbb: {  	s10 =	rddreg [dreg:$0x15];
	[sflag:s24] =	ssyncadd.s32 $0xFFFFC000  }
0xbc: {  	[tilespmem:s0], [sflag:$0x4] =	stream.indirect.gather [hbm4b:s1+s31], $0x80, s10, s31, $0xb8;
	[tilespmem:$0x1D000] =	vst v63  }
0xbd: {  	_ =	swait.ge [sflag:s26], $0x4000  }
0xbe: {  	[sflag:s26] =	ssyncset.done $0x0  }
0xbf: {  	s19 =	rddreg [dreg:$0x16];
	[sflag:s26] =	ssyncadd.s32 $0xFFFFC000  }
0xc0: {  	[spmem:s2] =	stream.indirect.scatter.add.f32 [tilespmem:s23], [sflag:$0x5], $0x80, s19, s31, $0xb8;
	[tilespmem:$0x1D000] =	vst v63  }
0xc1: {  	_ =	swait.ge [sflag:s24], $0x4000  }
0xc2: {  	[sflag:s24] =	ssyncset.done $0x0  }
0xc3: {  	s10 =	rddreg [dreg:$0x17];
	[sflag:s24] =	ssyncadd.s32 $0xFFFFC000  }
0xc4: {  	[tilespmem:s23], [sflag:$0x3] =	stream.indirect.gather [hbm4b:s1+s31], $0x80, s10, s31, $0xb8;
	[tilespmem:$0x1D000] =	vst v63  }
0xc5: {  	_ =	swait.ge [sflag:s4], $0x4000  }
0xc6: {  	[sflag:s4] =	ssyncset.done $0x0  }
0xc7: {  	s19 =	rddreg [dreg:$0x18];
	[sflag:s4] =	ssyncadd.s32 $0xFFFFC000  }
0xc8: {  	[spmem:s2] =	stream.indirect.scatter.add.f32 [tilespmem:s0], [sflag:$0x5], $0x80, s19, s31, $0xb8;
	[tilespmem:$0x1D000] =	vst v63  }
0xc9: {  	_ =	swait.ge [sflag:s24], $0x4000  }
0xca: {  	[sflag:s24] =	ssyncset.done $0x0  }
0xcb: {  	s10 =	rddreg [dreg:$0x19];
	[sflag:s24] =	ssyncadd.s32 $0xFFFFC000  }
0xcc: {  	[tilespmem:s0], [sflag:$0x4] =	stream.indirect.gather [hbm4b:s1+s31], $0x80, s10, s31, $0xb8;
	[tilespmem:$0x1D000] =	vst v63  }
0xcd: {  	_ =	swait.ge [sflag:s26], $0x4000  }
0xce: {  	[sflag:s26] =	ssyncset.done $0x0  }
0xcf: {  	s19 =	rddreg [dreg:$0x1a];
	[sflag:s26] =	ssyncadd.s32 $0xFFFFC000  }
0xd0: {  	[spmem:s2] =	stream.indirect.scatter.add.f32 [tilespmem:s23], [sflag:$0x5], $0x80, s19, s31, $0xb8;
	[tilespmem:$0x1D000] =	vst v63  }
0xd1: {  	_ =	swait.ge [sflag:s24], $0x4000  }
0xd2: {  	[sflag:s24] =	ssyncset.done $0x0  }
0xd3: {  	[sflag:s24] =	ssyncadd.s32 $0xFFFFC000  }
0xd4: {  	[tilespmem:s23], [sflag:$0x3] =	stream.indirect.gather [hbm4b:s1+s31], $0x80, s13, s31, $0xb8;
	[tilespmem:$0x1D000] =	vst v63  }
0xd5: {  	_ =	swait.ge [sflag:s4], $0x4000  }
0xd6: {  	[sflag:s4] =	ssyncset.done $0x0  }
0xd7: {  	[sflag:s4] =	ssyncadd.s32 $0xFFFFC000  }
0xd8: {  	[spmem:s2] =	stream.indirect.scatter.add.f32 [tilespmem:s0], [sflag:$0x5], $0x80, s14, s31, $0xb8;
	[tilespmem:$0x1D000] =	vst v63  }
0xd9: {  	_ =	swait.ge [sflag:s24], $0x4000  }
0xda: {  	[sflag:s24] =	ssyncset.done $0x0  }
0xdb: {  	[sflag:s24] =	ssyncadd.s32 $0xFFFFC000  }
0xdc: {  	[tilespmem:s0], [sflag:$0x4] =	stream.indirect.gather [hbm4b:s1+s31], $0x80, s15, s31, $0xb8;
	[tilespmem:$0x1D000] =	vst v63  }
0xdd: {  	_ =	swait.ge [sflag:s26], $0x4000  }
0xde: {  	[sflag:s26] =	ssyncset.done $0x0  }
0xdf: {  	[sflag:s26] =	ssyncadd.s32 $0xFFFFC000  }
0xe0: {  	[spmem:s2] =	stream.indirect.scatter.add.f32 [tilespmem:s23], [sflag:$0x5], $0x80, s16, s31, $0xb8;
	[tilespmem:$0x1D000] =	vst v63  }
0xe1: {  	_ =	swait.ge [sflag:s24], $0x4000  }
0xe2: {  	[sflag:s24] =	ssyncset.done $0x0  }
0xe3: {  	[sflag:s24] =	ssyncadd.s32 $0xFFFFC000  }
0xe4: {  	_ =	swait.ge [sflag:s4], $0x4000  }
0xe5: {  	[sflag:s4] =	ssyncset.done $0x0  }
0xe6: {  	[sflag:s4] =	ssyncadd.s32 $0xFFFFC000  }
0xe7: {  	[spmem:s2] =	stream.indirect.scatter.add.f32 [tilespmem:s0], [sflag:$0x5], $0x80, s17, s31, $0xb8;
	[tilespmem:$0x1D000] =	vst v63  }
0xe8: {  	_ =	swait.ge [sflag:s24], $0x4000  }
0xe9: {  	s19 =	simm.s32 $0x2;
	[sflag:s24] =	ssyncset.done $0x0  }
.LBB2_2:
0xea: {  	[sflag:s24] =	ssyncadd.s32 $0xFFFFC000  }
0xeb: {  	_ =	swait.ge [sflag:s28], $0x400  }
0xec: {  	[sflag:s28] =	ssyncset.done $0x0  }
0xed: {  	[sflag:s28] =	ssyncadd.s32 $0xFFFFFC00  }
0xee: {  	_ =	swait.ge [sflag:s28], $0x400  }
0xef: {  	[sflag:s28] =	ssyncset.done $0x0  }
0xf0: {  	s21 =	sadd.s32 $0x100, s21;
	[sflag:s28] =	ssyncadd.s32 $0xFFFFFC00  }
0xf1: {  	[tilespmem:s29], [sflag:$0x2] =	stream.linear.gather [hbm4b:s21+s3], $0x400, $0x38;
	[tilespmem:$0x1D000] =	vst v63  }
0xf2: {  	s22 =	sadd.s32 $0x100, s22  }
0xf3: {  	[tilespmem:s30], [sflag:$0x2] =	stream.linear.gather [hbm4b:s22+s3], $0x400, $0x38;
	[tilespmem:$0x1D000] =	vst v63  }
0xf4: {  	_ = 	snop  }
0xf5: {  	[tilespmem:s23], [sflag:$0x3] =	stream.indirect.gather [hbm4b:s1+s31], $0x80, s3, s31, $0xb8;
	[tilespmem:$0x1D000] =	vst v63  }
0xf6: {  	_ = 	snop  }
0xf7: {  	[tilespmem:s0], [sflag:$0x4] =	stream.indirect.gather [hbm4b:s1+s31], $0x80, s31, s31, $0xb8;
	[tilespmem:$0x1D000] =	vst v63  }
0xf8: {  	_ =	swait.ge [sflag:s26], $0x4000  }
0xf9: {  	[sflag:s26] =	ssyncset.done $0x0  }
0xfa: {  	[sflag:s26] =	ssyncadd.s32 $0xFFFFC000  }
0xfb: {  	[spmem:s2] =	stream.indirect.scatter.add.f32 [tilespmem:s23], [sflag:$0x5], $0x80, s25, s31, $0xb8;
	[tilespmem:$0x1D000] =	vst v63  }
0xfc: {  	_ =	swait.ge [sflag:s24], $0x4000  }
0xfd: {  	[sflag:s24] =	ssyncset.done $0x0  }
0xfe: {  	s10 =	rddreg [dreg:$0x5];
	[sflag:s24] =	ssyncadd.s32 $0xFFFFC000  }
0xff: {  	[tilespmem:s23], [sflag:$0x3] =	stream.indirect.gather [hbm4b:s1+s31], $0x80, s10, s31, $0xb8;
	[tilespmem:$0x1D000] =	vst v63  }
0x100: {  	_ =	swait.ge [sflag:s4], $0x4000  }
0x101: {  	[sflag:s4] =	ssyncset.done $0x0  }
0x102: {  	s10 =	rddreg [dreg:$0x6];
	[sflag:s4] =	ssyncadd.s32 $0xFFFFC000  }
0x103: {  	[spmem:s2] =	stream.indirect.scatter.add.f32 [tilespmem:s0], [sflag:$0x5], $0x80, s10, s31, $0xb8;
	[tilespmem:$0x1D000] =	vst v63  }
0x104: {  	_ =	swait.ge [sflag:s24], $0x4000  }
0x105: {  	[sflag:s24] =	ssyncset.done $0x0  }
0x106: {  	s10 =	rddreg [dreg:$0x7];
	[sflag:s24] =	ssyncadd.s32 $0xFFFFC000  }
0x107: {  	[tilespmem:s0], [sflag:$0x4] =	stream.indirect.gather [hbm4b:s1+s31], $0x80, s10, s31, $0xb8;
	[tilespmem:$0x1D000] =	vst v63  }
0x108: {  	_ =	swait.ge [sflag:s26], $0x4000  }
0x109: {  	[sflag:s26] =	ssyncset.done $0x0  }
0x10a: {  	s10 =	rddreg [dreg:$0x8];
	[sflag:s26] =	ssyncadd.s32 $0xFFFFC000  }
0x10b: {  	[spmem:s2] =	stream.indirect.scatter.add.f32 [tilespmem:s23], [sflag:$0x5], $0x80, s10, s31, $0xb8;
	[tilespmem:$0x1D000] =	vst v63  }
0x10c: {  	_ =	swait.ge [sflag:s24], $0x4000  }
0x10d: {  	[sflag:s24] =	ssyncset.done $0x0  }
0x10e: {  	s10 =	rddreg [dreg:$0x9];
	[sflag:s24] =	ssyncadd.s32 $0xFFFFC000  }
0x10f: {  	[tilespmem:s23], [sflag:$0x3] =	stream.indirect.gather [hbm4b:s1+s31], $0x80, s10, s31, $0xb8;
	[tilespmem:$0x1D000] =	vst v63  }
0x110: {  	_ =	swait.ge [sflag:s4], $0x4000  }
0x111: {  	[sflag:s4] =	ssyncset.done $0x0  }
0x112: {  	s10 =	rddreg [dreg:$0xa];
	[sflag:s4] =	ssyncadd.s32 $0xFFFFC000  }
0x113: {  	[spmem:s2] =	stream.indirect.scatter.add.f32 [tilespmem:s0], [sflag:$0x5], $0x80, s10, s31, $0xb8;
	[tilespmem:$0x1D000] =	vst v63  }
0x114: {  	_ =	swait.ge [sflag:s24], $0x4000  }
0x115: {  	[sflag:s24] =	ssyncset.done $0x0  }
0x116: {  	s10 =	rddreg [dreg:$0xb];
	[sflag:s24] =	ssyncadd.s32 $0xFFFFC000  }
0x117: {  	[tilespmem:s0], [sflag:$0x4] =	stream.indirect.gather [hbm4b:s1+s31], $0x80, s10, s31, $0xb8;
	[tilespmem:$0x1D000] =	vst v63  }
0x118: {  	_ =	swait.ge [sflag:s26], $0x4000  }
0x119: {  	[sflag:s26] =	ssyncset.done $0x0  }
0x11a: {  	s10 =	rddreg [dreg:$0xc];
	[sflag:s26] =	ssyncadd.s32 $0xFFFFC000  }
0x11b: {  	[spmem:s2] =	stream.indirect.scatter.add.f32 [tilespmem:s23], [sflag:$0x5], $0x80, s10, s31, $0xb8;
	[tilespmem:$0x1D000] =	vst v63  }
0x11c: {  	_ =	swait.ge [sflag:s24], $0x4000  }
0x11d: {  	[sflag:s24] =	ssyncset.done $0x0  }
0x11e: {  	s10 =	rddreg [dreg:$0xd];
	[sflag:s24] =	ssyncadd.s32 $0xFFFFC000  }
0x11f: {  	[tilespmem:s23], [sflag:$0x3] =	stream.indirect.gather [hbm4b:s1+s31], $0x80, s10, s31, $0xb8;
	[tilespmem:$0x1D000] =	vst v63  }
0x120: {  	_ =	swait.ge [sflag:s4], $0x4000  }
0x121: {  	[sflag:s4] =	ssyncset.done $0x0  }
0x122: {  	s10 =	rddreg [dreg:$0xe];
	[sflag:s4] =	ssyncadd.s32 $0xFFFFC000  }
0x123: {  	[spmem:s2] =	stream.indirect.scatter.add.f32 [tilespmem:s0], [sflag:$0x5], $0x80, s10, s31, $0xb8;
	[tilespmem:$0x1D000] =	vst v63  }
0x124: {  	_ =	swait.ge [sflag:s24], $0x4000  }
0x125: {  	[sflag:s24] =	ssyncset.done $0x0  }
0x126: {  	s10 =	rddreg [dreg:$0xf];
	[sflag:s24] =	ssyncadd.s32 $0xFFFFC000  }
0x127: {  	[tilespmem:s0], [sflag:$0x4] =	stream.indirect.gather [hbm4b:s1+s31], $0x80, s10, s31, $0xb8;
	[tilespmem:$0x1D000] =	vst v63  }
0x128: {  	_ =	swait.ge [sflag:s26], $0x4000  }
0x129: {  	[sflag:s26] =	ssyncset.done $0x0  }
0x12a: {  	s10 =	rddreg [dreg:$0x10];
	[sflag:s26] =	ssyncadd.s32 $0xFFFFC000  }
0x12b: {  	[spmem:s2] =	stream.indirect.scatter.add.f32 [tilespmem:s23], [sflag:$0x5], $0x80, s10, s31, $0xb8;
	[tilespmem:$0x1D000] =	vst v63  }
0x12c: {  	_ =	swait.ge [sflag:s24], $0x4000  }
0x12d: {  	[sflag:s24] =	ssyncset.done $0x0  }
0x12e: {  	[sflag:s24] =	ssyncadd.s32 $0xFFFFC000  }
0x12f: {  	_ =	swait.ge [sflag:s4], $0x4000  }
0x130: {  	[sflag:s4] =	ssyncset.done $0x0  }
0x131: {  	s10 =	rddreg [dreg:$0x11];
	[sflag:s4] =	ssyncadd.s32 $0xFFFFC000  }
0x132: {  	[spmem:s2] =	stream.indirect.scatter.add.f32 [tilespmem:s0], [sflag:$0x5], $0x80, s10, s31, $0xb8;
	[tilespmem:$0x1D000] =	vst v63  }
0x133: {  	_ =	swait.ge [sflag:s24], $0x4000  }
0x134: {  	[sflag:s24] =	ssyncset.done $0x0  }
0x135: {  	[sflag:s24] =	ssyncadd.s32 $0xFFFFC000  }
0x136: {  	_ =	swait.ge [sflag:s7], $0x400  }
0x137: {  	[sflag:s7] =	ssyncset.done $0x0  }
0x138: {  	[sflag:s7] =	ssyncadd.s32 $0xFFFFFC00  }
0x139: {  	s9 =	smov.u32 s19;
	_ =	swait.ge [sflag:s7], $0x400  }
0x13a: {  	s9 =	smin.u32 s9, $0x7;
	s10 =	rddreg [dreg:$0x4]  }
0x13b: {  	s9 =	sadd.s32 s9, s10  }
0x13c: {  	[sflag:s7] =	ssyncset.done $0x0;
	s9 =	sshll.u32 s9, $0x7  }
0x13d: {  	[sflag:s7] =	ssyncadd.s32 $0xFFFFFC00;
	s10 =	sadd.s32 s5, s9  }
0x13e: {  	[tilespmem:s3], [sflag:$0x1] =	stream.linear.gather [hbm4b:s10+s3], $0x400, $0x38;
	[tilespmem:$0x1D000] =	vst v63  }
0x13f: {  	s9 =	sadd.s32 s6, s9  }
0x140: {  	[tilespmem:s25], [sflag:$0x1] =	stream.linear.gather [hbm4b:s9+s3], $0x400, $0x38;
	[tilespmem:$0x1D000] =	vst v63  }
0x141: {  	_ = 	snop  }
0x142: {  	[tilespmem:s23], [sflag:$0x3] =	stream.indirect.gather [hbm4b:s1+s31], $0x80, s29, s31, $0xb8;
	[tilespmem:$0x1D000] =	vst v63  }
0x143: {  	s10 =	rddreg [dreg:$0x12]  }
0x144: {  	[tilespmem:s0], [sflag:$0x4] =	stream.indirect.gather [hbm4b:s1+s31], $0x80, s10, s31, $0xb8;
	[tilespmem:$0x1D000] =	vst v63  }
0x145: {  	_ =	swait.ge [sflag:s26], $0x4000  }
0x146: {  	[sflag:s26] =	ssyncset.done $0x0  }
0x147: {  	[sflag:s26] =	ssyncadd.s32 $0xFFFFC000  }
0x148: {  	[spmem:s2] =	stream.indirect.scatter.add.f32 [tilespmem:s23], [sflag:$0x5], $0x80, s30, s31, $0xb8;
	[tilespmem:$0x1D000] =	vst v63  }
0x149: {  	_ =	swait.ge [sflag:s24], $0x4000  }
0x14a: {  	[sflag:s24] =	ssyncset.done $0x0  }
0x14b: {  	s10 =	rddreg [dreg:$0x13];
	[sflag:s24] =	ssyncadd.s32 $0xFFFFC000  }
0x14c: {  	[tilespmem:s23], [sflag:$0x3] =	stream.indirect.gather [hbm4b:s1+s31], $0x80, s10, s31, $0xb8;
	[tilespmem:$0x1D000] =	vst v63  }
0x14d: {  	_ =	swait.ge [sflag:s4], $0x4000  }
0x14e: {  	[sflag:s4] =	ssyncset.done $0x0  }
0x14f: {  	s10 =	rddreg [dreg:$0x14];
	[sflag:s4] =	ssyncadd.s32 $0xFFFFC000  }
0x150: {  	[spmem:s2] =	stream.indirect.scatter.add.f32 [tilespmem:s0], [sflag:$0x5], $0x80, s10, s31, $0xb8;
	[tilespmem:$0x1D000] =	vst v63  }
0x151: {  	_ =	swait.ge [sflag:s24], $0x4000  }
0x152: {  	[sflag:s24] =	ssyncset.done $0x0  }
0x153: {  	s10 =	rddreg [dreg:$0x15];
	[sflag:s24] =	ssyncadd.s32 $0xFFFFC000  }
0x154: {  	[tilespmem:s0], [sflag:$0x4] =	stream.indirect.gather [hbm4b:s1+s31], $0x80, s10, s31, $0xb8;
	[tilespmem:$0x1D000] =	vst v63  }
0x155: {  	_ =	swait.ge [sflag:s26], $0x4000  }
0x156: {  	[sflag:s26] =	ssyncset.done $0x0  }
0x157: {  	s10 =	rddreg [dreg:$0x16];
	[sflag:s26] =	ssyncadd.s32 $0xFFFFC000  }
0x158: {  	[spmem:s2] =	stream.indirect.scatter.add.f32 [tilespmem:s23], [sflag:$0x5], $0x80, s10, s31, $0xb8;
	[tilespmem:$0x1D000] =	vst v63  }
0x159: {  	_ =	swait.ge [sflag:s24], $0x4000  }
0x15a: {  	[sflag:s24] =	ssyncset.done $0x0  }
0x15b: {  	s10 =	rddreg [dreg:$0x17];
	[sflag:s24] =	ssyncadd.s32 $0xFFFFC000  }
0x15c: {  	[tilespmem:s23], [sflag:$0x3] =	stream.indirect.gather [hbm4b:s1+s31], $0x80, s10, s31, $0xb8;
	[tilespmem:$0x1D000] =	vst v63  }
0x15d: {  	_ =	swait.ge [sflag:s4], $0x4000  }
0x15e: {  	[sflag:s4] =	ssyncset.done $0x0  }
0x15f: {  	s10 =	rddreg [dreg:$0x18];
	[sflag:s4] =	ssyncadd.s32 $0xFFFFC000  }
0x160: {  	[spmem:s2] =	stream.indirect.scatter.add.f32 [tilespmem:s0], [sflag:$0x5], $0x80, s10, s31, $0xb8;
	[tilespmem:$0x1D000] =	vst v63  }
0x161: {  	_ =	swait.ge [sflag:s24], $0x4000  }
0x162: {  	[sflag:s24] =	ssyncset.done $0x0  }
0x163: {  	s10 =	rddreg [dreg:$0x19];
	[sflag:s24] =	ssyncadd.s32 $0xFFFFC000  }
0x164: {  	[tilespmem:s0], [sflag:$0x4] =	stream.indirect.gather [hbm4b:s1+s31], $0x80, s10, s31, $0xb8;
	[tilespmem:$0x1D000] =	vst v63  }
0x165: {  	_ =	swait.ge [sflag:s26], $0x4000  }
0x166: {  	[sflag:s26] =	ssyncset.done $0x0  }
0x167: {  	s10 =	rddreg [dreg:$0x1a];
	[sflag:s26] =	ssyncadd.s32 $0xFFFFC000  }
0x168: {  	[spmem:s2] =	stream.indirect.scatter.add.f32 [tilespmem:s23], [sflag:$0x5], $0x80, s10, s31, $0xb8;
	[tilespmem:$0x1D000] =	vst v63  }
0x169: {  	_ =	swait.ge [sflag:s24], $0x4000  }
0x16a: {  	[sflag:s24] =	ssyncset.done $0x0  }
0x16b: {  	[sflag:s24] =	ssyncadd.s32 $0xFFFFC000  }
0x16c: {  	[tilespmem:s23], [sflag:$0x3] =	stream.indirect.gather [hbm4b:s1+s31], $0x80, s13, s31, $0xb8;
	[tilespmem:$0x1D000] =	vst v63  }
0x16d: {  	_ =	swait.ge [sflag:s4], $0x4000  }
0x16e: {  	[sflag:s4] =	ssyncset.done $0x0  }
0x16f: {  	[sflag:s4] =	ssyncadd.s32 $0xFFFFC000  }
0x170: {  	[spmem:s2] =	stream.indirect.scatter.add.f32 [tilespmem:s0], [sflag:$0x5], $0x80, s14, s31, $0xb8;
	[tilespmem:$0x1D000] =	vst v63  }
0x171: {  	_ =	swait.ge [sflag:s24], $0x4000  }
0x172: {  	[sflag:s24] =	ssyncset.done $0x0  }
0x173: {  	[sflag:s24] =	ssyncadd.s32 $0xFFFFC000  }
0x174: {  	[tilespmem:s0], [sflag:$0x4] =	stream.indirect.gather [hbm4b:s1+s31], $0x80, s15, s31, $0xb8;
	[tilespmem:$0x1D000] =	vst v63  }
0x175: {  	_ =	swait.ge [sflag:s26], $0x4000  }
0x176: {  	[sflag:s26] =	ssyncset.done $0x0  }
0x177: {  	[sflag:s26] =	ssyncadd.s32 $0xFFFFC000  }
0x178: {  	[spmem:s2] =	stream.indirect.scatter.add.f32 [tilespmem:s23], [sflag:$0x5], $0x80, s16, s31, $0xb8;
	[tilespmem:$0x1D000] =	vst v63  }
0x179: {  	_ =	swait.ge [sflag:s24], $0x4000  }
0x17a: {  	[sflag:s24] =	ssyncset.done $0x0  }
0x17b: {  	[sflag:s24] =	ssyncadd.s32 $0xFFFFC000  }
0x17c: {  	p0 =	sne.s32 s19, $0x8;
	_ =	swait.ge [sflag:s4], $0x4000  }
.Ltmp0:
0x17d: {  	[sflag:s4] =	ssyncset.done $0x0;
	(pc) =	sbr.rel @p0 .LBB2_2-.Ltmp0, $4  }
0x17e: {  	[sflag:s4] =	ssyncadd.s32 $0xFFFFC000  }
0x17f: {  	[spmem:s2] =	stream.indirect.scatter.add.f32 [tilespmem:s0], [sflag:$0x5], $0x80, s17, s31, $0xb8;
	[tilespmem:$0x1D000] =	vst v63  }
0x180: {  	_ =	swait.ge [sflag:s24], $0x4000  }
0x181: {  	s19 =	sadd.s32 $0x2, s19;
	[sflag:s24] =	ssyncset.done $0x0  }
0x182: {  	[sflag:s24] =	ssyncadd.s32 $0xFFFFC000  }
0x183: {  	_ =	swait.ge [sflag:s28], $0x400  }
0x184: {  	[sflag:s28] =	ssyncset.done $0x0  }
0x185: {  	[sflag:s28] =	ssyncadd.s32 $0xFFFFFC00  }
0x186: {  	_ =	swait.ge [sflag:s28], $0x400  }
0x187: {  	[sflag:s28] =	ssyncset.done $0x0  }
0x188: {  	[sflag:s28] =	ssyncadd.s32 $0xFFFFFC00  }
0x189: {  	[bflag:$0x0] =	sbarrier.arrive $0xFFFF  }
0x18a: {  	[tilespmem:s23], [sflag:$0x5] =	stream.linear.gather [spmem:s11], $0x4000, $0x38;
	[tilespmem:$0x1D000] =	vst v63  }
0x18b: {  	_ =	swait.ge [sflag:s24], $0x4000  }
0x18c: {  	[sflag:s24] =	ssyncset.done $0x0  }
0x18d: {  	s9 =	rddreg [dreg:$0x1f];
	[sflag:s24] =	ssyncadd.s32 $0xFFFFC000  }
0x18e: {  	[hbm4b:s9+s3] =	stream.linear.scatter [tilespmem:s23], [sflag:$0x4], $0x4000, $0x38;
	[tilespmem:$0x1D000] =	vst v63  }
0x18f: {  	_ = 	snop  }
0x190: {  	[tilespmem:s0], [sflag:$0x5] =	stream.linear.gather [spmem:s12], $0x4000, $0x38;
	[tilespmem:$0x1D000] =	vst v63  }
0x191: {  	_ =	swait.ge [sflag:s24], $0x4000  }
0x192: {  	s21 =	smov.u32 s12;
	s12 =	sld [smem:$0x7F7]  }
0x193: {  	[sflag:s24] =	ssyncset.done $0x0  }
0x194: {  	[sflag:s24] =	ssyncadd.s32 $0xFFFFC000  }
0x195: {  	[hbm4b:s12+s3] =	stream.linear.scatter [tilespmem:s0], [sflag:$0x4], $0x4000, $0x38;
	[tilespmem:$0x1D000] =	vst v63  }
0x196: {  	_ =	swait.ge [sflag:s4], $0x4000  }
0x197: {  	[sflag:s4] =	ssyncset.done $0x0  }
0x198: {  	[sflag:s4] =	ssyncadd.s32 $0xFFFFC000  }
0x199: {  	[tilespmem:s23], [sflag:$0x5] =	stream.linear.gather [spmem:s20], $0x4000, $0x38;
	[tilespmem:$0x1D000] =	vst v63  }
0x19a: {  	_ =	swait.ge [sflag:s24], $0x4000  }
0x19b: {  	s22 =	smov.u32 s20;
	s20 =	sld [smem:$0x7F8]  }
0x19c: {  	[sflag:s24] =	ssyncset.done $0x0  }
0x19d: {  	[sflag:s24] =	ssyncadd.s32 $0xFFFFC000  }
0x19e: {  	[hbm4b:s20+s3] =	stream.linear.scatter [tilespmem:s23], [sflag:$0x4], $0x4000, $0x38;
	[tilespmem:$0x1D000] =	vst v63  }
0x19f: {  	_ =	swait.ge [sflag:s4], $0x4000  }
0x1a0: {  	[sflag:s4] =	ssyncset.done $0x0  }
0x1a1: {  	[sflag:s4] =	ssyncadd.s32 $0xFFFFC000  }
0x1a2: {  	[tilespmem:s0], [sflag:$0x5] =	stream.linear.gather [spmem:s8], $0x4000, $0x38;
	[tilespmem:$0x1D000] =	vst v63  }
0x1a3: {  	_ =	swait.ge [sflag:s24], $0x4000  }
0x1a4: {  	s9 =	sld [smem:$0x7F9]  }
0x1a5: {  	[sflag:s24] =	ssyncset.done $0x0  }
0x1a6: {  	[sflag:s24] =	ssyncadd.s32 $0xFFFFC000  }
0x1a7: {  	[hbm4b:s9+s3] =	stream.linear.scatter [tilespmem:s0], [sflag:$0x4], $0x4000, $0x38;
	[tilespmem:$0x1D000] =	vst v63  }
0x1a8: {  	_ =	swait.ge [sflag:s4], $0x4000  }
0x1a9: {  	[sflag:s4] =	ssyncset.done $0x0  }
0x1aa: {  	s12 =	rddreg [dreg:$0x1c];
	[sflag:s4] =	ssyncadd.s32 $0xFFFFC000  }
0x1ab: {  	[tilespmem:s23], [sflag:$0x5] =	stream.linear.gather [spmem:s12], $0x4000, $0x38;
	[tilespmem:$0x1D000] =	vst v63  }
0x1ac: {  	_ =	swait.ge [sflag:s24], $0x4000  }
0x1ad: {  	s19 =	smov.u32 s11;
	s11 =	sld [smem:$0x7FA]  }
0x1ae: {  	[sflag:s24] =	ssyncset.done $0x0  }
0x1af: {  	[sflag:s24] =	ssyncadd.s32 $0xFFFFC000  }
0x1b0: {  	[hbm4b:s11+s3] =	stream.linear.scatter [tilespmem:s23], [sflag:$0x4], $0x4000, $0x38;
	[tilespmem:$0x1D000] =	vst v63  }
0x1b1: {  	_ =	swait.ge [sflag:s4], $0x4000  }
0x1b2: {  	[sflag:s4] =	ssyncset.done $0x0  }
0x1b3: {  	[sflag:s4] =	ssyncadd.s32 $0xFFFFC000  }
0x1b4: {  	_ =	swait.ge [sflag:s4], $0x4000  }
0x1b5: {  	s20 =	sld [smem:$0x7FB];
	_ =	sdelay $0x1  }
0x1b6: {  	s18 =	sadd.s32 $0x1, s18  }
0x1b7: {  	p0 =	sne.s32 s18, s20  }
.Ltmp1:
0x1b8: {  	_ = 	snop;
	(pc) =	sbr.rel @p0 .LBB2_1-.Ltmp1, $3  }
0x1b9: {  	_ =	sdelay $0x1  }
0x1ba: {  	[sflag:s4] =	ssyncset.done $0x0  }
0x1bb: {  	s10 =	smov.u32 s8;
	[sflag:s4] =	ssyncadd.s32 $0xFFFFC000  }
0x1bc: {  	_ =	sfence.sel $0x180000  }
0x1bd: {  	[bflag:$0x0] =	sbarrier.arrive $0xFFFF  }
0x1be: {  	_ =	strace $0x9000004D  }
0x1bf: {  	s0 =	stileid.u32;
	[bflag:$0x2] =	sbarrier.arrive $0xFFFF  }
0x1c0: {  	p0 =	sne.s32 s0, $0x0;
	s0 =	rddreg [dreg:$0x3]  }
0x1c1: {  	s0 =	sadd.s32 @!p0 $0x100000, s0  }
0x1c2: {  	[sflag:s0] =	ssyncadd.tile.s32 @!p0 $0x1;
	_ =	shalt  }
.Lfunc_end2:
_tile_overlayer_lowered:
.L_overlay_start_2:
0x1c3: {  	(tag) =	ssettag $0x2  }
0x1c4: {  	s0 =	rddreg [dreg:$0x0];
	s2 =	stileid.u32  }
0x1c5: {  	s1 =	rddreg [dreg:$0x1];
	p0 =	sne.s32 s2, $0x0  }
0x1c6: {  	s3 =	rddreg [dreg:$0x2];
	[bflag:$0x3] =	sbarrier.arrive $0xFFFF;
	s2 =	simm.s32 @!p0 $0x1C05  }
0x1c7: {  	[timem:s3], [sflag:s2] =	dma.local @!p0 [hbm:s0], s1  }
0x1c8: {  	s0 =	simm.s32 @!p0 $0x5  }
0x1c9: {  	_ =	swait.ge @!p0 [sflag:s0], s1  }
0x1ca: {  	s1 =	ssub.s32 @!p0 $0x0, s1;
	[sflag:s0] =	ssyncset.done @!p0 $0x0  }
0x1cb: {  	[sflag:s0] =	ssyncadd.s32 @!p0 s1  }
0x1cc: {  	[bflag:$0x3] =	sbarrier.arrive $0xFFFF  }
0x1cd: {  	_ =	shalt  }

// kernel: kernel.7.cloned.1.call-start
scs
__scs_entry_jumppad:
0x0: {  	(pc) =	sbr.rel $0x88, $3  }
0x1: {  	(tag) =	ssettag $0x0;
	lr =	simm.s32 $0x1  }
0x2: {  	[smem:$0x3F99] =	sst lr;
	_ =	strace $0xD0000000  }
0x3: {  	_ = 	snop  }
0x4: {  	_ = 	snop  }
0x5: {  	_ = 	snop  }
0x6: {  	_ = 	snop  }
0x7: {  	_ = 	snop  }
__scs_overlays_trampoline_lowered:
0x8: {  	[smem:$0x3FA8] =	sst s0  }
0x9: {  	[smem:$0x3FA9] =	sst s1  }
0xa: {  	[smem:$0x3FAA] =	sst s2  }
0xb: {  	[smem:$0x3FAB] =	sst s3  }
0xc: {  	[smem:$0x3FAC] =	sst s4  }
0xd: {  	[smem:$0x3FAD] =	sst s5  }
0xe: {  	[smem:$0x3FAE] =	sst s6  }
0xf: {  	[smem:$0x3FAF] =	sst s7  }
0x10: {  	[smem:$0x3FB0] =	sst s8  }
0x11: {  	[smem:$0x3FB1] =	sst s9;
	s0 =	simm.s32 @!p0 $0x0  }
0x12: {  	s1 =	sld [smem:$0x3F97];
	s0 =	simm.s32 @p0 $0x1  }
0x13: {  	[smem:$0x3FB2] =	sst s0;
	s0 =	simm.s32 @!p1 $0x0  }
0x14: {  	s2 =	sld [smem:$0x3F96];
	s0 =	simm.s32 @p1 $0x1  }
0x15: {  	[smem:$0x3FB3] =	sst s0;
	s0 =	simm.s32 @!p2 $0x0  }
0x16: {  	s3 =	sld [smem:$0x3FDB];
	s0 =	simm.s32 @p2 $0x1  }
0x17: {  	s4 =	simm.s32 $0x1BF5;
	[smem:$0x3FB5] =	sst s0  }
0x18: {  	s0 =	sld [smem:$0x3F98];
	_ =	swait.ge [sflag:s4], $0x0  }
0x19: {  	s7 =	sld [smem:$0x3F99]  }
0x1a: {  	s8 =	sadd.s32 $0xFFFFE003, lr  }
0x1b: {  	s9 =	sadd.s32 $0xFFFFFEF7, lr;
	s5 =	simm.s32 $0xFFFFFFFF;
	p2 =	slt.u32 s8, $0xFFFFF086  }
0x1c: {  	p1 =	slt.u32 s9, $0xF7A;
	s5 =	simm.s32 @!p2 $0x0  }
0x1d: {  	s5 =	simm.s32 @p1 $0x1;
	p0 =	seq.s32 s7, s2  }
0x1e: {  	s7 =	smul.u32 @!p0 $0xF7A, s2;
	p2 =	seq.s32 @!p0 s5, $0x0  }
0x1f: {  	s9 =	smul.u32 $0xF7A, s1;
	s8 =	simm.s32 @!p0 $0x1BF5;
	p2 =	por !p2, p0  }
0x20: {  	[sflag:s8] =	ssyncset.s32 @!p0 $0xFFFFF086;
	s6 =	sadd.s32 @!p0 s3, s7;
	s7 =	simm.s32 @!p0 $0x108  }
0x21: {  	s3 =	sadd.s32 s3, s9;
	s6 =	sadd.s32 @!p0 $0x88, s6;
	s7 =	simm.s32 @p2 $0x1082  }
0x22: {  	[simem:s7], [sflag:s8] =	dma.local @!p0 [hbm:s6], $0xF7A  }
0x23: {  	s9 =	sor.u32 $0xD0000000, s2;
	s6 =	simm.s32 $0x108;
	_ =	swait.ge @!p0 [sflag:s8], $0x0  }
0x24: {  	s3 =	sadd.s32 $0x88, s3;
	s6 =	simm.s32 @!p1 $0x1082;
	[sflag:s4] =	ssyncset.s32 $0xFFFFF086  }
0x25: {  	[simem:s6], [sflag:s4] =	dma.local [hbm:s3], $0xF7A  }
0x26: {  	[smem:$0x3F99] =	sst s1;
	(tag) =	ssettag s2;
	_ =	strace s9  }
0x27: {  	s1 =	sld [smem:$0x3FA9]  }
0x28: {  	s2 =	sld [smem:$0x3FAA]  }
0x29: {  	s4 =	sld [smem:$0x3FAC]  }
0x2a: {  	p0 =	seq.s32 s5, $0x0;
	s5 =	sld [smem:$0x3FAD]  }
0x2b: {  	s6 =	sld [smem:$0x3FAE]  }
0x2c: {  	s7 =	sld [smem:$0x3FAF]  }
0x2d: {  	s3 =	simm.s32 $0x108;
	s8 =	sld [smem:$0x3FB0]  }
0x2e: {  	s3 =	simm.s32 @!p0 $0x1082;
	s9 =	sld [smem:$0x3FB1]  }
0x2f: {  	lr =	sadd.s32 s0, s3;
	s0 =	sld [smem:$0x3FA8]  }
0x30: {  	s3 =	sld [smem:$0x3FAB]  }
0x31: {  	[smem:$0x3FB4] =	sst s10  }
0x32: {  	s10 =	sld [smem:$0x3FB2];
	_ =	sdelay $0x3  }
0x33: {  	p0 =	seq.s32 s10, $0x1;
	s10 =	sld [smem:$0x3FB4];
	_ =	sdelay $0x3  }
0x34: {  	[smem:$0x3FB4] =	sst s10  }
0x35: {  	s10 =	sld [smem:$0x3FB3];
	_ =	sdelay $0x3  }
0x36: {  	p1 =	seq.s32 s10, $0x1;
	s10 =	sld [smem:$0x3FB4];
	_ =	sdelay $0x3  }
0x37: {  	[smem:$0x3FB4] =	sst s10  }
0x38: {  	s10 =	sld [smem:$0x3FB5]  }
0x39: {  	_ = 	snop;
	(pc) =	sbr.ind lr, $3  }
0x3a: {  	_ = 	snop  }
0x3b: {  	_ = 	snop  }
0x3c: {  	p2 =	seq.s32 s10, $0x1;
	s10 =	sld [smem:$0x3FB4]  }
0x3d: {  	_ =	shalt  }
0x3e: {  	_ =	shalt  }
0x3f: {  	_ =	shalt  }
0x40: {  	_ =	shalt  }
0x41: {  	_ =	shalt  }
0x42: {  	_ =	shalt  }
0x43: {  	_ =	shalt  }
0x44: {  	_ =	shalt  }
0x45: {  	_ =	shalt  }
0x46: {  	_ =	shalt  }
0x47: {  	_ =	shalt  }
0x48: {  	_ =	shalt  }
0x49: {  	_ =	shalt  }
0x4a: {  	_ =	shalt  }
0x4b: {  	_ =	shalt  }
0x4c: {  	_ =	shalt  }
0x4d: {  	_ =	shalt  }
0x4e: {  	_ =	shalt  }
0x4f: {  	_ =	shalt  }
0x50: {  	_ =	shalt  }
0x51: {  	_ =	shalt  }
0x52: {  	_ =	shalt  }
0x53: {  	_ =	shalt  }
0x54: {  	_ =	shalt  }
0x55: {  	_ =	shalt  }
0x56: {  	_ =	shalt  }
0x57: {  	_ =	shalt  }
0x58: {  	_ =	shalt  }
0x59: {  	_ =	shalt  }
0x5a: {  	_ =	shalt  }
0x5b: {  	_ =	shalt  }
0x5c: {  	_ =	shalt  }
0x5d: {  	_ =	shalt  }
0x5e: {  	_ =	shalt  }
0x5f: {  	_ =	shalt  }
0x60: {  	_ =	shalt  }
0x61: {  	_ =	shalt  }
0x62: {  	_ =	shalt  }
0x63: {  	_ =	shalt  }
0x64: {  	_ =	shalt  }
0x65: {  	_ =	shalt  }
0x66: {  	_ =	shalt  }
0x67: {  	_ =	shalt  }
0x68: {  	_ =	shalt  }
0x69: {  	_ =	shalt  }
0x6a: {  	_ =	shalt  }
0x6b: {  	_ =	shalt  }
0x6c: {  	_ =	shalt  }
0x6d: {  	_ =	shalt  }
0x6e: {  	_ =	shalt  }
0x6f: {  	_ =	shalt  }
0x70: {  	_ =	shalt  }
0x71: {  	_ =	shalt  }
0x72: {  	_ =	shalt  }
0x73: {  	_ =	shalt  }
0x74: {  	_ =	shalt  }
0x75: {  	_ =	shalt  }
0x76: {  	_ =	shalt  }
0x77: {  	_ =	shalt  }
0x78: {  	_ =	shalt  }
0x79: {  	_ =	shalt  }
0x7a: {  	_ =	shalt  }
0x7b: {  	_ =	shalt  }
0x7c: {  	_ =	shalt  }
0x7d: {  	_ =	shalt  }
0x7e: {  	_ =	shalt  }
0x7f: {  	_ =	shalt  }
0x80: {  	_ =	shalt  }
0x81: {  	_ =	shalt  }
0x82: {  	_ =	shalt  }
0x83: {  	_ =	shalt  }
0x84: {  	_ =	shalt  }
0x85: {  	_ =	shalt  }
0x86: {  	_ =	shalt  }
0x87: {  	_ =	shalt  }
.Lfunc_end0:
.L_simem_size_0:
called_computation_lowered:
.L_overlay_start_0:
0x88: {  	s2 =	sld [smem:$0x3FD9]  }
0x89: {  	s3 =	sld [smem:$0x3FFE];
	_ =	sdelay $0x1  }
0x8a: {  	s1 =	srdreg.scid  }
0x8b: {  	s0 =	sand.u32 $0x1, s1  }
0x8c: {  	s17 =	sshll.u32 s0, $0xA;
	s2 =	sadd.s32 s3, s2  }
0x8d: {  	s2 =	sadd.s32 s2, s17  }
0x8e: {  	[smem:$0x3FC0] =	sst s2  }
0x8f: {  	_ = 	snop  }
0x90: {  	s18 =	sld [smem:$0x3FD0];
	(tm) =	ssettm $0x1  }
0x91: {  	s19 =	sld [smem:$0x3FFB];
	_ =	sdelay $0x3  }
0x92: {  	_ =	strace s19  }
0x93: {  	s2 =	sld [smem:$0x3FFC];
	_ =	sdelay $0x3  }
0x94: {  	_ =	strace s2  }
0x95: {  	s2 =	sld [smem:$0x3FFD];
	_ =	sdelay $0x3  }
0x96: {  	_ =	strace s2  }
0x97: {  	_ =	strace $0x8FFFFFFF  }
0x98: {  	s20 =	sld [smem:$0x3FDB];
	_ =	sdelay $0x1  }
0x99: {  	s4 =	simm.s32 $_scs_section_size  }
0x9a: {  	s5 =	simm.s32 $_size__tile_overlayer_lowered;
	s6 =	simm.s32 $_tile_overlayer_lowered  }
0x9b: {  	s7 =	simm.s32 $0x1BFF;
	s21 =	sshll.u32 s6, $0x1;
	s4 =	sadd.s32 s4, s20  }
0x9c: {  	s22 =	simm.s32 $0x0;
	s5 =	sshll.u32 s5, $0x1;
	s6 =	sadd.s32 s21, s4  }
0x9d: {  	[timem:s22], [sflag:s7] =	dma.local [hbm:s6], s5  }
0x9e: {  	_ =	swait.ge [sflag:s7], s5  }
0x9f: {  	s5 =	ssub.s32 $0x0, s5;
	[sflag:s7] =	ssyncset.done $0x0  }
0xa0: {  	[sflag:s7] =	ssyncadd.s32 s5;
	_ =	sdelay $0x1  }
0xa1: {  	s23 =	simm.s32 $0x1B8B  }
0xa2: {  	_ =	swait.ge [sflag:s23], $0x1  }
0xa3: {  	[sflag:s23] =	ssyncset.done $0x0  }
0xa4: {  	[sflag:s23] =	ssyncadd.s32 $0xFFFFFFFF  }
0xa5: {  	s5 =	sld [smem:$0x0]  }
0xa6: {  	s6 =	sand.u32 $0xFFFFFFFE, s1  }
0xa7: {  	p0 =	sne.s32 s1, s6  }
0xa8: {  	s6 =	sshll.u32 @p0 s6, $0xE  }
0xa9: {  	s6 =	sadd.s32 @p0 $0x11B8D, s6;
	s7 =	sshll.u32 @p0 s5, $0x11  }
0xaa: {  	s6 =	sor.u32 @p0 s7, s6  }
0xab: {  	[sflag:s6] =	ssyncadd.remote.s32 @p0 $0x1;
	_ =	sdelay $0x1  }
0xac: {  	s6 =	simm.s32 @p0 $0x1B8D  }
0xad: {  	_ =	swait.eq @p0 [sflag:s6], $0x1  }
0xae: {  	[sflag:s6] =	ssyncadd.s32 @p0 $0xFFFFFFFF  }
0xaf: {  	s7 =	sshll.u32 @!p0 s1, $0xE  }
0xb0: {  	s7 =	sor.u32 @!p0 $0x4000, s7;
	s6 =	simm.s32 @!p0 $0x1B8D  }
0xb1: {  	s5 =	sshll.u32 @!p0 s5, $0x11;
	s7 =	sadd.s32 @!p0 $0x11B8D, s7;
	_ =	swait.eq @!p0 [sflag:s6], $0x1  }
0xb2: {  	s5 =	sor.u32 @!p0 s5, s7;
	[sflag:s6] =	ssyncadd.s32 @!p0 $0xFFFFFFFF  }
0xb3: {  	s25 =	simm.s32 $0x1B8E;
	s24 =	sld [smem:$0x3FFE];
	[sflag:s5] =	ssyncadd.remote.s32 @!p0 $0x1  }
0xb4: {  	s26 =	simm.s32 $execute0_lowered;
	[smem:$0x3FD2] =	sst s25  }
0xb5: {  	s6 =	sshll.u32 s26, $0x1;
	_ =	strace $0x80000049;
	[dreg:$0x1] =	wrdreg $0xFFFFFFFF  }
0xb6: {  	s28 =	simm.s32 $_size_execute0_lowered;
	s4 =	sadd.s32 s4, s6;
	[dreg:$0x0] =	wrdreg $0x0  }
0xb7: {  	s6 =	sshll.u32 s28, $0x1;
	[dreg:$0x2] =	wrdreg s4  }
0xb8: {  	[dreg:$0x3] =	wrdreg s6  }
0xb9: {  	[dreg:$0x4] =	wrdreg $0xC0  }
0xba: {  	_ =	task [dreg:s22], $0x5FFFF  }
0xbb: {  	[dreg:$0x1] =	wrdreg $0xFFFFFFFF  }
0xbc: {  	[dreg:$0x0] =	wrdreg $0x60  }
0xbd: {  	[dreg:$0x2] =	wrdreg s24  }
0xbe: {  	[dreg:$0x3] =	wrdreg s18  }
0xbf: {  	[dreg:$0x4] =	wrdreg $0x88000  }
0xc0: {  	[dreg:$0x5] =	wrdreg $0x9  }
0xc1: {  	_ =	task.clear_ibuf [dreg:s22], $0x6FFFF;
	_ =	strace $0x90000049  }
0xc2: {  	s29 =	simm.s32 $0x9;
	_ =	strace $0x8000004B  }
0xc3: {  	_ =	swait.ge [sflag:s29], $0x1  }
0xc4: {  	[sflag:s29] =	ssyncadd.s32 $0xFFFFFFFF  }
0xc5: {  	_ =	strace $0x9000004B  }
0xc6: {  	_ =	sfence  }
0xc7: {  	s30 =	sld [smem:$0x0];
	_ =	sdelay $0x2  }
0xc8: {  	s31 =	sshll.u32 s1, $0xD;
	s1 =	sshrl.u32 s1, $0x2  }
0xc9: {  	s4 =	sand.u32 $0x4000, s31;
	s1 =	sadd.s32 s1, s30  }
0xca: {  	s0 =	sor.u32 s4, s0;
	s1 =	sshll.u32 s1, $0x11  }
0xcb: {  	s0 =	sor.u32 s1, s0  }
0xcc: {  	s0 =	sadd.s32 $0x8F2B, s0  }
0xcd: {  	[sflag:s0] =	ssyncadd.remote.s32 $0x1  }
0xce: {  	_ =	sfence.sel $0xFFFF  }
0xcf: {  	[dreg:$0x0] =	wrdreg $0xFFFFFFFF;
	(pc) =	sbr.abs _section_cstart, $3  }
0xd0: {  	[dreg:$0x1] =	wrdreg $0xFFFFFFFF  }
0xd1: {  	_ =	task.clear_ibuf [dreg:s22], $0x2FFFF;
	_ =	strace $0x9FFFFFFF  }
0xd2: {  	(tm) =	ssettm $0x7FFFFFFF  }
0xd3: {  	_ =	shalt  }
tec
execute0_lowered:
.L_overlay_start_1:
0x0: {  	(tag) =	ssettag $0x1  }
0x1: {  	s0 =	rddreg [dreg:$0x0]  }
0x2: {  	s2 =	rddreg [dreg:$0x2];
	s4 =	simm.s32 $0x0  }
0x3: {  	s1 =	srdreg.scid;
	s11 =	stileid.u32;
	s28 =	simm.s32 $0x100  }
0x4: {  	s29 =	simm.s32 $0x180;
	s30 =	simm.s32 $0x200;
	s31 =	simm.s32 $0x280  }
0x5: {  	[smem:$0x7FF] =	sst s4;
	s1 =	sand.u32 $0x1, s1;
	s6 =	smul.u32 $0x50000, s11  }
0x6: {  	s5 =	sadd.s32 $0xC200, s0;
	s8 =	smul.u32 $0x14000, s11;
	s9 =	sadd.s32 $0x16200, s0  }
0x7: {  	s0 =	sadd.s32 $0x66A00, s0;
	s21 =	smul.u32 $0xA, s11;
	_ =	strace $0x8000004A  }
0x8: {  	s3 =	ssub.s32 $0x2, s1;
	[dreg:$0x5] =	wrdreg s9;
	s12 =	smul.u32 $0x140000, s1  }
0x9: {  	s25 =	sshll.u32 s1, $0x4;
	s1 =	smul.u32 $0xA0, s1;
	s7 =	sshrl.u32 s3, $0x1  }
0xa: {  	s6 =	sshrl.u32 s6, $0x2;
	s17 =	sadd.s32 $0x4000, s8;
	s26 =	sadd.s32 $0x8000, s8  }
0xb: {  	s10 =	sadd.s32 $0xC000, s8;
	s14 =	sadd.s32 $0x10000, s8;
	s3 =	ssub.s32 s3, s7  }
0xc: {  	s7 =	sor.u32 s11, s25;
	s19 =	sadd.s32 s6, s2;
	s15 =	sadd.s32 s17, s2  }
0xd: {  	s16 =	sadd.s32 s26, s2;
	s9 =	sadd.s32 s10, s2;
	s8 =	sadd.s32 s8, s12  }
0xe: {  	s20 =	sadd.s32 s14, s2;
	s18 =	sadd.s32 s12, s17;
	s6 =	sadd.s32 s12, s26  }
0xf: {  	s22 =	sadd.s32 s12, s10;
	s23 =	sadd.s32 s12, s14;
	s1 =	sadd.s32 s21, s1  }
0x10: {  	s21 =	simm.s32 $0x5;
	s12 =	simm.s32 $0x500;
	s13 =	smul.u32 $0xA, s7  }
0x11: {  	s14 =	simm.s32 $0x600;
	s17 =	simm.s32 $0x780;
	s7 =	smul.u32 $0x500, s7  }
0x12: {  	s8 =	sshrl.u32 s8, $0x3;
	s6 =	sshrl.u32 s6, $0x3;
	s11 =	smov.u32 s16  }
0x13: {  	s10 =	smov.u32 s15;
	s24 =	sshrl.u32 s23, $0x3;
	[dreg:$0x8] =	wrdreg s9  }
0x14: {  	s1 =	sshll.u32 s1, $0x7;
	s25 =	smax.u32 s3, $0x1;
	[dreg:$0x9] =	wrdreg s19  }
0x15: {  	s23 =	simm.s32 $0x3;
	s3 =	simm.s32 $0x380;
	[dreg:$0xa] =	wrdreg s20  }
0x16: {  	s15 =	simm.s32 $0x680;
	s16 =	simm.s32 $0x700;
	[dreg:$0x11] =	wrdreg s25  }
0x17: {  	s6 =	sadd.s32 s0, s6;
	s26 =	sadd.s32 s1, s5;
	[dreg:$0x6] =	wrdreg s10  }
0x18: {  	s25 =	simm.s32 $0x400;
	s1 =	simm.s32 $0x2;
	[dreg:$0x7] =	wrdreg s11  }
0x19: {  	s13 =	sadd.s32 $0x2, s13;
	s7 =	sadd.s32 s5, s7;
	[dreg:$0xe] =	wrdreg s6  }
0x1a: {  	s6 =	sshrl.u32 s22, $0x3;
	s22 =	simm.s32 $0x4800;
	[dreg:$0xb] =	wrdreg s7  }
0x1b: {  	[dreg:$0x4] =	wrdreg s13;
	s13 =	sadd.s32 s0, s8;
	s7 =	sshrl.u32 s18, $0x3  }
0x1c: {  	s6 =	sadd.s32 s0, s6;
	s18 =	simm.s32 $0x4;
	[dreg:$0xc] =	wrdreg s13  }
0x1d: {  	s8 =	simm.s32 $0x0;
	s7 =	sadd.s32 s0, s7;
	[dreg:$0xf] =	wrdreg s6  }
0x1e: {  	s0 =	sadd.s32 s0, s24;
	s24 =	simm.s32 $0x1;
	[dreg:$0x13] =	wrdreg s8  }
0x1f: {  	s6 =	simm.s32 $0x480;
	s13 =	simm.s32 $0x580;
	[dreg:$0xd] =	wrdreg s7  }
0x20: {  	[dreg:$0x10] =	wrdreg s0;
	s0 =	sadd.s32 $0x80, s26;
	s7 =	simm.s32 $0x800  }
0x21: {  	s26 =	simm.s32 $0x80;
	[dreg:$0x12] =	wrdreg s0;
	s0 =	simm.s32 $0x300  }
.LBB2_1:
0x22: {  	s8 =	rddreg [dreg:$0x5]  }
0x23: {  	[tilespmem:s7], [sflag:$0x5] =	stream.linear.gather [hbm4b:s8+s4], $0x4000, $0x38;
	[tilespmem:$0x1C800] =	vst v63  }
0x24: {  	_ =	swait.ge [sflag:s21], $0x4000  }
0x25: {  	[sflag:s21] =	ssyncset.done $0x0  }
0x26: {  	[sflag:s21] =	ssyncadd.s32 $0xFFFFC000  }
0x27: {  	[spmem:s19] =	stream.linear.scatter [tilespmem:s7], [sflag:$0x3], $0x4000, $0x38;
	[tilespmem:$0x1C800] =	vst v63  }
0x28: {  	_ = 	snop  }
0x29: {  	[spmem:s10] =	stream.linear.scatter [tilespmem:s7], [sflag:$0x3], $0x4000, $0x38;
	[tilespmem:$0x1C800] =	vst v63  }
0x2a: {  	_ = 	snop  }
0x2b: {  	[spmem:s11] =	stream.linear.scatter [tilespmem:s7], [sflag:$0x3], $0x4000, $0x38;
	[tilespmem:$0x1C800] =	vst v63  }
0x2c: {  	_ = 	snop  }
0x2d: {  	[spmem:s9] =	stream.linear.scatter [tilespmem:s7], [sflag:$0x3], $0x4000, $0x38;
	[tilespmem:$0x1C800] =	vst v63  }
0x2e: {  	_ = 	snop  }
0x2f: {  	[spmem:s20] =	stream.linear.scatter [tilespmem:s7], [sflag:$0x3], $0x4000, $0x38;
	[tilespmem:$0x1C800] =	vst v63  }
0x30: {  	s9 =	rddreg [dreg:$0x1]  }
0x31: {  	[tilespmem:s22], [sflag:$0x5] =	stream.linear.gather [hbm4b:s9+s4], $0x4000, $0x38;
	[tilespmem:$0x1C800] =	vst v63  }
0x32: {  	_ =	swait.ge [sflag:s21], $0x4000  }
0x33: {  	[sflag:s21] =	ssyncset.done $0x0  }
0x34: {  	s10 =	rddreg [dreg:$0xb];
	[sflag:s21] =	ssyncadd.s32 $0xFFFFC000  }
0x35: {  	[tilespmem:s4], [sflag:$0x1] =	stream.linear.gather [hbm4b:s10+s4], $0x400, $0x38;
	[tilespmem:$0x1C800] =	vst v63  }
0x36: {  	_ =	swait.ge [sflag:s23], $0x4000  }
0x37: {  	[sflag:s23] =	ssyncset.done $0x0  }
0x38: {  	[sflag:s23] =	ssyncadd.s32 $0xFFFFC000  }
0x39: {  	_ =	swait.ge [sflag:s23], $0x4000  }
0x3a: {  	[sflag:s23] =	ssyncset.done $0x0  }
0x3b: {  	[sflag:s23] =	ssyncadd.s32 $0xFFFFC000  }
0x3c: {  	_ =	swait.ge [sflag:s23], $0x4000  }
0x3d: {  	[sflag:s23] =	ssyncset.done $0x0  }
0x3e: {  	[sflag:s23] =	ssyncadd.s32 $0xFFFFC000  }
0x3f: {  	_ =	swait.ge [sflag:s23], $0x4000  }
0x40: {  	[sflag:s23] =	ssyncset.done $0x0  }
0x41: {  	[sflag:s23] =	ssyncadd.s32 $0xFFFFC000  }
0x42: {  	_ =	swait.ge [sflag:s23], $0x4000  }
0x43: {  	[sflag:s23] =	ssyncset.done $0x0  }
0x44: {  	[sflag:s23] =	ssyncadd.s32 $0xFFFFC000  }
0x45: {  	[bflag:$0x0] =	sbarrier.arrive $0xFFFF  }
0x46: {  	_ =	swait.ge [sflag:s24], $0x400  }
0x47: {  	[sflag:s24] =	ssyncset.done $0x0  }
0x48: {  	s19 =	rddreg [dreg:$0x12];
	[sflag:s24] =	ssyncadd.s32 $0xFFFFFC00  }
0x49: {  	[tilespmem:s25], [sflag:$0x2] =	stream.linear.gather [hbm4b:s19+s4], $0x400, $0x38;
	[tilespmem:$0x1C800] =	vst v63  }
0x4a: {  	_ = 	snop  }
0x4b: {  	[spmem:s2] =	stream.indirect.scatter.add.f32 [tilespmem:s22], [sflag:$0x3], $0x80, s4, s26, $0xb8;
	[tilespmem:$0x1C800] =	vst v63  }
0x4c: {  	_ = 	snop  }
0x4d: {  	[spmem:s2] =	stream.indirect.scatter.add.f32 [tilespmem:s22], [sflag:$0x3], $0x80, s26, s26, $0xb8;
	[tilespmem:$0x1C800] =	vst v63  }
0x4e: {  	_ = 	snop  }
0x4f: {  	[spmem:s2] =	stream.indirect.scatter.add.f32 [tilespmem:s22], [sflag:$0x3], $0x80, s28, s26, $0xb8;
	[tilespmem:$0x1C800] =	vst v63  }
0x50: {  	_ = 	snop  }
0x51: {  	[spmem:s2] =	stream.indirect.scatter.add.f32 [tilespmem:s22], [sflag:$0x3], $0x80, s29, s26, $0xb8;
	[tilespmem:$0x1C800] =	vst v63  }
0x52: {  	_ = 	snop  }
0x53: {  	[spmem:s2] =	stream.indirect.scatter.add.f32 [tilespmem:s22], [sflag:$0x3], $0x80, s30, s26, $0xb8;
	[tilespmem:$0x1C800] =	vst v63  }
0x54: {  	_ = 	snop  }
0x55: {  	[spmem:s2] =	stream.indirect.scatter.add.f32 [tilespmem:s22], [sflag:$0x3], $0x80, s31, s26, $0xb8;
	[tilespmem:$0x1C800] =	vst v63  }
0x56: {  	_ = 	snop  }
0x57: {  	[spmem:s2] =	stream.indirect.scatter.add.f32 [tilespmem:s22], [sflag:$0x3], $0x80, s0, s26, $0xb8;
	[tilespmem:$0x1C800] =	vst v63  }
0x58: {  	_ = 	snop  }
0x59: {  	[spmem:s2] =	stream.indirect.scatter.add.f32 [tilespmem:s22], [sflag:$0x3], $0x80, s3, s26, $0xb8;
	[tilespmem:$0x1C800] =	vst v63  }
0x5a: {  	_ =	swait.ge [sflag:s1], $0x400  }
0x5b: {  	[sflag:s1] =	ssyncset.done $0x0  }
0x5c: {  	[sflag:s1] =	ssyncadd.s32 $0xFFFFFC00  }
0x5d: {  	[spmem:s2] =	stream.indirect.scatter.add.f32 [tilespmem:s22], [sflag:$0x4], $0x80, s25, s26, $0xb8;
	[tilespmem:$0x1C800] =	vst v63  }
0x5e: {  	_ = 	snop  }
0x5f: {  	[spmem:s2] =	stream.indirect.scatter.add.f32 [tilespmem:s22], [sflag:$0x4], $0x80, s6, s26, $0xb8;
	[tilespmem:$0x1C800] =	vst v63  }
0x60: {  	_ = 	snop  }
0x61: {  	[spmem:s2] =	stream.indirect.scatter.add.f32 [tilespmem:s22], [sflag:$0x4], $0x80, s12, s26, $0xb8;
	[tilespmem:$0x1C800] =	vst v63  }
0x62: {  	_ = 	snop  }
0x63: {  	[spmem:s2] =	stream.indirect.scatter.add.f32 [tilespmem:s22], [sflag:$0x4], $0x80, s13, s26, $0xb8;
	[tilespmem:$0x1C800] =	vst v63  }
0x64: {  	_ = 	snop  }
0x65: {  	[spmem:s2] =	stream.indirect.scatter.add.f32 [tilespmem:s22], [sflag:$0x4], $0x80, s14, s26, $0xb8;
	[tilespmem:$0x1C800] =	vst v63  }
0x66: {  	_ = 	snop  }
0x67: {  	[spmem:s2] =	stream.indirect.scatter.add.f32 [tilespmem:s22], [sflag:$0x4], $0x80, s15, s26, $0xb8;
	[tilespmem:$0x1C800] =	vst v63  }
0x68: {  	_ = 	snop  }
0x69: {  	[spmem:s2] =	stream.indirect.scatter.add.f32 [tilespmem:s22], [sflag:$0x4], $0x80, s16, s26, $0xb8;
	[tilespmem:$0x1C800] =	vst v63  }
0x6a: {  	_ = 	snop  }
0x6b: {  	[spmem:s2] =	stream.indirect.scatter.add.f32 [tilespmem:s22], [sflag:$0x4], $0x80, s17, s26, $0xb8;
	[tilespmem:$0x1C800] =	vst v63  }
0x6c: {  	_ =	swait.ge [sflag:s23], $0x4000  }
0x6d: {  	[sflag:s23] =	ssyncset.done $0x0  }
0x6e: {  	[sflag:s23] =	ssyncadd.s32 $0xFFFFC000  }
0x6f: {  	_ =	swait.ge [sflag:s23], $0x4000  }
0x70: {  	[sflag:s23] =	ssyncset.done $0x0  }
0x71: {  	[sflag:s23] =	ssyncadd.s32 $0xFFFFC000  }
0x72: {  	_ =	swait.ge [sflag:s23], $0x4000  }
0x73: {  	[sflag:s23] =	ssyncset.done $0x0  }
0x74: {  	[sflag:s23] =	ssyncadd.s32 $0xFFFFC000  }
0x75: {  	_ =	swait.ge [sflag:s23], $0x4000  }
0x76: {  	[sflag:s23] =	ssyncset.done $0x0  }
0x77: {  	[sflag:s23] =	ssyncadd.s32 $0xFFFFC000  }
0x78: {  	_ =	swait.ge [sflag:s23], $0x4000  }
0x79: {  	[sflag:s23] =	ssyncset.done $0x0  }
0x7a: {  	[sflag:s23] =	ssyncadd.s32 $0xFFFFC000  }
0x7b: {  	_ =	swait.ge [sflag:s23], $0x4000  }
0x7c: {  	[sflag:s23] =	ssyncset.done $0x0  }
0x7d: {  	[sflag:s23] =	ssyncadd.s32 $0xFFFFC000  }
0x7e: {  	_ =	swait.ge [sflag:s23], $0x4000  }
0x7f: {  	[sflag:s23] =	ssyncset.done $0x0  }
0x80: {  	[sflag:s23] =	ssyncadd.s32 $0xFFFFC000  }
0x81: {  	_ =	swait.ge [sflag:s23], $0x4000  }
0x82: {  	s20 =	smin.u32 s4, $0x7;
	s11 =	rddreg [dreg:$0x4]  }
0x83: {  	s8 =	sadd.s32 s20, s11  }
0x84: {  	[sflag:s23] =	ssyncset.done $0x0;
	s8 =	sshll.u32 s8, $0x7  }
0x85: {  	[sflag:s23] =	ssyncadd.s32 $0xFFFFC000;
	s8 =	sadd.s32 s5, s8  }
0x86: {  	[tilespmem:s4], [sflag:$0x1] =	stream.linear.gather [hbm4b:s8+s4], $0x400, $0x38;
	[tilespmem:$0x1C800] =	vst v63  }
0x87: {  	_ =	swait.ge [sflag:s18], $0x4000  }
0x88: {  	[sflag:s18] =	ssyncset.done $0x0  }
0x89: {  	[sflag:s18] =	ssyncadd.s32 $0xFFFFC000  }
0x8a: {  	_ =	swait.ge [sflag:s18], $0x4000  }
0x8b: {  	[sflag:s18] =	ssyncset.done $0x0  }
0x8c: {  	[sflag:s18] =	ssyncadd.s32 $0xFFFFC000  }
0x8d: {  	_ =	swait.ge [sflag:s18], $0x4000  }
0x8e: {  	[sflag:s18] =	ssyncset.done $0x0  }
0x8f: {  	[sflag:s18] =	ssyncadd.s32 $0xFFFFC000  }
0x90: {  	_ =	swait.ge [sflag:s18], $0x4000  }
0x91: {  	[sflag:s18] =	ssyncset.done $0x0  }
0x92: {  	[sflag:s18] =	ssyncadd.s32 $0xFFFFC000  }
0x93: {  	_ =	swait.ge [sflag:s18], $0x4000  }
0x94: {  	[sflag:s18] =	ssyncset.done $0x0  }
0x95: {  	[sflag:s18] =	ssyncadd.s32 $0xFFFFC000  }
0x96: {  	_ =	swait.ge [sflag:s18], $0x4000  }
0x97: {  	[sflag:s18] =	ssyncset.done $0x0  }
0x98: {  	[sflag:s18] =	ssyncadd.s32 $0xFFFFC000  }
0x99: {  	_ =	swait.ge [sflag:s18], $0x4000  }
0x9a: {  	[sflag:s18] =	ssyncset.done $0x0  }
0x9b: {  	[sflag:s18] =	ssyncadd.s32 $0xFFFFC000  }
0x9c: {  	_ =	swait.ge [sflag:s18], $0x4000  }
0x9d: {  	s9 =	simm.s32 $0x800;
	s8 =	simm.s32 $0x2;
	[sflag:s18] =	ssyncset.done $0x0  }
.LBB2_2:
0x9e: {  	[sflag:s18] =	ssyncadd.s32 $0xFFFFC000  }
0x9f: {  	_ =	swait.ge [sflag:s24], $0x400  }
0xa0: {  	[sflag:s24] =	ssyncset.done $0x0  }
0xa1: {  	s19 =	sadd.s32 $0x100, s19;
	[sflag:s24] =	ssyncadd.s32 $0xFFFFFC00  }
0xa2: {  	[tilespmem:s25], [sflag:$0x2] =	stream.linear.gather [hbm4b:s19+s4], $0x400, $0x38;
	[tilespmem:$0x1C800] =	vst v63  }
0xa3: {  	_ = 	snop  }
0xa4: {  	[spmem:s2] =	stream.indirect.scatter.add.f32 [tilespmem:s22], [sflag:$0x3], $0x80, s4, s26, $0xb8;
	[tilespmem:$0x1C800] =	vst v63  }
0xa5: {  	_ = 	snop  }
0xa6: {  	[spmem:s2] =	stream.indirect.scatter.add.f32 [tilespmem:s22], [sflag:$0x3], $0x80, s26, s26, $0xb8;
	[tilespmem:$0x1C800] =	vst v63  }
0xa7: {  	_ = 	snop  }
0xa8: {  	[spmem:s2] =	stream.indirect.scatter.add.f32 [tilespmem:s22], [sflag:$0x3], $0x80, s28, s26, $0xb8;
	[tilespmem:$0x1C800] =	vst v63  }
0xa9: {  	_ = 	snop  }
0xaa: {  	[spmem:s2] =	stream.indirect.scatter.add.f32 [tilespmem:s22], [sflag:$0x3], $0x80, s29, s26, $0xb8;
	[tilespmem:$0x1C800] =	vst v63  }
0xab: {  	_ = 	snop  }
0xac: {  	[spmem:s2] =	stream.indirect.scatter.add.f32 [tilespmem:s22], [sflag:$0x3], $0x80, s30, s26, $0xb8;
	[tilespmem:$0x1C800] =	vst v63  }
0xad: {  	_ = 	snop  }
0xae: {  	[spmem:s2] =	stream.indirect.scatter.add.f32 [tilespmem:s22], [sflag:$0x3], $0x80, s31, s26, $0xb8;
	[tilespmem:$0x1C800] =	vst v63  }
0xaf: {  	_ = 	snop  }
0xb0: {  	[spmem:s2] =	stream.indirect.scatter.add.f32 [tilespmem:s22], [sflag:$0x3], $0x80, s0, s26, $0xb8;
	[tilespmem:$0x1C800] =	vst v63  }
0xb1: {  	_ = 	snop  }
0xb2: {  	[spmem:s2] =	stream.indirect.scatter.add.f32 [tilespmem:s22], [sflag:$0x3], $0x80, s3, s26, $0xb8;
	[tilespmem:$0x1C800] =	vst v63  }
0xb3: {  	_ =	swait.ge [sflag:s1], $0x400  }
0xb4: {  	[sflag:s1] =	ssyncset.done $0x0  }
0xb5: {  	[sflag:s1] =	ssyncadd.s32 $0xFFFFFC00  }
0xb6: {  	[spmem:s2] =	stream.indirect.scatter.add.f32 [tilespmem:s22], [sflag:$0x4], $0x80, s25, s26, $0xb8;
	[tilespmem:$0x1C800] =	vst v63  }
0xb7: {  	_ = 	snop  }
0xb8: {  	[spmem:s2] =	stream.indirect.scatter.add.f32 [tilespmem:s22], [sflag:$0x4], $0x80, s6, s26, $0xb8;
	[tilespmem:$0x1C800] =	vst v63  }
0xb9: {  	_ = 	snop  }
0xba: {  	[spmem:s2] =	stream.indirect.scatter.add.f32 [tilespmem:s22], [sflag:$0x4], $0x80, s12, s26, $0xb8;
	[tilespmem:$0x1C800] =	vst v63  }
0xbb: {  	_ = 	snop  }
0xbc: {  	[spmem:s2] =	stream.indirect.scatter.add.f32 [tilespmem:s22], [sflag:$0x4], $0x80, s13, s26, $0xb8;
	[tilespmem:$0x1C800] =	vst v63  }
0xbd: {  	_ = 	snop  }
0xbe: {  	[spmem:s2] =	stream.indirect.scatter.add.f32 [tilespmem:s22], [sflag:$0x4], $0x80, s14, s26, $0xb8;
	[tilespmem:$0x1C800] =	vst v63  }
0xbf: {  	_ = 	snop  }
0xc0: {  	[spmem:s2] =	stream.indirect.scatter.add.f32 [tilespmem:s22], [sflag:$0x4], $0x80, s15, s26, $0xb8;
	[tilespmem:$0x1C800] =	vst v63  }
0xc1: {  	_ = 	snop  }
0xc2: {  	[spmem:s2] =	stream.indirect.scatter.add.f32 [tilespmem:s22], [sflag:$0x4], $0x80, s16, s26, $0xb8;
	[tilespmem:$0x1C800] =	vst v63  }
0xc3: {  	_ = 	snop  }
0xc4: {  	[spmem:s2] =	stream.indirect.scatter.add.f32 [tilespmem:s22], [sflag:$0x4], $0x80, s17, s26, $0xb8;
	[tilespmem:$0x1C800] =	vst v63  }
0xc5: {  	_ =	swait.ge [sflag:s23], $0x4000  }
0xc6: {  	[sflag:s23] =	ssyncset.done $0x0  }
0xc7: {  	[sflag:s23] =	ssyncadd.s32 $0xFFFFC000  }
0xc8: {  	_ =	swait.ge [sflag:s23], $0x4000  }
0xc9: {  	[sflag:s23] =	ssyncset.done $0x0  }
0xca: {  	[sflag:s23] =	ssyncadd.s32 $0xFFFFC000  }
0xcb: {  	_ =	swait.ge [sflag:s23], $0x4000  }
0xcc: {  	[sflag:s23] =	ssyncset.done $0x0  }
0xcd: {  	[sflag:s23] =	ssyncadd.s32 $0xFFFFC000  }
0xce: {  	_ =	swait.ge [sflag:s23], $0x4000  }
0xcf: {  	[sflag:s23] =	ssyncset.done $0x0  }
0xd0: {  	[sflag:s23] =	ssyncadd.s32 $0xFFFFC000  }
0xd1: {  	_ =	swait.ge [sflag:s23], $0x4000  }
0xd2: {  	[sflag:s23] =	ssyncset.done $0x0  }
0xd3: {  	[sflag:s23] =	ssyncadd.s32 $0xFFFFC000  }
0xd4: {  	_ =	swait.ge [sflag:s23], $0x4000  }
0xd5: {  	[sflag:s23] =	ssyncset.done $0x0  }
0xd6: {  	[sflag:s23] =	ssyncadd.s32 $0xFFFFC000  }
0xd7: {  	_ =	swait.ge [sflag:s23], $0x4000  }
0xd8: {  	[sflag:s23] =	ssyncset.done $0x0  }
0xd9: {  	[sflag:s23] =	ssyncadd.s32 $0xFFFFC000  }
0xda: {  	s10 =	smov.u32 s8;
	_ =	swait.ge [sflag:s23], $0x4000  }
0xdb: {  	s10 =	smin.u32 s10, $0x7;
	s11 =	rddreg [dreg:$0x4]  }
0xdc: {  	s10 =	sadd.s32 s10, s11  }
0xdd: {  	[sflag:s23] =	ssyncset.done $0x0;
	s10 =	sshll.u32 s10, $0x7  }
0xde: {  	[sflag:s23] =	ssyncadd.s32 $0xFFFFC000;
	s10 =	sadd.s32 s5, s10  }
0xdf: {  	[tilespmem:s4], [sflag:$0x1] =	stream.linear.gather [hbm4b:s10+s4], $0x400, $0x38;
	[tilespmem:$0x1C800] =	vst v63  }
0xe0: {  	_ =	swait.ge [sflag:s18], $0x4000  }
0xe1: {  	[sflag:s18] =	ssyncset.done $0x0  }
0xe2: {  	[sflag:s18] =	ssyncadd.s32 $0xFFFFC000  }
0xe3: {  	_ =	swait.ge [sflag:s18], $0x4000  }
0xe4: {  	[sflag:s18] =	ssyncset.done $0x0  }
0xe5: {  	[sflag:s18] =	ssyncadd.s32 $0xFFFFC000  }
0xe6: {  	_ =	swait.ge [sflag:s18], $0x4000  }
0xe7: {  	[sflag:s18] =	ssyncset.done $0x0  }
0xe8: {  	[sflag:s18] =	ssyncadd.s32 $0xFFFFC000  }
0xe9: {  	_ =	swait.ge [sflag:s18], $0x4000  }
0xea: {  	[sflag:s18] =	ssyncset.done $0x0  }
0xeb: {  	[sflag:s18] =	ssyncadd.s32 $0xFFFFC000  }
0xec: {  	_ =	swait.ge [sflag:s18], $0x4000  }
0xed: {  	[sflag:s18] =	ssyncset.done $0x0  }
0xee: {  	[sflag:s18] =	ssyncadd.s32 $0xFFFFC000  }
0xef: {  	_ =	swait.ge [sflag:s18], $0x4000  }
0xf0: {  	[sflag:s18] =	ssyncset.done $0x0  }
0xf1: {  	p0 =	sne.s32 s8, $0x8;
	[sflag:s18] =	ssyncadd.s32 $0xFFFFC000  }
.Ltmp0:
0xf2: {  	_ =	swait.ge [sflag:s18], $0x4000;
	(pc) =	sbr.rel @p0 .LBB2_2-.Ltmp0, $4  }
0xf3: {  	[sflag:s18] =	ssyncset.done $0x0  }
0xf4: {  	[sflag:s18] =	ssyncadd.s32 $0xFFFFC000  }
0xf5: {  	_ =	swait.ge [sflag:s18], $0x4000  }
0xf6: {  	s8 =	sadd.s32 $0x2, s8;
	[sflag:s18] =	ssyncset.done $0x0  }
0xf7: {  	[sflag:s18] =	ssyncadd.s32 $0xFFFFC000  }
0xf8: {  	_ =	swait.ge [sflag:s24], $0x400  }
0xf9: {  	[sflag:s24] =	ssyncset.done $0x0  }
0xfa: {  	[sflag:s24] =	ssyncadd.s32 $0xFFFFFC00  }
0xfb: {  	[bflag:$0x0] =	sbarrier.arrive $0xFFFF  }
0xfc: {  	s19 =	rddreg [dreg:$0x9]  }
0xfd: {  	[tilespmem:s9], [sflag:$0x5] =	stream.linear.gather [spmem:s19], $0x4000, $0x38;
	[tilespmem:$0x1C800] =	vst v63  }
0xfe: {  	_ =	swait.ge [sflag:s21], $0x4000  }
0xff: {  	[sflag:s21] =	ssyncset.done $0x0  }
0x100: {  	s8 =	rddreg [dreg:$0xc];
	[sflag:s21] =	ssyncadd.s32 $0xFFFFC000  }
0x101: {  	[hbm4b:s8+s4] =	stream.linear.scatter [tilespmem:s9], [sflag:$0x4], $0x4000, $0x38;
	[tilespmem:$0x1C800] =	vst v63  }
0x102: {  	s10 =	rddreg [dreg:$0x6]  }
0x103: {  	[tilespmem:s22], [sflag:$0x5] =	stream.linear.gather [spmem:s10], $0x4000, $0x38;
	[tilespmem:$0x1C800] =	vst v63  }
0x104: {  	_ =	swait.ge [sflag:s21], $0x4000  }
0x105: {  	[sflag:s21] =	ssyncset.done $0x0  }
0x106: {  	s20 =	rddreg [dreg:$0xd];
	[sflag:s21] =	ssyncadd.s32 $0xFFFFC000  }
0x107: {  	[hbm4b:s20+s4] =	stream.linear.scatter [tilespmem:s22], [sflag:$0x4], $0x4000, $0x38;
	[tilespmem:$0x1C800] =	vst v63  }
0x108: {  	_ =	swait.ge [sflag:s18], $0x4000  }
0x109: {  	[sflag:s18] =	ssyncset.done $0x0  }
0x10a: {  	s11 =	rddreg [dreg:$0x7];
	[sflag:s18] =	ssyncadd.s32 $0xFFFFC000  }
0x10b: {  	[tilespmem:s9], [sflag:$0x5] =	stream.linear.gather [spmem:s11], $0x4000, $0x38;
	[tilespmem:$0x1C800] =	vst v63  }
0x10c: {  	_ =	swait.ge [sflag:s21], $0x4000  }
0x10d: {  	[sflag:s21] =	ssyncset.done $0x0  }
0x10e: {  	s7 =	rddreg [dreg:$0xe];
	[sflag:s21] =	ssyncadd.s32 $0xFFFFC000  }
0x10f: {  	[hbm4b:s7+s4] =	stream.linear.scatter [tilespmem:s9], [sflag:$0x4], $0x4000, $0x38;
	[tilespmem:$0x1C800] =	vst v63  }
0x110: {  	_ =	swait.ge [sflag:s18], $0x4000  }
0x111: {  	[sflag:s18] =	ssyncset.done $0x0  }
0x112: {  	s9 =	rddreg [dreg:$0x8];
	[sflag:s18] =	ssyncadd.s32 $0xFFFFC000  }
0x113: {  	[tilespmem:s22], [sflag:$0x5] =	stream.linear.gather [spmem:s9], $0x4000, $0x38;
	[tilespmem:$0x1C800] =	vst v63  }
0x114: {  	_ =	swait.ge [sflag:s21], $0x4000  }
0x115: {  	[sflag:s21] =	ssyncset.done $0x0  }
0x116: {  	s20 =	rddreg [dreg:$0xf];
	[sflag:s21] =	ssyncadd.s32 $0xFFFFC000  }
0x117: {  	[hbm4b:s20+s4] =	stream.linear.scatter [tilespmem:s22], [sflag:$0x4], $0x4000, $0x38;
	[tilespmem:$0x1C800] =	vst v63  }
0x118: {  	_ =	swait.ge [sflag:s18], $0x4000  }
0x119: {  	[sflag:s18] =	ssyncset.done $0x0  }
0x11a: {  	s7 =	simm.s32 $0x800;
	s20 =	rddreg [dreg:$0xa];
	[sflag:s18] =	ssyncadd.s32 $0xFFFFC000  }
0x11b: {  	[tilespmem:s7], [sflag:$0x5] =	stream.linear.gather [spmem:s20], $0x4000, $0x38;
	[tilespmem:$0x1C800] =	vst v63  }
0x11c: {  	_ =	swait.ge [sflag:s21], $0x4000  }
0x11d: {  	[sflag:s21] =	ssyncset.done $0x0  }
0x11e: {  	[sflag:s21] =	ssyncadd.s32 $0xFFFFC000;
	s21 =	rddreg [dreg:$0x10]  }
0x11f: {  	[hbm4b:s21+s4] =	stream.linear.scatter [tilespmem:s7], [sflag:$0x4], $0x4000, $0x38;
	[tilespmem:$0x1C800] =	vst v63  }
0x120: {  	_ =	swait.ge [sflag:s18], $0x4000  }
0x121: {  	[sflag:s18] =	ssyncset.done $0x0  }
0x122: {  	[sflag:s18] =	ssyncadd.s32 $0xFFFFC000  }
0x123: {  	_ =	swait.ge [sflag:s18], $0x4000  }
0x124: {  	s8 =	rddreg [dreg:$0x13]  }
0x125: {  	s21 =	sadd.s32 $0x1, s8;
	s8 =	rddreg [dreg:$0x11]  }
0x126: {  	p0 =	sne.s32 s21, s8  }
.Ltmp1:
0x127: {  	_ = 	snop;
	(pc) =	sbr.rel @p0 .LBB2_1-.Ltmp1, $3  }
0x128: {  	_ =	sdelay $0x1  }
0x129: {  	[sflag:s18] =	ssyncset.done $0x0  }
0x12a: {  	[sflag:s18] =	ssyncadd.s32 $0xFFFFC000;
	[dreg:$0x13] =	wrdreg s21;
	s21 =	simm.s32 $0x5  }
0x12b: {  	_ =	sfence.sel $0x180000  }
0x12c: {  	[bflag:$0x0] =	sbarrier.arrive $0xFFFF  }
0x12d: {  	_ =	strace $0x9000004A  }
0x12e: {  	s0 =	stileid.u32;
	[bflag:$0x2] =	sbarrier.arrive $0xFFFF  }
0x12f: {  	p0 =	sne.s32 s0, $0x0;
	s0 =	rddreg [dreg:$0x3]  }
0x130: {  	s0 =	sadd.s32 @!p0 $0x100000, s0  }
0x131: {  	[sflag:s0] =	ssyncadd.tile.s32 @!p0 $0x1;
	_ =	shalt  }
.Lfunc_end2:
_tile_overlayer_lowered:
.L_overlay_start_2:
0x132: {  	(tag) =	ssettag $0x2  }
0x133: {  	s0 =	rddreg [dreg:$0x0];
	s2 =	stileid.u32  }
0x134: {  	s1 =	rddreg [dreg:$0x1];
	p0 =	sne.s32 s2, $0x0  }
0x135: {  	s3 =	rddreg [dreg:$0x2];
	[bflag:$0x3] =	sbarrier.arrive $0xFFFF;
	s2 =	simm.s32 @!p0 $0x1C05  }
0x136: {  	[timem:s3], [sflag:s2] =	dma.local @!p0 [hbm:s0], s1  }
0x137: {  	s0 =	simm.s32 @!p0 $0x5  }
0x138: {  	_ =	swait.ge @!p0 [sflag:s0], s1  }
0x139: {  	s1 =	ssub.s32 @!p0 $0x0, s1;
	[sflag:s0] =	ssyncset.done @!p0 $0x0  }
0x13a: {  	[sflag:s0] =	ssyncadd.s32 @!p0 s1  }
0x13b: {  	[bflag:$0x3] =	sbarrier.arrive $0xFFFF  }
0x13c: {  	_ =	shalt  }

</sc_bundles>
